<compile_context>
chip_gen: v7x
topology: tpu7x:2x2x1
jax: 0.10.2.dev20260603
libtpu: 0.0.44.dev20260713+nightly
codegen_flags: <defaults>
</compile_context>

<pallas_src>
import functools

import jax
import jax.numpy as jnp
from jax import lax
from jax.experimental import pallas as pl
from jax.experimental.pallas import tpu as pltpu
from jax.experimental.pallas import tpu_sc as plsc

N = 10000
NP = 10240
E = 320000
NSUB = 16
NW = 32
CHUNK = 128
NCHUNK = 80
EP = NW * NCHUNK * CHUNK
ROWS_PER_SUB = NP // NSUB
DUMMY = N

_MESH = dict(core_axis_name="c", subcore_axis_name="s")


def _make_agg(dh):
    mesh = plsc.VectorSubcoreMesh(**_MESH)

    @functools.partial(
        pl.kernel,
        out_type=jax.ShapeDtypeStruct((2, NP, dh), jnp.float32),
        mesh=mesh,
        scratch_types=[
            pltpu.VMEM((NCHUNK, CHUNK), jnp.int32),
            pltpu.VMEM((2, CHUNK), jnp.int32),
            pltpu.VMEM((2, CHUNK), jnp.int32),
            pltpu.VMEM((CHUNK, dh), jnp.float32),
            pltpu.VMEM((CHUNK, dh), jnp.float32),
            pltpu.VMEM_SHARED((NP, dh), jnp.float32),
            pltpu.SemaphoreType.DMA,
            pltpu.SemaphoreType.DMA,
        ],
    )
    def agg(h_hbm, packed_hbm, out,
            pidx, srow, drow, b0, b1, acc, sem0, sem1):
        cid = lax.axis_index("c")
        sid = lax.axis_index("s")
        wid = cid * NSUB + sid
        r0 = sid * ROWS_PER_SUB
        pltpu.sync_copy(packed_hbm.at[pl.ds(wid * NCHUNK, NCHUNK)], pidx)

        def unpack(k, b):
            for t in range(CHUNK // 16):
                v = pidx[k, pl.ds(16 * t, 16)]
                srow[b, pl.ds(16 * t, 16)] = lax.bitwise_and(v, 0xFFFF)
                drow[b, pl.ds(16 * t, 16)] = lax.shift_right_logical(v, 16)

        unpack(0, 0)
        unpack(1, 1)
        pltpu.async_copy(acc.at[srow.at[0]], b0, sem0)
        pltpu.async_copy(acc.at[srow.at[1]], b1, sem1)
        pltpu.sync_copy(h_hbm.at[pl.ds(r0, ROWS_PER_SUB)],
                        acc.at[pl.ds(r0, ROWS_PER_SUB)])
        plsc.subcore_barrier()

        @pl.loop(0, NCHUNK, step=2)
        def _(j):
            pltpu.make_async_copy(acc.at[srow.at[0]], b0, sem0).wait()
            pltpu.sync_copy(b0, acc.at[drow.at[0]], add=True)

            @pl.when(j + 2 < NCHUNK)
            def _():
                unpack(j + 2, 0)
                pltpu.async_copy(acc.at[srow.at[0]], b0, sem0)

            pltpu.make_async_copy(acc.at[srow.at[1]], b1, sem1).wait()
            pltpu.sync_copy(b1, acc.at[drow.at[1]], add=True)

            @pl.when(j + 3 < NCHUNK)
            def _():
                unpack(j + 3, 1)
                pltpu.async_copy(acc.at[srow.at[1]], b1, sem1)

        plsc.subcore_barrier()
        pltpu.sync_copy(acc.at[pl.ds(r0, ROWS_PER_SUB)],
                        out.at[cid, pl.ds(r0, ROWS_PER_SUB)])

    return agg


def _make_deg():
    mesh = plsc.VectorSubcoreMesh(**_MESH)

    @functools.partial(
        pl.kernel,
        out_type=jax.ShapeDtypeStruct((2, NP, 128), jnp.float32),
        mesh=mesh,
        scratch_types=[
            pltpu.VMEM((NCHUNK, CHUNK), jnp.int32),
            pltpu.VMEM((CHUNK, 128), jnp.float32),
            pltpu.VMEM_SHARED((NP, 128), jnp.float32),
            pltpu.SemaphoreType.DMA,
        ],
    )
    def deg(zeros_hbm, ones_hbm, dst_hbm, out, dstv, onesv, acc, sem):
        cid = lax.axis_index("c")
        sid = lax.axis_index("s")
        wid = cid * NSUB + sid
        r0 = sid * ROWS_PER_SUB
        pltpu.sync_copy(zeros_hbm.at[pl.ds(r0, ROWS_PER_SUB)],
                        acc.at[pl.ds(r0, ROWS_PER_SUB)])
        pltpu.sync_copy(ones_hbm, onesv)
        pltpu.sync_copy(dst_hbm.at[pl.ds(wid * NCHUNK, NCHUNK)], dstv)
        plsc.subcore_barrier()

        @pl.loop(0, NCHUNK)
        def _(j):
            pltpu.sync_copy(onesv, acc.at[dstv.at[j]], add=True)

        plsc.subcore_barrier()
        pltpu.sync_copy(acc.at[pl.ds(r0, ROWS_PER_SUB)],
                        out.at[cid, pl.ds(r0, ROWS_PER_SUB)])

    return deg


_agg128 = _make_agg(128)
_deg = _make_deg()


BLK = 1024


def _dinv_of(d_ref):
    d = d_ref[0, :, 0:1] + d_ref[1, :, 0:1]
    return lax.rsqrt(d + 1.0)


def _first_body(x_ref, d_ref, w_ref, o_ref):
    dinv = _dinv_of(d_ref)
    o_ref[...] = jnp.dot(x_ref[...] * dinv, w_ref[...],
                         preferred_element_type=jnp.float32)


def _mid_body(p_ref, h_ref, d_ref, b_ref, w_ref, o_ref):
    dinv = _dinv_of(d_ref)
    z = dinv * (p_ref[0] + p_ref[1] - h_ref[...]) + b_ref[...]
    a = jnp.maximum(z, 0.0) * dinv
    o_ref[...] = jnp.dot(a, w_ref[...], preferred_element_type=jnp.float32)


def _final_body(p_ref, h_ref, d_ref, b_ref, o_ref):
    dinv = _dinv_of(d_ref)
    s = (p_ref[0] + p_ref[1] - h_ref[...])[:, :64]
    z = dinv * s + b_ref[...]
    o_ref[...] = jax.nn.sigmoid(z)


def _rows(minor):
    return pl.BlockSpec((BLK, minor), lambda i: (i, 0))


def _rows3():
    return pl.BlockSpec((2, BLK, 128), lambda i: (0, i, 0))


def _full(shape):
    return pl.BlockSpec(shape, lambda i: (0, 0))


def _tc_first(x_p, g, W):
    dh = W.shape[1]
    return pl.pallas_call(
        _first_body,
        grid=(NP // BLK,),
        in_specs=[_rows(128), _rows3(), _full(W.shape)],
        out_specs=_rows(dh),
        out_shape=jax.ShapeDtypeStruct((NP, dh), jnp.float32),
    )(x_p, g, W)


def _tc_mid(p, h, g, b, W):
    din = h.shape[1]
    dh = W.shape[1]
    return pl.pallas_call(
        _mid_body,
        grid=(NP // BLK,),
        in_specs=[_rows3(), _rows(din), _rows3(),
                  _full((1, din)), _full(W.shape)],
        out_specs=_rows(dh),
        out_shape=jax.ShapeDtypeStruct((NP, dh), jnp.float32),
    )(p, h, g, b.reshape(1, din), W)


def _tc_final(p, h, g, b):
    return pl.pallas_call(
        _final_body,
        grid=(NP // BLK,),
        in_specs=[_rows3(), _rows(128), _rows3(), _full((1, 64))],
        out_specs=_rows(64),
        out_shape=jax.ShapeDtypeStruct((NP, 64), jnp.float32),
    )(p, h, g, b.reshape(1, 64))


def kernel(x, edge_index, W1, b1, W2, b2, W3, b3):
    x_p = jnp.pad(x, ((0, NP - N), (0, 0)))
    pad = jnp.full((EP - E,), DUMMY, jnp.int32)
    src = jnp.concatenate([edge_index[0], pad]).reshape(NW * NCHUNK, CHUNK)
    dst = jnp.concatenate([edge_index[1], pad]).reshape(NW * NCHUNK, CHUNK)
    packed = jnp.bitwise_or(src, jnp.left_shift(dst, 16))
    zeros128 = jnp.zeros((NP, 128), jnp.float32)
    ones128 = jnp.ones((CHUNK, 128), jnp.float32)

    g = _deg(zeros128, ones128, dst)
    h1 = _tc_first(x_p, g, W1)
    p = _agg128(h1, packed)
    h2 = _tc_mid(p, h1, g, b1, W2)
    q = _agg128(h2, packed)
    W3p = jnp.pad(W3, ((0, 0), (0, 128 - W3.shape[1])))
    h3 = _tc_mid(q, h2, g, b2, W3p)
    r = _agg128(h3, packed)
    y = _tc_final(r, h3, g, b3)
    return y[:N]

# --- scband reference (transcript-rebuilt; emitter-appended) ---
"""Pipeline reference for scband-gcnmodel-24627342475437 (READ-ONLY COPY).

The authoritative reference and input builder live on the scoring server;
editing this copy changes nothing except your own understanding.
"""

import jax, jax.numpy as jnp
import numpy as np

N = 10000
E = 320000
D = 128
H = 128
C = 64


def setup_inputs(seed: int = 0):
    key = jax.random.key(seed)
    ks = jax.random.split(key, 8)
    x = jax.random.normal(ks[0], (N, D), dtype=jnp.float32)
    edge_index = jax.random.randint(ks[1], (2, E), 0, N, dtype=jnp.int32)
    W1 = jax.random.normal(ks[2], (D, H), dtype=jnp.float32) * (1.0 / np.sqrt(D))
    b1 = jnp.zeros((H,), dtype=jnp.float32)
    W2 = jax.random.normal(ks[3], (H, H), dtype=jnp.float32) * (1.0 / np.sqrt(H))
    b2 = jnp.zeros((H,), dtype=jnp.float32)
    W3 = jax.random.normal(ks[4], (H, C), dtype=jnp.float32) * (1.0 / np.sqrt(H))
    b3 = jnp.zeros((C,), dtype=jnp.float32)
    return {"x": x, "edge_index": edge_index, "W1": W1, "b1": b1, "W2": W2, "b2": b2, "W3": W3, "b3": b3}


def gcn_conv(x, src, dst, W, b):
    # symmetric-normalized GCN convolution with self-loops
    n = x.shape[0]
    deg = jax.ops.segment_sum(jnp.ones_like(dst, dtype=x.dtype), dst, num_segments=n)
    dinv = jnp.where(deg > 0, 1.0 / jnp.sqrt(deg), 0.0)
    norm = dinv[src] * dinv[dst]
    h = x @ W
    msg = h[src] * norm[:, None]
    out = jax.ops.segment_sum(msg, dst, num_segments=n) + b
    return out


def reference(x, edge_index, W1, b1, W2, b2, W3, b3):
    n = x.shape[0]
    loop = jnp.arange(n, dtype=edge_index.dtype)
    src = jnp.concatenate([edge_index[0], loop])
    dst = jnp.concatenate([edge_index[1], loop])
    # eval mode: dropout_edge (p=0.2) and feature dropout (p=0.92) are identity
    h = jax.nn.relu(gcn_conv(x, src, dst, W1, b1))
    h = jax.nn.relu(gcn_conv(h, src, dst, W2, b2))
    h = gcn_conv(h, src, dst, W3, b3)
    return jax.nn.sigmoid(h)

if __name__ == "__main__":
    import jax
    _d = setup_inputs()
    print(jax.jit(kernel)(*tuple(_d.values())))

</pallas_src>

<mosaic_0001>
#map = affine_map<(d0, d1) -> (0, 0)>
#map1 = affine_map<(d0, d1) -> (0, 0, 0)>
module attributes {stable_mosaic.version = 14 : i64} {
  func.func @deg(%arg0: i32, %arg1: i32, %arg2: memref<10240x128xf32, #tpu.memory_space<hbm>>, %arg3: memref<128x128xf32, #tpu.memory_space<hbm>>, %arg4: memref<2560x128xi32, #tpu.memory_space<hbm>>, %arg5: memref<2x10240x128xf32, #tpu.memory_space<hbm>>, %arg6: memref<80x128xi32, #tpu.memory_space<vmem>>, %arg7: memref<128x128xf32, #tpu.memory_space<vmem>>, %arg8: memref<10240x128xf32, #tpu.memory_space<vmem_shared>>, %arg9: memref<!tpu.dma_semaphore, #tpu.memory_space<semaphore_mem>>) attributes {dimension_semantics = [#tpu.dimension_semantics<core_parallel>, #tpu.dimension_semantics<subcore_parallel>], iteration_bounds = array<i64: 2, 16>, scalar_prefetch = 0 : i64, scratch_operands = 4 : i64, tpu.core_type = #tpu.core_type<sc_vector_subcore>, window_params = [{transform_indices = #map}, {transform_indices = #map}, {transform_indices = #map}, {transform_indices = #map1}]} {
    %mul3A = arith.constant 16 : i32
    %mul3A_0 = arith.muli %arg0, %mul3A : i32
    %add3A = arith.addi %mul3A_0, %arg1 : i32
    %mul3A_1 = arith.constant 640 : i32
    %mul3A_2 = arith.muli %arg1, %mul3A_1 : i32
    "tpu.region"() ({
      %run_scoped3A = tpu.sem_alloc : memref<!tpu.dma_semaphore, #tpu.memory_space<semaphore_mem>>
      %dma_start3A = arith.constant 0 : i32
      %dma_start3A_10 = tpu.memref_slice %arg8[%mul3A_2, %dma_start3A] : memref<10240x128xf32, #tpu.memory_space<vmem_shared>> -> memref<640x128xf32, #tpu.memory_space<vmem_shared>>
      %dma_start3A_11 = arith.constant 0 : i32
      %dma_start3A_12 = tpu.memref_slice %arg2[%mul3A_2, %dma_start3A_11] : memref<10240x128xf32, #tpu.memory_space<hbm>> -> memref<640x128xf32, #tpu.memory_space<hbm>>
      tpu.enqueue_dma source(%dma_start3A_12 : memref<640x128xf32, #tpu.memory_space<hbm>>) target(%dma_start3A_10 : memref<640x128xf32, #tpu.memory_space<vmem_shared>>) target_semaphore(%run_scoped3A : memref<!tpu.dma_semaphore, #tpu.memory_space<semaphore_mem>>)
      %dma_wait3A = arith.constant 0 : i32
      %dma_wait3A_13 = tpu.memref_slice %arg8[%mul3A_2, %dma_wait3A] : memref<10240x128xf32, #tpu.memory_space<vmem_shared>> -> memref<640x128xf32, #tpu.memory_space<vmem_shared>>
      %dma_wait3A_14 = arith.constant 0 : i32
      %dma_wait3A_15 = tpu.memref_slice %arg2[%mul3A_2, %dma_wait3A_14] : memref<10240x128xf32, #tpu.memory_space<hbm>> -> memref<640x128xf32, #tpu.memory_space<hbm>>
      tpu.wait_dma2 semaphore(%run_scoped3A : memref<!tpu.dma_semaphore, #tpu.memory_space<semaphore_mem>>) src(%dma_wait3A_15 : memref<640x128xf32, #tpu.memory_space<hbm>>) dst(%dma_wait3A_13 : memref<640x128xf32, #tpu.memory_space<vmem_shared>>)
      tpu.yield
    }) : () -> ()
    "tpu.region"() ({
      %run_scoped3A = tpu.sem_alloc : memref<!tpu.dma_semaphore, #tpu.memory_space<semaphore_mem>>
      tpu.enqueue_dma source(%arg3 : memref<128x128xf32, #tpu.memory_space<hbm>>) target(%arg7 : memref<128x128xf32, #tpu.memory_space<vmem>>) target_semaphore(%run_scoped3A : memref<!tpu.dma_semaphore, #tpu.memory_space<semaphore_mem>>)
      tpu.wait_dma2 semaphore(%run_scoped3A : memref<!tpu.dma_semaphore, #tpu.memory_space<semaphore_mem>>) src(%arg3 : memref<128x128xf32, #tpu.memory_space<hbm>>) dst(%arg7 : memref<128x128xf32, #tpu.memory_space<vmem>>)
      tpu.yield
    }) : () -> ()
    %mul3A_3 = arith.constant 80 : i32
    %mul3A_4 = arith.muli %add3A, %mul3A_3 : i32
    "tpu.region"() ({
      %run_scoped3A = tpu.sem_alloc : memref<!tpu.dma_semaphore, #tpu.memory_space<semaphore_mem>>
      %dma_start3A = arith.constant 0 : i32
      %dma_start3A_10 = tpu.memref_slice %arg4[%mul3A_4, %dma_start3A] : memref<2560x128xi32, #tpu.memory_space<hbm>> -> memref<80x128xi32, #tpu.memory_space<hbm>>
      %dma_start3A_11 = arith.constant 0 : i32
      %dma_start3A_12 = tpu.memref_slice %arg4[%mul3A_4, %dma_start3A_11] : memref<2560x128xi32, #tpu.memory_space<hbm>> -> memref<80x128xi32, #tpu.memory_space<hbm>>
      tpu.enqueue_dma source(%dma_start3A_12 : memref<80x128xi32, #tpu.memory_space<hbm>>) target(%arg6 : memref<80x128xi32, #tpu.memory_space<vmem>>) target_semaphore(%run_scoped3A : memref<!tpu.dma_semaphore, #tpu.memory_space<semaphore_mem>>)
      %dma_wait3A = arith.constant 0 : i32
      %dma_wait3A_13 = tpu.memref_slice %arg4[%mul3A_4, %dma_wait3A] : memref<2560x128xi32, #tpu.memory_space<hbm>> -> memref<80x128xi32, #tpu.memory_space<hbm>>
      %dma_wait3A_14 = arith.constant 0 : i32
      %dma_wait3A_15 = tpu.memref_slice %arg4[%mul3A_4, %dma_wait3A_14] : memref<2560x128xi32, #tpu.memory_space<hbm>> -> memref<80x128xi32, #tpu.memory_space<hbm>>
      tpu.wait_dma2 semaphore(%run_scoped3A : memref<!tpu.dma_semaphore, #tpu.memory_space<semaphore_mem>>) src(%dma_wait3A_15 : memref<80x128xi32, #tpu.memory_space<hbm>>) dst(%arg6 : memref<80x128xi32, #tpu.memory_space<vmem>>)
      tpu.yield
    }) : () -> ()
    %barrier3A = arith.constant 0 : index
    tpu.barrier barrier_id(%barrier3A)
    %scan3A = arith.constant 0 : i32
    %scan3A_5 = arith.constant 80 : i32
    %scan3A_6 = arith.addi %scan3A, %scan3A_5 : i32
    %scan3A_7 = arith.constant 1 : i32
    scf.for %scan3A_10 = %scan3A to %scan3A_6 step %scan3A_7  : i32 {
      %mul3A_11 = arith.constant 1 : i32
      %mul3A_12 = arith.muli %scan3A_10, %mul3A_11 : i32
      %add3A_13 = arith.constant 0 : i32
      %add3A_14 = arith.addi %add3A_13, %mul3A_12 : i32
      "tpu.region"() ({
        %run_scoped3A = tpu.sem_alloc : memref<!tpu.dma_semaphore, #tpu.memory_space<semaphore_mem>>
        %dma_start3A = arith.constant 0 : i32
        %dma_start3A_15 = tpu.memref_slice %arg6[%add3A_14, %dma_start3A] : memref<80x128xi32, #tpu.memory_space<vmem>> -> memref<1x128xi32, #tpu.memory_space<vmem>>
        %dma_start3A_16 = tpu.memref_squeeze %dma_start3A_15 : memref<1x128xi32, #tpu.memory_space<vmem>> -> memref<128xi32, #tpu.memory_space<vmem>>
        %dma_start3A_17 = arith.constant 0 : i32
        %dma_start3A_18 = arith.constant 0 : i32
        %dma_start3A_19 = tpu.memref_slice %arg8[%dma_start3A_17, %dma_start3A_18] : memref<10240x128xf32, #tpu.memory_space<vmem_shared>> -> memref<10240x128xf32, #tpu.memory_space<vmem_shared>>
        tpu.enqueue_indirect_dma source(%arg7 : memref<128x128xf32, #tpu.memory_space<vmem>>) target(%dma_start3A_19 : memref<10240x128xf32, #tpu.memory_space<vmem_shared>>) offsets(%dma_start3A_16 : memref<128xi32, #tpu.memory_space<vmem>>) semaphore(%run_scoped3A : memref<!tpu.dma_semaphore, #tpu.memory_space<semaphore_mem>>) {add = true}
        %dma_wait3A = arith.constant 0 : i32
        %dma_wait3A_20 = tpu.memref_slice %arg6[%add3A_14, %dma_wait3A] : memref<80x128xi32, #tpu.memory_space<vmem>> -> memref<1x128xi32, #tpu.memory_space<vmem>>
        %dma_wait3A_21 = tpu.memref_squeeze %dma_wait3A_20 : memref<1x128xi32, #tpu.memory_space<vmem>> -> memref<128xi32, #tpu.memory_space<vmem>>
        %dma_wait3A_22 = arith.constant 0 : i32
        %dma_wait3A_23 = arith.constant 0 : i32
        %dma_wait3A_24 = tpu.memref_slice %arg8[%dma_wait3A_22, %dma_wait3A_23] : memref<10240x128xf32, #tpu.memory_space<vmem_shared>> -> memref<10240x128xf32, #tpu.memory_space<vmem_shared>>
        tpu.wait_indirect_dma semaphore(%run_scoped3A : memref<!tpu.dma_semaphore, #tpu.memory_space<semaphore_mem>>) src(%arg7 : memref<128x128xf32, #tpu.memory_space<vmem>>) dst(%dma_wait3A_24 : memref<10240x128xf32, #tpu.memory_space<vmem_shared>>)
        tpu.yield
      }) : () -> ()
    }
    %scan3A_8 = arith.constant 80 : i32
    %barrier3A_9 = arith.constant 0 : index
    tpu.barrier barrier_id(%barrier3A_9)
    "tpu.region"() ({
      %run_scoped3A = tpu.sem_alloc : memref<!tpu.dma_semaphore, #tpu.memory_space<semaphore_mem>>
      %dma_start3A = arith.constant 0 : i32
      %dma_start3A_10 = tpu.memref_slice %arg5[%arg0, %mul3A_2, %dma_start3A] : memref<2x10240x128xf32, #tpu.memory_space<hbm>> -> memref<1x640x128xf32, #tpu.memory_space<hbm>>
      %dma_start3A_11 = tpu.memref_squeeze %dma_start3A_10 : memref<1x640x128xf32, #tpu.memory_space<hbm>> -> memref<640x128xf32, #tpu.memory_space<hbm>>
      %dma_start3A_12 = arith.constant 0 : i32
      %dma_start3A_13 = tpu.memref_slice %arg8[%mul3A_2, %dma_start3A_12] : memref<10240x128xf32, #tpu.memory_space<vmem_shared>> -> memref<640x128xf32, #tpu.memory_space<vmem_shared>>
      tpu.enqueue_dma source(%dma_start3A_13 : memref<640x128xf32, #tpu.memory_space<vmem_shared>>) target(%dma_start3A_11 : memref<640x128xf32, #tpu.memory_space<hbm>>) target_semaphore(%run_scoped3A : memref<!tpu.dma_semaphore, #tpu.memory_space<semaphore_mem>>)
      %dma_wait3A = arith.constant 0 : i32
      %dma_wait3A_14 = tpu.memref_slice %arg5[%arg0, %mul3A_2, %dma_wait3A] : memref<2x10240x128xf32, #tpu.memory_space<hbm>> -> memref<1x640x128xf32, #tpu.memory_space<hbm>>
      %dma_wait3A_15 = tpu.memref_squeeze %dma_wait3A_14 : memref<1x640x128xf32, #tpu.memory_space<hbm>> -> memref<640x128xf32, #tpu.memory_space<hbm>>
      %dma_wait3A_16 = arith.constant 0 : i32
      %dma_wait3A_17 = tpu.memref_slice %arg8[%mul3A_2, %dma_wait3A_16] : memref<10240x128xf32, #tpu.memory_space<vmem_shared>> -> memref<640x128xf32, #tpu.memory_space<vmem_shared>>
      tpu.wait_dma2 semaphore(%run_scoped3A : memref<!tpu.dma_semaphore, #tpu.memory_space<semaphore_mem>>) src(%dma_wait3A_17 : memref<640x128xf32, #tpu.memory_space<vmem_shared>>) dst(%dma_wait3A_15 : memref<640x128xf32, #tpu.memory_space<hbm>>)
      tpu.yield
    }) : () -> ()
    return
  }
}

#map = affine_map<(d0, d1) -> (0, 0)>
#map1 = affine_map<(d0, d1) -> (0, 0, 0)>
module attributes {stable_mosaic.version = 14 : i64} {
  func.func @agg(%arg0: i32, %arg1: i32, %arg2: memref<10240x128xf32, #tpu.memory_space<hbm>>, %arg3: memref<2560x128xi32, #tpu.memory_space<hbm>>, %arg4: memref<2x10240x128xf32, #tpu.memory_space<hbm>>, %arg5: memref<80x128xi32, #tpu.memory_space<vmem>>, %arg6: memref<2x128xi32, #tpu.memory_space<vmem>>, %arg7: memref<2x128xi32, #tpu.memory_space<vmem>>, %arg8: memref<128x128xf32, #tpu.memory_space<vmem>>, %arg9: memref<128x128xf32, #tpu.memory_space<vmem>>, %arg10: memref<10240x128xf32, #tpu.memory_space<vmem_shared>>, %arg11: memref<!tpu.dma_semaphore, #tpu.memory_space<semaphore_mem>>, %arg12: memref<!tpu.dma_semaphore, #tpu.memory_space<semaphore_mem>>) attributes {dimension_semantics = [#tpu.dimension_semantics<core_parallel>, #tpu.dimension_semantics<subcore_parallel>], iteration_bounds = array<i64: 2, 16>, scalar_prefetch = 0 : i64, scratch_operands = 8 : i64, tpu.core_type = #tpu.core_type<sc_vector_subcore>, window_params = [{transform_indices = #map}, {transform_indices = #map}, {transform_indices = #map1}]} {
    %mul3A = arith.constant 16 : i32
    %mul3A_0 = arith.muli %arg0, %mul3A : i32
    %add3A = arith.addi %mul3A_0, %arg1 : i32
    %mul3A_1 = arith.constant 640 : i32
    %mul3A_2 = arith.muli %arg1, %mul3A_1 : i32
    %mul3A_3 = arith.constant 80 : i32
    %mul3A_4 = arith.muli %add3A, %mul3A_3 : i32
    "tpu.region"() ({
      %run_scoped3A = tpu.sem_alloc : memref<!tpu.dma_semaphore, #tpu.memory_space<semaphore_mem>>
      %dma_start3A_387 = arith.constant 0 : i32
      %dma_start3A_388 = tpu.memref_slice %arg3[%mul3A_4, %dma_start3A_387] : memref<2560x128xi32, #tpu.memory_space<hbm>> -> memref<80x128xi32, #tpu.memory_space<hbm>>
      %dma_start3A_389 = arith.constant 0 : i32
      %dma_start3A_390 = tpu.memref_slice %arg3[%mul3A_4, %dma_start3A_389] : memref<2560x128xi32, #tpu.memory_space<hbm>> -> memref<80x128xi32, #tpu.memory_space<hbm>>
      tpu.enqueue_dma source(%dma_start3A_390 : memref<80x128xi32, #tpu.memory_space<hbm>>) target(%arg5 : memref<80x128xi32, #tpu.memory_space<vmem>>) target_semaphore(%run_scoped3A : memref<!tpu.dma_semaphore, #tpu.memory_space<semaphore_mem>>)
      %dma_wait3A = arith.constant 0 : i32
      %dma_wait3A_391 = tpu.memref_slice %arg3[%mul3A_4, %dma_wait3A] : memref<2560x128xi32, #tpu.memory_space<hbm>> -> memref<80x128xi32, #tpu.memory_space<hbm>>
      %dma_wait3A_392 = arith.constant 0 : i32
      %dma_wait3A_393 = tpu.memref_slice %arg3[%mul3A_4, %dma_wait3A_392] : memref<2560x128xi32, #tpu.memory_space<hbm>> -> memref<80x128xi32, #tpu.memory_space<hbm>>
      tpu.wait_dma2 semaphore(%run_scoped3A : memref<!tpu.dma_semaphore, #tpu.memory_space<semaphore_mem>>) src(%dma_wait3A_393 : memref<80x128xi32, #tpu.memory_space<hbm>>) dst(%arg5 : memref<80x128xi32, #tpu.memory_space<vmem>>)
      tpu.yield
    }) : () -> ()
    %get3A = arith.constant 0 : i32
    %get3A_5 = arith.index_cast %get3A : i32 to index
    %get3A_6 = arith.constant 0 : index
    %get3A_7 = tpu.vector_load %arg5[%get3A_5, %get3A_6] {strides = array<i32>} : memref<80x128xi32, #tpu.memory_space<vmem>>, vector<1x16xi32>,
    %get3A_8 = vector.shape_cast %get3A_7 : vector<1x16xi32> to vector<16xi32>
    %and3A = arith.constant 65535 : i32
    %and3A_9 = vector.broadcast %and3A : i32 to vector<16xi32>
    %and3A_10 = arith.andi %get3A_8, %and3A_9 : vector<16xi32>
    %swap3A = arith.constant 0 : i32
    %swap3A_11 = arith.index_cast %swap3A : i32 to index
    %swap3A_12 = arith.constant 0 : index
    %swap3A_13 = tpu.vector_load %arg6[%swap3A_11, %swap3A_12] {strides = array<i32>} : memref<2x128xi32, #tpu.memory_space<vmem>>, vector<1x16xi32>,
    %swap3A_14 = vector.shape_cast %swap3A_13 : vector<1x16xi32> to vector<16xi32>
    %swap3A_15 = vector.shape_cast %and3A_10 : vector<16xi32> to vector<1x16xi32>
    tpu.vector_store %arg6[%swap3A_11, %swap3A_12], %swap3A_15 {strides = array<i32>} : memref<2x128xi32, #tpu.memory_space<vmem>>, vector<1x16xi32>,
    %shift_right_logical3A = arith.constant 16 : i32
    %shift_right_logical3A_16 = vector.broadcast %shift_right_logical3A : i32 to vector<16xi32>
    %shift_right_logical3A_17 = arith.shrui %get3A_8, %shift_right_logical3A_16 : vector<16xi32>
    %swap3A_18 = arith.constant 0 : i32
    %swap3A_19 = arith.index_cast %swap3A_18 : i32 to index
    %swap3A_20 = arith.constant 0 : index
    %swap3A_21 = tpu.vector_load %arg7[%swap3A_19, %swap3A_20] {strides = array<i32>} : memref<2x128xi32, #tpu.memory_space<vmem>>, vector<1x16xi32>,
    %swap3A_22 = vector.shape_cast %swap3A_21 : vector<1x16xi32> to vector<16xi32>
    %swap3A_23 = vector.shape_cast %shift_right_logical3A_17 : vector<16xi32> to vector<1x16xi32>
    tpu.vector_store %arg7[%swap3A_19, %swap3A_20], %swap3A_23 {strides = array<i32>} : memref<2x128xi32, #tpu.memory_space<vmem>>, vector<1x16xi32>,
    %get3A_24 = arith.constant 0 : i32
    %get3A_25 = arith.index_cast %get3A_24 : i32 to index
    %get3A_26 = arith.constant 16 : index
    %get3A_27 = tpu.vector_load %arg5[%get3A_25, %get3A_26] {strides = array<i32>} : memref<80x128xi32, #tpu.memory_space<vmem>>, vector<1x16xi32>,
    %get3A_28 = vector.shape_cast %get3A_27 : vector<1x16xi32> to vector<16xi32>
    %and3A_29 = arith.constant 65535 : i32
    %and3A_30 = vector.broadcast %and3A_29 : i32 to vector<16xi32>
    %and3A_31 = arith.andi %get3A_28, %and3A_30 : vector<16xi32>
    %swap3A_32 = arith.constant 0 : i32
    %swap3A_33 = arith.index_cast %swap3A_32 : i32 to index
    %swap3A_34 = arith.constant 16 : index
    %swap3A_35 = tpu.vector_load %arg6[%swap3A_33, %swap3A_34] {strides = array<i32>} : memref<2x128xi32, #tpu.memory_space<vmem>>, vector<1x16xi32>,
    %swap3A_36 = vector.shape_cast %swap3A_35 : vector<1x16xi32> to vector<16xi32>
    %swap3A_37 = vector.shape_cast %and3A_31 : vector<16xi32> to vector<1x16xi32>
    tpu.vector_store %arg6[%swap3A_33, %swap3A_34], %swap3A_37 {strides = array<i32>} : memref<2x128xi32, #tpu.memory_space<vmem>>, vector<1x16xi32>,
    %shift_right_logical3A_38 = arith.constant 16 : i32
    %shift_right_logical3A_39 = vector.broadcast %shift_right_logical3A_38 : i32 to vector<16xi32>
    %shift_right_logical3A_40 = arith.shrui %get3A_28, %shift_right_logical3A_39 : vector<16xi32>
    %swap3A_41 = arith.constant 0 : i32
    %swap3A_42 = arith.index_cast %swap3A_41 : i32 to index
    %swap3A_43 = arith.constant 16 : index
    %swap3A_44 = tpu.vector_load %arg7[%swap3A_42, %swap3A_43] {strides = array<i32>} : memref<2x128xi32, #tpu.memory_space<vmem>>, vector<1x16xi32>,
    %swap3A_45 = vector.shape_cast %swap3A_44 : vector<1x16xi32> to vector<16xi32>
    %swap3A_46 = vector.shape_cast %shift_right_logical3A_40 : vector<16xi32> to vector<1x16xi32>
    tpu.vector_store %arg7[%swap3A_42, %swap3A_43], %swap3A_46 {strides = array<i32>} : memref<2x128xi32, #tpu.memory_space<vmem>>, vector<1x16xi32>,
    %get3A_47 = arith.constant 0 : i32
    %get3A_48 = arith.index_cast %get3A_47 : i32 to index
    %get3A_49 = arith.constant 32 : index
    %get3A_50 = tpu.vector_load %arg5[%get3A_48, %get3A_49] {strides = array<i32>} : memref<80x128xi32, #tpu.memory_space<vmem>>, vector<1x16xi32>,
    %get3A_51 = vector.shape_cast %get3A_50 : vector<1x16xi32> to vector<16xi32>
    %and3A_52 = arith.constant 65535 : i32
    %and3A_53 = vector.broadcast %and3A_52 : i32 to vector<16xi32>
    %and3A_54 = arith.andi %get3A_51, %and3A_53 : vector<16xi32>
    %swap3A_55 = arith.constant 0 : i32
    %swap3A_56 = arith.index_cast %swap3A_55 : i32 to index
    %swap3A_57 = arith.constant 32 : index
    %swap3A_58 = tpu.vector_load %arg6[%swap3A_56, %swap3A_57] {strides = array<i32>} : memref<2x128xi32, #tpu.memory_space<vmem>>, vector<1x16xi32>,
    %swap3A_59 = vector.shape_cast %swap3A_58 : vector<1x16xi32> to vector<16xi32>
    %swap3A_60 = vector.shape_cast %and3A_54 : vector<16xi32> to vector<1x16xi32>
    tpu.vector_store %arg6[%swap3A_56, %swap3A_57], %swap3A_60 {strides = array<i32>} : memref<2x128xi32, #tpu.memory_space<vmem>>, vector<1x16xi32>,
    %shift_right_logical3A_61 = arith.constant 16 : i32
    %shift_right_logical3A_62 = vector.broadcast %shift_right_logical3A_61 : i32 to vector<16xi32>
    %shift_right_logical3A_63 = arith.shrui %get3A_51, %shift_right_logical3A_62 : vector<16xi32>
    %swap3A_64 = arith.constant 0 : i32
    %swap3A_65 = arith.index_cast %swap3A_64 : i32 to index
    %swap3A_66 = arith.constant 32 : index
    %swap3A_67 = tpu.vector_load %arg7[%swap3A_65, %swap3A_66] {strides = array<i32>} : memref<2x128xi32, #tpu.memory_space<vmem>>, vector<1x16xi32>,
    %swap3A_68 = vector.shape_cast %swap3A_67 : vector<1x16xi32> to vector<16xi32>
    %swap3A_69 = vector.shape_cast %shift_right_logical3A_63 : vector<16xi32> to vector<1x16xi32>
    tpu.vector_store %arg7[%swap3A_65, %swap3A_66], %swap3A_69 {strides = array<i32>} : memref<2x128xi32, #tpu.memory_space<vmem>>, vector<1x16xi32>,
    %get3A_70 = arith.constant 0 : i32
    %get3A_71 = arith.index_cast %get3A_70 : i32 to index
    %get3A_72 = arith.constant 48 : index
    %get3A_73 = tpu.vector_load %arg5[%get3A_71, %get3A_72] {strides = array<i32>} : memref<80x128xi32, #tpu.memory_space<vmem>>, vector<1x16xi32>,
    %get3A_74 = vector.shape_cast %get3A_73 : vector<1x16xi32> to vector<16xi32>
    %and3A_75 = arith.constant 65535 : i32
    %and3A_76 = vector.broadcast %and3A_75 : i32 to vector<16xi32>
    %and3A_77 = arith.andi %get3A_74, %and3A_76 : vector<16xi32>
    %swap3A_78 = arith.constant 0 : i32
    %swap3A_79 = arith.index_cast %swap3A_78 : i32 to index
    %swap3A_80 = arith.constant 48 : index
    %swap3A_81 = tpu.vector_load %arg6[%swap3A_79, %swap3A_80] {strides = array<i32>} : memref<2x128xi32, #tpu.memory_space<vmem>>, vector<1x16xi32>,
    %swap3A_82 = vector.shape_cast %swap3A_81 : vector<1x16xi32> to vector<16xi32>
    %swap3A_83 = vector.shape_cast %and3A_77 : vector<16xi32> to vector<1x16xi32>
    tpu.vector_store %arg6[%swap3A_79, %swap3A_80], %swap3A_83 {strides = array<i32>} : memref<2x128xi32, #tpu.memory_space<vmem>>, vector<1x16xi32>,
    %shift_right_logical3A_84 = arith.constant 16 : i32
    %shift_right_logical3A_85 = vector.broadcast %shift_right_logical3A_84 : i32 to vector<16xi32>
    %shift_right_logical3A_86 = arith.shrui %get3A_74, %shift_right_logical3A_85 : vector<16xi32>
    %swap3A_87 = arith.constant 0 : i32
    %swap3A_88 = arith.index_cast %swap3A_87 : i32 to index
    %swap3A_89 = arith.constant 48 : index
    %swap3A_90 = tpu.vector_load %arg7[%swap3A_88, %swap3A_89] {strides = array<i32>} : memref<2x128xi32, #tpu.memory_space<vmem>>, vector<1x16xi32>,
    %swap3A_91 = vector.shape_cast %swap3A_90 : vector<1x16xi32> to vector<16xi32>
    %swap3A_92 = vector.shape_cast %shift_right_logical3A_86 : vector<16xi32> to vector<1x16xi32>
    tpu.vector_store %arg7[%swap3A_88, %swap3A_89], %swap3A_92 {strides = array<i32>} : memref<2x128xi32, #tpu.memory_space<vmem>>, vector<1x16xi32>,
    %get3A_93 = arith.constant 0 : i32
    %get3A_94 = arith.index_cast %get3A_93 : i32 to index
    %get3A_95 = arith.constant 64 : index
    %get3A_96 = tpu.vector_load %arg5[%get3A_94, %get3A_95] {strides = array<i32>} : memref<80x128xi32, #tpu.memory_space<vmem>>, vector<1x16xi32>,
    %get3A_97 = vector.shape_cast %get3A_96 : vector<1x16xi32> to vector<16xi32>
    %and3A_98 = arith.constant 65535 : i32
    %and3A_99 = vector.broadcast %and3A_98 : i32 to vector<16xi32>
    %and3A_100 = arith.andi %get3A_97, %and3A_99 : vector<16xi32>
    %swap3A_101 = arith.constant 0 : i32
    %swap3A_102 = arith.index_cast %swap3A_101 : i32 to index
    %swap3A_103 = arith.constant 64 : index
    %swap3A_104 = tpu.vector_load %arg6[%swap3A_102, %swap3A_103] {strides = array<i32>} : memref<2x128xi32, #tpu.memory_space<vmem>>, vector<1x16xi32>,
    %swap3A_105 = vector.shape_cast %swap3A_104 : vector<1x16xi32> to vector<16xi32>
    %swap3A_106 = vector.shape_cast %and3A_100 : vector<16xi32> to vector<1x16xi32>
    tpu.vector_store %arg6[%swap3A_102, %swap3A_103], %swap3A_106 {strides = array<i32>} : memref<2x128xi32, #tpu.memory_space<vmem>>, vector<1x16xi32>,
    %shift_right_logical3A_107 = arith.constant 16 : i32
    %shift_right_logical3A_108 = vector.broadcast %shift_right_logical3A_107 : i32 to vector<16xi32>
    %shift_right_logical3A_109 = arith.shrui %get3A_97, %shift_right_logical3A_108 : vector<16xi32>
    %swap3A_110 = arith.constant 0 : i32
    %swap3A_111 = arith.index_cast %swap3A_110 : i32 to index
    %swap3A_112 = arith.constant 64 : index
    %swap3A_113 = tpu.vector_load %arg7[%swap3A_111, %swap3A_112] {strides = array<i32>} : memref<2x128xi32, #tpu.memory_space<vmem>>, vector<1x16xi32>,
    %swap3A_114 = vector.shape_cast %swap3A_113 : vector<1x16xi32> to vector<16xi32>
    %swap3A_115 = vector.shape_cast %shift_right_logical3A_109 : vector<16xi32> to vector<1x16xi32>
    tpu.vector_store %arg7[%swap3A_111, %swap3A_112], %swap3A_115 {strides = array<i32>} : memref<2x128xi32, #tpu.memory_space<vmem>>, vector<1x16xi32>,
    %get3A_116 = arith.constant 0 : i32
    %get3A_117 = arith.index_cast %get3A_116 : i32 to index
    %get3A_118 = arith.constant 80 : index
    %get3A_119 = tpu.vector_load %arg5[%get3A_117, %get3A_118] {strides = array<i32>} : memref<80x128xi32, #tpu.memory_space<vmem>>, vector<1x16xi32>,
    %get3A_120 = vector.shape_cast %get3A_119 : vector<1x16xi32> to vector<16xi32>
    %and3A_121 = arith.constant 65535 : i32
    %and3A_122 = vector.broadcast %and3A_121 : i32 to vector<16xi32>
    %and3A_123 = arith.andi %get3A_120, %and3A_122 : vector<16xi32>
    %swap3A_124 = arith.constant 0 : i32
    %swap3A_125 = arith.index_cast %swap3A_124 : i32 to index
    %swap3A_126 = arith.constant 80 : index
    %swap3A_127 = tpu.vector_load %arg6[%swap3A_125, %swap3A_126] {strides = array<i32>} : memref<2x128xi32, #tpu.memory_space<vmem>>, vector<1x16xi32>,
    %swap3A_128 = vector.shape_cast %swap3A_127 : vector<1x16xi32> to vector<16xi32>
    %swap3A_129 = vector.shape_cast %and3A_123 : vector<16xi32> to vector<1x16xi32>
    tpu.vector_store %arg6[%swap3A_125, %swap3A_126], %swap3A_129 {strides = array<i32>} : memref<2x128xi32, #tpu.memory_space<vmem>>, vector<1x16xi32>,
    %shift_right_logical3A_130 = arith.constant 16 : i32
    %shift_right_logical3A_131 = vector.broadcast %shift_right_logical3A_130 : i32 to vector<16xi32>
    %shift_right_logical3A_132 = arith.shrui %get3A_120, %shift_right_logical3A_131 : vector<16xi32>
    %swap3A_133 = arith.constant 0 : i32
    %swap3A_134 = arith.index_cast %swap3A_133 : i32 to index
    %swap3A_135 = arith.constant 80 : index
    %swap3A_136 = tpu.vector_load %arg7[%swap3A_134, %swap3A_135] {strides = array<i32>} : memref<2x128xi32, #tpu.memory_space<vmem>>, vector<1x16xi32>,
    %swap3A_137 = vector.shape_cast %swap3A_136 : vector<1x16xi32> to vector<16xi32>
    %swap3A_138 = vector.shape_cast %shift_right_logical3A_132 : vector<16xi32> to vector<1x16xi32>
    tpu.vector_store %arg7[%swap3A_134, %swap3A_135], %swap3A_138 {strides = array<i32>} : memref<2x128xi32, #tpu.memory_space<vmem>>, vector<1x16xi32>,
    %get3A_139 = arith.constant 0 : i32
    %get3A_140 = arith.index_cast %get3A_139 : i32 to index
    %get3A_141 = arith.constant 96 : index
    %get3A_142 = tpu.vector_load %arg5[%get3A_140, %get3A_141] {strides = array<i32>} : memref<80x128xi32, #tpu.memory_space<vmem>>, vector<1x16xi32>,
    %get3A_143 = vector.shape_cast %get3A_142 : vector<1x16xi32> to vector<16xi32>
    %and3A_144 = arith.constant 65535 : i32
    %and3A_145 = vector.broadcast %and3A_144 : i32 to vector<16xi32>
    %and3A_146 = arith.andi %get3A_143, %and3A_145 : vector<16xi32>
    %swap3A_147 = arith.constant 0 : i32
    %swap3A_148 = arith.index_cast %swap3A_147 : i32 to index
    %swap3A_149 = arith.constant 96 : index
    %swap3A_150 = tpu.vector_load %arg6[%swap3A_148, %swap3A_149] {strides = array<i32>} : memref<2x128xi32, #tpu.memory_space<vmem>>, vector<1x16xi32>,
    %swap3A_151 = vector.shape_cast %swap3A_150 : vector<1x16xi32> to vector<16xi32>
    %swap3A_152 = vector.shape_cast %and3A_146 : vector<16xi32> to vector<1x16xi32>
    tpu.vector_store %arg6[%swap3A_148, %swap3A_149], %swap3A_152 {strides = array<i32>} : memref<2x128xi32, #tpu.memory_space<vmem>>, vector<1x16xi32>,
    %shift_right_logical3A_153 = arith.constant 16 : i32
    %shift_right_logical3A_154 = vector.broadcast %shift_right_logical3A_153 : i32 to vector<16xi32>
    %shift_right_logical3A_155 = arith.shrui %get3A_143, %shift_right_logical3A_154 : vector<16xi32>
    %swap3A_156 = arith.constant 0 : i32
    %swap3A_157 = arith.index_cast %swap3A_156 : i32 to index
    %swap3A_158 = arith.constant 96 : index
    %swap3A_159 = tpu.vector_load %arg7[%swap3A_157, %swap3A_158] {strides = array<i32>} : memref<2x128xi32, #tpu.memory_space<vmem>>, vector<1x16xi32>,
    %swap3A_160 = vector.shape_cast %swap3A_159 : vector<1x16xi32> to vector<16xi32>
    %swap3A_161 = vector.shape_cast %shift_right_logical3A_155 : vector<16xi32> to vector<1x16xi32>
    tpu.vector_store %arg7[%swap3A_157, %swap3A_158], %swap3A_161 {strides = array<i32>} : memref<2x128xi32, #tpu.memory_space<vmem>>, vector<1x16xi32>,
    %get3A_162 = arith.constant 0 : i32
    %get3A_163 = arith.index_cast %get3A_162 : i32 to index
    %get3A_164 = arith.constant 112 : index
    %get3A_165 = tpu.vector_load %arg5[%get3A_163, %get3A_164] {strides = array<i32>} : memref<80x128xi32, #tpu.memory_space<vmem>>, vector<1x16xi32>,
    %get3A_166 = vector.shape_cast %get3A_165 : vector<1x16xi32> to vector<16xi32>
    %and3A_167 = arith.constant 65535 : i32
    %and3A_168 = vector.broadcast %and3A_167 : i32 to vector<16xi32>
    %and3A_169 = arith.andi %get3A_166, %and3A_168 : vector<16xi32>
    %swap3A_170 = arith.constant 0 : i32
    %swap3A_171 = arith.index_cast %swap3A_170 : i32 to index
    %swap3A_172 = arith.constant 112 : index
    %swap3A_173 = tpu.vector_load %arg6[%swap3A_171, %swap3A_172] {strides = array<i32>} : memref<2x128xi32, #tpu.memory_space<vmem>>, vector<1x16xi32>,
    %swap3A_174 = vector.shape_cast %swap3A_173 : vector<1x16xi32> to vector<16xi32>
    %swap3A_175 = vector.shape_cast %and3A_169 : vector<16xi32> to vector<1x16xi32>
    tpu.vector_store %arg6[%swap3A_171, %swap3A_172], %swap3A_175 {strides = array<i32>} : memref<2x128xi32, #tpu.memory_space<vmem>>, vector<1x16xi32>,
    %shift_right_logical3A_176 = arith.constant 16 : i32
    %shift_right_logical3A_177 = vector.broadcast %shift_right_logical3A_176 : i32 to vector<16xi32>
    %shift_right_logical3A_178 = arith.shrui %get3A_166, %shift_right_logical3A_177 : vector<16xi32>
    %swap3A_179 = arith.constant 0 : i32
    %swap3A_180 = arith.index_cast %swap3A_179 : i32 to index
    %swap3A_181 = arith.constant 112 : index
    %swap3A_182 = tpu.vector_load %arg7[%swap3A_180, %swap3A_181] {strides = array<i32>} : memref<2x128xi32, #tpu.memory_space<vmem>>, vector<1x16xi32>,
    %swap3A_183 = vector.shape_cast %swap3A_182 : vector<1x16xi32> to vector<16xi32>
    %swap3A_184 = vector.shape_cast %shift_right_logical3A_178 : vector<16xi32> to vector<1x16xi32>
    tpu.vector_store %arg7[%swap3A_180, %swap3A_181], %swap3A_184 {strides = array<i32>} : memref<2x128xi32, #tpu.memory_space<vmem>>, vector<1x16xi32>,
    %get3A_185 = arith.constant 1 : i32
    %get3A_186 = arith.index_cast %get3A_185 : i32 to index
    %get3A_187 = arith.constant 0 : index
    %get3A_188 = tpu.vector_load %arg5[%get3A_186, %get3A_187] {strides = array<i32>} : memref<80x128xi32, #tpu.memory_space<vmem>>, vector<1x16xi32>,
    %get3A_189 = vector.shape_cast %get3A_188 : vector<1x16xi32> to vector<16xi32>
    %and3A_190 = arith.constant 65535 : i32
    %and3A_191 = vector.broadcast %and3A_190 : i32 to vector<16xi32>
    %and3A_192 = arith.andi %get3A_189, %and3A_191 : vector<16xi32>
    %swap3A_193 = arith.constant 1 : i32
    %swap3A_194 = arith.index_cast %swap3A_193 : i32 to index
    %swap3A_195 = arith.constant 0 : index
    %swap3A_196 = tpu.vector_load %arg6[%swap3A_194, %swap3A_195] {strides = array<i32>} : memref<2x128xi32, #tpu.memory_space<vmem>>, vector<1x16xi32>,
    %swap3A_197 = vector.shape_cast %swap3A_196 : vector<1x16xi32> to vector<16xi32>
    %swap3A_198 = vector.shape_cast %and3A_192 : vector<16xi32> to vector<1x16xi32>
    tpu.vector_store %arg6[%swap3A_194, %swap3A_195], %swap3A_198 {strides = array<i32>} : memref<2x128xi32, #tpu.memory_space<vmem>>, vector<1x16xi32>,
    %shift_right_logical3A_199 = arith.constant 16 : i32
    %shift_right_logical3A_200 = vector.broadcast %shift_right_logical3A_199 : i32 to vector<16xi32>
    %shift_right_logical3A_201 = arith.shrui %get3A_189, %shift_right_logical3A_200 : vector<16xi32>
    %swap3A_202 = arith.constant 1 : i32
    %swap3A_203 = arith.index_cast %swap3A_202 : i32 to index
    %swap3A_204 = arith.constant 0 : index
    %swap3A_205 = tpu.vector_load %arg7[%swap3A_203, %swap3A_204] {strides = array<i32>} : memref<2x128xi32, #tpu.memory_space<vmem>>, vector<1x16xi32>,
    %swap3A_206 = vector.shape_cast %swap3A_205 : vector<1x16xi32> to vector<16xi32>
    %swap3A_207 = vector.shape_cast %shift_right_logical3A_201 : vector<16xi32> to vector<1x16xi32>
    tpu.vector_store %arg7[%swap3A_203, %swap3A_204], %swap3A_207 {strides = array<i32>} : memref<2x128xi32, #tpu.memory_space<vmem>>, vector<1x16xi32>,
    %get3A_208 = arith.constant 1 : i32
    %get3A_209 = arith.index_cast %get3A_208 : i32 to index
    %get3A_210 = arith.constant 16 : index
    %get3A_211 = tpu.vector_load %arg5[%get3A_209, %get3A_210] {strides = array<i32>} : memref<80x128xi32, #tpu.memory_space<vmem>>, vector<1x16xi32>,
    %get3A_212 = vector.shape_cast %get3A_211 : vector<1x16xi32> to vector<16xi32>
    %and3A_213 = arith.constant 65535 : i32
    %and3A_214 = vector.broadcast %and3A_213 : i32 to vector<16xi32>
    %and3A_215 = arith.andi %get3A_212, %and3A_214 : vector<16xi32>
    %swap3A_216 = arith.constant 1 : i32
    %swap3A_217 = arith.index_cast %swap3A_216 : i32 to index
    %swap3A_218 = arith.constant 16 : index
    %swap3A_219 = tpu.vector_load %arg6[%swap3A_217, %swap3A_218] {strides = array<i32>} : memref<2x128xi32, #tpu.memory_space<vmem>>, vector<1x16xi32>,
    %swap3A_220 = vector.shape_cast %swap3A_219 : vector<1x16xi32> to vector<16xi32>
    %swap3A_221 = vector.shape_cast %and3A_215 : vector<16xi32> to vector<1x16xi32>
    tpu.vector_store %arg6[%swap3A_217, %swap3A_218], %swap3A_221 {strides = array<i32>} : memref<2x128xi32, #tpu.memory_space<vmem>>, vector<1x16xi32>,
    %shift_right_logical3A_222 = arith.constant 16 : i32
    %shift_right_logical3A_223 = vector.broadcast %shift_right_logical3A_222 : i32 to vector<16xi32>
    %shift_right_logical3A_224 = arith.shrui %get3A_212, %shift_right_logical3A_223 : vector<16xi32>
    %swap3A_225 = arith.constant 1 : i32
    %swap3A_226 = arith.index_cast %swap3A_225 : i32 to index
    %swap3A_227 = arith.constant 16 : index
    %swap3A_228 = tpu.vector_load %arg7[%swap3A_226, %swap3A_227] {strides = array<i32>} : memref<2x128xi32, #tpu.memory_space<vmem>>, vector<1x16xi32>,
    %swap3A_229 = vector.shape_cast %swap3A_228 : vector<1x16xi32> to vector<16xi32>
    %swap3A_230 = vector.shape_cast %shift_right_logical3A_224 : vector<16xi32> to vector<1x16xi32>
    tpu.vector_store %arg7[%swap3A_226, %swap3A_227], %swap3A_230 {strides = array<i32>} : memref<2x128xi32, #tpu.memory_space<vmem>>, vector<1x16xi32>,
    %get3A_231 = arith.constant 1 : i32
    %get3A_232 = arith.index_cast %get3A_231 : i32 to index
    %get3A_233 = arith.constant 32 : index
    %get3A_234 = tpu.vector_load %arg5[%get3A_232, %get3A_233] {strides = array<i32>} : memref<80x128xi32, #tpu.memory_space<vmem>>, vector<1x16xi32>,
    %get3A_235 = vector.shape_cast %get3A_234 : vector<1x16xi32> to vector<16xi32>
    %and3A_236 = arith.constant 65535 : i32
    %and3A_237 = vector.broadcast %and3A_236 : i32 to vector<16xi32>
    %and3A_238 = arith.andi %get3A_235, %and3A_237 : vector<16xi32>
    %swap3A_239 = arith.constant 1 : i32
    %swap3A_240 = arith.index_cast %swap3A_239 : i32 to index
    %swap3A_241 = arith.constant 32 : index
    %swap3A_242 = tpu.vector_load %arg6[%swap3A_240, %swap3A_241] {strides = array<i32>} : memref<2x128xi32, #tpu.memory_space<vmem>>, vector<1x16xi32>,
    %swap3A_243 = vector.shape_cast %swap3A_242 : vector<1x16xi32> to vector<16xi32>
    %swap3A_244 = vector.shape_cast %and3A_238 : vector<16xi32> to vector<1x16xi32>
    tpu.vector_store %arg6[%swap3A_240, %swap3A_241], %swap3A_244 {strides = array<i32>} : memref<2x128xi32, #tpu.memory_space<vmem>>, vector<1x16xi32>,
    %shift_right_logical3A_245 = arith.constant 16 : i32
    %shift_right_logical3A_246 = vector.broadcast %shift_right_logical3A_245 : i32 to vector<16xi32>
    %shift_right_logical3A_247 = arith.shrui %get3A_235, %shift_right_logical3A_246 : vector<16xi32>
    %swap3A_248 = arith.constant 1 : i32
    %swap3A_249 = arith.index_cast %swap3A_248 : i32 to index
    %swap3A_250 = arith.constant 32 : index
    %swap3A_251 = tpu.vector_load %arg7[%swap3A_249, %swap3A_250] {strides = array<i32>} : memref<2x128xi32, #tpu.memory_space<vmem>>, vector<1x16xi32>,
    %swap3A_252 = vector.shape_cast %swap3A_251 : vector<1x16xi32> to vector<16xi32>
    %swap3A_253 = vector.shape_cast %shift_right_logical3A_247 : vector<16xi32> to vector<1x16xi32>
    tpu.vector_store %arg7[%swap3A_249, %swap3A_250], %swap3A_253 {strides = array<i32>} : memref<2x128xi32, #tpu.memory_space<vmem>>, vector<1x16xi32>,
    %get3A_254 = arith.constant 1 : i32
    %get3A_255 = arith.index_cast %get3A_254 : i32 to index
    %get3A_256 = arith.constant 48 : index
    %get3A_257 = tpu.vector_load %arg5[%get3A_255, %get3A_256] {strides = array<i32>} : memref<80x128xi32, #tpu.memory_space<vmem>>, vector<1x16xi32>,
    %get3A_258 = vector.shape_cast %get3A_257 : vector<1x16xi32> to vector<16xi32>
    %and3A_259 = arith.constant 65535 : i32
    %and3A_260 = vector.broadcast %and3A_259 : i32 to vector<16xi32>
    %and3A_261 = arith.andi %get3A_258, %and3A_260 : vector<16xi32>
    %swap3A_262 = arith.constant 1 : i32
    %swap3A_263 = arith.index_cast %swap3A_262 : i32 to index
    %swap3A_264 = arith.constant 48 : index
    %swap3A_265 = tpu.vector_load %arg6[%swap3A_263, %swap3A_264] {strides = array<i32>} : memref<2x128xi32, #tpu.memory_space<vmem>>, vector<1x16xi32>,
    %swap3A_266 = vector.shape_cast %swap3A_265 : vector<1x16xi32> to vector<16xi32>
    %swap3A_267 = vector.shape_cast %and3A_261 : vector<16xi32> to vector<1x16xi32>
    tpu.vector_store %arg6[%swap3A_263, %swap3A_264], %swap3A_267 {strides = array<i32>} : memref<2x128xi32, #tpu.memory_space<vmem>>, vector<1x16xi32>,
    %shift_right_logical3A_268 = arith.constant 16 : i32
    %shift_right_logical3A_269 = vector.broadcast %shift_right_logical3A_268 : i32 to vector<16xi32>
    %shift_right_logical3A_270 = arith.shrui %get3A_258, %shift_right_logical3A_269 : vector<16xi32>
    %swap3A_271 = arith.constant 1 : i32
    %swap3A_272 = arith.index_cast %swap3A_271 : i32 to index
    %swap3A_273 = arith.constant 48 : index
    %swap3A_274 = tpu.vector_load %arg7[%swap3A_272, %swap3A_273] {strides = array<i32>} : memref<2x128xi32, #tpu.memory_space<vmem>>, vector<1x16xi32>,
    %swap3A_275 = vector.shape_cast %swap3A_274 : vector<1x16xi32> to vector<16xi32>
    %swap3A_276 = vector.shape_cast %shift_right_logical3A_270 : vector<16xi32> to vector<1x16xi32>
    tpu.vector_store %arg7[%swap3A_272, %swap3A_273], %swap3A_276 {strides = array<i32>} : memref<2x128xi32, #tpu.memory_space<vmem>>, vector<1x16xi32>,
    %get3A_277 = arith.constant 1 : i32
    %get3A_278 = arith.index_cast %get3A_277 : i32 to index
    %get3A_279 = arith.constant 64 : index
    %get3A_280 = tpu.vector_load %arg5[%get3A_278, %get3A_279] {strides = array<i32>} : memref<80x128xi32, #tpu.memory_space<vmem>>, vector<1x16xi32>,
    %get3A_281 = vector.shape_cast %get3A_280 : vector<1x16xi32> to vector<16xi32>
    %and3A_282 = arith.constant 65535 : i32
    %and3A_283 = vector.broadcast %and3A_282 : i32 to vector<16xi32>
    %and3A_284 = arith.andi %get3A_281, %and3A_283 : vector<16xi32>
    %swap3A_285 = arith.constant 1 : i32
    %swap3A_286 = arith.index_cast %swap3A_285 : i32 to index
    %swap3A_287 = arith.constant 64 : index
    %swap3A_288 = tpu.vector_load %arg6[%swap3A_286, %swap3A_287] {strides = array<i32>} : memref<2x128xi32, #tpu.memory_space<vmem>>, vector<1x16xi32>,
    %swap3A_289 = vector.shape_cast %swap3A_288 : vector<1x16xi32> to vector<16xi32>
    %swap3A_290 = vector.shape_cast %and3A_284 : vector<16xi32> to vector<1x16xi32>
    tpu.vector_store %arg6[%swap3A_286, %swap3A_287], %swap3A_290 {strides = array<i32>} : memref<2x128xi32, #tpu.memory_space<vmem>>, vector<1x16xi32>,
    %shift_right_logical3A_291 = arith.constant 16 : i32
    %shift_right_logical3A_292 = vector.broadcast %shift_right_logical3A_291 : i32 to vector<16xi32>
    %shift_right_logical3A_293 = arith.shrui %get3A_281, %shift_right_logical3A_292 : vector<16xi32>
    %swap3A_294 = arith.constant 1 : i32
    %swap3A_295 = arith.index_cast %swap3A_294 : i32 to index
    %swap3A_296 = arith.constant 64 : index
    %swap3A_297 = tpu.vector_load %arg7[%swap3A_295, %swap3A_296] {strides = array<i32>} : memref<2x128xi32, #tpu.memory_space<vmem>>, vector<1x16xi32>,
    %swap3A_298 = vector.shape_cast %swap3A_297 : vector<1x16xi32> to vector<16xi32>
    %swap3A_299 = vector.shape_cast %shift_right_logical3A_293 : vector<16xi32> to vector<1x16xi32>
    tpu.vector_store %arg7[%swap3A_295, %swap3A_296], %swap3A_299 {strides = array<i32>} : memref<2x128xi32, #tpu.memory_space<vmem>>, vector<1x16xi32>,
    %get3A_300 = arith.constant 1 : i32
    %get3A_301 = arith.index_cast %get3A_300 : i32 to index
    %get3A_302 = arith.constant 80 : index
    %get3A_303 = tpu.vector_load %arg5[%get3A_301, %get3A_302] {strides = array<i32>} : memref<80x128xi32, #tpu.memory_space<vmem>>, vector<1x16xi32>,
    %get3A_304 = vector.shape_cast %get3A_303 : vector<1x16xi32> to vector<16xi32>
    %and3A_305 = arith.constant 65535 : i32
    %and3A_306 = vector.broadcast %and3A_305 : i32 to vector<16xi32>
    %and3A_307 = arith.andi %get3A_304, %and3A_306 : vector<16xi32>
    %swap3A_308 = arith.constant 1 : i32
    %swap3A_309 = arith.index_cast %swap3A_308 : i32 to index
    %swap3A_310 = arith.constant 80 : index
    %swap3A_311 = tpu.vector_load %arg6[%swap3A_309, %swap3A_310] {strides = array<i32>} : memref<2x128xi32, #tpu.memory_space<vmem>>, vector<1x16xi32>,
    %swap3A_312 = vector.shape_cast %swap3A_311 : vector<1x16xi32> to vector<16xi32>
    %swap3A_313 = vector.shape_cast %and3A_307 : vector<16xi32> to vector<1x16xi32>
    tpu.vector_store %arg6[%swap3A_309, %swap3A_310], %swap3A_313 {strides = array<i32>} : memref<2x128xi32, #tpu.memory_space<vmem>>, vector<1x16xi32>,
    %shift_right_logical3A_314 = arith.constant 16 : i32
    %shift_right_logical3A_315 = vector.broadcast %shift_right_logical3A_314 : i32 to vector<16xi32>
    %shift_right_logical3A_316 = arith.shrui %get3A_304, %shift_right_logical3A_315 : vector<16xi32>
    %swap3A_317 = arith.constant 1 : i32
    %swap3A_318 = arith.index_cast %swap3A_317 : i32 to index
    %swap3A_319 = arith.constant 80 : index
    %swap3A_320 = tpu.vector_load %arg7[%swap3A_318, %swap3A_319] {strides = array<i32>} : memref<2x128xi32, #tpu.memory_space<vmem>>, vector<1x16xi32>,
    %swap3A_321 = vector.shape_cast %swap3A_320 : vector<1x16xi32> to vector<16xi32>
    %swap3A_322 = vector.shape_cast %shift_right_logical3A_316 : vector<16xi32> to vector<1x16xi32>
    tpu.vector_store %arg7[%swap3A_318, %swap3A_319], %swap3A_322 {strides = array<i32>} : memref<2x128xi32, #tpu.memory_space<vmem>>, vector<1x16xi32>,
    %get3A_323 = arith.constant 1 : i32
    %get3A_324 = arith.index_cast %get3A_323 : i32 to index
    %get3A_325 = arith.constant 96 : index
    %get3A_326 = tpu.vector_load %arg5[%get3A_324, %get3A_325] {strides = array<i32>} : memref<80x128xi32, #tpu.memory_space<vmem>>, vector<1x16xi32>,
    %get3A_327 = vector.shape_cast %get3A_326 : vector<1x16xi32> to vector<16xi32>
    %and3A_328 = arith.constant 65535 : i32
    %and3A_329 = vector.broadcast %and3A_328 : i32 to vector<16xi32>
    %and3A_330 = arith.andi %get3A_327, %and3A_329 : vector<16xi32>
    %swap3A_331 = arith.constant 1 : i32
    %swap3A_332 = arith.index_cast %swap3A_331 : i32 to index
    %swap3A_333 = arith.constant 96 : index
    %swap3A_334 = tpu.vector_load %arg6[%swap3A_332, %swap3A_333] {strides = array<i32>} : memref<2x128xi32, #tpu.memory_space<vmem>>, vector<1x16xi32>,
    %swap3A_335 = vector.shape_cast %swap3A_334 : vector<1x16xi32> to vector<16xi32>
    %swap3A_336 = vector.shape_cast %and3A_330 : vector<16xi32> to vector<1x16xi32>
    tpu.vector_store %arg6[%swap3A_332, %swap3A_333], %swap3A_336 {strides = array<i32>} : memref<2x128xi32, #tpu.memory_space<vmem>>, vector<1x16xi32>,
    %shift_right_logical3A_337 = arith.constant 16 : i32
    %shift_right_logical3A_338 = vector.broadcast %shift_right_logical3A_337 : i32 to vector<16xi32>
    %shift_right_logical3A_339 = arith.shrui %get3A_327, %shift_right_logical3A_338 : vector<16xi32>
    %swap3A_340 = arith.constant 1 : i32
    %swap3A_341 = arith.index_cast %swap3A_340 : i32 to index
    %swap3A_342 = arith.constant 96 : index
    %swap3A_343 = tpu.vector_load %arg7[%swap3A_341, %swap3A_342] {strides = array<i32>} : memref<2x128xi32, #tpu.memory_space<vmem>>, vector<1x16xi32>,
    %swap3A_344 = vector.shape_cast %swap3A_343 : vector<1x16xi32> to vector<16xi32>
    %swap3A_345 = vector.shape_cast %shift_right_logical3A_339 : vector<16xi32> to vector<1x16xi32>
    tpu.vector_store %arg7[%swap3A_341, %swap3A_342], %swap3A_345 {strides = array<i32>} : memref<2x128xi32, #tpu.memory_space<vmem>>, vector<1x16xi32>,
    %get3A_346 = arith.constant 1 : i32
    %get3A_347 = arith.index_cast %get3A_346 : i32 to index
    %get3A_348 = arith.constant 112 : index
    %get3A_349 = tpu.vector_load %arg5[%get3A_347, %get3A_348] {strides = array<i32>} : memref<80x128xi32, #tpu.memory_space<vmem>>, vector<1x16xi32>,
    %get3A_350 = vector.shape_cast %get3A_349 : vector<1x16xi32> to vector<16xi32>
    %and3A_351 = arith.constant 65535 : i32
    %and3A_352 = vector.broadcast %and3A_351 : i32 to vector<16xi32>
    %and3A_353 = arith.andi %get3A_350, %and3A_352 : vector<16xi32>
    %swap3A_354 = arith.constant 1 : i32
    %swap3A_355 = arith.index_cast %swap3A_354 : i32 to index
    %swap3A_356 = arith.constant 112 : index
    %swap3A_357 = tpu.vector_load %arg6[%swap3A_355, %swap3A_356] {strides = array<i32>} : memref<2x128xi32, #tpu.memory_space<vmem>>, vector<1x16xi32>,
    %swap3A_358 = vector.shape_cast %swap3A_357 : vector<1x16xi32> to vector<16xi32>
    %swap3A_359 = vector.shape_cast %and3A_353 : vector<16xi32> to vector<1x16xi32>
    tpu.vector_store %arg6[%swap3A_355, %swap3A_356], %swap3A_359 {strides = array<i32>} : memref<2x128xi32, #tpu.memory_space<vmem>>, vector<1x16xi32>,
    %shift_right_logical3A_360 = arith.constant 16 : i32
    %shift_right_logical3A_361 = vector.broadcast %shift_right_logical3A_360 : i32 to vector<16xi32>
    %shift_right_logical3A_362 = arith.shrui %get3A_350, %shift_right_logical3A_361 : vector<16xi32>
    %swap3A_363 = arith.constant 1 : i32
    %swap3A_364 = arith.index_cast %swap3A_363 : i32 to index
    %swap3A_365 = arith.constant 112 : index
    %swap3A_366 = tpu.vector_load %arg7[%swap3A_364, %swap3A_365] {strides = array<i32>} : memref<2x128xi32, #tpu.memory_space<vmem>>, vector<1x16xi32>,
    %swap3A_367 = vector.shape_cast %swap3A_366 : vector<1x16xi32> to vector<16xi32>
    %swap3A_368 = vector.shape_cast %shift_right_logical3A_362 : vector<16xi32> to vector<1x16xi32>
    tpu.vector_store %arg7[%swap3A_364, %swap3A_365], %swap3A_368 {strides = array<i32>} : memref<2x128xi32, #tpu.memory_space<vmem>>, vector<1x16xi32>,
    %dma_start3A = arith.constant 0 : i32
    %dma_start3A_369 = arith.constant 0 : i32
    %dma_start3A_370 = tpu.memref_slice %arg6[%dma_start3A, %dma_start3A_369] : memref<2x128xi32, #tpu.memory_space<vmem>> -> memref<1x128xi32, #tpu.memory_space<vmem>>
    %dma_start3A_371 = tpu.memref_squeeze %dma_start3A_370 : memref<1x128xi32, #tpu.memory_space<vmem>> -> memref<128xi32, #tpu.memory_space<vmem>>
    %dma_start3A_372 = arith.constant 0 : i32
    %dma_start3A_373 = arith.constant 0 : i32
    %dma_start3A_374 = tpu.memref_slice %arg10[%dma_start3A_372, %dma_start3A_373] : memref<10240x128xf32, #tpu.memory_space<vmem_shared>> -> memref<10240x128xf32, #tpu.memory_space<vmem_shared>>
    tpu.enqueue_indirect_dma source(%dma_start3A_374 : memref<10240x128xf32, #tpu.memory_space<vmem_shared>>) target(%arg8 : memref<128x128xf32, #tpu.memory_space<vmem>>) offsets(%dma_start3A_371 : memref<128xi32, #tpu.memory_space<vmem>>) semaphore(%arg11 : memref<!tpu.dma_semaphore, #tpu.memory_space<semaphore_mem>>)
    %dma_start3A_375 = arith.constant 1 : i32
    %dma_start3A_376 = arith.constant 0 : i32
    %dma_start3A_377 = tpu.memref_slice %arg6[%dma_start3A_375, %dma_start3A_376] : memref<2x128xi32, #tpu.memory_space<vmem>> -> memref<1x128xi32, #tpu.memory_space<vmem>>
    %dma_start3A_378 = tpu.memref_squeeze %dma_start3A_377 : memref<1x128xi32, #tpu.memory_space<vmem>> -> memref<128xi32, #tpu.memory_space<vmem>>
    %dma_start3A_379 = arith.constant 0 : i32
    %dma_start3A_380 = arith.constant 0 : i32
    %dma_start3A_381 = tpu.memref_slice %arg10[%dma_start3A_379, %dma_start3A_380] : memref<10240x128xf32, #tpu.memory_space<vmem_shared>> -> memref<10240x128xf32, #tpu.memory_space<vmem_shared>>
    tpu.enqueue_indirect_dma source(%dma_start3A_381 : memref<10240x128xf32, #tpu.memory_space<vmem_shared>>) target(%arg9 : memref<128x128xf32, #tpu.memory_space<vmem>>) offsets(%dma_start3A_378 : memref<128xi32, #tpu.memory_space<vmem>>) semaphore(%arg12 : memref<!tpu.dma_semaphore, #tpu.memory_space<semaphore_mem>>)
    "tpu.region"() ({
      %run_scoped3A = tpu.sem_alloc : memref<!tpu.dma_semaphore, #tpu.memory_space<semaphore_mem>>
      %dma_start3A_387 = arith.constant 0 : i32
      %dma_start3A_388 = tpu.memref_slice %arg10[%mul3A_2, %dma_start3A_387] : memref<10240x128xf32, #tpu.memory_space<vmem_shared>> -> memref<640x128xf32, #tpu.memory_space<vmem_shared>>
      %dma_start3A_389 = arith.constant 0 : i32
      %dma_start3A_390 = tpu.memref_slice %arg2[%mul3A_2, %dma_start3A_389] : memref<10240x128xf32, #tpu.memory_space<hbm>> -> memref<640x128xf32, #tpu.memory_space<hbm>>
      tpu.enqueue_dma source(%dma_start3A_390 : memref<640x128xf32, #tpu.memory_space<hbm>>) target(%dma_start3A_388 : memref<640x128xf32, #tpu.memory_space<vmem_shared>>) target_semaphore(%run_scoped3A : memref<!tpu.dma_semaphore, #tpu.memory_space<semaphore_mem>>)
      %dma_wait3A = arith.constant 0 : i32
      %dma_wait3A_391 = tpu.memref_slice %arg10[%mul3A_2, %dma_wait3A] : memref<10240x128xf32, #tpu.memory_space<vmem_shared>> -> memref<640x128xf32, #tpu.memory_space<vmem_shared>>
      %dma_wait3A_392 = arith.constant 0 : i32
      %dma_wait3A_393 = tpu.memref_slice %arg2[%mul3A_2, %dma_wait3A_392] : memref<10240x128xf32, #tpu.memory_space<hbm>> -> memref<640x128xf32, #tpu.memory_space<hbm>>
      tpu.wait_dma2 semaphore(%run_scoped3A : memref<!tpu.dma_semaphore, #tpu.memory_space<semaphore_mem>>) src(%dma_wait3A_393 : memref<640x128xf32, #tpu.memory_space<hbm>>) dst(%dma_wait3A_391 : memref<640x128xf32, #tpu.memory_space<vmem_shared>>)
      tpu.yield
    }) : () -> ()
    %barrier3A = arith.constant 0 : index
    tpu.barrier barrier_id(%barrier3A)
    %scan3A = arith.constant 0 : i32
    %scan3A_382 = arith.constant 40 : i32
    %scan3A_383 = arith.addi %scan3A, %scan3A_382 : i32
    %scan3A_384 = arith.constant 1 : i32
    scf.for %scan3A_387 = %scan3A to %scan3A_383 step %scan3A_384  : i32 {
      %mul3A_388 = arith.constant 2 : i32
      %mul3A_389 = arith.muli %scan3A_387, %mul3A_388 : i32
      %add3A_390 = arith.constant 0 : i32
      %add3A_391 = arith.addi %add3A_390, %mul3A_389 : i32
      %dma_wait3A = arith.constant 0 : i32
      %dma_wait3A_392 = arith.constant 0 : i32
      %dma_wait3A_393 = tpu.memref_slice %arg6[%dma_wait3A, %dma_wait3A_392] : memref<2x128xi32, #tpu.memory_space<vmem>> -> memref<1x128xi32, #tpu.memory_space<vmem>>
      %dma_wait3A_394 = tpu.memref_squeeze %dma_wait3A_393 : memref<1x128xi32, #tpu.memory_space<vmem>> -> memref<128xi32, #tpu.memory_space<vmem>>
      %dma_wait3A_395 = arith.constant 0 : i32
      %dma_wait3A_396 = arith.constant 0 : i32
      %dma_wait3A_397 = tpu.memref_slice %arg10[%dma_wait3A_395, %dma_wait3A_396] : memref<10240x128xf32, #tpu.memory_space<vmem_shared>> -> memref<10240x128xf32, #tpu.memory_space<vmem_shared>>
      tpu.wait_indirect_dma semaphore(%arg11 : memref<!tpu.dma_semaphore, #tpu.memory_space<semaphore_mem>>) src(%dma_wait3A_397 : memref<10240x128xf32, #tpu.memory_space<vmem_shared>>) dst(%arg8 : memref<128x128xf32, #tpu.memory_space<vmem>>)
      %run_scoped3A = arith.constant 0 : i32
      "tpu.region"() ({
        %run_scoped3A_417 = tpu.sem_alloc : memref<!tpu.dma_semaphore, #tpu.memory_space<semaphore_mem>>
        %dma_start3A_418 = arith.constant 0 : i32
        %dma_start3A_419 = tpu.memref_slice %arg7[%run_scoped3A, %dma_start3A_418] : memref<2x128xi32, #tpu.memory_space<vmem>> -> memref<1x128xi32, #tpu.memory_space<vmem>>
        %dma_start3A_420 = tpu.memref_squeeze %dma_start3A_419 : memref<1x128xi32, #tpu.memory_space<vmem>> -> memref<128xi32, #tpu.memory_space<vmem>>
        %dma_start3A_421 = arith.constant 0 : i32
        %dma_start3A_422 = arith.constant 0 : i32
        %dma_start3A_423 = tpu.memref_slice %arg10[%dma_start3A_421, %dma_start3A_422] : memref<10240x128xf32, #tpu.memory_space<vmem_shared>> -> memref<10240x128xf32, #tpu.memory_space<vmem_shared>>
        tpu.enqueue_indirect_dma source(%arg8 : memref<128x128xf32, #tpu.memory_space<vmem>>) target(%dma_start3A_423 : memref<10240x128xf32, #tpu.memory_space<vmem_shared>>) offsets(%dma_start3A_420 : memref<128xi32, #tpu.memory_space<vmem>>) semaphore(%run_scoped3A_417 : memref<!tpu.dma_semaphore, #tpu.memory_space<semaphore_mem>>) {add = true}
        %dma_wait3A_424 = arith.constant 0 : i32
        %dma_wait3A_425 = tpu.memref_slice %arg7[%run_scoped3A, %dma_wait3A_424] : memref<2x128xi32, #tpu.memory_space<vmem>> -> memref<1x128xi32, #tpu.memory_space<vmem>>
        %dma_wait3A_426 = tpu.memref_squeeze %dma_wait3A_425 : memref<1x128xi32, #tpu.memory_space<vmem>> -> memref<128xi32, #tpu.memory_space<vmem>>
        %dma_wait3A_427 = arith.constant 0 : i32
        %dma_wait3A_428 = arith.constant 0 : i32
        %dma_wait3A_429 = tpu.memref_slice %arg10[%dma_wait3A_427, %dma_wait3A_428] : memref<10240x128xf32, #tpu.memory_space<vmem_shared>> -> memref<10240x128xf32, #tpu.memory_space<vmem_shared>>
        tpu.wait_indirect_dma semaphore(%run_scoped3A_417 : memref<!tpu.dma_semaphore, #tpu.memory_space<semaphore_mem>>) src(%arg8 : memref<128x128xf32, #tpu.memory_space<vmem>>) dst(%dma_wait3A_429 : memref<10240x128xf32, #tpu.memory_space<vmem_shared>>)
        tpu.yield
      }) : () -> ()
      %add3A_398 = arith.constant 2 : i32
      %add3A_399 = arith.addi %add3A_391, %add3A_398 : i32
      %lt3A = arith.constant 80 : i32
      %lt3A_400 = arith.cmpi slt, %add3A_399, %lt3A : i32
      %convert_element_type3A = arith.extui %lt3A_400 : i1 to i32
      %cond3A = arith.constant 0 : i32
      %cond3A_401 = arith.cmpi ne, %convert_element_type3A, %cond3A : i32
      scf.if %cond3A_401 {
        %add3A_417 = arith.constant 2 : i32
        %add3A_418 = arith.addi %add3A_391, %add3A_417 : i32
        %get3A_419 = arith.index_cast %add3A_418 : i32 to index
        %get3A_420 = arith.constant 0 : index
        %get3A_421 = tpu.vector_load %arg5[%get3A_419, %get3A_420] {strides = array<i32>} : memref<80x128xi32, #tpu.memory_space<vmem>>, vector<1x16xi32>,
        %get3A_422 = vector.shape_cast %get3A_421 : vector<1x16xi32> to vector<16xi32>
        %and3A_423 = arith.constant 65535 : i32
        %and3A_424 = vector.broadcast %and3A_423 : i32 to vector<16xi32>
        %and3A_425 = arith.andi %get3A_422, %and3A_424 : vector<16xi32>
        %swap3A_426 = arith.constant 0 : i32
        %swap3A_427 = arith.index_cast %swap3A_426 : i32 to index
        %swap3A_428 = arith.constant 0 : index
        %swap3A_429 = tpu.vector_load %arg6[%swap3A_427, %swap3A_428] {strides = array<i32>} : memref<2x128xi32, #tpu.memory_space<vmem>>, vector<1x16xi32>,
        %swap3A_430 = vector.shape_cast %swap3A_429 : vector<1x16xi32> to vector<16xi32>
        %swap3A_431 = vector.shape_cast %and3A_425 : vector<16xi32> to vector<1x16xi32>
        tpu.vector_store %arg6[%swap3A_427, %swap3A_428], %swap3A_431 {strides = array<i32>} : memref<2x128xi32, #tpu.memory_space<vmem>>, vector<1x16xi32>,
        %shift_right_logical3A_432 = arith.constant 16 : i32
        %shift_right_logical3A_433 = vector.broadcast %shift_right_logical3A_432 : i32 to vector<16xi32>
        %shift_right_logical3A_434 = arith.shrui %get3A_422, %shift_right_logical3A_433 : vector<16xi32>
        %swap3A_435 = arith.constant 0 : i32
        %swap3A_436 = arith.index_cast %swap3A_435 : i32 to index
        %swap3A_437 = arith.constant 0 : index
        %swap3A_438 = tpu.vector_load %arg7[%swap3A_436, %swap3A_437] {strides = array<i32>} : memref<2x128xi32, #tpu.memory_space<vmem>>, vector<1x16xi32>,
        %swap3A_439 = vector.shape_cast %swap3A_438 : vector<1x16xi32> to vector<16xi32>
        %swap3A_440 = vector.shape_cast %shift_right_logical3A_434 : vector<16xi32> to vector<1x16xi32>
        tpu.vector_store %arg7[%swap3A_436, %swap3A_437], %swap3A_440 {strides = array<i32>} : memref<2x128xi32, #tpu.memory_space<vmem>>, vector<1x16xi32>,
        %get3A_441 = arith.index_cast %add3A_418 : i32 to index
        %get3A_442 = arith.constant 16 : index
        %get3A_443 = tpu.vector_load %arg5[%get3A_441, %get3A_442] {strides = array<i32>} : memref<80x128xi32, #tpu.memory_space<vmem>>, vector<1x16xi32>,
        %get3A_444 = vector.shape_cast %get3A_443 : vector<1x16xi32> to vector<16xi32>
        %and3A_445 = arith.constant 65535 : i32
        %and3A_446 = vector.broadcast %and3A_445 : i32 to vector<16xi32>
        %and3A_447 = arith.andi %get3A_444, %and3A_446 : vector<16xi32>
        %swap3A_448 = arith.constant 0 : i32
        %swap3A_449 = arith.index_cast %swap3A_448 : i32 to index
        %swap3A_450 = arith.constant 16 : index
        %swap3A_451 = tpu.vector_load %arg6[%swap3A_449, %swap3A_450] {strides = array<i32>} : memref<2x128xi32, #tpu.memory_space<vmem>>, vector<1x16xi32>,
        %swap3A_452 = vector.shape_cast %swap3A_451 : vector<1x16xi32> to vector<16xi32>
        %swap3A_453 = vector.shape_cast %and3A_447 : vector<16xi32> to vector<1x16xi32>
        tpu.vector_store %arg6[%swap3A_449, %swap3A_450], %swap3A_453 {strides = array<i32>} : memref<2x128xi32, #tpu.memory_space<vmem>>, vector<1x16xi32>,
        %shift_right_logical3A_454 = arith.constant 16 : i32
        %shift_right_logical3A_455 = vector.broadcast %shift_right_logical3A_454 : i32 to vector<16xi32>
        %shift_right_logical3A_456 = arith.shrui %get3A_444, %shift_right_logical3A_455 : vector<16xi32>
        %swap3A_457 = arith.constant 0 : i32
        %swap3A_458 = arith.index_cast %swap3A_457 : i32 to index
        %swap3A_459 = arith.constant 16 : index
        %swap3A_460 = tpu.vector_load %arg7[%swap3A_458, %swap3A_459] {strides = array<i32>} : memref<2x128xi32, #tpu.memory_space<vmem>>, vector<1x16xi32>,
        %swap3A_461 = vector.shape_cast %swap3A_460 : vector<1x16xi32> to vector<16xi32>
        %swap3A_462 = vector.shape_cast %shift_right_logical3A_456 : vector<16xi32> to vector<1x16xi32>
        tpu.vector_store %arg7[%swap3A_458, %swap3A_459], %swap3A_462 {strides = array<i32>} : memref<2x128xi32, #tpu.memory_space<vmem>>, vector<1x16xi32>,
        %get3A_463 = arith.index_cast %add3A_418 : i32 to index
        %get3A_464 = arith.constant 32 : index
        %get3A_465 = tpu.vector_load %arg5[%get3A_463, %get3A_464] {strides = array<i32>} : memref<80x128xi32, #tpu.memory_space<vmem>>, vector<1x16xi32>,
        %get3A_466 = vector.shape_cast %get3A_465 : vector<1x16xi32> to vector<16xi32>
        %and3A_467 = arith.constant 65535 : i32
        %and3A_468 = vector.broadcast %and3A_467 : i32 to vector<16xi32>
        %and3A_469 = arith.andi %get3A_466, %and3A_468 : vector<16xi32>
        %swap3A_470 = arith.constant 0 : i32
        %swap3A_471 = arith.index_cast %swap3A_470 : i32 to index
        %swap3A_472 = arith.constant 32 : index
        %swap3A_473 = tpu.vector_load %arg6[%swap3A_471, %swap3A_472] {strides = array<i32>} : memref<2x128xi32, #tpu.memory_space<vmem>>, vector<1x16xi32>,
        %swap3A_474 = vector.shape_cast %swap3A_473 : vector<1x16xi32> to vector<16xi32>
        %swap3A_475 = vector.shape_cast %and3A_469 : vector<16xi32> to vector<1x16xi32>
        tpu.vector_store %arg6[%swap3A_471, %swap3A_472], %swap3A_475 {strides = array<i32>} : memref<2x128xi32, #tpu.memory_space<vmem>>, vector<1x16xi32>,
        %shift_right_logical3A_476 = arith.constant 16 : i32
        %shift_right_logical3A_477 = vector.broadcast %shift_right_logical3A_476 : i32 to vector<16xi32>
        %shift_right_logical3A_478 = arith.shrui %get3A_466, %shift_right_logical3A_477 : vector<16xi32>
        %swap3A_479 = arith.constant 0 : i32
        %swap3A_480 = arith.index_cast %swap3A_479 : i32 to index
        %swap3A_481 = arith.constant 32 : index
        %swap3A_482 = tpu.vector_load %arg7[%swap3A_480, %swap3A_481] {strides = array<i32>} : memref<2x128xi32, #tpu.memory_space<vmem>>, vector<1x16xi32>,
        %swap3A_483 = vector.shape_cast %swap3A_482 : vector<1x16xi32> to vector<16xi32>
        %swap3A_484 = vector.shape_cast %shift_right_logical3A_478 : vector<16xi32> to vector<1x16xi32>
        tpu.vector_store %arg7[%swap3A_480, %swap3A_481], %swap3A_484 {strides = array<i32>} : memref<2x128xi32, #tpu.memory_space<vmem>>, vector<1x16xi32>,
        %get3A_485 = arith.index_cast %add3A_418 : i32 to index
        %get3A_486 = arith.constant 48 : index
        %get3A_487 = tpu.vector_load %arg5[%get3A_485, %get3A_486] {strides = array<i32>} : memref<80x128xi32, #tpu.memory_space<vmem>>, vector<1x16xi32>,
        %get3A_488 = vector.shape_cast %get3A_487 : vector<1x16xi32> to vector<16xi32>
        %and3A_489 = arith.constant 65535 : i32
        %and3A_490 = vector.broadcast %and3A_489 : i32 to vector<16xi32>
        %and3A_491 = arith.andi %get3A_488, %and3A_490 : vector<16xi32>
        %swap3A_492 = arith.constant 0 : i32
        %swap3A_493 = arith.index_cast %swap3A_492 : i32 to index
        %swap3A_494 = arith.constant 48 : index
        %swap3A_495 = tpu.vector_load %arg6[%swap3A_493, %swap3A_494] {strides = array<i32>} : memref<2x128xi32, #tpu.memory_space<vmem>>, vector<1x16xi32>,
        %swap3A_496 = vector.shape_cast %swap3A_495 : vector<1x16xi32> to vector<16xi32>
        %swap3A_497 = vector.shape_cast %and3A_491 : vector<16xi32> to vector<1x16xi32>
        tpu.vector_store %arg6[%swap3A_493, %swap3A_494], %swap3A_497 {strides = array<i32>} : memref<2x128xi32, #tpu.memory_space<vmem>>, vector<1x16xi32>,
        %shift_right_logical3A_498 = arith.constant 16 : i32
        %shift_right_logical3A_499 = vector.broadcast %shift_right_logical3A_498 : i32 to vector<16xi32>
        %shift_right_logical3A_500 = arith.shrui %get3A_488, %shift_right_logical3A_499 : vector<16xi32>
        %swap3A_501 = arith.constant 0 : i32
        %swap3A_502 = arith.index_cast %swap3A_501 : i32 to index
        %swap3A_503 = arith.constant 48 : index
        %swap3A_504 = tpu.vector_load %arg7[%swap3A_502, %swap3A_503] {strides = array<i32>} : memref<2x128xi32, #tpu.memory_space<vmem>>, vector<1x16xi32>,
        %swap3A_505 = vector.shape_cast %swap3A_504 : vector<1x16xi32> to vector<16xi32>
        %swap3A_506 = vector.shape_cast %shift_right_logical3A_500 : vector<16xi32> to vector<1x16xi32>
        tpu.vector_store %arg7[%swap3A_502, %swap3A_503], %swap3A_506 {strides = array<i32>} : memref<2x128xi32, #tpu.memory_space<vmem>>, vector<1x16xi32>,
        %get3A_507 = arith.index_cast %add3A_418 : i32 to index
        %get3A_508 = arith.constant 64 : index
        %get3A_509 = tpu.vector_load %arg5[%get3A_507, %get3A_508] {strides = array<i32>} : memref<80x128xi32, #tpu.memory_space<vmem>>, vector<1x16xi32>,
        %get3A_510 = vector.shape_cast %get3A_509 : vector<1x16xi32> to vector<16xi32>
        %and3A_511 = arith.constant 65535 : i32
        %and3A_512 = vector.broadcast %and3A_511 : i32 to vector<16xi32>
        %and3A_513 = arith.andi %get3A_510, %and3A_512 : vector<16xi32>
        %swap3A_514 = arith.constant 0 : i32
        %swap3A_515 = arith.index_cast %swap3A_514 : i32 to index
        %swap3A_516 = arith.constant 64 : index
        %swap3A_517 = tpu.vector_load %arg6[%swap3A_515, %swap3A_516] {strides = array<i32>} : memref<2x128xi32, #tpu.memory_space<vmem>>, vector<1x16xi32>,
        %swap3A_518 = vector.shape_cast %swap3A_517 : vector<1x16xi32> to vector<16xi32>
        %swap3A_519 = vector.shape_cast %and3A_513 : vector<16xi32> to vector<1x16xi32>
        tpu.vector_store %arg6[%swap3A_515, %swap3A_516], %swap3A_519 {strides = array<i32>} : memref<2x128xi32, #tpu.memory_space<vmem>>, vector<1x16xi32>,
        %shift_right_logical3A_520 = arith.constant 16 : i32
        %shift_right_logical3A_521 = vector.broadcast %shift_right_logical3A_520 : i32 to vector<16xi32>
        %shift_right_logical3A_522 = arith.shrui %get3A_510, %shift_right_logical3A_521 : vector<16xi32>
        %swap3A_523 = arith.constant 0 : i32
        %swap3A_524 = arith.index_cast %swap3A_523 : i32 to index
        %swap3A_525 = arith.constant 64 : index
        %swap3A_526 = tpu.vector_load %arg7[%swap3A_524, %swap3A_525] {strides = array<i32>} : memref<2x128xi32, #tpu.memory_space<vmem>>, vector<1x16xi32>,
        %swap3A_527 = vector.shape_cast %swap3A_526 : vector<1x16xi32> to vector<16xi32>
        %swap3A_528 = vector.shape_cast %shift_right_logical3A_522 : vector<16xi32> to vector<1x16xi32>
        tpu.vector_store %arg7[%swap3A_524, %swap3A_525], %swap3A_528 {strides = array<i32>} : memref<2x128xi32, #tpu.memory_space<vmem>>, vector<1x16xi32>,
        %get3A_529 = arith.index_cast %add3A_418 : i32 to index
        %get3A_530 = arith.constant 80 : index
        %get3A_531 = tpu.vector_load %arg5[%get3A_529, %get3A_530] {strides = array<i32>} : memref<80x128xi32, #tpu.memory_space<vmem>>, vector<1x16xi32>,
        %get3A_532 = vector.shape_cast %get3A_531 : vector<1x16xi32> to vector<16xi32>
        %and3A_533 = arith.constant 65535 : i32
        %and3A_534 = vector.broadcast %and3A_533 : i32 to vector<16xi32>
        %and3A_535 = arith.andi %get3A_532, %and3A_534 : vector<16xi32>
        %swap3A_536 = arith.constant 0 : i32
        %swap3A_537 = arith.index_cast %swap3A_536 : i32 to index
        %swap3A_538 = arith.constant 80 : index
        %swap3A_539 = tpu.vector_load %arg6[%swap3A_537, %swap3A_538] {strides = array<i32>} : memref<2x128xi32, #tpu.memory_space<vmem>>, vector<1x16xi32>,
        %swap3A_540 = vector.shape_cast %swap3A_539 : vector<1x16xi32> to vector<16xi32>
        %swap3A_541 = vector.shape_cast %and3A_535 : vector<16xi32> to vector<1x16xi32>
        tpu.vector_store %arg6[%swap3A_537, %swap3A_538], %swap3A_541 {strides = array<i32>} : memref<2x128xi32, #tpu.memory_space<vmem>>, vector<1x16xi32>,
        %shift_right_logical3A_542 = arith.constant 16 : i32
        %shift_right_logical3A_543 = vector.broadcast %shift_right_logical3A_542 : i32 to vector<16xi32>
        %shift_right_logical3A_544 = arith.shrui %get3A_532, %shift_right_logical3A_543 : vector<16xi32>
        %swap3A_545 = arith.constant 0 : i32
        %swap3A_546 = arith.index_cast %swap3A_545 : i32 to index
        %swap3A_547 = arith.constant 80 : index
        %swap3A_548 = tpu.vector_load %arg7[%swap3A_546, %swap3A_547] {strides = array<i32>} : memref<2x128xi32, #tpu.memory_space<vmem>>, vector<1x16xi32>,
        %swap3A_549 = vector.shape_cast %swap3A_548 : vector<1x16xi32> to vector<16xi32>
        %swap3A_550 = vector.shape_cast %shift_right_logical3A_544 : vector<16xi32> to vector<1x16xi32>
        tpu.vector_store %arg7[%swap3A_546, %swap3A_547], %swap3A_550 {strides = array<i32>} : memref<2x128xi32, #tpu.memory_space<vmem>>, vector<1x16xi32>,
        %get3A_551 = arith.index_cast %add3A_418 : i32 to index
        %get3A_552 = arith.constant 96 : index
        %get3A_553 = tpu.vector_load %arg5[%get3A_551, %get3A_552] {strides = array<i32>} : memref<80x128xi32, #tpu.memory_space<vmem>>, vector<1x16xi32>,
        %get3A_554 = vector.shape_cast %get3A_553 : vector<1x16xi32> to vector<16xi32>
        %and3A_555 = arith.constant 65535 : i32
        %and3A_556 = vector.broadcast %and3A_555 : i32 to vector<16xi32>
        %and3A_557 = arith.andi %get3A_554, %and3A_556 : vector<16xi32>
        %swap3A_558 = arith.constant 0 : i32
        %swap3A_559 = arith.index_cast %swap3A_558 : i32 to index
        %swap3A_560 = arith.constant 96 : index
        %swap3A_561 = tpu.vector_load %arg6[%swap3A_559, %swap3A_560] {strides = array<i32>} : memref<2x128xi32, #tpu.memory_space<vmem>>, vector<1x16xi32>,
        %swap3A_562 = vector.shape_cast %swap3A_561 : vector<1x16xi32> to vector<16xi32>
        %swap3A_563 = vector.shape_cast %and3A_557 : vector<16xi32> to vector<1x16xi32>
        tpu.vector_store %arg6[%swap3A_559, %swap3A_560], %swap3A_563 {strides = array<i32>} : memref<2x128xi32, #tpu.memory_space<vmem>>, vector<1x16xi32>,
        %shift_right_logical3A_564 = arith.constant 16 : i32
        %shift_right_logical3A_565 = vector.broadcast %shift_right_logical3A_564 : i32 to vector<16xi32>
        %shift_right_logical3A_566 = arith.shrui %get3A_554, %shift_right_logical3A_565 : vector<16xi32>
        %swap3A_567 = arith.constant 0 : i32
        %swap3A_568 = arith.index_cast %swap3A_567 : i32 to index
        %swap3A_569 = arith.constant 96 : index
        %swap3A_570 = tpu.vector_load %arg7[%swap3A_568, %swap3A_569] {strides = array<i32>} : memref<2x128xi32, #tpu.memory_space<vmem>>, vector<1x16xi32>,
        %swap3A_571 = vector.shape_cast %swap3A_570 : vector<1x16xi32> to vector<16xi32>
        %swap3A_572 = vector.shape_cast %shift_right_logical3A_566 : vector<16xi32> to vector<1x16xi32>
        tpu.vector_store %arg7[%swap3A_568, %swap3A_569], %swap3A_572 {strides = array<i32>} : memref<2x128xi32, #tpu.memory_space<vmem>>, vector<1x16xi32>,
        %get3A_573 = arith.index_cast %add3A_418 : i32 to index
        %get3A_574 = arith.constant 112 : index
        %get3A_575 = tpu.vector_load %arg5[%get3A_573, %get3A_574] {strides = array<i32>} : memref<80x128xi32, #tpu.memory_space<vmem>>, vector<1x16xi32>,
        %get3A_576 = vector.shape_cast %get3A_575 : vector<1x16xi32> to vector<16xi32>
        %and3A_577 = arith.constant 65535 : i32
        %and3A_578 = vector.broadcast %and3A_577 : i32 to vector<16xi32>
        %and3A_579 = arith.andi %get3A_576, %and3A_578 : vector<16xi32>
        %swap3A_580 = arith.constant 0 : i32
        %swap3A_581 = arith.index_cast %swap3A_580 : i32 to index
        %swap3A_582 = arith.constant 112 : index
        %swap3A_583 = tpu.vector_load %arg6[%swap3A_581, %swap3A_582] {strides = array<i32>} : memref<2x128xi32, #tpu.memory_space<vmem>>, vector<1x16xi32>,
        %swap3A_584 = vector.shape_cast %swap3A_583 : vector<1x16xi32> to vector<16xi32>
        %swap3A_585 = vector.shape_cast %and3A_579 : vector<16xi32> to vector<1x16xi32>
        tpu.vector_store %arg6[%swap3A_581, %swap3A_582], %swap3A_585 {strides = array<i32>} : memref<2x128xi32, #tpu.memory_space<vmem>>, vector<1x16xi32>,
        %shift_right_logical3A_586 = arith.constant 16 : i32
        %shift_right_logical3A_587 = vector.broadcast %shift_right_logical3A_586 : i32 to vector<16xi32>
        %shift_right_logical3A_588 = arith.shrui %get3A_576, %shift_right_logical3A_587 : vector<16xi32>
        %swap3A_589 = arith.constant 0 : i32
        %swap3A_590 = arith.index_cast %swap3A_589 : i32 to index
        %swap3A_591 = arith.constant 112 : index
        %swap3A_592 = tpu.vector_load %arg7[%swap3A_590, %swap3A_591] {strides = array<i32>} : memref<2x128xi32, #tpu.memory_space<vmem>>, vector<1x16xi32>,
        %swap3A_593 = vector.shape_cast %swap3A_592 : vector<1x16xi32> to vector<16xi32>
        %swap3A_594 = vector.shape_cast %shift_right_logical3A_588 : vector<16xi32> to vector<1x16xi32>
        tpu.vector_store %arg7[%swap3A_590, %swap3A_591], %swap3A_594 {strides = array<i32>} : memref<2x128xi32, #tpu.memory_space<vmem>>, vector<1x16xi32>,
        %dma_start3A_595 = arith.constant 0 : i32
        %dma_start3A_596 = arith.constant 0 : i32
        %dma_start3A_597 = tpu.memref_slice %arg6[%dma_start3A_595, %dma_start3A_596] : memref<2x128xi32, #tpu.memory_space<vmem>> -> memref<1x128xi32, #tpu.memory_space<vmem>>
        %dma_start3A_598 = tpu.memref_squeeze %dma_start3A_597 : memref<1x128xi32, #tpu.memory_space<vmem>> -> memref<128xi32, #tpu.memory_space<vmem>>
        %dma_start3A_599 = arith.constant 0 : i32
        %dma_start3A_600 = arith.constant 0 : i32
        %dma_start3A_601 = tpu.memref_slice %arg10[%dma_start3A_599, %dma_start3A_600] : memref<10240x128xf32, #tpu.memory_space<vmem_shared>> -> memref<10240x128xf32, #tpu.memory_space<vmem_shared>>
        tpu.enqueue_indirect_dma source(%dma_start3A_601 : memref<10240x128xf32, #tpu.memory_space<vmem_shared>>) target(%arg8 : memref<128x128xf32, #tpu.memory_space<vmem>>) offsets(%dma_start3A_598 : memref<128xi32, #tpu.memory_space<vmem>>) semaphore(%arg11 : memref<!tpu.dma_semaphore, #tpu.memory_space<semaphore_mem>>)
      } else {
      }
      %dma_wait3A_402 = arith.constant 1 : i32
      %dma_wait3A_403 = arith.constant 0 : i32
      %dma_wait3A_404 = tpu.memref_slice %arg6[%dma_wait3A_402, %dma_wait3A_403] : memref<2x128xi32, #tpu.memory_space<vmem>> -> memref<1x128xi32, #tpu.memory_space<vmem>>
      %dma_wait3A_405 = tpu.memref_squeeze %dma_wait3A_404 : memref<1x128xi32, #tpu.memory_space<vmem>> -> memref<128xi32, #tpu.memory_space<vmem>>
      %dma_wait3A_406 = arith.constant 0 : i32
      %dma_wait3A_407 = arith.constant 0 : i32
      %dma_wait3A_408 = tpu.memref_slice %arg10[%dma_wait3A_406, %dma_wait3A_407] : memref<10240x128xf32, #tpu.memory_space<vmem_shared>> -> memref<10240x128xf32, #tpu.memory_space<vmem_shared>>
      tpu.wait_indirect_dma semaphore(%arg12 : memref<!tpu.dma_semaphore, #tpu.memory_space<semaphore_mem>>) src(%dma_wait3A_408 : memref<10240x128xf32, #tpu.memory_space<vmem_shared>>) dst(%arg9 : memref<128x128xf32, #tpu.memory_space<vmem>>)
      %run_scoped3A_409 = arith.constant 1 : i32
      "tpu.region"() ({
        %run_scoped3A_417 = tpu.sem_alloc : memref<!tpu.dma_semaphore, #tpu.memory_space<semaphore_mem>>
        %dma_start3A_418 = arith.constant 0 : i32
        %dma_start3A_419 = tpu.memref_slice %arg7[%run_scoped3A_409, %dma_start3A_418] : memref<2x128xi32, #tpu.memory_space<vmem>> -> memref<1x128xi32, #tpu.memory_space<vmem>>
        %dma_start3A_420 = tpu.memref_squeeze %dma_start3A_419 : memref<1x128xi32, #tpu.memory_space<vmem>> -> memref<128xi32, #tpu.memory_space<vmem>>
        %dma_start3A_421 = arith.constant 0 : i32
        %dma_start3A_422 = arith.constant 0 : i32
        %dma_start3A_423 = tpu.memref_slice %arg10[%dma_start3A_421, %dma_start3A_422] : memref<10240x128xf32, #tpu.memory_space<vmem_shared>> -> memref<10240x128xf32, #tpu.memory_space<vmem_shared>>
        tpu.enqueue_indirect_dma source(%arg9 : memref<128x128xf32, #tpu.memory_space<vmem>>) target(%dma_start3A_423 : memref<10240x128xf32, #tpu.memory_space<vmem_shared>>) offsets(%dma_start3A_420 : memref<128xi32, #tpu.memory_space<vmem>>) semaphore(%run_scoped3A_417 : memref<!tpu.dma_semaphore, #tpu.memory_space<semaphore_mem>>) {add = true}
        %dma_wait3A_424 = arith.constant 0 : i32
        %dma_wait3A_425 = tpu.memref_slice %arg7[%run_scoped3A_409, %dma_wait3A_424] : memref<2x128xi32, #tpu.memory_space<vmem>> -> memref<1x128xi32, #tpu.memory_space<vmem>>
        %dma_wait3A_426 = tpu.memref_squeeze %dma_wait3A_425 : memref<1x128xi32, #tpu.memory_space<vmem>> -> memref<128xi32, #tpu.memory_space<vmem>>
        %dma_wait3A_427 = arith.constant 0 : i32
        %dma_wait3A_428 = arith.constant 0 : i32
        %dma_wait3A_429 = tpu.memref_slice %arg10[%dma_wait3A_427, %dma_wait3A_428] : memref<10240x128xf32, #tpu.memory_space<vmem_shared>> -> memref<10240x128xf32, #tpu.memory_space<vmem_shared>>
        tpu.wait_indirect_dma semaphore(%run_scoped3A_417 : memref<!tpu.dma_semaphore, #tpu.memory_space<semaphore_mem>>) src(%arg9 : memref<128x128xf32, #tpu.memory_space<vmem>>) dst(%dma_wait3A_429 : memref<10240x128xf32, #tpu.memory_space<vmem_shared>>)
        tpu.yield
      }) : () -> ()
      %add3A_410 = arith.constant 3 : i32
      %add3A_411 = arith.addi %add3A_391, %add3A_410 : i32
      %lt3A_412 = arith.constant 80 : i32
      %lt3A_413 = arith.cmpi slt, %add3A_411, %lt3A_412 : i32
      %convert_element_type3A_414 = arith.extui %lt3A_413 : i1 to i32
      %cond3A_415 = arith.constant 0 : i32
      %cond3A_416 = arith.cmpi ne, %convert_element_type3A_414, %cond3A_415 : i32
      scf.if %cond3A_416 {
        %add3A_417 = arith.constant 3 : i32
        %add3A_418 = arith.addi %add3A_391, %add3A_417 : i32
        %get3A_419 = arith.index_cast %add3A_418 : i32 to index
        %get3A_420 = arith.constant 0 : index
        %get3A_421 = tpu.vector_load %arg5[%get3A_419, %get3A_420] {strides = array<i32>} : memref<80x128xi32, #tpu.memory_space<vmem>>, vector<1x16xi32>,
        %get3A_422 = vector.shape_cast %get3A_421 : vector<1x16xi32> to vector<16xi32>
        %and3A_423 = arith.constant 65535 : i32
        %and3A_424 = vector.broadcast %and3A_423 : i32 to vector<16xi32>
        %and3A_425 = arith.andi %get3A_422, %and3A_424 : vector<16xi32>
        %swap3A_426 = arith.constant 1 : i32
        %swap3A_427 = arith.index_cast %swap3A_426 : i32 to index
        %swap3A_428 = arith.constant 0 : index
        %swap3A_429 = tpu.vector_load %arg6[%swap3A_427, %swap3A_428] {strides = array<i32>} : memref<2x128xi32, #tpu.memory_space<vmem>>, vector<1x16xi32>,
        %swap3A_430 = vector.shape_cast %swap3A_429 : vector<1x16xi32> to vector<16xi32>
        %swap3A_431 = vector.shape_cast %and3A_425 : vector<16xi32> to vector<1x16xi32>
        tpu.vector_store %arg6[%swap3A_427, %swap3A_428], %swap3A_431 {strides = array<i32>} : memref<2x128xi32, #tpu.memory_space<vmem>>, vector<1x16xi32>,
        %shift_right_logical3A_432 = arith.constant 16 : i32
        %shift_right_logical3A_433 = vector.broadcast %shift_right_logical3A_432 : i32 to vector<16xi32>
        %shift_right_logical3A_434 = arith.shrui %get3A_422, %shift_right_logical3A_433 : vector<16xi32>
        %swap3A_435 = arith.constant 1 : i32
        %swap3A_436 = arith.index_cast %swap3A_435 : i32 to index
        %swap3A_437 = arith.constant 0 : index
        %swap3A_438 = tpu.vector_load %arg7[%swap3A_436, %swap3A_437] {strides = array<i32>} : memref<2x128xi32, #tpu.memory_space<vmem>>, vector<1x16xi32>,
        %swap3A_439 = vector.shape_cast %swap3A_438 : vector<1x16xi32> to vector<16xi32>
        %swap3A_440 = vector.shape_cast %shift_right_logical3A_434 : vector<16xi32> to vector<1x16xi32>
        tpu.vector_store %arg7[%swap3A_436, %swap3A_437], %swap3A_440 {strides = array<i32>} : memref<2x128xi32, #tpu.memory_space<vmem>>, vector<1x16xi32>,
        %get3A_441 = arith.index_cast %add3A_418 : i32 to index
        %get3A_442 = arith.constant 16 : index
        %get3A_443 = tpu.vector_load %arg5[%get3A_441, %get3A_442] {strides = array<i32>} : memref<80x128xi32, #tpu.memory_space<vmem>>, vector<1x16xi32>,
        %get3A_444 = vector.shape_cast %get3A_443 : vector<1x16xi32> to vector<16xi32>
        %and3A_445 = arith.constant 65535 : i32
        %and3A_446 = vector.broadcast %and3A_445 : i32 to vector<16xi32>
        %and3A_447 = arith.andi %get3A_444, %and3A_446 : vector<16xi32>
        %swap3A_448 = arith.constant 1 : i32
        %swap3A_449 = arith.index_cast %swap3A_448 : i32 to index
        %swap3A_450 = arith.constant 16 : index
        %swap3A_451 = tpu.vector_load %arg6[%swap3A_449, %swap3A_450] {strides = array<i32>} : memref<2x128xi32, #tpu.memory_space<vmem>>, vector<1x16xi32>,
        %swap3A_452 = vector.shape_cast %swap3A_451 : vector<1x16xi32> to vector<16xi32>
        %swap3A_453 = vector.shape_cast %and3A_447 : vector<16xi32> to vector<1x16xi32>
        tpu.vector_store %arg6[%swap3A_449, %swap3A_450], %swap3A_453 {strides = array<i32>} : memref<2x128xi32, #tpu.memory_space<vmem>>, vector<1x16xi32>,
        %shift_right_logical3A_454 = arith.constant 16 : i32
        %shift_right_logical3A_455 = vector.broadcast %shift_right_logical3A_454 : i32 to vector<16xi32>
        %shift_right_logical3A_456 = arith.shrui %get3A_444, %shift_right_logical3A_455 : vector<16xi32>
        %swap3A_457 = arith.constant 1 : i32
        %swap3A_458 = arith.index_cast %swap3A_457 : i32 to index
        %swap3A_459 = arith.constant 16 : index
        %swap3A_460 = tpu.vector_load %arg7[%swap3A_458, %swap3A_459] {strides = array<i32>} : memref<2x128xi32, #tpu.memory_space<vmem>>, vector<1x16xi32>,
        %swap3A_461 = vector.shape_cast %swap3A_460 : vector<1x16xi32> to vector<16xi32>
        %swap3A_462 = vector.shape_cast %shift_right_logical3A_456 : vector<16xi32> to vector<1x16xi32>
        tpu.vector_store %arg7[%swap3A_458, %swap3A_459], %swap3A_462 {strides = array<i32>} : memref<2x128xi32, #tpu.memory_space<vmem>>, vector<1x16xi32>,
        %get3A_463 = arith.index_cast %add3A_418 : i32 to index
        %get3A_464 = arith.constant 32 : index
        %get3A_465 = tpu.vector_load %arg5[%get3A_463, %get3A_464] {strides = array<i32>} : memref<80x128xi32, #tpu.memory_space<vmem>>, vector<1x16xi32>,
        %get3A_466 = vector.shape_cast %get3A_465 : vector<1x16xi32> to vector<16xi32>
        %and3A_467 = arith.constant 65535 : i32
        %and3A_468 = vector.broadcast %and3A_467 : i32 to vector<16xi32>
        %and3A_469 = arith.andi %get3A_466, %and3A_468 : vector<16xi32>
        %swap3A_470 = arith.constant 1 : i32
        %swap3A_471 = arith.index_cast %swap3A_470 : i32 to index
        %swap3A_472 = arith.constant 32 : index
        %swap3A_473 = tpu.vector_load %arg6[%swap3A_471, %swap3A_472] {strides = array<i32>} : memref<2x128xi32, #tpu.memory_space<vmem>>, vector<1x16xi32>,
        %swap3A_474 = vector.shape_cast %swap3A_473 : vector<1x16xi32> to vector<16xi32>
        %swap3A_475 = vector.shape_cast %and3A_469 : vector<16xi32> to vector<1x16xi32>
        tpu.vector_store %arg6[%swap3A_471, %swap3A_472], %swap3A_475 {strides = array<i32>} : memref<2x128xi32, #tpu.memory_space<vmem>>, vector<1x16xi32>,
        %shift_right_logical3A_476 = arith.constant 16 : i32
        %shift_right_logical3A_477 = vector.broadcast %shift_right_logical3A_476 : i32 to vector<16xi32>
        %shift_right_logical3A_478 = arith.shrui %get3A_466, %shift_right_logical3A_477 : vector<16xi32>
        %swap3A_479 = arith.constant 1 : i32
        %swap3A_480 = arith.index_cast %swap3A_479 : i32 to index
        %swap3A_481 = arith.constant 32 : index
        %swap3A_482 = tpu.vector_load %arg7[%swap3A_480, %swap3A_481] {strides = array<i32>} : memref<2x128xi32, #tpu.memory_space<vmem>>, vector<1x16xi32>,
        %swap3A_483 = vector.shape_cast %swap3A_482 : vector<1x16xi32> to vector<16xi32>
        %swap3A_484 = vector.shape_cast %shift_right_logical3A_478 : vector<16xi32> to vector<1x16xi32>
        tpu.vector_store %arg7[%swap3A_480, %swap3A_481], %swap3A_484 {strides = array<i32>} : memref<2x128xi32, #tpu.memory_space<vmem>>, vector<1x16xi32>,
        %get3A_485 = arith.index_cast %add3A_418 : i32 to index
        %get3A_486 = arith.constant 48 : index
        %get3A_487 = tpu.vector_load %arg5[%get3A_485, %get3A_486] {strides = array<i32>} : memref<80x128xi32, #tpu.memory_space<vmem>>, vector<1x16xi32>,
        %get3A_488 = vector.shape_cast %get3A_487 : vector<1x16xi32> to vector<16xi32>
        %and3A_489 = arith.constant 65535 : i32
        %and3A_490 = vector.broadcast %and3A_489 : i32 to vector<16xi32>
        %and3A_491 = arith.andi %get3A_488, %and3A_490 : vector<16xi32>
        %swap3A_492 = arith.constant 1 : i32
        %swap3A_493 = arith.index_cast %swap3A_492 : i32 to index
        %swap3A_494 = arith.constant 48 : index
        %swap3A_495 = tpu.vector_load %arg6[%swap3A_493, %swap3A_494] {strides = array<i32>} : memref<2x128xi32, #tpu.memory_space<vmem>>, vector<1x16xi32>,
        %swap3A_496 = vector.shape_cast %swap3A_495 : vector<1x16xi32> to vector<16xi32>
        %swap3A_497 = vector.shape_cast %and3A_491 : vector<16xi32> to vector<1x16xi32>
        tpu.vector_store %arg6[%swap3A_493, %swap3A_494], %swap3A_497 {strides = array<i32>} : memref<2x128xi32, #tpu.memory_space<vmem>>, vector<1x16xi32>,
        %shift_right_logical3A_498 = arith.constant 16 : i32
        %shift_right_logical3A_499 = vector.broadcast %shift_right_logical3A_498 : i32 to vector<16xi32>
        %shift_right_logical3A_500 = arith.shrui %get3A_488, %shift_right_logical3A_499 : vector<16xi32>
        %swap3A_501 = arith.constant 1 : i32
        %swap3A_502 = arith.index_cast %swap3A_501 : i32 to index
        %swap3A_503 = arith.constant 48 : index
        %swap3A_504 = tpu.vector_load %arg7[%swap3A_502, %swap3A_503] {strides = array<i32>} : memref<2x128xi32, #tpu.memory_space<vmem>>, vector<1x16xi32>,
        %swap3A_505 = vector.shape_cast %swap3A_504 : vector<1x16xi32> to vector<16xi32>
        %swap3A_506 = vector.shape_cast %shift_right_logical3A_500 : vector<16xi32> to vector<1x16xi32>
        tpu.vector_store %arg7[%swap3A_502, %swap3A_503], %swap3A_506 {strides = array<i32>} : memref<2x128xi32, #tpu.memory_space<vmem>>, vector<1x16xi32>,
        %get3A_507 = arith.index_cast %add3A_418 : i32 to index
        %get3A_508 = arith.constant 64 : index
        %get3A_509 = tpu.vector_load %arg5[%get3A_507, %get3A_508] {strides = array<i32>} : memref<80x128xi32, #tpu.memory_space<vmem>>, vector<1x16xi32>,
        %get3A_510 = vector.shape_cast %get3A_509 : vector<1x16xi32> to vector<16xi32>
        %and3A_511 = arith.constant 65535 : i32
        %and3A_512 = vector.broadcast %and3A_511 : i32 to vector<16xi32>
        %and3A_513 = arith.andi %get3A_510, %and3A_512 : vector<16xi32>
        %swap3A_514 = arith.constant 1 : i32
        %swap3A_515 = arith.index_cast %swap3A_514 : i32 to index
        %swap3A_516 = arith.constant 64 : index
        %swap3A_517 = tpu.vector_load %arg6[%swap3A_515, %swap3A_516] {strides = array<i32>} : memref<2x128xi32, #tpu.memory_space<vmem>>, vector<1x16xi32>,
        %swap3A_518 = vector.shape_cast %swap3A_517 : vector<1x16xi32> to vector<16xi32>
        %swap3A_519 = vector.shape_cast %and3A_513 : vector<16xi32> to vector<1x16xi32>
        tpu.vector_store %arg6[%swap3A_515, %swap3A_516], %swap3A_519 {strides = array<i32>} : memref<2x128xi32, #tpu.memory_space<vmem>>, vector<1x16xi32>,
        %shift_right_logical3A_520 = arith.constant 16 : i32
        %shift_right_logical3A_521 = vector.broadcast %shift_right_logical3A_520 : i32 to vector<16xi32>
        %shift_right_logical3A_522 = arith.shrui %get3A_510, %shift_right_logical3A_521 : vector<16xi32>
        %swap3A_523 = arith.constant 1 : i32
        %swap3A_524 = arith.index_cast %swap3A_523 : i32 to index
        %swap3A_525 = arith.constant 64 : index
        %swap3A_526 = tpu.vector_load %arg7[%swap3A_524, %swap3A_525] {strides = array<i32>} : memref<2x128xi32, #tpu.memory_space<vmem>>, vector<1x16xi32>,
        %swap3A_527 = vector.shape_cast %swap3A_526 : vector<1x16xi32> to vector<16xi32>
        %swap3A_528 = vector.shape_cast %shift_right_logical3A_522 : vector<16xi32> to vector<1x16xi32>
        tpu.vector_store %arg7[%swap3A_524, %swap3A_525], %swap3A_528 {strides = array<i32>} : memref<2x128xi32, #tpu.memory_space<vmem>>, vector<1x16xi32>,
        %get3A_529 = arith.index_cast %add3A_418 : i32 to index
        %get3A_530 = arith.constant 80 : index
        %get3A_531 = tpu.vector_load %arg5[%get3A_529, %get3A_530] {strides = array<i32>} : memref<80x128xi32, #tpu.memory_space<vmem>>, vector<1x16xi32>,
        %get3A_532 = vector.shape_cast %get3A_531 : vector<1x16xi32> to vector<16xi32>
        %and3A_533 = arith.constant 65535 : i32
        %and3A_534 = vector.broadcast %and3A_533 : i32 to vector<16xi32>
        %and3A_535 = arith.andi %get3A_532, %and3A_534 : vector<16xi32>
        %swap3A_536 = arith.constant 1 : i32
        %swap3A_537 = arith.index_cast %swap3A_536 : i32 to index
        %swap3A_538 = arith.constant 80 : index
        %swap3A_539 = tpu.vector_load %arg6[%swap3A_537, %swap3A_538] {strides = array<i32>} : memref<2x128xi32, #tpu.memory_space<vmem>>, vector<1x16xi32>,
        %swap3A_540 = vector.shape_cast %swap3A_539 : vector<1x16xi32> to vector<16xi32>
        %swap3A_541 = vector.shape_cast %and3A_535 : vector<16xi32> to vector<1x16xi32>
        tpu.vector_store %arg6[%swap3A_537, %swap3A_538], %swap3A_541 {strides = array<i32>} : memref<2x128xi32, #tpu.memory_space<vmem>>, vector<1x16xi32>,
        %shift_right_logical3A_542 = arith.constant 16 : i32
        %shift_right_logical3A_543 = vector.broadcast %shift_right_logical3A_542 : i32 to vector<16xi32>
        %shift_right_logical3A_544 = arith.shrui %get3A_532, %shift_right_logical3A_543 : vector<16xi32>
        %swap3A_545 = arith.constant 1 : i32
        %swap3A_546 = arith.index_cast %swap3A_545 : i32 to index
        %swap3A_547 = arith.constant 80 : index
        %swap3A_548 = tpu.vector_load %arg7[%swap3A_546, %swap3A_547] {strides = array<i32>} : memref<2x128xi32, #tpu.memory_space<vmem>>, vector<1x16xi32>,
        %swap3A_549 = vector.shape_cast %swap3A_548 : vector<1x16xi32> to vector<16xi32>
        %swap3A_550 = vector.shape_cast %shift_right_logical3A_544 : vector<16xi32> to vector<1x16xi32>
        tpu.vector_store %arg7[%swap3A_546, %swap3A_547], %swap3A_550 {strides = array<i32>} : memref<2x128xi32, #tpu.memory_space<vmem>>, vector<1x16xi32>,
        %get3A_551 = arith.index_cast %add3A_418 : i32 to index
        %get3A_552 = arith.constant 96 : index
        %get3A_553 = tpu.vector_load %arg5[%get3A_551, %get3A_552] {strides = array<i32>} : memref<80x128xi32, #tpu.memory_space<vmem>>, vector<1x16xi32>,
        %get3A_554 = vector.shape_cast %get3A_553 : vector<1x16xi32> to vector<16xi32>
        %and3A_555 = arith.constant 65535 : i32
        %and3A_556 = vector.broadcast %and3A_555 : i32 to vector<16xi32>
        %and3A_557 = arith.andi %get3A_554, %and3A_556 : vector<16xi32>
        %swap3A_558 = arith.constant 1 : i32
        %swap3A_559 = arith.index_cast %swap3A_558 : i32 to index
        %swap3A_560 = arith.constant 96 : index
        %swap3A_561 = tpu.vector_load %arg6[%swap3A_559, %swap3A_560] {strides = array<i32>} : memref<2x128xi32, #tpu.memory_space<vmem>>, vector<1x16xi32>,
        %swap3A_562 = vector.shape_cast %swap3A_561 : vector<1x16xi32> to vector<16xi32>
        %swap3A_563 = vector.shape_cast %and3A_557 : vector<16xi32> to vector<1x16xi32>
        tpu.vector_store %arg6[%swap3A_559, %swap3A_560], %swap3A_563 {strides = array<i32>} : memref<2x128xi32, #tpu.memory_space<vmem>>, vector<1x16xi32>,
        %shift_right_logical3A_564 = arith.constant 16 : i32
        %shift_right_logical3A_565 = vector.broadcast %shift_right_logical3A_564 : i32 to vector<16xi32>
        %shift_right_logical3A_566 = arith.shrui %get3A_554, %shift_right_logical3A_565 : vector<16xi32>
        %swap3A_567 = arith.constant 1 : i32
        %swap3A_568 = arith.index_cast %swap3A_567 : i32 to index
        %swap3A_569 = arith.constant 96 : index
        %swap3A_570 = tpu.vector_load %arg7[%swap3A_568, %swap3A_569] {strides = array<i32>} : memref<2x128xi32, #tpu.memory_space<vmem>>, vector<1x16xi32>,
        %swap3A_571 = vector.shape_cast %swap3A_570 : vector<1x16xi32> to vector<16xi32>
        %swap3A_572 = vector.shape_cast %shift_right_logical3A_566 : vector<16xi32> to vector<1x16xi32>
        tpu.vector_store %arg7[%swap3A_568, %swap3A_569], %swap3A_572 {strides = array<i32>} : memref<2x128xi32, #tpu.memory_space<vmem>>, vector<1x16xi32>,
        %get3A_573 = arith.index_cast %add3A_418 : i32 to index
        %get3A_574 = arith.constant 112 : index
        %get3A_575 = tpu.vector_load %arg5[%get3A_573, %get3A_574] {strides = array<i32>} : memref<80x128xi32, #tpu.memory_space<vmem>>, vector<1x16xi32>,
        %get3A_576 = vector.shape_cast %get3A_575 : vector<1x16xi32> to vector<16xi32>
        %and3A_577 = arith.constant 65535 : i32
        %and3A_578 = vector.broadcast %and3A_577 : i32 to vector<16xi32>
        %and3A_579 = arith.andi %get3A_576, %and3A_578 : vector<16xi32>
        %swap3A_580 = arith.constant 1 : i32
        %swap3A_581 = arith.index_cast %swap3A_580 : i32 to index
        %swap3A_582 = arith.constant 112 : index
        %swap3A_583 = tpu.vector_load %arg6[%swap3A_581, %swap3A_582] {strides = array<i32>} : memref<2x128xi32, #tpu.memory_space<vmem>>, vector<1x16xi32>,
        %swap3A_584 = vector.shape_cast %swap3A_583 : vector<1x16xi32> to vector<16xi32>
        %swap3A_585 = vector.shape_cast %and3A_579 : vector<16xi32> to vector<1x16xi32>
        tpu.vector_store %arg6[%swap3A_581, %swap3A_582], %swap3A_585 {strides = array<i32>} : memref<2x128xi32, #tpu.memory_space<vmem>>, vector<1x16xi32>,
        %shift_right_logical3A_586 = arith.constant 16 : i32
        %shift_right_logical3A_587 = vector.broadcast %shift_right_logical3A_586 : i32 to vector<16xi32>
        %shift_right_logical3A_588 = arith.shrui %get3A_576, %shift_right_logical3A_587 : vector<16xi32>
        %swap3A_589 = arith.constant 1 : i32
        %swap3A_590 = arith.index_cast %swap3A_589 : i32 to index
        %swap3A_591 = arith.constant 112 : index
        %swap3A_592 = tpu.vector_load %arg7[%swap3A_590, %swap3A_591] {strides = array<i32>} : memref<2x128xi32, #tpu.memory_space<vmem>>, vector<1x16xi32>,
        %swap3A_593 = vector.shape_cast %swap3A_592 : vector<1x16xi32> to vector<16xi32>
        %swap3A_594 = vector.shape_cast %shift_right_logical3A_588 : vector<16xi32> to vector<1x16xi32>
        tpu.vector_store %arg7[%swap3A_590, %swap3A_591], %swap3A_594 {strides = array<i32>} : memref<2x128xi32, #tpu.memory_space<vmem>>, vector<1x16xi32>,
        %dma_start3A_595 = arith.constant 1 : i32
        %dma_start3A_596 = arith.constant 0 : i32
        %dma_start3A_597 = tpu.memref_slice %arg6[%dma_start3A_595, %dma_start3A_596] : memref<2x128xi32, #tpu.memory_space<vmem>> -> memref<1x128xi32, #tpu.memory_space<vmem>>
        %dma_start3A_598 = tpu.memref_squeeze %dma_start3A_597 : memref<1x128xi32, #tpu.memory_space<vmem>> -> memref<128xi32, #tpu.memory_space<vmem>>
        %dma_start3A_599 = arith.constant 0 : i32
        %dma_start3A_600 = arith.constant 0 : i32
        %dma_start3A_601 = tpu.memref_slice %arg10[%dma_start3A_599, %dma_start3A_600] : memref<10240x128xf32, #tpu.memory_space<vmem_shared>> -> memref<10240x128xf32, #tpu.memory_space<vmem_shared>>
        tpu.enqueue_indirect_dma source(%dma_start3A_601 : memref<10240x128xf32, #tpu.memory_space<vmem_shared>>) target(%arg9 : memref<128x128xf32, #tpu.memory_space<vmem>>) offsets(%dma_start3A_598 : memref<128xi32, #tpu.memory_space<vmem>>) semaphore(%arg12 : memref<!tpu.dma_semaphore, #tpu.memory_space<semaphore_mem>>)
      } else {
      }
    }
    %scan3A_385 = arith.constant 40 : i32
    %barrier3A_386 = arith.constant 0 : index
    tpu.barrier barrier_id(%barrier3A_386)
    "tpu.region"() ({
      %run_scoped3A = tpu.sem_alloc : memref<!tpu.dma_semaphore, #tpu.memory_space<semaphore_mem>>
      %dma_start3A_387 = arith.constant 0 : i32
      %dma_start3A_388 = tpu.memref_slice %arg4[%arg0, %mul3A_2, %dma_start3A_387] : memref<2x10240x128xf32, #tpu.memory_space<hbm>> -> memref<1x640x128xf32, #tpu.memory_space<hbm>>
      %dma_start3A_389 = tpu.memref_squeeze %dma_start3A_388 : memref<1x640x128xf32, #tpu.memory_space<hbm>> -> memref<640x128xf32, #tpu.memory_space<hbm>>
      %dma_start3A_390 = arith.constant 0 : i32
      %dma_start3A_391 = tpu.memref_slice %arg10[%mul3A_2, %dma_start3A_390] : memref<10240x128xf32, #tpu.memory_space<vmem_shared>> -> memref<640x128xf32, #tpu.memory_space<vmem_shared>>
      tpu.enqueue_dma source(%dma_start3A_391 : memref<640x128xf32, #tpu.memory_space<vmem_shared>>) target(%dma_start3A_389 : memref<640x128xf32, #tpu.memory_space<hbm>>) target_semaphore(%run_scoped3A : memref<!tpu.dma_semaphore, #tpu.memory_space<semaphore_mem>>)
      %dma_wait3A = arith.constant 0 : i32
      %dma_wait3A_392 = tpu.memref_slice %arg4[%arg0, %mul3A_2, %dma_wait3A] : memref<2x10240x128xf32, #tpu.memory_space<hbm>> -> memref<1x640x128xf32, #tpu.memory_space<hbm>>
      %dma_wait3A_393 = tpu.memref_squeeze %dma_wait3A_392 : memref<1x640x128xf32, #tpu.memory_space<hbm>> -> memref<640x128xf32, #tpu.memory_space<hbm>>
      %dma_wait3A_394 = arith.constant 0 : i32
      %dma_wait3A_395 = tpu.memref_slice %arg10[%mul3A_2, %dma_wait3A_394] : memref<10240x128xf32, #tpu.memory_space<vmem_shared>> -> memref<640x128xf32, #tpu.memory_space<vmem_shared>>
      tpu.wait_dma2 semaphore(%run_scoped3A : memref<!tpu.dma_semaphore, #tpu.memory_space<semaphore_mem>>) src(%dma_wait3A_395 : memref<640x128xf32, #tpu.memory_space<vmem_shared>>) dst(%dma_wait3A_393 : memref<640x128xf32, #tpu.memory_space<hbm>>)
      tpu.yield
    }) : () -> ()
    return
  }
}

#map = affine_map<(d0, d1) -> (0, 0)>
#map1 = affine_map<(d0, d1) -> (0, 0, 0)>
module attributes {stable_mosaic.version = 14 : i64} {
  func.func @agg(%arg0: i32, %arg1: i32, %arg2: memref<10240x128xf32, #tpu.memory_space<hbm>>, %arg3: memref<2560x128xi32, #tpu.memory_space<hbm>>, %arg4: memref<2x10240x128xf32, #tpu.memory_space<hbm>>, %arg5: memref<80x128xi32, #tpu.memory_space<vmem>>, %arg6: memref<2x128xi32, #tpu.memory_space<vmem>>, %arg7: memref<2x128xi32, #tpu.memory_space<vmem>>, %arg8: memref<128x128xf32, #tpu.memory_space<vmem>>, %arg9: memref<128x128xf32, #tpu.memory_space<vmem>>, %arg10: memref<10240x128xf32, #tpu.memory_space<vmem_shared>>, %arg11: memref<!tpu.dma_semaphore, #tpu.memory_space<semaphore_mem>>, %arg12: memref<!tpu.dma_semaphore, #tpu.memory_space<semaphore_mem>>) attributes {dimension_semantics = [#tpu.dimension_semantics<core_parallel>, #tpu.dimension_semantics<subcore_parallel>], iteration_bounds = array<i64: 2, 16>, scalar_prefetch = 0 : i64, scratch_operands = 8 : i64, tpu.core_type = #tpu.core_type<sc_vector_subcore>, window_params = [{transform_indices = #map}, {transform_indices = #map}, {transform_indices = #map1}]} {
    %mul3A = arith.constant 16 : i32
    %mul3A_0 = arith.muli %arg0, %mul3A : i32
    %add3A = arith.addi %mul3A_0, %arg1 : i32
    %mul3A_1 = arith.constant 640 : i32
    %mul3A_2 = arith.muli %arg1, %mul3A_1 : i32
    %mul3A_3 = arith.constant 80 : i32
    %mul3A_4 = arith.muli %add3A, %mul3A_3 : i32
    "tpu.region"() ({
      %run_scoped3A = tpu.sem_alloc : memref<!tpu.dma_semaphore, #tpu.memory_space<semaphore_mem>>
      %dma_start3A_387 = arith.constant 0 : i32
      %dma_start3A_388 = tpu.memref_slice %arg3[%mul3A_4, %dma_start3A_387] : memref<2560x128xi32, #tpu.memory_space<hbm>> -> memref<80x128xi32, #tpu.memory_space<hbm>>
      %dma_start3A_389 = arith.constant 0 : i32
      %dma_start3A_390 = tpu.memref_slice %arg3[%mul3A_4, %dma_start3A_389] : memref<2560x128xi32, #tpu.memory_space<hbm>> -> memref<80x128xi32, #tpu.memory_space<hbm>>
      tpu.enqueue_dma source(%dma_start3A_390 : memref<80x128xi32, #tpu.memory_space<hbm>>) target(%arg5 : memref<80x128xi32, #tpu.memory_space<vmem>>) target_semaphore(%run_scoped3A : memref<!tpu.dma_semaphore, #tpu.memory_space<semaphore_mem>>)
      %dma_wait3A = arith.constant 0 : i32
      %dma_wait3A_391 = tpu.memref_slice %arg3[%mul3A_4, %dma_wait3A] : memref<2560x128xi32, #tpu.memory_space<hbm>> -> memref<80x128xi32, #tpu.memory_space<hbm>>
      %dma_wait3A_392 = arith.constant 0 : i32
      %dma_wait3A_393 = tpu.memref_slice %arg3[%mul3A_4, %dma_wait3A_392] : memref<2560x128xi32, #tpu.memory_space<hbm>> -> memref<80x128xi32, #tpu.memory_space<hbm>>
      tpu.wait_dma2 semaphore(%run_scoped3A : memref<!tpu.dma_semaphore, #tpu.memory_space<semaphore_mem>>) src(%dma_wait3A_393 : memref<80x128xi32, #tpu.memory_space<hbm>>) dst(%arg5 : memref<80x128xi32, #tpu.memory_space<vmem>>)
      tpu.yield
    }) : () -> ()
    %get3A = arith.constant 0 : i32
    %get3A_5 = arith.index_cast %get3A : i32 to index
    %get3A_6 = arith.constant 0 : index
    %get3A_7 = tpu.vector_load %arg5[%get3A_5, %get3A_6] {strides = array<i32>} : memref<80x128xi32, #tpu.memory_space<vmem>>, vector<1x16xi32>,
    %get3A_8 = vector.shape_cast %get3A_7 : vector<1x16xi32> to vector<16xi32>
    %and3A = arith.constant 65535 : i32
    %and3A_9 = vector.broadcast %and3A : i32 to vector<16xi32>
    %and3A_10 = arith.andi %get3A_8, %and3A_9 : vector<16xi32>
    %swap3A = arith.constant 0 : i32
    %swap3A_11 = arith.index_cast %swap3A : i32 to index
    %swap3A_12 = arith.constant 0 : index
    %swap3A_13 = tpu.vector_load %arg6[%swap3A_11, %swap3A_12] {strides = array<i32>} : memref<2x128xi32, #tpu.memory_space<vmem>>, vector<1x16xi32>,
    %swap3A_14 = vector.shape_cast %swap3A_13 : vector<1x16xi32> to vector<16xi32>
    %swap3A_15 = vector.shape_cast %and3A_10 : vector<16xi32> to vector<1x16xi32>
    tpu.vector_store %arg6[%swap3A_11, %swap3A_12], %swap3A_15 {strides = array<i32>} : memref<2x128xi32, #tpu.memory_space<vmem>>, vector<1x16xi32>,
    %shift_right_logical3A = arith.constant 16 : i32
    %shift_right_logical3A_16 = vector.broadcast %shift_right_logical3A : i32 to vector<16xi32>
    %shift_right_logical3A_17 = arith.shrui %get3A_8, %shift_right_logical3A_16 : vector<16xi32>
    %swap3A_18 = arith.constant 0 : i32
    %swap3A_19 = arith.index_cast %swap3A_18 : i32 to index
    %swap3A_20 = arith.constant 0 : index
    %swap3A_21 = tpu.vector_load %arg7[%swap3A_19, %swap3A_20] {strides = array<i32>} : memref<2x128xi32, #tpu.memory_space<vmem>>, vector<1x16xi32>,
    %swap3A_22 = vector.shape_cast %swap3A_21 : vector<1x16xi32> to vector<16xi32>
    %swap3A_23 = vector.shape_cast %shift_right_logical3A_17 : vector<16xi32> to vector<1x16xi32>
    tpu.vector_store %arg7[%swap3A_19, %swap3A_20], %swap3A_23 {strides = array<i32>} : memref<2x128xi32, #tpu.memory_space<vmem>>, vector<1x16xi32>,
    %get3A_24 = arith.constant 0 : i32
    %get3A_25 = arith.index_cast %get3A_24 : i32 to index
    %get3A_26 = arith.constant 16 : index
    %get3A_27 = tpu.vector_load %arg5[%get3A_25, %get3A_26] {strides = array<i32>} : memref<80x128xi32, #tpu.memory_space<vmem>>, vector<1x16xi32>,
    %get3A_28 = vector.shape_cast %get3A_27 : vector<1x16xi32> to vector<16xi32>
    %and3A_29 = arith.constant 65535 : i32
    %and3A_30 = vector.broadcast %and3A_29 : i32 to vector<16xi32>
    %and3A_31 = arith.andi %get3A_28, %and3A_30 : vector<16xi32>
    %swap3A_32 = arith.constant 0 : i32
    %swap3A_33 = arith.index_cast %swap3A_32 : i32 to index
    %swap3A_34 = arith.constant 16 : index
    %swap3A_35 = tpu.vector_load %arg6[%swap3A_33, %swap3A_34] {strides = array<i32>} : memref<2x128xi32, #tpu.memory_space<vmem>>, vector<1x16xi32>,
    %swap3A_36 = vector.shape_cast %swap3A_35 : vector<1x16xi32> to vector<16xi32>
    %swap3A_37 = vector.shape_cast %and3A_31 : vector<16xi32> to vector<1x16xi32>
    tpu.vector_store %arg6[%swap3A_33, %swap3A_34], %swap3A_37 {strides = array<i32>} : memref<2x128xi32, #tpu.memory_space<vmem>>, vector<1x16xi32>,
    %shift_right_logical3A_38 = arith.constant 16 : i32
    %shift_right_logical3A_39 = vector.broadcast %shift_right_logical3A_38 : i32 to vector<16xi32>
    %shift_right_logical3A_40 = arith.shrui %get3A_28, %shift_right_logical3A_39 : vector<16xi32>
    %swap3A_41 = arith.constant 0 : i32
    %swap3A_42 = arith.index_cast %swap3A_41 : i32 to index
    %swap3A_43 = arith.constant 16 : index
    %swap3A_44 = tpu.vector_load %arg7[%swap3A_42, %swap3A_43] {strides = array<i32>} : memref<2x128xi32, #tpu.memory_space<vmem>>, vector<1x16xi32>,
    %swap3A_45 = vector.shape_cast %swap3A_44 : vector<1x16xi32> to vector<16xi32>
    %swap3A_46 = vector.shape_cast %shift_right_logical3A_40 : vector<16xi32> to vector<1x16xi32>
    tpu.vector_store %arg7[%swap3A_42, %swap3A_43], %swap3A_46 {strides = array<i32>} : memref<2x128xi32, #tpu.memory_space<vmem>>, vector<1x16xi32>,
    %get3A_47 = arith.constant 0 : i32
    %get3A_48 = arith.index_cast %get3A_47 : i32 to index
    %get3A_49 = arith.constant 32 : index
    %get3A_50 = tpu.vector_load %arg5[%get3A_48, %get3A_49] {strides = array<i32>} : memref<80x128xi32, #tpu.memory_space<vmem>>, vector<1x16xi32>,
    %get3A_51 = vector.shape_cast %get3A_50 : vector<1x16xi32> to vector<16xi32>
    %and3A_52 = arith.constant 65535 : i32
    %and3A_53 = vector.broadcast %and3A_52 : i32 to vector<16xi32>
    %and3A_54 = arith.andi %get3A_51, %and3A_53 : vector<16xi32>
    %swap3A_55 = arith.constant 0 : i32
    %swap3A_56 = arith.index_cast %swap3A_55 : i32 to index
    %swap3A_57 = arith.constant 32 : index
    %swap3A_58 = tpu.vector_load %arg6[%swap3A_56, %swap3A_57] {strides = array<i32>} : memref<2x128xi32, #tpu.memory_space<vmem>>, vector<1x16xi32>,
    %swap3A_59 = vector.shape_cast %swap3A_58 : vector<1x16xi32> to vector<16xi32>
    %swap3A_60 = vector.shape_cast %and3A_54 : vector<16xi32> to vector<1x16xi32>
    tpu.vector_store %arg6[%swap3A_56, %swap3A_57], %swap3A_60 {strides = array<i32>} : memref<2x128xi32, #tpu.memory_space<vmem>>, vector<1x16xi32>,
    %shift_right_logical3A_61 = arith.constant 16 : i32
    %shift_right_logical3A_62 = vector.broadcast %shift_right_logical3A_61 : i32 to vector<16xi32>
    %shift_right_logical3A_63 = arith.shrui %get3A_51, %shift_right_logical3A_62 : vector<16xi32>
    %swap3A_64 = arith.constant 0 : i32
    %swap3A_65 = arith.index_cast %swap3A_64 : i32 to index
    %swap3A_66 = arith.constant 32 : index
    %swap3A_67 = tpu.vector_load %arg7[%swap3A_65, %swap3A_66] {strides = array<i32>} : memref<2x128xi32, #tpu.memory_space<vmem>>, vector<1x16xi32>,
    %swap3A_68 = vector.shape_cast %swap3A_67 : vector<1x16xi32> to vector<16xi32>
    %swap3A_69 = vector.shape_cast %shift_right_logical3A_63 : vector<16xi32> to vector<1x16xi32>
    tpu.vector_store %arg7[%swap3A_65, %swap3A_66], %swap3A_69 {strides = array<i32>} : memref<2x128xi32, #tpu.memory_space<vmem>>, vector<1x16xi32>,
    %get3A_70 = arith.constant 0 : i32
    %get3A_71 = arith.index_cast %get3A_70 : i32 to index
    %get3A_72 = arith.constant 48 : index
    %get3A_73 = tpu.vector_load %arg5[%get3A_71, %get3A_72] {strides = array<i32>} : memref<80x128xi32, #tpu.memory_space<vmem>>, vector<1x16xi32>,
    %get3A_74 = vector.shape_cast %get3A_73 : vector<1x16xi32> to vector<16xi32>
    %and3A_75 = arith.constant 65535 : i32
    %and3A_76 = vector.broadcast %and3A_75 : i32 to vector<16xi32>
    %and3A_77 = arith.andi %get3A_74, %and3A_76 : vector<16xi32>
    %swap3A_78 = arith.constant 0 : i32
    %swap3A_79 = arith.index_cast %swap3A_78 : i32 to index
    %swap3A_80 = arith.constant 48 : index
    %swap3A_81 = tpu.vector_load %arg6[%swap3A_79, %swap3A_80] {strides = array<i32>} : memref<2x128xi32, #tpu.memory_space<vmem>>, vector<1x16xi32>,
    %swap3A_82 = vector.shape_cast %swap3A_81 : vector<1x16xi32> to vector<16xi32>
    %swap3A_83 = vector.shape_cast %and3A_77 : vector<16xi32> to vector<1x16xi32>
    tpu.vector_store %arg6[%swap3A_79, %swap3A_80], %swap3A_83 {strides = array<i32>} : memref<2x128xi32, #tpu.memory_space<vmem>>, vector<1x16xi32>,
    %shift_right_logical3A_84 = arith.constant 16 : i32
    %shift_right_logical3A_85 = vector.broadcast %shift_right_logical3A_84 : i32 to vector<16xi32>
    %shift_right_logical3A_86 = arith.shrui %get3A_74, %shift_right_logical3A_85 : vector<16xi32>
    %swap3A_87 = arith.constant 0 : i32
    %swap3A_88 = arith.index_cast %swap3A_87 : i32 to index
    %swap3A_89 = arith.constant 48 : index
    %swap3A_90 = tpu.vector_load %arg7[%swap3A_88, %swap3A_89] {strides = array<i32>} : memref<2x128xi32, #tpu.memory_space<vmem>>, vector<1x16xi32>,
    %swap3A_91 = vector.shape_cast %swap3A_90 : vector<1x16xi32> to vector<16xi32>
    %swap3A_92 = vector.shape_cast %shift_right_logical3A_86 : vector<16xi32> to vector<1x16xi32>
    tpu.vector_store %arg7[%swap3A_88, %swap3A_89], %swap3A_92 {strides = array<i32>} : memref<2x128xi32, #tpu.memory_space<vmem>>, vector<1x16xi32>,
    %get3A_93 = arith.constant 0 : i32
    %get3A_94 = arith.index_cast %get3A_93 : i32 to index
    %get3A_95 = arith.constant 64 : index
    %get3A_96 = tpu.vector_load %arg5[%get3A_94, %get3A_95] {strides = array<i32>} : memref<80x128xi32, #tpu.memory_space<vmem>>, vector<1x16xi32>,
    %get3A_97 = vector.shape_cast %get3A_96 : vector<1x16xi32> to vector<16xi32>
    %and3A_98 = arith.constant 65535 : i32
    %and3A_99 = vector.broadcast %and3A_98 : i32 to vector<16xi32>
    %and3A_100 = arith.andi %get3A_97, %and3A_99 : vector<16xi32>
    %swap3A_101 = arith.constant 0 : i32
    %swap3A_102 = arith.index_cast %swap3A_101 : i32 to index
    %swap3A_103 = arith.constant 64 : index
    %swap3A_104 = tpu.vector_load %arg6[%swap3A_102, %swap3A_103] {strides = array<i32>} : memref<2x128xi32, #tpu.memory_space<vmem>>, vector<1x16xi32>,
    %swap3A_105 = vector.shape_cast %swap3A_104 : vector<1x16xi32> to vector<16xi32>
    %swap3A_106 = vector.shape_cast %and3A_100 : vector<16xi32> to vector<1x16xi32>
    tpu.vector_store %arg6[%swap3A_102, %swap3A_103], %swap3A_106 {strides = array<i32>} : memref<2x128xi32, #tpu.memory_space<vmem>>, vector<1x16xi32>,
    %shift_right_logical3A_107 = arith.constant 16 : i32
    %shift_right_logical3A_108 = vector.broadcast %shift_right_logical3A_107 : i32 to vector<16xi32>
    %shift_right_logical3A_109 = arith.shrui %get3A_97, %shift_right_logical3A_108 : vector<16xi32>
    %swap3A_110 = arith.constant 0 : i32
    %swap3A_111 = arith.index_cast %swap3A_110 : i32 to index
    %swap3A_112 = arith.constant 64 : index
    %swap3A_113 = tpu.vector_load %arg7[%swap3A_111, %swap3A_112] {strides = array<i32>} : memref<2x128xi32, #tpu.memory_space<vmem>>, vector<1x16xi32>,
    %swap3A_114 = vector.shape_cast %swap3A_113 : vector<1x16xi32> to vector<16xi32>
    %swap3A_115 = vector.shape_cast %shift_right_logical3A_109 : vector<16xi32> to vector<1x16xi32>
    tpu.vector_store %arg7[%swap3A_111, %swap3A_112], %swap3A_115 {strides = array<i32>} : memref<2x128xi32, #tpu.memory_space<vmem>>, vector<1x16xi32>,
    %get3A_116 = arith.constant 0 : i32
    %get3A_117 = arith.index_cast %get3A_116 : i32 to index
    %get3A_118 = arith.constant 80 : index
    %get3A_119 = tpu.vector_load %arg5[%get3A_117, %get3A_118] {strides = array<i32>} : memref<80x128xi32, #tpu.memory_space<vmem>>, vector<1x16xi32>,
    %get3A_120 = vector.shape_cast %get3A_119 : vector<1x16xi32> to vector<16xi32>
    %and3A_121 = arith.constant 65535 : i32
    %and3A_122 = vector.broadcast %and3A_121 : i32 to vector<16xi32>
    %and3A_123 = arith.andi %get3A_120, %and3A_122 : vector<16xi32>
    %swap3A_124 = arith.constant 0 : i32
    %swap3A_125 = arith.index_cast %swap3A_124 : i32 to index
    %swap3A_126 = arith.constant 80 : index
    %swap3A_127 = tpu.vector_load %arg6[%swap3A_125, %swap3A_126] {strides = array<i32>} : memref<2x128xi32, #tpu.memory_space<vmem>>, vector<1x16xi32>,
    %swap3A_128 = vector.shape_cast %swap3A_127 : vector<1x16xi32> to vector<16xi32>
    %swap3A_129 = vector.shape_cast %and3A_123 : vector<16xi32> to vector<1x16xi32>
    tpu.vector_store %arg6[%swap3A_125, %swap3A_126], %swap3A_129 {strides = array<i32>} : memref<2x128xi32, #tpu.memory_space<vmem>>, vector<1x16xi32>,
    %shift_right_logical3A_130 = arith.constant 16 : i32
    %shift_right_logical3A_131 = vector.broadcast %shift_right_logical3A_130 : i32 to vector<16xi32>
    %shift_right_logical3A_132 = arith.shrui %get3A_120, %shift_right_logical3A_131 : vector<16xi32>
    %swap3A_133 = arith.constant 0 : i32
    %swap3A_134 = arith.index_cast %swap3A_133 : i32 to index
    %swap3A_135 = arith.constant 80 : index
    %swap3A_136 = tpu.vector_load %arg7[%swap3A_134, %swap3A_135] {strides = array<i32>} : memref<2x128xi32, #tpu.memory_space<vmem>>, vector<1x16xi32>,
    %swap3A_137 = vector.shape_cast %swap3A_136 : vector<1x16xi32> to vector<16xi32>
    %swap3A_138 = vector.shape_cast %shift_right_logical3A_132 : vector<16xi32> to vector<1x16xi32>
    tpu.vector_store %arg7[%swap3A_134, %swap3A_135], %swap3A_138 {strides = array<i32>} : memref<2x128xi32, #tpu.memory_space<vmem>>, vector<1x16xi32>,
    %get3A_139 = arith.constant 0 : i32
    %get3A_140 = arith.index_cast %get3A_139 : i32 to index
    %get3A_141 = arith.constant 96 : index
    %get3A_142 = tpu.vector_load %arg5[%get3A_140, %get3A_141] {strides = array<i32>} : memref<80x128xi32, #tpu.memory_space<vmem>>, vector<1x16xi32>,
    %get3A_143 = vector.shape_cast %get3A_142 : vector<1x16xi32> to vector<16xi32>
    %and3A_144 = arith.constant 65535 : i32
    %and3A_145 = vector.broadcast %and3A_144 : i32 to vector<16xi32>
    %and3A_146 = arith.andi %get3A_143, %and3A_145 : vector<16xi32>
    %swap3A_147 = arith.constant 0 : i32
    %swap3A_148 = arith.index_cast %swap3A_147 : i32 to index
    %swap3A_149 = arith.constant 96 : index
    %swap3A_150 = tpu.vector_load %arg6[%swap3A_148, %swap3A_149] {strides = array<i32>} : memref<2x128xi32, #tpu.memory_space<vmem>>, vector<1x16xi32>,
    %swap3A_151 = vector.shape_cast %swap3A_150 : vector<1x16xi32> to vector<16xi32>
    %swap3A_152 = vector.shape_cast %and3A_146 : vector<16xi32> to vector<1x16xi32>
    tpu.vector_store %arg6[%swap3A_148, %swap3A_149], %swap3A_152 {strides = array<i32>} : memref<2x128xi32, #tpu.memory_space<vmem>>, vector<1x16xi32>,
    %shift_right_logical3A_153 = arith.constant 16 : i32
    %shift_right_logical3A_154 = vector.broadcast %shift_right_logical3A_153 : i32 to vector<16xi32>
    %shift_right_logical3A_155 = arith.shrui %get3A_143, %shift_right_logical3A_154 : vector<16xi32>
    %swap3A_156 = arith.constant 0 : i32
    %swap3A_157 = arith.index_cast %swap3A_156 : i32 to index
    %swap3A_158 = arith.constant 96 : index
    %swap3A_159 = tpu.vector_load %arg7[%swap3A_157, %swap3A_158] {strides = array<i32>} : memref<2x128xi32, #tpu.memory_space<vmem>>, vector<1x16xi32>,
    %swap3A_160 = vector.shape_cast %swap3A_159 : vector<1x16xi32> to vector<16xi32>
    %swap3A_161 = vector.shape_cast %shift_right_logical3A_155 : vector<16xi32> to vector<1x16xi32>
    tpu.vector_store %arg7[%swap3A_157, %swap3A_158], %swap3A_161 {strides = array<i32>} : memref<2x128xi32, #tpu.memory_space<vmem>>, vector<1x16xi32>,
    %get3A_162 = arith.constant 0 : i32
    %get3A_163 = arith.index_cast %get3A_162 : i32 to index
    %get3A_164 = arith.constant 112 : index
    %get3A_165 = tpu.vector_load %arg5[%get3A_163, %get3A_164] {strides = array<i32>} : memref<80x128xi32, #tpu.memory_space<vmem>>, vector<1x16xi32>,
    %get3A_166 = vector.shape_cast %get3A_165 : vector<1x16xi32> to vector<16xi32>
    %and3A_167 = arith.constant 65535 : i32
    %and3A_168 = vector.broadcast %and3A_167 : i32 to vector<16xi32>
    %and3A_169 = arith.andi %get3A_166, %and3A_168 : vector<16xi32>
    %swap3A_170 = arith.constant 0 : i32
    %swap3A_171 = arith.index_cast %swap3A_170 : i32 to index
    %swap3A_172 = arith.constant 112 : index
    %swap3A_173 = tpu.vector_load %arg6[%swap3A_171, %swap3A_172] {strides = array<i32>} : memref<2x128xi32, #tpu.memory_space<vmem>>, vector<1x16xi32>,
    %swap3A_174 = vector.shape_cast %swap3A_173 : vector<1x16xi32> to vector<16xi32>
    %swap3A_175 = vector.shape_cast %and3A_169 : vector<16xi32> to vector<1x16xi32>
    tpu.vector_store %arg6[%swap3A_171, %swap3A_172], %swap3A_175 {strides = array<i32>} : memref<2x128xi32, #tpu.memory_space<vmem>>, vector<1x16xi32>,
    %shift_right_logical3A_176 = arith.constant 16 : i32
    %shift_right_logical3A_177 = vector.broadcast %shift_right_logical3A_176 : i32 to vector<16xi32>
    %shift_right_logical3A_178 = arith.shrui %get3A_166, %shift_right_logical3A_177 : vector<16xi32>
    %swap3A_179 = arith.constant 0 : i32
    %swap3A_180 = arith.index_cast %swap3A_179 : i32 to index
    %swap3A_181 = arith.constant 112 : index
    %swap3A_182 = tpu.vector_load %arg7[%swap3A_180, %swap3A_181] {strides = array<i32>} : memref<2x128xi32, #tpu.memory_space<vmem>>, vector<1x16xi32>,
    %swap3A_183 = vector.shape_cast %swap3A_182 : vector<1x16xi32> to vector<16xi32>
    %swap3A_184 = vector.shape_cast %shift_right_logical3A_178 : vector<16xi32> to vector<1x16xi32>
    tpu.vector_store %arg7[%swap3A_180, %swap3A_181], %swap3A_184 {strides = array<i32>} : memref<2x128xi32, #tpu.memory_space<vmem>>, vector<1x16xi32>,
    %get3A_185 = arith.constant 1 : i32
    %get3A_186 = arith.index_cast %get3A_185 : i32 to index
    %get3A_187 = arith.constant 0 : index
    %get3A_188 = tpu.vector_load %arg5[%get3A_186, %get3A_187] {strides = array<i32>} : memref<80x128xi32, #tpu.memory_space<vmem>>, vector<1x16xi32>,
    %get3A_189 = vector.shape_cast %get3A_188 : vector<1x16xi32> to vector<16xi32>
    %and3A_190 = arith.constant 65535 : i32
    %and3A_191 = vector.broadcast %and3A_190 : i32 to vector<16xi32>
    %and3A_192 = arith.andi %get3A_189, %and3A_191 : vector<16xi32>
    %swap3A_193 = arith.constant 1 : i32
    %swap3A_194 = arith.index_cast %swap3A_193 : i32 to index
    %swap3A_195 = arith.constant 0 : index
    %swap3A_196 = tpu.vector_load %arg6[%swap3A_194, %swap3A_195] {strides = array<i32>} : memref<2x128xi32, #tpu.memory_space<vmem>>, vector<1x16xi32>,
    %swap3A_197 = vector.shape_cast %swap3A_196 : vector<1x16xi32> to vector<16xi32>
    %swap3A_198 = vector.shape_cast %and3A_192 : vector<16xi32> to vector<1x16xi32>
    tpu.vector_store %arg6[%swap3A_194, %swap3A_195], %swap3A_198 {strides = array<i32>} : memref<2x128xi32, #tpu.memory_space<vmem>>, vector<1x16xi32>,
    %shift_right_logical3A_199 = arith.constant 16 : i32
    %shift_right_logical3A_200 = vector.broadcast %shift_right_logical3A_199 : i32 to vector<16xi32>
    %shift_right_logical3A_201 = arith.shrui %get3A_189, %shift_right_logical3A_200 : vector<16xi32>
    %swap3A_202 = arith.constant 1 : i32
    %swap3A_203 = arith.index_cast %swap3A_202 : i32 to index
    %swap3A_204 = arith.constant 0 : index
    %swap3A_205 = tpu.vector_load %arg7[%swap3A_203, %swap3A_204] {strides = array<i32>} : memref<2x128xi32, #tpu.memory_space<vmem>>, vector<1x16xi32>,
    %swap3A_206 = vector.shape_cast %swap3A_205 : vector<1x16xi32> to vector<16xi32>
    %swap3A_207 = vector.shape_cast %shift_right_logical3A_201 : vector<16xi32> to vector<1x16xi32>
    tpu.vector_store %arg7[%swap3A_203, %swap3A_204], %swap3A_207 {strides = array<i32>} : memref<2x128xi32, #tpu.memory_space<vmem>>, vector<1x16xi32>,
    %get3A_208 = arith.constant 1 : i32
    %get3A_209 = arith.index_cast %get3A_208 : i32 to index
    %get3A_210 = arith.constant 16 : index
    %get3A_211 = tpu.vector_load %arg5[%get3A_209, %get3A_210] {strides = array<i32>} : memref<80x128xi32, #tpu.memory_space<vmem>>, vector<1x16xi32>,
    %get3A_212 = vector.shape_cast %get3A_211 : vector<1x16xi32> to vector<16xi32>
    %and3A_213 = arith.constant 65535 : i32
    %and3A_214 = vector.broadcast %and3A_213 : i32 to vector<16xi32>
    %and3A_215 = arith.andi %get3A_212, %and3A_214 : vector<16xi32>
    %swap3A_216 = arith.constant 1 : i32
    %swap3A_217 = arith.index_cast %swap3A_216 : i32 to index
    %swap3A_218 = arith.constant 16 : index
    %swap3A_219 = tpu.vector_load %arg6[%swap3A_217, %swap3A_218] {strides = array<i32>} : memref<2x128xi32, #tpu.memory_space<vmem>>, vector<1x16xi32>,
    %swap3A_220 = vector.shape_cast %swap3A_219 : vector<1x16xi32> to vector<16xi32>
    %swap3A_221 = vector.shape_cast %and3A_215 : vector<16xi32> to vector<1x16xi32>
    tpu.vector_store %arg6[%swap3A_217, %swap3A_218], %swap3A_221 {strides = array<i32>} : memref<2x128xi32, #tpu.memory_space<vmem>>, vector<1x16xi32>,
    %shift_right_logical3A_222 = arith.constant 16 : i32
    %shift_right_logical3A_223 = vector.broadcast %shift_right_logical3A_222 : i32 to vector<16xi32>
    %shift_right_logical3A_224 = arith.shrui %get3A_212, %shift_right_logical3A_223 : vector<16xi32>
    %swap3A_225 = arith.constant 1 : i32
    %swap3A_226 = arith.index_cast %swap3A_225 : i32 to index
    %swap3A_227 = arith.constant 16 : index
    %swap3A_228 = tpu.vector_load %arg7[%swap3A_226, %swap3A_227] {strides = array<i32>} : memref<2x128xi32, #tpu.memory_space<vmem>>, vector<1x16xi32>,
    %swap3A_229 = vector.shape_cast %swap3A_228 : vector<1x16xi32> to vector<16xi32>
    %swap3A_230 = vector.shape_cast %shift_right_logical3A_224 : vector<16xi32> to vector<1x16xi32>
    tpu.vector_store %arg7[%swap3A_226, %swap3A_227], %swap3A_230 {strides = array<i32>} : memref<2x128xi32, #tpu.memory_space<vmem>>, vector<1x16xi32>,
    %get3A_231 = arith.constant 1 : i32
    %get3A_232 = arith.index_cast %get3A_231 : i32 to index
    %get3A_233 = arith.constant 32 : index
    %get3A_234 = tpu.vector_load %arg5[%get3A_232, %get3A_233] {strides = array<i32>} : memref<80x128xi32, #tpu.memory_space<vmem>>, vector<1x16xi32>,
    %get3A_235 = vector.shape_cast %get3A_234 : vector<1x16xi32> to vector<16xi32>
    %and3A_236 = arith.constant 65535 : i32
    %and3A_237 = vector.broadcast %and3A_236 : i32 to vector<16xi32>
    %and3A_238 = arith.andi %get3A_235, %and3A_237 : vector<16xi32>
    %swap3A_239 = arith.constant 1 : i32
    %swap3A_240 = arith.index_cast %swap3A_239 : i32 to index
    %swap3A_241 = arith.constant 32 : index
    %swap3A_242 = tpu.vector_load %arg6[%swap3A_240, %swap3A_241] {strides = array<i32>} : memref<2x128xi32, #tpu.memory_space<vmem>>, vector<1x16xi32>,
    %swap3A_243 = vector.shape_cast %swap3A_242 : vector<1x16xi32> to vector<16xi32>
    %swap3A_244 = vector.shape_cast %and3A_238 : vector<16xi32> to vector<1x16xi32>
    tpu.vector_store %arg6[%swap3A_240, %swap3A_241], %swap3A_244 {strides = array<i32>} : memref<2x128xi32, #tpu.memory_space<vmem>>, vector<1x16xi32>,
    %shift_right_logical3A_245 = arith.constant 16 : i32
    %shift_right_logical3A_246 = vector.broadcast %shift_right_logical3A_245 : i32 to vector<16xi32>
    %shift_right_logical3A_247 = arith.shrui %get3A_235, %shift_right_logical3A_246 : vector<16xi32>
    %swap3A_248 = arith.constant 1 : i32
    %swap3A_249 = arith.index_cast %swap3A_248 : i32 to index
    %swap3A_250 = arith.constant 32 : index
    %swap3A_251 = tpu.vector_load %arg7[%swap3A_249, %swap3A_250] {strides = array<i32>} : memref<2x128xi32, #tpu.memory_space<vmem>>, vector<1x16xi32>,
    %swap3A_252 = vector.shape_cast %swap3A_251 : vector<1x16xi32> to vector<16xi32>
    %swap3A_253 = vector.shape_cast %shift_right_logical3A_247 : vector<16xi32> to vector<1x16xi32>
    tpu.vector_store %arg7[%swap3A_249, %swap3A_250], %swap3A_253 {strides = array<i32>} : memref<2x128xi32, #tpu.memory_space<vmem>>, vector<1x16xi32>,
    %get3A_254 = arith.constant 1 : i32
    %get3A_255 = arith.index_cast %get3A_254 : i32 to index
    %get3A_256 = arith.constant 48 : index
    %get3A_257 = tpu.vector_load %arg5[%get3A_255, %get3A_256] {strides = array<i32>} : memref<80x128xi32, #tpu.memory_space<vmem>>, vector<1x16xi32>,
    %get3A_258 = vector.shape_cast %get3A_257 : vector<1x16xi32> to vector<16xi32>
    %and3A_259 = arith.constant 65535 : i32
    %and3A_260 = vector.broadcast %and3A_259 : i32 to vector<16xi32>
    %and3A_261 = arith.andi %get3A_258, %and3A_260 : vector<16xi32>
    %swap3A_262 = arith.constant 1 : i32
    %swap3A_263 = arith.index_cast %swap3A_262 : i32 to index
    %swap3A_264 = arith.constant 48 : index
    %swap3A_265 = tpu.vector_load %arg6[%swap3A_263, %swap3A_264] {strides = array<i32>} : memref<2x128xi32, #tpu.memory_space<vmem>>, vector<1x16xi32>,
    %swap3A_266 = vector.shape_cast %swap3A_265 : vector<1x16xi32> to vector<16xi32>
    %swap3A_267 = vector.shape_cast %and3A_261 : vector<16xi32> to vector<1x16xi32>
    tpu.vector_store %arg6[%swap3A_263, %swap3A_264], %swap3A_267 {strides = array<i32>} : memref<2x128xi32, #tpu.memory_space<vmem>>, vector<1x16xi32>,
    %shift_right_logical3A_268 = arith.constant 16 : i32
    %shift_right_logical3A_269 = vector.broadcast %shift_right_logical3A_268 : i32 to vector<16xi32>
    %shift_right_logical3A_270 = arith.shrui %get3A_258, %shift_right_logical3A_269 : vector<16xi32>
    %swap3A_271 = arith.constant 1 : i32
    %swap3A_272 = arith.index_cast %swap3A_271 : i32 to index
    %swap3A_273 = arith.constant 48 : index
    %swap3A_274 = tpu.vector_load %arg7[%swap3A_272, %swap3A_273] {strides = array<i32>} : memref<2x128xi32, #tpu.memory_space<vmem>>, vector<1x16xi32>,
    %swap3A_275 = vector.shape_cast %swap3A_274 : vector<1x16xi32> to vector<16xi32>
    %swap3A_276 = vector.shape_cast %shift_right_logical3A_270 : vector<16xi32> to vector<1x16xi32>
    tpu.vector_store %arg7[%swap3A_272, %swap3A_273], %swap3A_276 {strides = array<i32>} : memref<2x128xi32, #tpu.memory_space<vmem>>, vector<1x16xi32>,
    %get3A_277 = arith.constant 1 : i32
    %get3A_278 = arith.index_cast %get3A_277 : i32 to index
    %get3A_279 = arith.constant 64 : index
    %get3A_280 = tpu.vector_load %arg5[%get3A_278, %get3A_279] {strides = array<i32>} : memref<80x128xi32, #tpu.memory_space<vmem>>, vector<1x16xi32>,
    %get3A_281 = vector.shape_cast %get3A_280 : vector<1x16xi32> to vector<16xi32>
    %and3A_282 = arith.constant 65535 : i32
    %and3A_283 = vector.broadcast %and3A_282 : i32 to vector<16xi32>
    %and3A_284 = arith.andi %get3A_281, %and3A_283 : vector<16xi32>
    %swap3A_285 = arith.constant 1 : i32
    %swap3A_286 = arith.index_cast %swap3A_285 : i32 to index
    %swap3A_287 = arith.constant 64 : index
    %swap3A_288 = tpu.vector_load %arg6[%swap3A_286, %swap3A_287] {strides = array<i32>} : memref<2x128xi32, #tpu.memory_space<vmem>>, vector<1x16xi32>,
    %swap3A_289 = vector.shape_cast %swap3A_288 : vector<1x16xi32> to vector<16xi32>
    %swap3A_290 = vector.shape_cast %and3A_284 : vector<16xi32> to vector<1x16xi32>
    tpu.vector_store %arg6[%swap3A_286, %swap3A_287], %swap3A_290 {strides = array<i32>} : memref<2x128xi32, #tpu.memory_space<vmem>>, vector<1x16xi32>,
    %shift_right_logical3A_291 = arith.constant 16 : i32
    %shift_right_logical3A_292 = vector.broadcast %shift_right_logical3A_291 : i32 to vector<16xi32>
    %shift_right_logical3A_293 = arith.shrui %get3A_281, %shift_right_logical3A_292 : vector<16xi32>
    %swap3A_294 = arith.constant 1 : i32
    %swap3A_295 = arith.index_cast %swap3A_294 : i32 to index
    %swap3A_296 = arith.constant 64 : index
    %swap3A_297 = tpu.vector_load %arg7[%swap3A_295, %swap3A_296] {strides = array<i32>} : memref<2x128xi32, #tpu.memory_space<vmem>>, vector<1x16xi32>,
    %swap3A_298 = vector.shape_cast %swap3A_297 : vector<1x16xi32> to vector<16xi32>
    %swap3A_299 = vector.shape_cast %shift_right_logical3A_293 : vector<16xi32> to vector<1x16xi32>
    tpu.vector_store %arg7[%swap3A_295, %swap3A_296], %swap3A_299 {strides = array<i32>} : memref<2x128xi32, #tpu.memory_space<vmem>>, vector<1x16xi32>,
    %get3A_300 = arith.constant 1 : i32
    %get3A_301 = arith.index_cast %get3A_300 : i32 to index
    %get3A_302 = arith.constant 80 : index
    %get3A_303 = tpu.vector_load %arg5[%get3A_301, %get3A_302] {strides = array<i32>} : memref<80x128xi32, #tpu.memory_space<vmem>>, vector<1x16xi32>,
    %get3A_304 = vector.shape_cast %get3A_303 : vector<1x16xi32> to vector<16xi32>
    %and3A_305 = arith.constant 65535 : i32
    %and3A_306 = vector.broadcast %and3A_305 : i32 to vector<16xi32>
    %and3A_307 = arith.andi %get3A_304, %and3A_306 : vector<16xi32>
    %swap3A_308 = arith.constant 1 : i32
    %swap3A_309 = arith.index_cast %swap3A_308 : i32 to index
    %swap3A_310 = arith.constant 80 : index
    %swap3A_311 = tpu.vector_load %arg6[%swap3A_309, %swap3A_310] {strides = array<i32>} : memref<2x128xi32, #tpu.memory_space<vmem>>, vector<1x16xi32>,
    %swap3A_312 = vector.shape_cast %swap3A_311 : vector<1x16xi32> to vector<16xi32>
    %swap3A_313 = vector.shape_cast %and3A_307 : vector<16xi32> to vector<1x16xi32>
    tpu.vector_store %arg6[%swap3A_309, %swap3A_310], %swap3A_313 {strides = array<i32>} : memref<2x128xi32, #tpu.memory_space<vmem>>, vector<1x16xi32>,
    %shift_right_logical3A_314 = arith.constant 16 : i32
    %shift_right_logical3A_315 = vector.broadcast %shift_right_logical3A_314 : i32 to vector<16xi32>
    %shift_right_logical3A_316 = arith.shrui %get3A_304, %shift_right_logical3A_315 : vector<16xi32>
    %swap3A_317 = arith.constant 1 : i32
    %swap3A_318 = arith.index_cast %swap3A_317 : i32 to index
    %swap3A_319 = arith.constant 80 : index
    %swap3A_320 = tpu.vector_load %arg7[%swap3A_318, %swap3A_319] {strides = array<i32>} : memref<2x128xi32, #tpu.memory_space<vmem>>, vector<1x16xi32>,
    %swap3A_321 = vector.shape_cast %swap3A_320 : vector<1x16xi32> to vector<16xi32>
    %swap3A_322 = vector.shape_cast %shift_right_logical3A_316 : vector<16xi32> to vector<1x16xi32>
    tpu.vector_store %arg7[%swap3A_318, %swap3A_319], %swap3A_322 {strides = array<i32>} : memref<2x128xi32, #tpu.memory_space<vmem>>, vector<1x16xi32>,
    %get3A_323 = arith.constant 1 : i32
    %get3A_324 = arith.index_cast %get3A_323 : i32 to index
    %get3A_325 = arith.constant 96 : index
    %get3A_326 = tpu.vector_load %arg5[%get3A_324, %get3A_325] {strides = array<i32>} : memref<80x128xi32, #tpu.memory_space<vmem>>, vector<1x16xi32>,
    %get3A_327 = vector.shape_cast %get3A_326 : vector<1x16xi32> to vector<16xi32>
    %and3A_328 = arith.constant 65535 : i32
    %and3A_329 = vector.broadcast %and3A_328 : i32 to vector<16xi32>
    %and3A_330 = arith.andi %get3A_327, %and3A_329 : vector<16xi32>
    %swap3A_331 = arith.constant 1 : i32
    %swap3A_332 = arith.index_cast %swap3A_331 : i32 to index
    %swap3A_333 = arith.constant 96 : index
    %swap3A_334 = tpu.vector_load %arg6[%swap3A_332, %swap3A_333] {strides = array<i32>} : memref<2x128xi32, #tpu.memory_space<vmem>>, vector<1x16xi32>,
    %swap3A_335 = vector.shape_cast %swap3A_334 : vector<1x16xi32> to vector<16xi32>
    %swap3A_336 = vector.shape_cast %and3A_330 : vector<16xi32> to vector<1x16xi32>
    tpu.vector_store %arg6[%swap3A_332, %swap3A_333], %swap3A_336 {strides = array<i32>} : memref<2x128xi32, #tpu.memory_space<vmem>>, vector<1x16xi32>,
    %shift_right_logical3A_337 = arith.constant 16 : i32
    %shift_right_logical3A_338 = vector.broadcast %shift_right_logical3A_337 : i32 to vector<16xi32>
    %shift_right_logical3A_339 = arith.shrui %get3A_327, %shift_right_logical3A_338 : vector<16xi32>
    %swap3A_340 = arith.constant 1 : i32
    %swap3A_341 = arith.index_cast %swap3A_340 : i32 to index
    %swap3A_342 = arith.constant 96 : index
    %swap3A_343 = tpu.vector_load %arg7[%swap3A_341, %swap3A_342] {strides = array<i32>} : memref<2x128xi32, #tpu.memory_space<vmem>>, vector<1x16xi32>,
    %swap3A_344 = vector.shape_cast %swap3A_343 : vector<1x16xi32> to vector<16xi32>
    %swap3A_345 = vector.shape_cast %shift_right_logical3A_339 : vector<16xi32> to vector<1x16xi32>
    tpu.vector_store %arg7[%swap3A_341, %swap3A_342], %swap3A_345 {strides = array<i32>} : memref<2x128xi32, #tpu.memory_space<vmem>>, vector<1x16xi32>,
    %get3A_346 = arith.constant 1 : i32
    %get3A_347 = arith.index_cast %get3A_346 : i32 to index
    %get3A_348 = arith.constant 112 : index
    %get3A_349 = tpu.vector_load %arg5[%get3A_347, %get3A_348] {strides = array<i32>} : memref<80x128xi32, #tpu.memory_space<vmem>>, vector<1x16xi32>,
    %get3A_350 = vector.shape_cast %get3A_349 : vector<1x16xi32> to vector<16xi32>
    %and3A_351 = arith.constant 65535 : i32
    %and3A_352 = vector.broadcast %and3A_351 : i32 to vector<16xi32>
    %and3A_353 = arith.andi %get3A_350, %and3A_352 : vector<16xi32>
    %swap3A_354 = arith.constant 1 : i32
    %swap3A_355 = arith.index_cast %swap3A_354 : i32 to index
    %swap3A_356 = arith.constant 112 : index
    %swap3A_357 = tpu.vector_load %arg6[%swap3A_355, %swap3A_356] {strides = array<i32>} : memref<2x128xi32, #tpu.memory_space<vmem>>, vector<1x16xi32>,
    %swap3A_358 = vector.shape_cast %swap3A_357 : vector<1x16xi32> to vector<16xi32>
    %swap3A_359 = vector.shape_cast %and3A_353 : vector<16xi32> to vector<1x16xi32>
    tpu.vector_store %arg6[%swap3A_355, %swap3A_356], %swap3A_359 {strides = array<i32>} : memref<2x128xi32, #tpu.memory_space<vmem>>, vector<1x16xi32>,
    %shift_right_logical3A_360 = arith.constant 16 : i32
    %shift_right_logical3A_361 = vector.broadcast %shift_right_logical3A_360 : i32 to vector<16xi32>
    %shift_right_logical3A_362 = arith.shrui %get3A_350, %shift_right_logical3A_361 : vector<16xi32>
    %swap3A_363 = arith.constant 1 : i32
    %swap3A_364 = arith.index_cast %swap3A_363 : i32 to index
    %swap3A_365 = arith.constant 112 : index
    %swap3A_366 = tpu.vector_load %arg7[%swap3A_364, %swap3A_365] {strides = array<i32>} : memref<2x128xi32, #tpu.memory_space<vmem>>, vector<1x16xi32>,
    %swap3A_367 = vector.shape_cast %swap3A_366 : vector<1x16xi32> to vector<16xi32>
    %swap3A_368 = vector.shape_cast %shift_right_logical3A_362 : vector<16xi32> to vector<1x16xi32>
    tpu.vector_store %arg7[%swap3A_364, %swap3A_365], %swap3A_368 {strides = array<i32>} : memref<2x128xi32, #tpu.memory_space<vmem>>, vector<1x16xi32>,
    %dma_start3A = arith.constant 0 : i32
    %dma_start3A_369 = arith.constant 0 : i32
    %dma_start3A_370 = tpu.memref_slice %arg6[%dma_start3A, %dma_start3A_369] : memref<2x128xi32, #tpu.memory_space<vmem>> -> memref<1x128xi32, #tpu.memory_space<vmem>>
    %dma_start3A_371 = tpu.memref_squeeze %dma_start3A_370 : memref<1x128xi32, #tpu.memory_space<vmem>> -> memref<128xi32, #tpu.memory_space<vmem>>
    %dma_start3A_372 = arith.constant 0 : i32
    %dma_start3A_373 = arith.constant 0 : i32
    %dma_start3A_374 = tpu.memref_slice %arg10[%dma_start3A_372, %dma_start3A_373] : memref<10240x128xf32, #tpu.memory_space<vmem_shared>> -> memref<10240x128xf32, #tpu.memory_space<vmem_shared>>
    tpu.enqueue_indirect_dma source(%dma_start3A_374 : memref<10240x128xf32, #tpu.memory_space<vmem_shared>>) target(%arg8 : memref<128x128xf32, #tpu.memory_space<vmem>>) offsets(%dma_start3A_371 : memref<128xi32, #tpu.memory_space<vmem>>) semaphore(%arg11 : memref<!tpu.dma_semaphore, #tpu.memory_space<semaphore_mem>>)
    %dma_start3A_375 = arith.constant 1 : i32
    %dma_start3A_376 = arith.constant 0 : i32
    %dma_start3A_377 = tpu.memref_slice %arg6[%dma_start3A_375, %dma_start3A_376] : memref<2x128xi32, #tpu.memory_space<vmem>> -> memref<1x128xi32, #tpu.memory_space<vmem>>
    %dma_start3A_378 = tpu.memref_squeeze %dma_start3A_377 : memref<1x128xi32, #tpu.memory_space<vmem>> -> memref<128xi32, #tpu.memory_space<vmem>>
    %dma_start3A_379 = arith.constant 0 : i32
    %dma_start3A_380 = arith.constant 0 : i32
    %dma_start3A_381 = tpu.memref_slice %arg10[%dma_start3A_379, %dma_start3A_380] : memref<10240x128xf32, #tpu.memory_space<vmem_shared>> -> memref<10240x128xf32, #tpu.memory_space<vmem_shared>>
    tpu.enqueue_indirect_dma source(%dma_start3A_381 : memref<10240x128xf32, #tpu.memory_space<vmem_shared>>) target(%arg9 : memref<128x128xf32, #tpu.memory_space<vmem>>) offsets(%dma_start3A_378 : memref<128xi32, #tpu.memory_space<vmem>>) semaphore(%arg12 : memref<!tpu.dma_semaphore, #tpu.memory_space<semaphore_mem>>)
    "tpu.region"() ({
      %run_scoped3A = tpu.sem_alloc : memref<!tpu.dma_semaphore, #tpu.memory_space<semaphore_mem>>
      %dma_start3A_387 = arith.constant 0 : i32
      %dma_start3A_388 = tpu.memref_slice %arg10[%mul3A_2, %dma_start3A_387] : memref<10240x128xf32, #tpu.memory_space<vmem_shared>> -> memref<640x128xf32, #tpu.memory_space<vmem_shared>>
      %dma_start3A_389 = arith.constant 0 : i32
      %dma_start3A_390 = tpu.memref_slice %arg2[%mul3A_2, %dma_start3A_389] : memref<10240x128xf32, #tpu.memory_space<hbm>> -> memref<640x128xf32, #tpu.memory_space<hbm>>
      tpu.enqueue_dma source(%dma_start3A_390 : memref<640x128xf32, #tpu.memory_space<hbm>>) target(%dma_start3A_388 : memref<640x128xf32, #tpu.memory_space<vmem_shared>>) target_semaphore(%run_scoped3A : memref<!tpu.dma_semaphore, #tpu.memory_space<semaphore_mem>>)
      %dma_wait3A = arith.constant 0 : i32
      %dma_wait3A_391 = tpu.memref_slice %arg10[%mul3A_2, %dma_wait3A] : memref<10240x128xf32, #tpu.memory_space<vmem_shared>> -> memref<640x128xf32, #tpu.memory_space<vmem_shared>>
      %dma_wait3A_392 = arith.constant 0 : i32
      %dma_wait3A_393 = tpu.memref_slice %arg2[%mul3A_2, %dma_wait3A_392] : memref<10240x128xf32, #tpu.memory_space<hbm>> -> memref<640x128xf32, #tpu.memory_space<hbm>>
      tpu.wait_dma2 semaphore(%run_scoped3A : memref<!tpu.dma_semaphore, #tpu.memory_space<semaphore_mem>>) src(%dma_wait3A_393 : memref<640x128xf32, #tpu.memory_space<hbm>>) dst(%dma_wait3A_391 : memref<640x128xf32, #tpu.memory_space<vmem_shared>>)
      tpu.yield
    }) : () -> ()
    %barrier3A = arith.constant 0 : index
    tpu.barrier barrier_id(%barrier3A)
    %scan3A = arith.constant 0 : i32
    %scan3A_382 = arith.constant 40 : i32
    %scan3A_383 = arith.addi %scan3A, %scan3A_382 : i32
    %scan3A_384 = arith.constant 1 : i32
    scf.for %scan3A_387 = %scan3A to %scan3A_383 step %scan3A_384  : i32 {
      %mul3A_388 = arith.constant 2 : i32
      %mul3A_389 = arith.muli %scan3A_387, %mul3A_388 : i32
      %add3A_390 = arith.constant 0 : i32
      %add3A_391 = arith.addi %add3A_390, %mul3A_389 : i32
      %dma_wait3A = arith.constant 0 : i32
      %dma_wait3A_392 = arith.constant 0 : i32
      %dma_wait3A_393 = tpu.memref_slice %arg6[%dma_wait3A, %dma_wait3A_392] : memref<2x128xi32, #tpu.memory_space<vmem>> -> memref<1x128xi32, #tpu.memory_space<vmem>>
      %dma_wait3A_394 = tpu.memref_squeeze %dma_wait3A_393 : memref<1x128xi32, #tpu.memory_space<vmem>> -> memref<128xi32, #tpu.memory_space<vmem>>
      %dma_wait3A_395 = arith.constant 0 : i32
      %dma_wait3A_396 = arith.constant 0 : i32
      %dma_wait3A_397 = tpu.memref_slice %arg10[%dma_wait3A_395, %dma_wait3A_396] : memref<10240x128xf32, #tpu.memory_space<vmem_shared>> -> memref<10240x128xf32, #tpu.memory_space<vmem_shared>>
      tpu.wait_indirect_dma semaphore(%arg11 : memref<!tpu.dma_semaphore, #tpu.memory_space<semaphore_mem>>) src(%dma_wait3A_397 : memref<10240x128xf32, #tpu.memory_space<vmem_shared>>) dst(%arg8 : memref<128x128xf32, #tpu.memory_space<vmem>>)
      %run_scoped3A = arith.constant 0 : i32
      "tpu.region"() ({
        %run_scoped3A_417 = tpu.sem_alloc : memref<!tpu.dma_semaphore, #tpu.memory_space<semaphore_mem>>
        %dma_start3A_418 = arith.constant 0 : i32
        %dma_start3A_419 = tpu.memref_slice %arg7[%run_scoped3A, %dma_start3A_418] : memref<2x128xi32, #tpu.memory_space<vmem>> -> memref<1x128xi32, #tpu.memory_space<vmem>>
        %dma_start3A_420 = tpu.memref_squeeze %dma_start3A_419 : memref<1x128xi32, #tpu.memory_space<vmem>> -> memref<128xi32, #tpu.memory_space<vmem>>
        %dma_start3A_421 = arith.constant 0 : i32
        %dma_start3A_422 = arith.constant 0 : i32
        %dma_start3A_423 = tpu.memref_slice %arg10[%dma_start3A_421, %dma_start3A_422] : memref<10240x128xf32, #tpu.memory_space<vmem_shared>> -> memref<10240x128xf32, #tpu.memory_space<vmem_shared>>
        tpu.enqueue_indirect_dma source(%arg8 : memref<128x128xf32, #tpu.memory_space<vmem>>) target(%dma_start3A_423 : memref<10240x128xf32, #tpu.memory_space<vmem_shared>>) offsets(%dma_start3A_420 : memref<128xi32, #tpu.memory_space<vmem>>) semaphore(%run_scoped3A_417 : memref<!tpu.dma_semaphore, #tpu.memory_space<semaphore_mem>>) {add = true}
        %dma_wait3A_424 = arith.constant 0 : i32
        %dma_wait3A_425 = tpu.memref_slice %arg7[%run_scoped3A, %dma_wait3A_424] : memref<2x128xi32, #tpu.memory_space<vmem>> -> memref<1x128xi32, #tpu.memory_space<vmem>>
        %dma_wait3A_426 = tpu.memref_squeeze %dma_wait3A_425 : memref<1x128xi32, #tpu.memory_space<vmem>> -> memref<128xi32, #tpu.memory_space<vmem>>
        %dma_wait3A_427 = arith.constant 0 : i32
        %dma_wait3A_428 = arith.constant 0 : i32
        %dma_wait3A_429 = tpu.memref_slice %arg10[%dma_wait3A_427, %dma_wait3A_428] : memref<10240x128xf32, #tpu.memory_space<vmem_shared>> -> memref<10240x128xf32, #tpu.memory_space<vmem_shared>>
        tpu.wait_indirect_dma semaphore(%run_scoped3A_417 : memref<!tpu.dma_semaphore, #tpu.memory_space<semaphore_mem>>) src(%arg8 : memref<128x128xf32, #tpu.memory_space<vmem>>) dst(%dma_wait3A_429 : memref<10240x128xf32, #tpu.memory_space<vmem_shared>>)
        tpu.yield
      }) : () -> ()
      %add3A_398 = arith.constant 2 : i32
      %add3A_399 = arith.addi %add3A_391, %add3A_398 : i32
      %lt3A = arith.constant 80 : i32
      %lt3A_400 = arith.cmpi slt, %add3A_399, %lt3A : i32
      %convert_element_type3A = arith.extui %lt3A_400 : i1 to i32
      %cond3A = arith.constant 0 : i32
      %cond3A_401 = arith.cmpi ne, %convert_element_type3A, %cond3A : i32
      scf.if %cond3A_401 {
        %add3A_417 = arith.constant 2 : i32
        %add3A_418 = arith.addi %add3A_391, %add3A_417 : i32
        %get3A_419 = arith.index_cast %add3A_418 : i32 to index
        %get3A_420 = arith.constant 0 : index
        %get3A_421 = tpu.vector_load %arg5[%get3A_419, %get3A_420] {strides = array<i32>} : memref<80x128xi32, #tpu.memory_space<vmem>>, vector<1x16xi32>,
        %get3A_422 = vector.shape_cast %get3A_421 : vector<1x16xi32> to vector<16xi32>
        %and3A_423 = arith.constant 65535 : i32
        %and3A_424 = vector.broadcast %and3A_423 : i32 to vector<16xi32>
        %and3A_425 = arith.andi %get3A_422, %and3A_424 : vector<16xi32>
        %swap3A_426 = arith.constant 0 : i32
        %swap3A_427 = arith.index_cast %swap3A_426 : i32 to index
        %swap3A_428 = arith.constant 0 : index
        %swap3A_429 = tpu.vector_load %arg6[%swap3A_427, %swap3A_428] {strides = array<i32>} : memref<2x128xi32, #tpu.memory_space<vmem>>, vector<1x16xi32>,
        %swap3A_430 = vector.shape_cast %swap3A_429 : vector<1x16xi32> to vector<16xi32>
        %swap3A_431 = vector.shape_cast %and3A_425 : vector<16xi32> to vector<1x16xi32>
        tpu.vector_store %arg6[%swap3A_427, %swap3A_428], %swap3A_431 {strides = array<i32>} : memref<2x128xi32, #tpu.memory_space<vmem>>, vector<1x16xi32>,
        %shift_right_logical3A_432 = arith.constant 16 : i32
        %shift_right_logical3A_433 = vector.broadcast %shift_right_logical3A_432 : i32 to vector<16xi32>
        %shift_right_logical3A_434 = arith.shrui %get3A_422, %shift_right_logical3A_433 : vector<16xi32>
        %swap3A_435 = arith.constant 0 : i32
        %swap3A_436 = arith.index_cast %swap3A_435 : i32 to index
        %swap3A_437 = arith.constant 0 : index
        %swap3A_438 = tpu.vector_load %arg7[%swap3A_436, %swap3A_437] {strides = array<i32>} : memref<2x128xi32, #tpu.memory_space<vmem>>, vector<1x16xi32>,
        %swap3A_439 = vector.shape_cast %swap3A_438 : vector<1x16xi32> to vector<16xi32>
        %swap3A_440 = vector.shape_cast %shift_right_logical3A_434 : vector<16xi32> to vector<1x16xi32>
        tpu.vector_store %arg7[%swap3A_436, %swap3A_437], %swap3A_440 {strides = array<i32>} : memref<2x128xi32, #tpu.memory_space<vmem>>, vector<1x16xi32>,
        %get3A_441 = arith.index_cast %add3A_418 : i32 to index
        %get3A_442 = arith.constant 16 : index
        %get3A_443 = tpu.vector_load %arg5[%get3A_441, %get3A_442] {strides = array<i32>} : memref<80x128xi32, #tpu.memory_space<vmem>>, vector<1x16xi32>,
        %get3A_444 = vector.shape_cast %get3A_443 : vector<1x16xi32> to vector<16xi32>
        %and3A_445 = arith.constant 65535 : i32
        %and3A_446 = vector.broadcast %and3A_445 : i32 to vector<16xi32>
        %and3A_447 = arith.andi %get3A_444, %and3A_446 : vector<16xi32>
        %swap3A_448 = arith.constant 0 : i32
        %swap3A_449 = arith.index_cast %swap3A_448 : i32 to index
        %swap3A_450 = arith.constant 16 : index
        %swap3A_451 = tpu.vector_load %arg6[%swap3A_449, %swap3A_450] {strides = array<i32>} : memref<2x128xi32, #tpu.memory_space<vmem>>, vector<1x16xi32>,
        %swap3A_452 = vector.shape_cast %swap3A_451 : vector<1x16xi32> to vector<16xi32>
        %swap3A_453 = vector.shape_cast %and3A_447 : vector<16xi32> to vector<1x16xi32>
        tpu.vector_store %arg6[%swap3A_449, %swap3A_450], %swap3A_453 {strides = array<i32>} : memref<2x128xi32, #tpu.memory_space<vmem>>, vector<1x16xi32>,
        %shift_right_logical3A_454 = arith.constant 16 : i32
        %shift_right_logical3A_455 = vector.broadcast %shift_right_logical3A_454 : i32 to vector<16xi32>
        %shift_right_logical3A_456 = arith.shrui %get3A_444, %shift_right_logical3A_455 : vector<16xi32>
        %swap3A_457 = arith.constant 0 : i32
        %swap3A_458 = arith.index_cast %swap3A_457 : i32 to index
        %swap3A_459 = arith.constant 16 : index
        %swap3A_460 = tpu.vector_load %arg7[%swap3A_458, %swap3A_459] {strides = array<i32>} : memref<2x128xi32, #tpu.memory_space<vmem>>, vector<1x16xi32>,
        %swap3A_461 = vector.shape_cast %swap3A_460 : vector<1x16xi32> to vector<16xi32>
        %swap3A_462 = vector.shape_cast %shift_right_logical3A_456 : vector<16xi32> to vector<1x16xi32>
        tpu.vector_store %arg7[%swap3A_458, %swap3A_459], %swap3A_462 {strides = array<i32>} : memref<2x128xi32, #tpu.memory_space<vmem>>, vector<1x16xi32>,
        %get3A_463 = arith.index_cast %add3A_418 : i32 to index
        %get3A_464 = arith.constant 32 : index
        %get3A_465 = tpu.vector_load %arg5[%get3A_463, %get3A_464] {strides = array<i32>} : memref<80x128xi32, #tpu.memory_space<vmem>>, vector<1x16xi32>,
        %get3A_466 = vector.shape_cast %get3A_465 : vector<1x16xi32> to vector<16xi32>
        %and3A_467 = arith.constant 65535 : i32
        %and3A_468 = vector.broadcast %and3A_467 : i32 to vector<16xi32>
        %and3A_469 = arith.andi %get3A_466, %and3A_468 : vector<16xi32>
        %swap3A_470 = arith.constant 0 : i32
        %swap3A_471 = arith.index_cast %swap3A_470 : i32 to index
        %swap3A_472 = arith.constant 32 : index
        %swap3A_473 = tpu.vector_load %arg6[%swap3A_471, %swap3A_472] {strides = array<i32>} : memref<2x128xi32, #tpu.memory_space<vmem>>, vector<1x16xi32>,
        %swap3A_474 = vector.shape_cast %swap3A_473 : vector<1x16xi32> to vector<16xi32>
        %swap3A_475 = vector.shape_cast %and3A_469 : vector<16xi32> to vector<1x16xi32>
        tpu.vector_store %arg6[%swap3A_471, %swap3A_472], %swap3A_475 {strides = array<i32>} : memref<2x128xi32, #tpu.memory_space<vmem>>, vector<1x16xi32>,
        %shift_right_logical3A_476 = arith.constant 16 : i32
        %shift_right_logical3A_477 = vector.broadcast %shift_right_logical3A_476 : i32 to vector<16xi32>
        %shift_right_logical3A_478 = arith.shrui %get3A_466, %shift_right_logical3A_477 : vector<16xi32>
        %swap3A_479 = arith.constant 0 : i32
        %swap3A_480 = arith.index_cast %swap3A_479 : i32 to index
        %swap3A_481 = arith.constant 32 : index
        %swap3A_482 = tpu.vector_load %arg7[%swap3A_480, %swap3A_481] {strides = array<i32>} : memref<2x128xi32, #tpu.memory_space<vmem>>, vector<1x16xi32>,
        %swap3A_483 = vector.shape_cast %swap3A_482 : vector<1x16xi32> to vector<16xi32>
        %swap3A_484 = vector.shape_cast %shift_right_logical3A_478 : vector<16xi32> to vector<1x16xi32>
        tpu.vector_store %arg7[%swap3A_480, %swap3A_481], %swap3A_484 {strides = array<i32>} : memref<2x128xi32, #tpu.memory_space<vmem>>, vector<1x16xi32>,
        %get3A_485 = arith.index_cast %add3A_418 : i32 to index
        %get3A_486 = arith.constant 48 : index
        %get3A_487 = tpu.vector_load %arg5[%get3A_485, %get3A_486] {strides = array<i32>} : memref<80x128xi32, #tpu.memory_space<vmem>>, vector<1x16xi32>,
        %get3A_488 = vector.shape_cast %get3A_487 : vector<1x16xi32> to vector<16xi32>
        %and3A_489 = arith.constant 65535 : i32
        %and3A_490 = vector.broadcast %and3A_489 : i32 to vector<16xi32>
        %and3A_491 = arith.andi %get3A_488, %and3A_490 : vector<16xi32>
        %swap3A_492 = arith.constant 0 : i32
        %swap3A_493 = arith.index_cast %swap3A_492 : i32 to index
        %swap3A_494 = arith.constant 48 : index
        %swap3A_495 = tpu.vector_load %arg6[%swap3A_493, %swap3A_494] {strides = array<i32>} : memref<2x128xi32, #tpu.memory_space<vmem>>, vector<1x16xi32>,
        %swap3A_496 = vector.shape_cast %swap3A_495 : vector<1x16xi32> to vector<16xi32>
        %swap3A_497 = vector.shape_cast %and3A_491 : vector<16xi32> to vector<1x16xi32>
        tpu.vector_store %arg6[%swap3A_493, %swap3A_494], %swap3A_497 {strides = array<i32>} : memref<2x128xi32, #tpu.memory_space<vmem>>, vector<1x16xi32>,
        %shift_right_logical3A_498 = arith.constant 16 : i32
        %shift_right_logical3A_499 = vector.broadcast %shift_right_logical3A_498 : i32 to vector<16xi32>
        %shift_right_logical3A_500 = arith.shrui %get3A_488, %shift_right_logical3A_499 : vector<16xi32>
        %swap3A_501 = arith.constant 0 : i32
        %swap3A_502 = arith.index_cast %swap3A_501 : i32 to index
        %swap3A_503 = arith.constant 48 : index
        %swap3A_504 = tpu.vector_load %arg7[%swap3A_502, %swap3A_503] {strides = array<i32>} : memref<2x128xi32, #tpu.memory_space<vmem>>, vector<1x16xi32>,
        %swap3A_505 = vector.shape_cast %swap3A_504 : vector<1x16xi32> to vector<16xi32>
        %swap3A_506 = vector.shape_cast %shift_right_logical3A_500 : vector<16xi32> to vector<1x16xi32>
        tpu.vector_store %arg7[%swap3A_502, %swap3A_503], %swap3A_506 {strides = array<i32>} : memref<2x128xi32, #tpu.memory_space<vmem>>, vector<1x16xi32>,
        %get3A_507 = arith.index_cast %add3A_418 : i32 to index
        %get3A_508 = arith.constant 64 : index
        %get3A_509 = tpu.vector_load %arg5[%get3A_507, %get3A_508] {strides = array<i32>} : memref<80x128xi32, #tpu.memory_space<vmem>>, vector<1x16xi32>,
        %get3A_510 = vector.shape_cast %get3A_509 : vector<1x16xi32> to vector<16xi32>
        %and3A_511 = arith.constant 65535 : i32
        %and3A_512 = vector.broadcast %and3A_511 : i32 to vector<16xi32>
        %and3A_513 = arith.andi %get3A_510, %and3A_512 : vector<16xi32>
        %swap3A_514 = arith.constant 0 : i32
        %swap3A_515 = arith.index_cast %swap3A_514 : i32 to index
        %swap3A_516 = arith.constant 64 : index
        %swap3A_517 = tpu.vector_load %arg6[%swap3A_515, %swap3A_516] {strides = array<i32>} : memref<2x128xi32, #tpu.memory_space<vmem>>, vector<1x16xi32>,
        %swap3A_518 = vector.shape_cast %swap3A_517 : vector<1x16xi32> to vector<16xi32>
        %swap3A_519 = vector.shape_cast %and3A_513 : vector<16xi32> to vector<1x16xi32>
        tpu.vector_store %arg6[%swap3A_515, %swap3A_516], %swap3A_519 {strides = array<i32>} : memref<2x128xi32, #tpu.memory_space<vmem>>, vector<1x16xi32>,
        %shift_right_logical3A_520 = arith.constant 16 : i32
        %shift_right_logical3A_521 = vector.broadcast %shift_right_logical3A_520 : i32 to vector<16xi32>
        %shift_right_logical3A_522 = arith.shrui %get3A_510, %shift_right_logical3A_521 : vector<16xi32>
        %swap3A_523 = arith.constant 0 : i32
        %swap3A_524 = arith.index_cast %swap3A_523 : i32 to index
        %swap3A_525 = arith.constant 64 : index
        %swap3A_526 = tpu.vector_load %arg7[%swap3A_524, %swap3A_525] {strides = array<i32>} : memref<2x128xi32, #tpu.memory_space<vmem>>, vector<1x16xi32>,
        %swap3A_527 = vector.shape_cast %swap3A_526 : vector<1x16xi32> to vector<16xi32>
        %swap3A_528 = vector.shape_cast %shift_right_logical3A_522 : vector<16xi32> to vector<1x16xi32>
        tpu.vector_store %arg7[%swap3A_524, %swap3A_525], %swap3A_528 {strides = array<i32>} : memref<2x128xi32, #tpu.memory_space<vmem>>, vector<1x16xi32>,
        %get3A_529 = arith.index_cast %add3A_418 : i32 to index
        %get3A_530 = arith.constant 80 : index
        %get3A_531 = tpu.vector_load %arg5[%get3A_529, %get3A_530] {strides = array<i32>} : memref<80x128xi32, #tpu.memory_space<vmem>>, vector<1x16xi32>,
        %get3A_532 = vector.shape_cast %get3A_531 : vector<1x16xi32> to vector<16xi32>
        %and3A_533 = arith.constant 65535 : i32
        %and3A_534 = vector.broadcast %and3A_533 : i32 to vector<16xi32>
        %and3A_535 = arith.andi %get3A_532, %and3A_534 : vector<16xi32>
        %swap3A_536 = arith.constant 0 : i32
        %swap3A_537 = arith.index_cast %swap3A_536 : i32 to index
        %swap3A_538 = arith.constant 80 : index
        %swap3A_539 = tpu.vector_load %arg6[%swap3A_537, %swap3A_538] {strides = array<i32>} : memref<2x128xi32, #tpu.memory_space<vmem>>, vector<1x16xi32>,
        %swap3A_540 = vector.shape_cast %swap3A_539 : vector<1x16xi32> to vector<16xi32>
        %swap3A_541 = vector.shape_cast %and3A_535 : vector<16xi32> to vector<1x16xi32>
        tpu.vector_store %arg6[%swap3A_537, %swap3A_538], %swap3A_541 {strides = array<i32>} : memref<2x128xi32, #tpu.memory_space<vmem>>, vector<1x16xi32>,
        %shift_right_logical3A_542 = arith.constant 16 : i32
        %shift_right_logical3A_543 = vector.broadcast %shift_right_logical3A_542 : i32 to vector<16xi32>
        %shift_right_logical3A_544 = arith.shrui %get3A_532, %shift_right_logical3A_543 : vector<16xi32>
        %swap3A_545 = arith.constant 0 : i32
        %swap3A_546 = arith.index_cast %swap3A_545 : i32 to index
        %swap3A_547 = arith.constant 80 : index
        %swap3A_548 = tpu.vector_load %arg7[%swap3A_546, %swap3A_547] {strides = array<i32>} : memref<2x128xi32, #tpu.memory_space<vmem>>, vector<1x16xi32>,
        %swap3A_549 = vector.shape_cast %swap3A_548 : vector<1x16xi32> to vector<16xi32>
        %swap3A_550 = vector.shape_cast %shift_right_logical3A_544 : vector<16xi32> to vector<1x16xi32>
        tpu.vector_store %arg7[%swap3A_546, %swap3A_547], %swap3A_550 {strides = array<i32>} : memref<2x128xi32, #tpu.memory_space<vmem>>, vector<1x16xi32>,
        %get3A_551 = arith.index_cast %add3A_418 : i32 to index
        %get3A_552 = arith.constant 96 : index
        %get3A_553 = tpu.vector_load %arg5[%get3A_551, %get3A_552] {strides = array<i32>} : memref<80x128xi32, #tpu.memory_space<vmem>>, vector<1x16xi32>,
        %get3A_554 = vector.shape_cast %get3A_553 : vector<1x16xi32> to vector<16xi32>
        %and3A_555 = arith.constant 65535 : i32
        %and3A_556 = vector.broadcast %and3A_555 : i32 to vector<16xi32>
        %and3A_557 = arith.andi %get3A_554, %and3A_556 : vector<16xi32>
        %swap3A_558 = arith.constant 0 : i32
        %swap3A_559 = arith.index_cast %swap3A_558 : i32 to index
        %swap3A_560 = arith.constant 96 : index
        %swap3A_561 = tpu.vector_load %arg6[%swap3A_559, %swap3A_560] {strides = array<i32>} : memref<2x128xi32, #tpu.memory_space<vmem>>, vector<1x16xi32>,
        %swap3A_562 = vector.shape_cast %swap3A_561 : vector<1x16xi32> to vector<16xi32>
        %swap3A_563 = vector.shape_cast %and3A_557 : vector<16xi32> to vector<1x16xi32>
        tpu.vector_store %arg6[%swap3A_559, %swap3A_560], %swap3A_563 {strides = array<i32>} : memref<2x128xi32, #tpu.memory_space<vmem>>, vector<1x16xi32>,
        %shift_right_logical3A_564 = arith.constant 16 : i32
        %shift_right_logical3A_565 = vector.broadcast %shift_right_logical3A_564 : i32 to vector<16xi32>
        %shift_right_logical3A_566 = arith.shrui %get3A_554, %shift_right_logical3A_565 : vector<16xi32>
        %swap3A_567 = arith.constant 0 : i32
        %swap3A_568 = arith.index_cast %swap3A_567 : i32 to index
        %swap3A_569 = arith.constant 96 : index
        %swap3A_570 = tpu.vector_load %arg7[%swap3A_568, %swap3A_569] {strides = array<i32>} : memref<2x128xi32, #tpu.memory_space<vmem>>, vector<1x16xi32>,
        %swap3A_571 = vector.shape_cast %swap3A_570 : vector<1x16xi32> to vector<16xi32>
        %swap3A_572 = vector.shape_cast %shift_right_logical3A_566 : vector<16xi32> to vector<1x16xi32>
        tpu.vector_store %arg7[%swap3A_568, %swap3A_569], %swap3A_572 {strides = array<i32>} : memref<2x128xi32, #tpu.memory_space<vmem>>, vector<1x16xi32>,
        %get3A_573 = arith.index_cast %add3A_418 : i32 to index
        %get3A_574 = arith.constant 112 : index
        %get3A_575 = tpu.vector_load %arg5[%get3A_573, %get3A_574] {strides = array<i32>} : memref<80x128xi32, #tpu.memory_space<vmem>>, vector<1x16xi32>,
        %get3A_576 = vector.shape_cast %get3A_575 : vector<1x16xi32> to vector<16xi32>
        %and3A_577 = arith.constant 65535 : i32
        %and3A_578 = vector.broadcast %and3A_577 : i32 to vector<16xi32>
        %and3A_579 = arith.andi %get3A_576, %and3A_578 : vector<16xi32>
        %swap3A_580 = arith.constant 0 : i32
        %swap3A_581 = arith.index_cast %swap3A_580 : i32 to index
        %swap3A_582 = arith.constant 112 : index
        %swap3A_583 = tpu.vector_load %arg6[%swap3A_581, %swap3A_582] {strides = array<i32>} : memref<2x128xi32, #tpu.memory_space<vmem>>, vector<1x16xi32>,
        %swap3A_584 = vector.shape_cast %swap3A_583 : vector<1x16xi32> to vector<16xi32>
        %swap3A_585 = vector.shape_cast %and3A_579 : vector<16xi32> to vector<1x16xi32>
        tpu.vector_store %arg6[%swap3A_581, %swap3A_582], %swap3A_585 {strides = array<i32>} : memref<2x128xi32, #tpu.memory_space<vmem>>, vector<1x16xi32>,
        %shift_right_logical3A_586 = arith.constant 16 : i32
        %shift_right_logical3A_587 = vector.broadcast %shift_right_logical3A_586 : i32 to vector<16xi32>
        %shift_right_logical3A_588 = arith.shrui %get3A_576, %shift_right_logical3A_587 : vector<16xi32>
        %swap3A_589 = arith.constant 0 : i32
        %swap3A_590 = arith.index_cast %swap3A_589 : i32 to index
        %swap3A_591 = arith.constant 112 : index
        %swap3A_592 = tpu.vector_load %arg7[%swap3A_590, %swap3A_591] {strides = array<i32>} : memref<2x128xi32, #tpu.memory_space<vmem>>, vector<1x16xi32>,
        %swap3A_593 = vector.shape_cast %swap3A_592 : vector<1x16xi32> to vector<16xi32>
        %swap3A_594 = vector.shape_cast %shift_right_logical3A_588 : vector<16xi32> to vector<1x16xi32>
        tpu.vector_store %arg7[%swap3A_590, %swap3A_591], %swap3A_594 {strides = array<i32>} : memref<2x128xi32, #tpu.memory_space<vmem>>, vector<1x16xi32>,
        %dma_start3A_595 = arith.constant 0 : i32
        %dma_start3A_596 = arith.constant 0 : i32
        %dma_start3A_597 = tpu.memref_slice %arg6[%dma_start3A_595, %dma_start3A_596] : memref<2x128xi32, #tpu.memory_space<vmem>> -> memref<1x128xi32, #tpu.memory_space<vmem>>
        %dma_start3A_598 = tpu.memref_squeeze %dma_start3A_597 : memref<1x128xi32, #tpu.memory_space<vmem>> -> memref<128xi32, #tpu.memory_space<vmem>>
        %dma_start3A_599 = arith.constant 0 : i32
        %dma_start3A_600 = arith.constant 0 : i32
        %dma_start3A_601 = tpu.memref_slice %arg10[%dma_start3A_599, %dma_start3A_600] : memref<10240x128xf32, #tpu.memory_space<vmem_shared>> -> memref<10240x128xf32, #tpu.memory_space<vmem_shared>>
        tpu.enqueue_indirect_dma source(%dma_start3A_601 : memref<10240x128xf32, #tpu.memory_space<vmem_shared>>) target(%arg8 : memref<128x128xf32, #tpu.memory_space<vmem>>) offsets(%dma_start3A_598 : memref<128xi32, #tpu.memory_space<vmem>>) semaphore(%arg11 : memref<!tpu.dma_semaphore, #tpu.memory_space<semaphore_mem>>)
      } else {
      }
      %dma_wait3A_402 = arith.constant 1 : i32
      %dma_wait3A_403 = arith.constant 0 : i32
      %dma_wait3A_404 = tpu.memref_slice %arg6[%dma_wait3A_402, %dma_wait3A_403] : memref<2x128xi32, #tpu.memory_space<vmem>> -> memref<1x128xi32, #tpu.memory_space<vmem>>
      %dma_wait3A_405 = tpu.memref_squeeze %dma_wait3A_404 : memref<1x128xi32, #tpu.memory_space<vmem>> -> memref<128xi32, #tpu.memory_space<vmem>>
      %dma_wait3A_406 = arith.constant 0 : i32
      %dma_wait3A_407 = arith.constant 0 : i32
      %dma_wait3A_408 = tpu.memref_slice %arg10[%dma_wait3A_406, %dma_wait3A_407] : memref<10240x128xf32, #tpu.memory_space<vmem_shared>> -> memref<10240x128xf32, #tpu.memory_space<vmem_shared>>
      tpu.wait_indirect_dma semaphore(%arg12 : memref<!tpu.dma_semaphore, #tpu.memory_space<semaphore_mem>>) src(%dma_wait3A_408 : memref<10240x128xf32, #tpu.memory_space<vmem_shared>>) dst(%arg9 : memref<128x128xf32, #tpu.memory_space<vmem>>)
      %run_scoped3A_409 = arith.constant 1 : i32
      "tpu.region"() ({
        %run_scoped3A_417 = tpu.sem_alloc : memref<!tpu.dma_semaphore, #tpu.memory_space<semaphore_mem>>
        %dma_start3A_418 = arith.constant 0 : i32
        %dma_start3A_419 = tpu.memref_slice %arg7[%run_scoped3A_409, %dma_start3A_418] : memref<2x128xi32, #tpu.memory_space<vmem>> -> memref<1x128xi32, #tpu.memory_space<vmem>>
        %dma_start3A_420 = tpu.memref_squeeze %dma_start3A_419 : memref<1x128xi32, #tpu.memory_space<vmem>> -> memref<128xi32, #tpu.memory_space<vmem>>
        %dma_start3A_421 = arith.constant 0 : i32
        %dma_start3A_422 = arith.constant 0 : i32
        %dma_start3A_423 = tpu.memref_slice %arg10[%dma_start3A_421, %dma_start3A_422] : memref<10240x128xf32, #tpu.memory_space<vmem_shared>> -> memref<10240x128xf32, #tpu.memory_space<vmem_shared>>
        tpu.enqueue_indirect_dma source(%arg9 : memref<128x128xf32, #tpu.memory_space<vmem>>) target(%dma_start3A_423 : memref<10240x128xf32, #tpu.memory_space<vmem_shared>>) offsets(%dma_start3A_420 : memref<128xi32, #tpu.memory_space<vmem>>) semaphore(%run_scoped3A_417 : memref<!tpu.dma_semaphore, #tpu.memory_space<semaphore_mem>>) {add = true}
        %dma_wait3A_424 = arith.constant 0 : i32
        %dma_wait3A_425 = tpu.memref_slice %arg7[%run_scoped3A_409, %dma_wait3A_424] : memref<2x128xi32, #tpu.memory_space<vmem>> -> memref<1x128xi32, #tpu.memory_space<vmem>>
        %dma_wait3A_426 = tpu.memref_squeeze %dma_wait3A_425 : memref<1x128xi32, #tpu.memory_space<vmem>> -> memref<128xi32, #tpu.memory_space<vmem>>
        %dma_wait3A_427 = arith.constant 0 : i32
        %dma_wait3A_428 = arith.constant 0 : i32
        %dma_wait3A_429 = tpu.memref_slice %arg10[%dma_wait3A_427, %dma_wait3A_428] : memref<10240x128xf32, #tpu.memory_space<vmem_shared>> -> memref<10240x128xf32, #tpu.memory_space<vmem_shared>>
        tpu.wait_indirect_dma semaphore(%run_scoped3A_417 : memref<!tpu.dma_semaphore, #tpu.memory_space<semaphore_mem>>) src(%arg9 : memref<128x128xf32, #tpu.memory_space<vmem>>) dst(%dma_wait3A_429 : memref<10240x128xf32, #tpu.memory_space<vmem_shared>>)
        tpu.yield
      }) : () -> ()
      %add3A_410 = arith.constant 3 : i32
      %add3A_411 = arith.addi %add3A_391, %add3A_410 : i32
      %lt3A_412 = arith.constant 80 : i32
      %lt3A_413 = arith.cmpi slt, %add3A_411, %lt3A_412 : i32
      %convert_element_type3A_414 = arith.extui %lt3A_413 : i1 to i32
      %cond3A_415 = arith.constant 0 : i32
      %cond3A_416 = arith.cmpi ne, %convert_element_type3A_414, %cond3A_415 : i32
      scf.if %cond3A_416 {
        %add3A_417 = arith.constant 3 : i32
        %add3A_418 = arith.addi %add3A_391, %add3A_417 : i32
        %get3A_419 = arith.index_cast %add3A_418 : i32 to index
        %get3A_420 = arith.constant 0 : index
        %get3A_421 = tpu.vector_load %arg5[%get3A_419, %get3A_420] {strides = array<i32>} : memref<80x128xi32, #tpu.memory_space<vmem>>, vector<1x16xi32>,
        %get3A_422 = vector.shape_cast %get3A_421 : vector<1x16xi32> to vector<16xi32>
        %and3A_423 = arith.constant 65535 : i32
        %and3A_424 = vector.broadcast %and3A_423 : i32 to vector<16xi32>
        %and3A_425 = arith.andi %get3A_422, %and3A_424 : vector<16xi32>
        %swap3A_426 = arith.constant 1 : i32
        %swap3A_427 = arith.index_cast %swap3A_426 : i32 to index
        %swap3A_428 = arith.constant 0 : index
        %swap3A_429 = tpu.vector_load %arg6[%swap3A_427, %swap3A_428] {strides = array<i32>} : memref<2x128xi32, #tpu.memory_space<vmem>>, vector<1x16xi32>,
        %swap3A_430 = vector.shape_cast %swap3A_429 : vector<1x16xi32> to vector<16xi32>
        %swap3A_431 = vector.shape_cast %and3A_425 : vector<16xi32> to vector<1x16xi32>
        tpu.vector_store %arg6[%swap3A_427, %swap3A_428], %swap3A_431 {strides = array<i32>} : memref<2x128xi32, #tpu.memory_space<vmem>>, vector<1x16xi32>,
        %shift_right_logical3A_432 = arith.constant 16 : i32
        %shift_right_logical3A_433 = vector.broadcast %shift_right_logical3A_432 : i32 to vector<16xi32>
        %shift_right_logical3A_434 = arith.shrui %get3A_422, %shift_right_logical3A_433 : vector<16xi32>
        %swap3A_435 = arith.constant 1 : i32
        %swap3A_436 = arith.index_cast %swap3A_435 : i32 to index
        %swap3A_437 = arith.constant 0 : index
        %swap3A_438 = tpu.vector_load %arg7[%swap3A_436, %swap3A_437] {strides = array<i32>} : memref<2x128xi32, #tpu.memory_space<vmem>>, vector<1x16xi32>,
        %swap3A_439 = vector.shape_cast %swap3A_438 : vector<1x16xi32> to vector<16xi32>
        %swap3A_440 = vector.shape_cast %shift_right_logical3A_434 : vector<16xi32> to vector<1x16xi32>
        tpu.vector_store %arg7[%swap3A_436, %swap3A_437], %swap3A_440 {strides = array<i32>} : memref<2x128xi32, #tpu.memory_space<vmem>>, vector<1x16xi32>,
        %get3A_441 = arith.index_cast %add3A_418 : i32 to index
        %get3A_442 = arith.constant 16 : index
        %get3A_443 = tpu.vector_load %arg5[%get3A_441, %get3A_442] {strides = array<i32>} : memref<80x128xi32, #tpu.memory_space<vmem>>, vector<1x16xi32>,
        %get3A_444 = vector.shape_cast %get3A_443 : vector<1x16xi32> to vector<16xi32>
        %and3A_445 = arith.constant 65535 : i32
        %and3A_446 = vector.broadcast %and3A_445 : i32 to vector<16xi32>
        %and3A_447 = arith.andi %get3A_444, %and3A_446 : vector<16xi32>
        %swap3A_448 = arith.constant 1 : i32
        %swap3A_449 = arith.index_cast %swap3A_448 : i32 to index
        %swap3A_450 = arith.constant 16 : index
        %swap3A_451 = tpu.vector_load %arg6[%swap3A_449, %swap3A_450] {strides = array<i32>} : memref<2x128xi32, #tpu.memory_space<vmem>>, vector<1x16xi32>,
        %swap3A_452 = vector.shape_cast %swap3A_451 : vector<1x16xi32> to vector<16xi32>
        %swap3A_453 = vector.shape_cast %and3A_447 : vector<16xi32> to vector<1x16xi32>
        tpu.vector_store %arg6[%swap3A_449, %swap3A_450], %swap3A_453 {strides = array<i32>} : memref<2x128xi32, #tpu.memory_space<vmem>>, vector<1x16xi32>,
        %shift_right_logical3A_454 = arith.constant 16 : i32
        %shift_right_logical3A_455 = vector.broadcast %shift_right_logical3A_454 : i32 to vector<16xi32>
        %shift_right_logical3A_456 = arith.shrui %get3A_444, %shift_right_logical3A_455 : vector<16xi32>
        %swap3A_457 = arith.constant 1 : i32
        %swap3A_458 = arith.index_cast %swap3A_457 : i32 to index
        %swap3A_459 = arith.constant 16 : index
        %swap3A_460 = tpu.vector_load %arg7[%swap3A_458, %swap3A_459] {strides = array<i32>} : memref<2x128xi32, #tpu.memory_space<vmem>>, vector<1x16xi32>,
        %swap3A_461 = vector.shape_cast %swap3A_460 : vector<1x16xi32> to vector<16xi32>
        %swap3A_462 = vector.shape_cast %shift_right_logical3A_456 : vector<16xi32> to vector<1x16xi32>
        tpu.vector_store %arg7[%swap3A_458, %swap3A_459], %swap3A_462 {strides = array<i32>} : memref<2x128xi32, #tpu.memory_space<vmem>>, vector<1x16xi32>,
        %get3A_463 = arith.index_cast %add3A_418 : i32 to index
        %get3A_464 = arith.constant 32 : index
        %get3A_465 = tpu.vector_load %arg5[%get3A_463, %get3A_464] {strides = array<i32>} : memref<80x128xi32, #tpu.memory_space<vmem>>, vector<1x16xi32>,
        %get3A_466 = vector.shape_cast %get3A_465 : vector<1x16xi32> to vector<16xi32>
        %and3A_467 = arith.constant 65535 : i32
        %and3A_468 = vector.broadcast %and3A_467 : i32 to vector<16xi32>
        %and3A_469 = arith.andi %get3A_466, %and3A_468 : vector<16xi32>
        %swap3A_470 = arith.constant 1 : i32
        %swap3A_471 = arith.index_cast %swap3A_470 : i32 to index
        %swap3A_472 = arith.constant 32 : index
        %swap3A_473 = tpu.vector_load %arg6[%swap3A_471, %swap3A_472] {strides = array<i32>} : memref<2x128xi32, #tpu.memory_space<vmem>>, vector<1x16xi32>,
        %swap3A_474 = vector.shape_cast %swap3A_473 : vector<1x16xi32> to vector<16xi32>
        %swap3A_475 = vector.shape_cast %and3A_469 : vector<16xi32> to vector<1x16xi32>
        tpu.vector_store %arg6[%swap3A_471, %swap3A_472], %swap3A_475 {strides = array<i32>} : memref<2x128xi32, #tpu.memory_space<vmem>>, vector<1x16xi32>,
        %shift_right_logical3A_476 = arith.constant 16 : i32
        %shift_right_logical3A_477 = vector.broadcast %shift_right_logical3A_476 : i32 to vector<16xi32>
        %shift_right_logical3A_478 = arith.shrui %get3A_466, %shift_right_logical3A_477 : vector<16xi32>
        %swap3A_479 = arith.constant 1 : i32
        %swap3A_480 = arith.index_cast %swap3A_479 : i32 to index
        %swap3A_481 = arith.constant 32 : index
        %swap3A_482 = tpu.vector_load %arg7[%swap3A_480, %swap3A_481] {strides = array<i32>} : memref<2x128xi32, #tpu.memory_space<vmem>>, vector<1x16xi32>,
        %swap3A_483 = vector.shape_cast %swap3A_482 : vector<1x16xi32> to vector<16xi32>
        %swap3A_484 = vector.shape_cast %shift_right_logical3A_478 : vector<16xi32> to vector<1x16xi32>
        tpu.vector_store %arg7[%swap3A_480, %swap3A_481], %swap3A_484 {strides = array<i32>} : memref<2x128xi32, #tpu.memory_space<vmem>>, vector<1x16xi32>,
        %get3A_485 = arith.index_cast %add3A_418 : i32 to index
        %get3A_486 = arith.constant 48 : index
        %get3A_487 = tpu.vector_load %arg5[%get3A_485, %get3A_486] {strides = array<i32>} : memref<80x128xi32, #tpu.memory_space<vmem>>, vector<1x16xi32>,
        %get3A_488 = vector.shape_cast %get3A_487 : vector<1x16xi32> to vector<16xi32>
        %and3A_489 = arith.constant 65535 : i32
        %and3A_490 = vector.broadcast %and3A_489 : i32 to vector<16xi32>
        %and3A_491 = arith.andi %get3A_488, %and3A_490 : vector<16xi32>
        %swap3A_492 = arith.constant 1 : i32
        %swap3A_493 = arith.index_cast %swap3A_492 : i32 to index
        %swap3A_494 = arith.constant 48 : index
        %swap3A_495 = tpu.vector_load %arg6[%swap3A_493, %swap3A_494] {strides = array<i32>} : memref<2x128xi32, #tpu.memory_space<vmem>>, vector<1x16xi32>,
        %swap3A_496 = vector.shape_cast %swap3A_495 : vector<1x16xi32> to vector<16xi32>
        %swap3A_497 = vector.shape_cast %and3A_491 : vector<16xi32> to vector<1x16xi32>
        tpu.vector_store %arg6[%swap3A_493, %swap3A_494], %swap3A_497 {strides = array<i32>} : memref<2x128xi32, #tpu.memory_space<vmem>>, vector<1x16xi32>,
        %shift_right_logical3A_498 = arith.constant 16 : i32
        %shift_right_logical3A_499 = vector.broadcast %shift_right_logical3A_498 : i32 to vector<16xi32>
        %shift_right_logical3A_500 = arith.shrui %get3A_488, %shift_right_logical3A_499 : vector<16xi32>
        %swap3A_501 = arith.constant 1 : i32
        %swap3A_502 = arith.index_cast %swap3A_501 : i32 to index
        %swap3A_503 = arith.constant 48 : index
        %swap3A_504 = tpu.vector_load %arg7[%swap3A_502, %swap3A_503] {strides = array<i32>} : memref<2x128xi32, #tpu.memory_space<vmem>>, vector<1x16xi32>,
        %swap3A_505 = vector.shape_cast %swap3A_504 : vector<1x16xi32> to vector<16xi32>
        %swap3A_506 = vector.shape_cast %shift_right_logical3A_500 : vector<16xi32> to vector<1x16xi32>
        tpu.vector_store %arg7[%swap3A_502, %swap3A_503], %swap3A_506 {strides = array<i32>} : memref<2x128xi32, #tpu.memory_space<vmem>>, vector<1x16xi32>,
        %get3A_507 = arith.index_cast %add3A_418 : i32 to index
        %get3A_508 = arith.constant 64 : index
        %get3A_509 = tpu.vector_load %arg5[%get3A_507, %get3A_508] {strides = array<i32>} : memref<80x128xi32, #tpu.memory_space<vmem>>, vector<1x16xi32>,
        %get3A_510 = vector.shape_cast %get3A_509 : vector<1x16xi32> to vector<16xi32>
        %and3A_511 = arith.constant 65535 : i32
        %and3A_512 = vector.broadcast %and3A_511 : i32 to vector<16xi32>
        %and3A_513 = arith.andi %get3A_510, %and3A_512 : vector<16xi32>
        %swap3A_514 = arith.constant 1 : i32
        %swap3A_515 = arith.index_cast %swap3A_514 : i32 to index
        %swap3A_516 = arith.constant 64 : index
        %swap3A_517 = tpu.vector_load %arg6[%swap3A_515, %swap3A_516] {strides = array<i32>} : memref<2x128xi32, #tpu.memory_space<vmem>>, vector<1x16xi32>,
        %swap3A_518 = vector.shape_cast %swap3A_517 : vector<1x16xi32> to vector<16xi32>
        %swap3A_519 = vector.shape_cast %and3A_513 : vector<16xi32> to vector<1x16xi32>
        tpu.vector_store %arg6[%swap3A_515, %swap3A_516], %swap3A_519 {strides = array<i32>} : memref<2x128xi32, #tpu.memory_space<vmem>>, vector<1x16xi32>,
        %shift_right_logical3A_520 = arith.constant 16 : i32
        %shift_right_logical3A_521 = vector.broadcast %shift_right_logical3A_520 : i32 to vector<16xi32>
        %shift_right_logical3A_522 = arith.shrui %get3A_510, %shift_right_logical3A_521 : vector<16xi32>
        %swap3A_523 = arith.constant 1 : i32
        %swap3A_524 = arith.index_cast %swap3A_523 : i32 to index
        %swap3A_525 = arith.constant 64 : index
        %swap3A_526 = tpu.vector_load %arg7[%swap3A_524, %swap3A_525] {strides = array<i32>} : memref<2x128xi32, #tpu.memory_space<vmem>>, vector<1x16xi32>,
        %swap3A_527 = vector.shape_cast %swap3A_526 : vector<1x16xi32> to vector<16xi32>
        %swap3A_528 = vector.shape_cast %shift_right_logical3A_522 : vector<16xi32> to vector<1x16xi32>
        tpu.vector_store %arg7[%swap3A_524, %swap3A_525], %swap3A_528 {strides = array<i32>} : memref<2x128xi32, #tpu.memory_space<vmem>>, vector<1x16xi32>,
        %get3A_529 = arith.index_cast %add3A_418 : i32 to index
        %get3A_530 = arith.constant 80 : index
        %get3A_531 = tpu.vector_load %arg5[%get3A_529, %get3A_530] {strides = array<i32>} : memref<80x128xi32, #tpu.memory_space<vmem>>, vector<1x16xi32>,
        %get3A_532 = vector.shape_cast %get3A_531 : vector<1x16xi32> to vector<16xi32>
        %and3A_533 = arith.constant 65535 : i32
        %and3A_534 = vector.broadcast %and3A_533 : i32 to vector<16xi32>
        %and3A_535 = arith.andi %get3A_532, %and3A_534 : vector<16xi32>
        %swap3A_536 = arith.constant 1 : i32
        %swap3A_537 = arith.index_cast %swap3A_536 : i32 to index
        %swap3A_538 = arith.constant 80 : index
        %swap3A_539 = tpu.vector_load %arg6[%swap3A_537, %swap3A_538] {strides = array<i32>} : memref<2x128xi32, #tpu.memory_space<vmem>>, vector<1x16xi32>,
        %swap3A_540 = vector.shape_cast %swap3A_539 : vector<1x16xi32> to vector<16xi32>
        %swap3A_541 = vector.shape_cast %and3A_535 : vector<16xi32> to vector<1x16xi32>
        tpu.vector_store %arg6[%swap3A_537, %swap3A_538], %swap3A_541 {strides = array<i32>} : memref<2x128xi32, #tpu.memory_space<vmem>>, vector<1x16xi32>,
        %shift_right_logical3A_542 = arith.constant 16 : i32
        %shift_right_logical3A_543 = vector.broadcast %shift_right_logical3A_542 : i32 to vector<16xi32>
        %shift_right_logical3A_544 = arith.shrui %get3A_532, %shift_right_logical3A_543 : vector<16xi32>
        %swap3A_545 = arith.constant 1 : i32
        %swap3A_546 = arith.index_cast %swap3A_545 : i32 to index
        %swap3A_547 = arith.constant 80 : index
        %swap3A_548 = tpu.vector_load %arg7[%swap3A_546, %swap3A_547] {strides = array<i32>} : memref<2x128xi32, #tpu.memory_space<vmem>>, vector<1x16xi32>,
        %swap3A_549 = vector.shape_cast %swap3A_548 : vector<1x16xi32> to vector<16xi32>
        %swap3A_550 = vector.shape_cast %shift_right_logical3A_544 : vector<16xi32> to vector<1x16xi32>
        tpu.vector_store %arg7[%swap3A_546, %swap3A_547], %swap3A_550 {strides = array<i32>} : memref<2x128xi32, #tpu.memory_space<vmem>>, vector<1x16xi32>,
        %get3A_551 = arith.index_cast %add3A_418 : i32 to index
        %get3A_552 = arith.constant 96 : index
        %get3A_553 = tpu.vector_load %arg5[%get3A_551, %get3A_552] {strides = array<i32>} : memref<80x128xi32, #tpu.memory_space<vmem>>, vector<1x16xi32>,
        %get3A_554 = vector.shape_cast %get3A_553 : vector<1x16xi32> to vector<16xi32>
        %and3A_555 = arith.constant 65535 : i32
        %and3A_556 = vector.broadcast %and3A_555 : i32 to vector<16xi32>
        %and3A_557 = arith.andi %get3A_554, %and3A_556 : vector<16xi32>
        %swap3A_558 = arith.constant 1 : i32
        %swap3A_559 = arith.index_cast %swap3A_558 : i32 to index
        %swap3A_560 = arith.constant 96 : index
        %swap3A_561 = tpu.vector_load %arg6[%swap3A_559, %swap3A_560] {strides = array<i32>} : memref<2x128xi32, #tpu.memory_space<vmem>>, vector<1x16xi32>,
        %swap3A_562 = vector.shape_cast %swap3A_561 : vector<1x16xi32> to vector<16xi32>
        %swap3A_563 = vector.shape_cast %and3A_557 : vector<16xi32> to vector<1x16xi32>
        tpu.vector_store %arg6[%swap3A_559, %swap3A_560], %swap3A_563 {strides = array<i32>} : memref<2x128xi32, #tpu.memory_space<vmem>>, vector<1x16xi32>,
        %shift_right_logical3A_564 = arith.constant 16 : i32
        %shift_right_logical3A_565 = vector.broadcast %shift_right_logical3A_564 : i32 to vector<16xi32>
        %shift_right_logical3A_566 = arith.shrui %get3A_554, %shift_right_logical3A_565 : vector<16xi32>
        %swap3A_567 = arith.constant 1 : i32
        %swap3A_568 = arith.index_cast %swap3A_567 : i32 to index
        %swap3A_569 = arith.constant 96 : index
        %swap3A_570 = tpu.vector_load %arg7[%swap3A_568, %swap3A_569] {strides = array<i32>} : memref<2x128xi32, #tpu.memory_space<vmem>>, vector<1x16xi32>,
        %swap3A_571 = vector.shape_cast %swap3A_570 : vector<1x16xi32> to vector<16xi32>
        %swap3A_572 = vector.shape_cast %shift_right_logical3A_566 : vector<16xi32> to vector<1x16xi32>
        tpu.vector_store %arg7[%swap3A_568, %swap3A_569], %swap3A_572 {strides = array<i32>} : memref<2x128xi32, #tpu.memory_space<vmem>>, vector<1x16xi32>,
        %get3A_573 = arith.index_cast %add3A_418 : i32 to index
        %get3A_574 = arith.constant 112 : index
        %get3A_575 = tpu.vector_load %arg5[%get3A_573, %get3A_574] {strides = array<i32>} : memref<80x128xi32, #tpu.memory_space<vmem>>, vector<1x16xi32>,
        %get3A_576 = vector.shape_cast %get3A_575 : vector<1x16xi32> to vector<16xi32>
        %and3A_577 = arith.constant 65535 : i32
        %and3A_578 = vector.broadcast %and3A_577 : i32 to vector<16xi32>
        %and3A_579 = arith.andi %get3A_576, %and3A_578 : vector<16xi32>
        %swap3A_580 = arith.constant 1 : i32
        %swap3A_581 = arith.index_cast %swap3A_580 : i32 to index
        %swap3A_582 = arith.constant 112 : index
        %swap3A_583 = tpu.vector_load %arg6[%swap3A_581, %swap3A_582] {strides = array<i32>} : memref<2x128xi32, #tpu.memory_space<vmem>>, vector<1x16xi32>,
        %swap3A_584 = vector.shape_cast %swap3A_583 : vector<1x16xi32> to vector<16xi32>
        %swap3A_585 = vector.shape_cast %and3A_579 : vector<16xi32> to vector<1x16xi32>
        tpu.vector_store %arg6[%swap3A_581, %swap3A_582], %swap3A_585 {strides = array<i32>} : memref<2x128xi32, #tpu.memory_space<vmem>>, vector<1x16xi32>,
        %shift_right_logical3A_586 = arith.constant 16 : i32
        %shift_right_logical3A_587 = vector.broadcast %shift_right_logical3A_586 : i32 to vector<16xi32>
        %shift_right_logical3A_588 = arith.shrui %get3A_576, %shift_right_logical3A_587 : vector<16xi32>
        %swap3A_589 = arith.constant 1 : i32
        %swap3A_590 = arith.index_cast %swap3A_589 : i32 to index
        %swap3A_591 = arith.constant 112 : index
        %swap3A_592 = tpu.vector_load %arg7[%swap3A_590, %swap3A_591] {strides = array<i32>} : memref<2x128xi32, #tpu.memory_space<vmem>>, vector<1x16xi32>,
        %swap3A_593 = vector.shape_cast %swap3A_592 : vector<1x16xi32> to vector<16xi32>
        %swap3A_594 = vector.shape_cast %shift_right_logical3A_588 : vector<16xi32> to vector<1x16xi32>
        tpu.vector_store %arg7[%swap3A_590, %swap3A_591], %swap3A_594 {strides = array<i32>} : memref<2x128xi32, #tpu.memory_space<vmem>>, vector<1x16xi32>,
        %dma_start3A_595 = arith.constant 1 : i32
        %dma_start3A_596 = arith.constant 0 : i32
        %dma_start3A_597 = tpu.memref_slice %arg6[%dma_start3A_595, %dma_start3A_596] : memref<2x128xi32, #tpu.memory_space<vmem>> -> memref<1x128xi32, #tpu.memory_space<vmem>>
        %dma_start3A_598 = tpu.memref_squeeze %dma_start3A_597 : memref<1x128xi32, #tpu.memory_space<vmem>> -> memref<128xi32, #tpu.memory_space<vmem>>
        %dma_start3A_599 = arith.constant 0 : i32
        %dma_start3A_600 = arith.constant 0 : i32
        %dma_start3A_601 = tpu.memref_slice %arg10[%dma_start3A_599, %dma_start3A_600] : memref<10240x128xf32, #tpu.memory_space<vmem_shared>> -> memref<10240x128xf32, #tpu.memory_space<vmem_shared>>
        tpu.enqueue_indirect_dma source(%dma_start3A_601 : memref<10240x128xf32, #tpu.memory_space<vmem_shared>>) target(%arg9 : memref<128x128xf32, #tpu.memory_space<vmem>>) offsets(%dma_start3A_598 : memref<128xi32, #tpu.memory_space<vmem>>) semaphore(%arg12 : memref<!tpu.dma_semaphore, #tpu.memory_space<semaphore_mem>>)
      } else {
      }
    }
    %scan3A_385 = arith.constant 40 : i32
    %barrier3A_386 = arith.constant 0 : index
    tpu.barrier barrier_id(%barrier3A_386)
    "tpu.region"() ({
      %run_scoped3A = tpu.sem_alloc : memref<!tpu.dma_semaphore, #tpu.memory_space<semaphore_mem>>
      %dma_start3A_387 = arith.constant 0 : i32
      %dma_start3A_388 = tpu.memref_slice %arg4[%arg0, %mul3A_2, %dma_start3A_387] : memref<2x10240x128xf32, #tpu.memory_space<hbm>> -> memref<1x640x128xf32, #tpu.memory_space<hbm>>
      %dma_start3A_389 = tpu.memref_squeeze %dma_start3A_388 : memref<1x640x128xf32, #tpu.memory_space<hbm>> -> memref<640x128xf32, #tpu.memory_space<hbm>>
      %dma_start3A_390 = arith.constant 0 : i32
      %dma_start3A_391 = tpu.memref_slice %arg10[%mul3A_2, %dma_start3A_390] : memref<10240x128xf32, #tpu.memory_space<vmem_shared>> -> memref<640x128xf32, #tpu.memory_space<vmem_shared>>
      tpu.enqueue_dma source(%dma_start3A_391 : memref<640x128xf32, #tpu.memory_space<vmem_shared>>) target(%dma_start3A_389 : memref<640x128xf32, #tpu.memory_space<hbm>>) target_semaphore(%run_scoped3A : memref<!tpu.dma_semaphore, #tpu.memory_space<semaphore_mem>>)
      %dma_wait3A = arith.constant 0 : i32
      %dma_wait3A_392 = tpu.memref_slice %arg4[%arg0, %mul3A_2, %dma_wait3A] : memref<2x10240x128xf32, #tpu.memory_space<hbm>> -> memref<1x640x128xf32, #tpu.memory_space<hbm>>
      %dma_wait3A_393 = tpu.memref_squeeze %dma_wait3A_392 : memref<1x640x128xf32, #tpu.memory_space<hbm>> -> memref<640x128xf32, #tpu.memory_space<hbm>>
      %dma_wait3A_394 = arith.constant 0 : i32
      %dma_wait3A_395 = tpu.memref_slice %arg10[%mul3A_2, %dma_wait3A_394] : memref<10240x128xf32, #tpu.memory_space<vmem_shared>> -> memref<640x128xf32, #tpu.memory_space<vmem_shared>>
      tpu.wait_dma2 semaphore(%run_scoped3A : memref<!tpu.dma_semaphore, #tpu.memory_space<semaphore_mem>>) src(%dma_wait3A_395 : memref<640x128xf32, #tpu.memory_space<vmem_shared>>) dst(%dma_wait3A_393 : memref<640x128xf32, #tpu.memory_space<hbm>>)
      tpu.yield
    }) : () -> ()
    return
  }
}

#map = affine_map<(d0, d1) -> (0, 0)>
#map1 = affine_map<(d0, d1) -> (0, 0, 0)>
module attributes {stable_mosaic.version = 14 : i64} {
  func.func @agg(%arg0: i32, %arg1: i32, %arg2: memref<10240x128xf32, #tpu.memory_space<hbm>>, %arg3: memref<2560x128xi32, #tpu.memory_space<hbm>>, %arg4: memref<2x10240x128xf32, #tpu.memory_space<hbm>>, %arg5: memref<80x128xi32, #tpu.memory_space<vmem>>, %arg6: memref<2x128xi32, #tpu.memory_space<vmem>>, %arg7: memref<2x128xi32, #tpu.memory_space<vmem>>, %arg8: memref<128x128xf32, #tpu.memory_space<vmem>>, %arg9: memref<128x128xf32, #tpu.memory_space<vmem>>, %arg10: memref<10240x128xf32, #tpu.memory_space<vmem_shared>>, %arg11: memref<!tpu.dma_semaphore, #tpu.memory_space<semaphore_mem>>, %arg12: memref<!tpu.dma_semaphore, #tpu.memory_space<semaphore_mem>>) attributes {dimension_semantics = [#tpu.dimension_semantics<core_parallel>, #tpu.dimension_semantics<subcore_parallel>], iteration_bounds = array<i64: 2, 16>, scalar_prefetch = 0 : i64, scratch_operands = 8 : i64, tpu.core_type = #tpu.core_type<sc_vector_subcore>, window_params = [{transform_indices = #map}, {transform_indices = #map}, {transform_indices = #map1}]} {
    %mul3A = arith.constant 16 : i32
    %mul3A_0 = arith.muli %arg0, %mul3A : i32
    %add3A = arith.addi %mul3A_0, %arg1 : i32
    %mul3A_1 = arith.constant 640 : i32
    %mul3A_2 = arith.muli %arg1, %mul3A_1 : i32
    %mul3A_3 = arith.constant 80 : i32
    %mul3A_4 = arith.muli %add3A, %mul3A_3 : i32
    "tpu.region"() ({
      %run_scoped3A = tpu.sem_alloc : memref<!tpu.dma_semaphore, #tpu.memory_space<semaphore_mem>>
      %dma_start3A_387 = arith.constant 0 : i32
      %dma_start3A_388 = tpu.memref_slice %arg3[%mul3A_4, %dma_start3A_387] : memref<2560x128xi32, #tpu.memory_space<hbm>> -> memref<80x128xi32, #tpu.memory_space<hbm>>
      %dma_start3A_389 = arith.constant 0 : i32
      %dma_start3A_390 = tpu.memref_slice %arg3[%mul3A_4, %dma_start3A_389] : memref<2560x128xi32, #tpu.memory_space<hbm>> -> memref<80x128xi32, #tpu.memory_space<hbm>>
      tpu.enqueue_dma source(%dma_start3A_390 : memref<80x128xi32, #tpu.memory_space<hbm>>) target(%arg5 : memref<80x128xi32, #tpu.memory_space<vmem>>) target_semaphore(%run_scoped3A : memref<!tpu.dma_semaphore, #tpu.memory_space<semaphore_mem>>)
      %dma_wait3A = arith.constant 0 : i32
      %dma_wait3A_391 = tpu.memref_slice %arg3[%mul3A_4, %dma_wait3A] : memref<2560x128xi32, #tpu.memory_space<hbm>> -> memref<80x128xi32, #tpu.memory_space<hbm>>
      %dma_wait3A_392 = arith.constant 0 : i32
      %dma_wait3A_393 = tpu.memref_slice %arg3[%mul3A_4, %dma_wait3A_392] : memref<2560x128xi32, #tpu.memory_space<hbm>> -> memref<80x128xi32, #tpu.memory_space<hbm>>
      tpu.wait_dma2 semaphore(%run_scoped3A : memref<!tpu.dma_semaphore, #tpu.memory_space<semaphore_mem>>) src(%dma_wait3A_393 : memref<80x128xi32, #tpu.memory_space<hbm>>) dst(%arg5 : memref<80x128xi32, #tpu.memory_space<vmem>>)
      tpu.yield
    }) : () -> ()
    %get3A = arith.constant 0 : i32
    %get3A_5 = arith.index_cast %get3A : i32 to index
    %get3A_6 = arith.constant 0 : index
    %get3A_7 = tpu.vector_load %arg5[%get3A_5, %get3A_6] {strides = array<i32>} : memref<80x128xi32, #tpu.memory_space<vmem>>, vector<1x16xi32>,
    %get3A_8 = vector.shape_cast %get3A_7 : vector<1x16xi32> to vector<16xi32>
    %and3A = arith.constant 65535 : i32
    %and3A_9 = vector.broadcast %and3A : i32 to vector<16xi32>
    %and3A_10 = arith.andi %get3A_8, %and3A_9 : vector<16xi32>
    %swap3A = arith.constant 0 : i32
    %swap3A_11 = arith.index_cast %swap3A : i32 to index
    %swap3A_12 = arith.constant 0 : index
    %swap3A_13 = tpu.vector_load %arg6[%swap3A_11, %swap3A_12] {strides = array<i32>} : memref<2x128xi32, #tpu.memory_space<vmem>>, vector<1x16xi32>,
    %swap3A_14 = vector.shape_cast %swap3A_13 : vector<1x16xi32> to vector<16xi32>
    %swap3A_15 = vector.shape_cast %and3A_10 : vector<16xi32> to vector<1x16xi32>
    tpu.vector_store %arg6[%swap3A_11, %swap3A_12], %swap3A_15 {strides = array<i32>} : memref<2x128xi32, #tpu.memory_space<vmem>>, vector<1x16xi32>,
    %shift_right_logical3A = arith.constant 16 : i32
    %shift_right_logical3A_16 = vector.broadcast %shift_right_logical3A : i32 to vector<16xi32>
    %shift_right_logical3A_17 = arith.shrui %get3A_8, %shift_right_logical3A_16 : vector<16xi32>
    %swap3A_18 = arith.constant 0 : i32
    %swap3A_19 = arith.index_cast %swap3A_18 : i32 to index
    %swap3A_20 = arith.constant 0 : index
    %swap3A_21 = tpu.vector_load %arg7[%swap3A_19, %swap3A_20] {strides = array<i32>} : memref<2x128xi32, #tpu.memory_space<vmem>>, vector<1x16xi32>,
    %swap3A_22 = vector.shape_cast %swap3A_21 : vector<1x16xi32> to vector<16xi32>
    %swap3A_23 = vector.shape_cast %shift_right_logical3A_17 : vector<16xi32> to vector<1x16xi32>
    tpu.vector_store %arg7[%swap3A_19, %swap3A_20], %swap3A_23 {strides = array<i32>} : memref<2x128xi32, #tpu.memory_space<vmem>>, vector<1x16xi32>,
    %get3A_24 = arith.constant 0 : i32
    %get3A_25 = arith.index_cast %get3A_24 : i32 to index
    %get3A_26 = arith.constant 16 : index
    %get3A_27 = tpu.vector_load %arg5[%get3A_25, %get3A_26] {strides = array<i32>} : memref<80x128xi32, #tpu.memory_space<vmem>>, vector<1x16xi32>,
    %get3A_28 = vector.shape_cast %get3A_27 : vector<1x16xi32> to vector<16xi32>
    %and3A_29 = arith.constant 65535 : i32
    %and3A_30 = vector.broadcast %and3A_29 : i32 to vector<16xi32>
    %and3A_31 = arith.andi %get3A_28, %and3A_30 : vector<16xi32>
    %swap3A_32 = arith.constant 0 : i32
    %swap3A_33 = arith.index_cast %swap3A_32 : i32 to index
    %swap3A_34 = arith.constant 16 : index
    %swap3A_35 = tpu.vector_load %arg6[%swap3A_33, %swap3A_34] {strides = array<i32>} : memref<2x128xi32, #tpu.memory_space<vmem>>, vector<1x16xi32>,
    %swap3A_36 = vector.shape_cast %swap3A_35 : vector<1x16xi32> to vector<16xi32>
    %swap3A_37 = vector.shape_cast %and3A_31 : vector<16xi32> to vector<1x16xi32>
    tpu.vector_store %arg6[%swap3A_33, %swap3A_34], %swap3A_37 {strides = array<i32>} : memref<2x128xi32, #tpu.memory_space<vmem>>, vector<1x16xi32>,
    %shift_right_logical3A_38 = arith.constant 16 : i32
    %shift_right_logical3A_39 = vector.broadcast %shift_right_logical3A_38 : i32 to vector<16xi32>
    %shift_right_logical3A_40 = arith.shrui %get3A_28, %shift_right_logical3A_39 : vector<16xi32>
    %swap3A_41 = arith.constant 0 : i32
    %swap3A_42 = arith.index_cast %swap3A_41 : i32 to index
    %swap3A_43 = arith.constant 16 : index
    %swap3A_44 = tpu.vector_load %arg7[%swap3A_42, %swap3A_43] {strides = array<i32>} : memref<2x128xi32, #tpu.memory_space<vmem>>, vector<1x16xi32>,
    %swap3A_45 = vector.shape_cast %swap3A_44 : vector<1x16xi32> to vector<16xi32>
    %swap3A_46 = vector.shape_cast %shift_right_logical3A_40 : vector<16xi32> to vector<1x16xi32>
    tpu.vector_store %arg7[%swap3A_42, %swap3A_43], %swap3A_46 {strides = array<i32>} : memref<2x128xi32, #tpu.memory_space<vmem>>, vector<1x16xi32>,
    %get3A_47 = arith.constant 0 : i32
    %get3A_48 = arith.index_cast %get3A_47 : i32 to index
    %get3A_49 = arith.constant 32 : index
    %get3A_50 = tpu.vector_load %arg5[%get3A_48, %get3A_49] {strides = array<i32>} : memref<80x128xi32, #tpu.memory_space<vmem>>, vector<1x16xi32>,
    %get3A_51 = vector.shape_cast %get3A_50 : vector<1x16xi32> to vector<16xi32>
    %and3A_52 = arith.constant 65535 : i32
    %and3A_53 = vector.broadcast %and3A_52 : i32 to vector<16xi32>
    %and3A_54 = arith.andi %get3A_51, %and3A_53 : vector<16xi32>
    %swap3A_55 = arith.constant 0 : i32
    %swap3A_56 = arith.index_cast %swap3A_55 : i32 to index
    %swap3A_57 = arith.constant 32 : index
    %swap3A_58 = tpu.vector_load %arg6[%swap3A_56, %swap3A_57] {strides = array<i32>} : memref<2x128xi32, #tpu.memory_space<vmem>>, vector<1x16xi32>,
    %swap3A_59 = vector.shape_cast %swap3A_58 : vector<1x16xi32> to vector<16xi32>
    %swap3A_60 = vector.shape_cast %and3A_54 : vector<16xi32> to vector<1x16xi32>
    tpu.vector_store %arg6[%swap3A_56, %swap3A_57], %swap3A_60 {strides = array<i32>} : memref<2x128xi32, #tpu.memory_space<vmem>>, vector<1x16xi32>,
    %shift_right_logical3A_61 = arith.constant 16 : i32
    %shift_right_logical3A_62 = vector.broadcast %shift_right_logical3A_61 : i32 to vector<16xi32>
    %shift_right_logical3A_63 = arith.shrui %get3A_51, %shift_right_logical3A_62 : vector<16xi32>
    %swap3A_64 = arith.constant 0 : i32
    %swap3A_65 = arith.index_cast %swap3A_64 : i32 to index
    %swap3A_66 = arith.constant 32 : index
    %swap3A_67 = tpu.vector_load %arg7[%swap3A_65, %swap3A_66] {strides = array<i32>} : memref<2x128xi32, #tpu.memory_space<vmem>>, vector<1x16xi32>,
    %swap3A_68 = vector.shape_cast %swap3A_67 : vector<1x16xi32> to vector<16xi32>
    %swap3A_69 = vector.shape_cast %shift_right_logical3A_63 : vector<16xi32> to vector<1x16xi32>
    tpu.vector_store %arg7[%swap3A_65, %swap3A_66], %swap3A_69 {strides = array<i32>} : memref<2x128xi32, #tpu.memory_space<vmem>>, vector<1x16xi32>,
    %get3A_70 = arith.constant 0 : i32
    %get3A_71 = arith.index_cast %get3A_70 : i32 to index
    %get3A_72 = arith.constant 48 : index
    %get3A_73 = tpu.vector_load %arg5[%get3A_71, %get3A_72] {strides = array<i32>} : memref<80x128xi32, #tpu.memory_space<vmem>>, vector<1x16xi32>,
    %get3A_74 = vector.shape_cast %get3A_73 : vector<1x16xi32> to vector<16xi32>
    %and3A_75 = arith.constant 65535 : i32
    %and3A_76 = vector.broadcast %and3A_75 : i32 to vector<16xi32>
    %and3A_77 = arith.andi %get3A_74, %and3A_76 : vector<16xi32>
    %swap3A_78 = arith.constant 0 : i32
    %swap3A_79 = arith.index_cast %swap3A_78 : i32 to index
    %swap3A_80 = arith.constant 48 : index
    %swap3A_81 = tpu.vector_load %arg6[%swap3A_79, %swap3A_80] {strides = array<i32>} : memref<2x128xi32, #tpu.memory_space<vmem>>, vector<1x16xi32>,
    %swap3A_82 = vector.shape_cast %swap3A_81 : vector<1x16xi32> to vector<16xi32>
    %swap3A_83 = vector.shape_cast %and3A_77 : vector<16xi32> to vector<1x16xi32>
    tpu.vector_store %arg6[%swap3A_79, %swap3A_80], %swap3A_83 {strides = array<i32>} : memref<2x128xi32, #tpu.memory_space<vmem>>, vector<1x16xi32>,
    %shift_right_logical3A_84 = arith.constant 16 : i32
    %shift_right_logical3A_85 = vector.broadcast %shift_right_logical3A_84 : i32 to vector<16xi32>
    %shift_right_logical3A_86 = arith.shrui %get3A_74, %shift_right_logical3A_85 : vector<16xi32>
    %swap3A_87 = arith.constant 0 : i32
    %swap3A_88 = arith.index_cast %swap3A_87 : i32 to index
    %swap3A_89 = arith.constant 48 : index
    %swap3A_90 = tpu.vector_load %arg7[%swap3A_88, %swap3A_89] {strides = array<i32>} : memref<2x128xi32, #tpu.memory_space<vmem>>, vector<1x16xi32>,
    %swap3A_91 = vector.shape_cast %swap3A_90 : vector<1x16xi32> to vector<16xi32>
    %swap3A_92 = vector.shape_cast %shift_right_logical3A_86 : vector<16xi32> to vector<1x16xi32>
    tpu.vector_store %arg7[%swap3A_88, %swap3A_89], %swap3A_92 {strides = array<i32>} : memref<2x128xi32, #tpu.memory_space<vmem>>, vector<1x16xi32>,
    %get3A_93 = arith.constant 0 : i32
    %get3A_94 = arith.index_cast %get3A_93 : i32 to index
    %get3A_95 = arith.constant 64 : index
    %get3A_96 = tpu.vector_load %arg5[%get3A_94, %get3A_95] {strides = array<i32>} : memref<80x128xi32, #tpu.memory_space<vmem>>, vector<1x16xi32>,
    %get3A_97 = vector.shape_cast %get3A_96 : vector<1x16xi32> to vector<16xi32>
    %and3A_98 = arith.constant 65535 : i32
    %and3A_99 = vector.broadcast %and3A_98 : i32 to vector<16xi32>
    %and3A_100 = arith.andi %get3A_97, %and3A_99 : vector<16xi32>
    %swap3A_101 = arith.constant 0 : i32
    %swap3A_102 = arith.index_cast %swap3A_101 : i32 to index
    %swap3A_103 = arith.constant 64 : index
    %swap3A_104 = tpu.vector_load %arg6[%swap3A_102, %swap3A_103] {strides = array<i32>} : memref<2x128xi32, #tpu.memory_space<vmem>>, vector<1x16xi32>,
    %swap3A_105 = vector.shape_cast %swap3A_104 : vector<1x16xi32> to vector<16xi32>
    %swap3A_106 = vector.shape_cast %and3A_100 : vector<16xi32> to vector<1x16xi32>
    tpu.vector_store %arg6[%swap3A_102, %swap3A_103], %swap3A_106 {strides = array<i32>} : memref<2x128xi32, #tpu.memory_space<vmem>>, vector<1x16xi32>,
    %shift_right_logical3A_107 = arith.constant 16 : i32
    %shift_right_logical3A_108 = vector.broadcast %shift_right_logical3A_107 : i32 to vector<16xi32>
    %shift_right_logical3A_109 = arith.shrui %get3A_97, %shift_right_logical3A_108 : vector<16xi32>
    %swap3A_110 = arith.constant 0 : i32
    %swap3A_111 = arith.index_cast %swap3A_110 : i32 to index
    %swap3A_112 = arith.constant 64 : index
    %swap3A_113 = tpu.vector_load %arg7[%swap3A_111, %swap3A_112] {strides = array<i32>} : memref<2x128xi32, #tpu.memory_space<vmem>>, vector<1x16xi32>,
    %swap3A_114 = vector.shape_cast %swap3A_113 : vector<1x16xi32> to vector<16xi32>
    %swap3A_115 = vector.shape_cast %shift_right_logical3A_109 : vector<16xi32> to vector<1x16xi32>
    tpu.vector_store %arg7[%swap3A_111, %swap3A_112], %swap3A_115 {strides = array<i32>} : memref<2x128xi32, #tpu.memory_space<vmem>>, vector<1x16xi32>,
    %get3A_116 = arith.constant 0 : i32
    %get3A_117 = arith.index_cast %get3A_116 : i32 to index
    %get3A_118 = arith.constant 80 : index
    %get3A_119 = tpu.vector_load %arg5[%get3A_117, %get3A_118] {strides = array<i32>} : memref<80x128xi32, #tpu.memory_space<vmem>>, vector<1x16xi32>,
    %get3A_120 = vector.shape_cast %get3A_119 : vector<1x16xi32> to vector<16xi32>
    %and3A_121 = arith.constant 65535 : i32
    %and3A_122 = vector.broadcast %and3A_121 : i32 to vector<16xi32>
    %and3A_123 = arith.andi %get3A_120, %and3A_122 : vector<16xi32>
    %swap3A_124 = arith.constant 0 : i32
    %swap3A_125 = arith.index_cast %swap3A_124 : i32 to index
    %swap3A_126 = arith.constant 80 : index
    %swap3A_127 = tpu.vector_load %arg6[%swap3A_125, %swap3A_126] {strides = array<i32>} : memref<2x128xi32, #tpu.memory_space<vmem>>, vector<1x16xi32>,
    %swap3A_128 = vector.shape_cast %swap3A_127 : vector<1x16xi32> to vector<16xi32>
    %swap3A_129 = vector.shape_cast %and3A_123 : vector<16xi32> to vector<1x16xi32>
    tpu.vector_store %arg6[%swap3A_125, %swap3A_126], %swap3A_129 {strides = array<i32>} : memref<2x128xi32, #tpu.memory_space<vmem>>, vector<1x16xi32>,
    %shift_right_logical3A_130 = arith.constant 16 : i32
    %shift_right_logical3A_131 = vector.broadcast %shift_right_logical3A_130 : i32 to vector<16xi32>
    %shift_right_logical3A_132 = arith.shrui %get3A_120, %shift_right_logical3A_131 : vector<16xi32>
    %swap3A_133 = arith.constant 0 : i32
    %swap3A_134 = arith.index_cast %swap3A_133 : i32 to index
    %swap3A_135 = arith.constant 80 : index
    %swap3A_136 = tpu.vector_load %arg7[%swap3A_134, %swap3A_135] {strides = array<i32>} : memref<2x128xi32, #tpu.memory_space<vmem>>, vector<1x16xi32>,
    %swap3A_137 = vector.shape_cast %swap3A_136 : vector<1x16xi32> to vector<16xi32>
    %swap3A_138 = vector.shape_cast %shift_right_logical3A_132 : vector<16xi32> to vector<1x16xi32>
    tpu.vector_store %arg7[%swap3A_134, %swap3A_135], %swap3A_138 {strides = array<i32>} : memref<2x128xi32, #tpu.memory_space<vmem>>, vector<1x16xi32>,
    %get3A_139 = arith.constant 0 : i32
    %get3A_140 = arith.index_cast %get3A_139 : i32 to index
    %get3A_141 = arith.constant 96 : index
    %get3A_142 = tpu.vector_load %arg5[%get3A_140, %get3A_141] {strides = array<i32>} : memref<80x128xi32, #tpu.memory_space<vmem>>, vector<1x16xi32>,
    %get3A_143 = vector.shape_cast %get3A_142 : vector<1x16xi32> to vector<16xi32>
    %and3A_144 = arith.constant 65535 : i32
    %and3A_145 = vector.broadcast %and3A_144 : i32 to vector<16xi32>
    %and3A_146 = arith.andi %get3A_143, %and3A_145 : vector<16xi32>
    %swap3A_147 = arith.constant 0 : i32
    %swap3A_148 = arith.index_cast %swap3A_147 : i32 to index
    %swap3A_149 = arith.constant 96 : index
    %swap3A_150 = tpu.vector_load %arg6[%swap3A_148, %swap3A_149] {strides = array<i32>} : memref<2x128xi32, #tpu.memory_space<vmem>>, vector<1x16xi32>,
    %swap3A_151 = vector.shape_cast %swap3A_150 : vector<1x16xi32> to vector<16xi32>
    %swap3A_152 = vector.shape_cast %and3A_146 : vector<16xi32> to vector<1x16xi32>
    tpu.vector_store %arg6[%swap3A_148, %swap3A_149], %swap3A_152 {strides = array<i32>} : memref<2x128xi32, #tpu.memory_space<vmem>>, vector<1x16xi32>,
    %shift_right_logical3A_153 = arith.constant 16 : i32
    %shift_right_logical3A_154 = vector.broadcast %shift_right_logical3A_153 : i32 to vector<16xi32>
    %shift_right_logical3A_155 = arith.shrui %get3A_143, %shift_right_logical3A_154 : vector<16xi32>
    %swap3A_156 = arith.constant 0 : i32
    %swap3A_157 = arith.index_cast %swap3A_156 : i32 to index
    %swap3A_158 = arith.constant 96 : index
    %swap3A_159 = tpu.vector_load %arg7[%swap3A_157, %swap3A_158] {strides = array<i32>} : memref<2x128xi32, #tpu.memory_space<vmem>>, vector<1x16xi32>,
    %swap3A_160 = vector.shape_cast %swap3A_159 : vector<1x16xi32> to vector<16xi32>
    %swap3A_161 = vector.shape_cast %shift_right_logical3A_155 : vector<16xi32> to vector<1x16xi32>
    tpu.vector_store %arg7[%swap3A_157, %swap3A_158], %swap3A_161 {strides = array<i32>} : memref<2x128xi32, #tpu.memory_space<vmem>>, vector<1x16xi32>,
    %get3A_162 = arith.constant 0 : i32
    %get3A_163 = arith.index_cast %get3A_162 : i32 to index
    %get3A_164 = arith.constant 112 : index
    %get3A_165 = tpu.vector_load %arg5[%get3A_163, %get3A_164] {strides = array<i32>} : memref<80x128xi32, #tpu.memory_space<vmem>>, vector<1x16xi32>,
    %get3A_166 = vector.shape_cast %get3A_165 : vector<1x16xi32> to vector<16xi32>
    %and3A_167 = arith.constant 65535 : i32
    %and3A_168 = vector.broadcast %and3A_167 : i32 to vector<16xi32>
    %and3A_169 = arith.andi %get3A_166, %and3A_168 : vector<16xi32>
    %swap3A_170 = arith.constant 0 : i32
    %swap3A_171 = arith.index_cast %swap3A_170 : i32 to index
    %swap3A_172 = arith.constant 112 : index
    %swap3A_173 = tpu.vector_load %arg6[%swap3A_171, %swap3A_172] {strides = array<i32>} : memref<2x128xi32, #tpu.memory_space<vmem>>, vector<1x16xi32>,
    %swap3A_174 = vector.shape_cast %swap3A_173 : vector<1x16xi32> to vector<16xi32>
    %swap3A_175 = vector.shape_cast %and3A_169 : vector<16xi32> to vector<1x16xi32>
    tpu.vector_store %arg6[%swap3A_171, %swap3A_172], %swap3A_175 {strides = array<i32>} : memref<2x128xi32, #tpu.memory_space<vmem>>, vector<1x16xi32>,
    %shift_right_logical3A_176 = arith.constant 16 : i32
    %shift_right_logical3A_177 = vector.broadcast %shift_right_logical3A_176 : i32 to vector<16xi32>
    %shift_right_logical3A_178 = arith.shrui %get3A_166, %shift_right_logical3A_177 : vector<16xi32>
    %swap3A_179 = arith.constant 0 : i32
    %swap3A_180 = arith.index_cast %swap3A_179 : i32 to index
    %swap3A_181 = arith.constant 112 : index
    %swap3A_182 = tpu.vector_load %arg7[%swap3A_180, %swap3A_181] {strides = array<i32>} : memref<2x128xi32, #tpu.memory_space<vmem>>, vector<1x16xi32>,
    %swap3A_183 = vector.shape_cast %swap3A_182 : vector<1x16xi32> to vector<16xi32>
    %swap3A_184 = vector.shape_cast %shift_right_logical3A_178 : vector<16xi32> to vector<1x16xi32>
    tpu.vector_store %arg7[%swap3A_180, %swap3A_181], %swap3A_184 {strides = array<i32>} : memref<2x128xi32, #tpu.memory_space<vmem>>, vector<1x16xi32>,
    %get3A_185 = arith.constant 1 : i32
    %get3A_186 = arith.index_cast %get3A_185 : i32 to index
    %get3A_187 = arith.constant 0 : index
    %get3A_188 = tpu.vector_load %arg5[%get3A_186, %get3A_187] {strides = array<i32>} : memref<80x128xi32, #tpu.memory_space<vmem>>, vector<1x16xi32>,
    %get3A_189 = vector.shape_cast %get3A_188 : vector<1x16xi32> to vector<16xi32>
    %and3A_190 = arith.constant 65535 : i32
    %and3A_191 = vector.broadcast %and3A_190 : i32 to vector<16xi32>
    %and3A_192 = arith.andi %get3A_189, %and3A_191 : vector<16xi32>
    %swap3A_193 = arith.constant 1 : i32
    %swap3A_194 = arith.index_cast %swap3A_193 : i32 to index
    %swap3A_195 = arith.constant 0 : index
    %swap3A_196 = tpu.vector_load %arg6[%swap3A_194, %swap3A_195] {strides = array<i32>} : memref<2x128xi32, #tpu.memory_space<vmem>>, vector<1x16xi32>,
    %swap3A_197 = vector.shape_cast %swap3A_196 : vector<1x16xi32> to vector<16xi32>
    %swap3A_198 = vector.shape_cast %and3A_192 : vector<16xi32> to vector<1x16xi32>
    tpu.vector_store %arg6[%swap3A_194, %swap3A_195], %swap3A_198 {strides = array<i32>} : memref<2x128xi32, #tpu.memory_space<vmem>>, vector<1x16xi32>,
    %shift_right_logical3A_199 = arith.constant 16 : i32
    %shift_right_logical3A_200 = vector.broadcast %shift_right_logical3A_199 : i32 to vector<16xi32>
    %shift_right_logical3A_201 = arith.shrui %get3A_189, %shift_right_logical3A_200 : vector<16xi32>
    %swap3A_202 = arith.constant 1 : i32
    %swap3A_203 = arith.index_cast %swap3A_202 : i32 to index
    %swap3A_204 = arith.constant 0 : index
    %swap3A_205 = tpu.vector_load %arg7[%swap3A_203, %swap3A_204] {strides = array<i32>} : memref<2x128xi32, #tpu.memory_space<vmem>>, vector<1x16xi32>,
    %swap3A_206 = vector.shape_cast %swap3A_205 : vector<1x16xi32> to vector<16xi32>
    %swap3A_207 = vector.shape_cast %shift_right_logical3A_201 : vector<16xi32> to vector<1x16xi32>
    tpu.vector_store %arg7[%swap3A_203, %swap3A_204], %swap3A_207 {strides = array<i32>} : memref<2x128xi32, #tpu.memory_space<vmem>>, vector<1x16xi32>,
    %get3A_208 = arith.constant 1 : i32
    %get3A_209 = arith.index_cast %get3A_208 : i32 to index
    %get3A_210 = arith.constant 16 : index
    %get3A_211 = tpu.vector_load %arg5[%get3A_209, %get3A_210] {strides = array<i32>} : memref<80x128xi32, #tpu.memory_space<vmem>>, vector<1x16xi32>,
    %get3A_212 = vector.shape_cast %get3A_211 : vector<1x16xi32> to vector<16xi32>
    %and3A_213 = arith.constant 65535 : i32
    %and3A_214 = vector.broadcast %and3A_213 : i32 to vector<16xi32>
    %and3A_215 = arith.andi %get3A_212, %and3A_214 : vector<16xi32>
    %swap3A_216 = arith.constant 1 : i32
    %swap3A_217 = arith.index_cast %swap3A_216 : i32 to index
    %swap3A_218 = arith.constant 16 : index
    %swap3A_219 = tpu.vector_load %arg6[%swap3A_217, %swap3A_218] {strides = array<i32>} : memref<2x128xi32, #tpu.memory_space<vmem>>, vector<1x16xi32>,
    %swap3A_220 = vector.shape_cast %swap3A_219 : vector<1x16xi32> to vector<16xi32>
    %swap3A_221 = vector.shape_cast %and3A_215 : vector<16xi32> to vector<1x16xi32>
    tpu.vector_store %arg6[%swap3A_217, %swap3A_218], %swap3A_221 {strides = array<i32>} : memref<2x128xi32, #tpu.memory_space<vmem>>, vector<1x16xi32>,
    %shift_right_logical3A_222 = arith.constant 16 : i32
    %shift_right_logical3A_223 = vector.broadcast %shift_right_logical3A_222 : i32 to vector<16xi32>
    %shift_right_logical3A_224 = arith.shrui %get3A_212, %shift_right_logical3A_223 : vector<16xi32>
    %swap3A_225 = arith.constant 1 : i32
    %swap3A_226 = arith.index_cast %swap3A_225 : i32 to index
    %swap3A_227 = arith.constant 16 : index
    %swap3A_228 = tpu.vector_load %arg7[%swap3A_226, %swap3A_227] {strides = array<i32>} : memref<2x128xi32, #tpu.memory_space<vmem>>, vector<1x16xi32>,
    %swap3A_229 = vector.shape_cast %swap3A_228 : vector<1x16xi32> to vector<16xi32>
    %swap3A_230 = vector.shape_cast %shift_right_logical3A_224 : vector<16xi32> to vector<1x16xi32>
    tpu.vector_store %arg7[%swap3A_226, %swap3A_227], %swap3A_230 {strides = array<i32>} : memref<2x128xi32, #tpu.memory_space<vmem>>, vector<1x16xi32>,
    %get3A_231 = arith.constant 1 : i32
    %get3A_232 = arith.index_cast %get3A_231 : i32 to index
    %get3A_233 = arith.constant 32 : index
    %get3A_234 = tpu.vector_load %arg5[%get3A_232, %get3A_233] {strides = array<i32>} : memref<80x128xi32, #tpu.memory_space<vmem>>, vector<1x16xi32>,
    %get3A_235 = vector.shape_cast %get3A_234 : vector<1x16xi32> to vector<16xi32>
    %and3A_236 = arith.constant 65535 : i32
    %and3A_237 = vector.broadcast %and3A_236 : i32 to vector<16xi32>
    %and3A_238 = arith.andi %get3A_235, %and3A_237 : vector<16xi32>
    %swap3A_239 = arith.constant 1 : i32
    %swap3A_240 = arith.index_cast %swap3A_239 : i32 to index
    %swap3A_241 = arith.constant 32 : index
    %swap3A_242 = tpu.vector_load %arg6[%swap3A_240, %swap3A_241] {strides = array<i32>} : memref<2x128xi32, #tpu.memory_space<vmem>>, vector<1x16xi32>,
    %swap3A_243 = vector.shape_cast %swap3A_242 : vector<1x16xi32> to vector<16xi32>
    %swap3A_244 = vector.shape_cast %and3A_238 : vector<16xi32> to vector<1x16xi32>
    tpu.vector_store %arg6[%swap3A_240, %swap3A_241], %swap3A_244 {strides = array<i32>} : memref<2x128xi32, #tpu.memory_space<vmem>>, vector<1x16xi32>,
    %shift_right_logical3A_245 = arith.constant 16 : i32
    %shift_right_logical3A_246 = vector.broadcast %shift_right_logical3A_245 : i32 to vector<16xi32>
    %shift_right_logical3A_247 = arith.shrui %get3A_235, %shift_right_logical3A_246 : vector<16xi32>
    %swap3A_248 = arith.constant 1 : i32
    %swap3A_249 = arith.index_cast %swap3A_248 : i32 to index
    %swap3A_250 = arith.constant 32 : index
    %swap3A_251 = tpu.vector_load %arg7[%swap3A_249, %swap3A_250] {strides = array<i32>} : memref<2x128xi32, #tpu.memory_space<vmem>>, vector<1x16xi32>,
    %swap3A_252 = vector.shape_cast %swap3A_251 : vector<1x16xi32> to vector<16xi32>
    %swap3A_253 = vector.shape_cast %shift_right_logical3A_247 : vector<16xi32> to vector<1x16xi32>
    tpu.vector_store %arg7[%swap3A_249, %swap3A_250], %swap3A_253 {strides = array<i32>} : memref<2x128xi32, #tpu.memory_space<vmem>>, vector<1x16xi32>,
    %get3A_254 = arith.constant 1 : i32
    %get3A_255 = arith.index_cast %get3A_254 : i32 to index
    %get3A_256 = arith.constant 48 : index
    %get3A_257 = tpu.vector_load %arg5[%get3A_255, %get3A_256] {strides = array<i32>} : memref<80x128xi32, #tpu.memory_space<vmem>>, vector<1x16xi32>,
    %get3A_258 = vector.shape_cast %get3A_257 : vector<1x16xi32> to vector<16xi32>
    %and3A_259 = arith.constant 65535 : i32
    %and3A_260 = vector.broadcast %and3A_259 : i32 to vector<16xi32>
    %and3A_261 = arith.andi %get3A_258, %and3A_260 : vector<16xi32>
    %swap3A_262 = arith.constant 1 : i32
    %swap3A_263 = arith.index_cast %swap3A_262 : i32 to index
    %swap3A_264 = arith.constant 48 : index
    %swap3A_265 = tpu.vector_load %arg6[%swap3A_263, %swap3A_264] {strides = array<i32>} : memref<2x128xi32, #tpu.memory_space<vmem>>, vector<1x16xi32>,
    %swap3A_266 = vector.shape_cast %swap3A_265 : vector<1x16xi32> to vector<16xi32>
    %swap3A_267 = vector.shape_cast %and3A_261 : vector<16xi32> to vector<1x16xi32>
    tpu.vector_store %arg6[%swap3A_263, %swap3A_264], %swap3A_267 {strides = array<i32>} : memref<2x128xi32, #tpu.memory_space<vmem>>, vector<1x16xi32>,
    %shift_right_logical3A_268 = arith.constant 16 : i32
    %shift_right_logical3A_269 = vector.broadcast %shift_right_logical3A_268 : i32 to vector<16xi32>
    %shift_right_logical3A_270 = arith.shrui %get3A_258, %shift_right_logical3A_269 : vector<16xi32>
    %swap3A_271 = arith.constant 1 : i32
    %swap3A_272 = arith.index_cast %swap3A_271 : i32 to index
    %swap3A_273 = arith.constant 48 : index
    %swap3A_274 = tpu.vector_load %arg7[%swap3A_272, %swap3A_273] {strides = array<i32>} : memref<2x128xi32, #tpu.memory_space<vmem>>, vector<1x16xi32>,
    %swap3A_275 = vector.shape_cast %swap3A_274 : vector<1x16xi32> to vector<16xi32>
    %swap3A_276 = vector.shape_cast %shift_right_logical3A_270 : vector<16xi32> to vector<1x16xi32>
    tpu.vector_store %arg7[%swap3A_272, %swap3A_273], %swap3A_276 {strides = array<i32>} : memref<2x128xi32, #tpu.memory_space<vmem>>, vector<1x16xi32>,
    %get3A_277 = arith.constant 1 : i32
    %get3A_278 = arith.index_cast %get3A_277 : i32 to index
    %get3A_279 = arith.constant 64 : index
    %get3A_280 = tpu.vector_load %arg5[%get3A_278, %get3A_279] {strides = array<i32>} : memref<80x128xi32, #tpu.memory_space<vmem>>, vector<1x16xi32>,
    %get3A_281 = vector.shape_cast %get3A_280 : vector<1x16xi32> to vector<16xi32>
    %and3A_282 = arith.constant 65535 : i32
    %and3A_283 = vector.broadcast %and3A_282 : i32 to vector<16xi32>
    %and3A_284 = arith.andi %get3A_281, %and3A_283 : vector<16xi32>
    %swap3A_285 = arith.constant 1 : i32
    %swap3A_286 = arith.index_cast %swap3A_285 : i32 to index
    %swap3A_287 = arith.constant 64 : index
    %swap3A_288 = tpu.vector_load %arg6[%swap3A_286, %swap3A_287] {strides = array<i32>} : memref<2x128xi32, #tpu.memory_space<vmem>>, vector<1x16xi32>,
    %swap3A_289 = vector.shape_cast %swap3A_288 : vector<1x16xi32> to vector<16xi32>
    %swap3A_290 = vector.shape_cast %and3A_284 : vector<16xi32> to vector<1x16xi32>
    tpu.vector_store %arg6[%swap3A_286, %swap3A_287], %swap3A_290 {strides = array<i32>} : memref<2x128xi32, #tpu.memory_space<vmem>>, vector<1x16xi32>,
    %shift_right_logical3A_291 = arith.constant 16 : i32
    %shift_right_logical3A_292 = vector.broadcast %shift_right_logical3A_291 : i32 to vector<16xi32>
    %shift_right_logical3A_293 = arith.shrui %get3A_281, %shift_right_logical3A_292 : vector<16xi32>
    %swap3A_294 = arith.constant 1 : i32
    %swap3A_295 = arith.index_cast %swap3A_294 : i32 to index
    %swap3A_296 = arith.constant 64 : index
    %swap3A_297 = tpu.vector_load %arg7[%swap3A_295, %swap3A_296] {strides = array<i32>} : memref<2x128xi32, #tpu.memory_space<vmem>>, vector<1x16xi32>,
    %swap3A_298 = vector.shape_cast %swap3A_297 : vector<1x16xi32> to vector<16xi32>
    %swap3A_299 = vector.shape_cast %shift_right_logical3A_293 : vector<16xi32> to vector<1x16xi32>
    tpu.vector_store %arg7[%swap3A_295, %swap3A_296], %swap3A_299 {strides = array<i32>} : memref<2x128xi32, #tpu.memory_space<vmem>>, vector<1x16xi32>,
    %get3A_300 = arith.constant 1 : i32
    %get3A_301 = arith.index_cast %get3A_300 : i32 to index
    %get3A_302 = arith.constant 80 : index
    %get3A_303 = tpu.vector_load %arg5[%get3A_301, %get3A_302] {strides = array<i32>} : memref<80x128xi32, #tpu.memory_space<vmem>>, vector<1x16xi32>,
    %get3A_304 = vector.shape_cast %get3A_303 : vector<1x16xi32> to vector<16xi32>
    %and3A_305 = arith.constant 65535 : i32
    %and3A_306 = vector.broadcast %and3A_305 : i32 to vector<16xi32>
    %and3A_307 = arith.andi %get3A_304, %and3A_306 : vector<16xi32>
    %swap3A_308 = arith.constant 1 : i32
    %swap3A_309 = arith.index_cast %swap3A_308 : i32 to index
    %swap3A_310 = arith.constant 80 : index
    %swap3A_311 = tpu.vector_load %arg6[%swap3A_309, %swap3A_310] {strides = array<i32>} : memref<2x128xi32, #tpu.memory_space<vmem>>, vector<1x16xi32>,
    %swap3A_312 = vector.shape_cast %swap3A_311 : vector<1x16xi32> to vector<16xi32>
    %swap3A_313 = vector.shape_cast %and3A_307 : vector<16xi32> to vector<1x16xi32>
    tpu.vector_store %arg6[%swap3A_309, %swap3A_310], %swap3A_313 {strides = array<i32>} : memref<2x128xi32, #tpu.memory_space<vmem>>, vector<1x16xi32>,
    %shift_right_logical3A_314 = arith.constant 16 : i32
    %shift_right_logical3A_315 = vector.broadcast %shift_right_logical3A_314 : i32 to vector<16xi32>
    %shift_right_logical3A_316 = arith.shrui %get3A_304, %shift_right_logical3A_315 : vector<16xi32>
    %swap3A_317 = arith.constant 1 : i32
    %swap3A_318 = arith.index_cast %swap3A_317 : i32 to index
    %swap3A_319 = arith.constant 80 : index
    %swap3A_320 = tpu.vector_load %arg7[%swap3A_318, %swap3A_319] {strides = array<i32>} : memref<2x128xi32, #tpu.memory_space<vmem>>, vector<1x16xi32>,
    %swap3A_321 = vector.shape_cast %swap3A_320 : vector<1x16xi32> to vector<16xi32>
    %swap3A_322 = vector.shape_cast %shift_right_logical3A_316 : vector<16xi32> to vector<1x16xi32>
    tpu.vector_store %arg7[%swap3A_318, %swap3A_319], %swap3A_322 {strides = array<i32>} : memref<2x128xi32, #tpu.memory_space<vmem>>, vector<1x16xi32>,
    %get3A_323 = arith.constant 1 : i32
    %get3A_324 = arith.index_cast %get3A_323 : i32 to index
    %get3A_325 = arith.constant 96 : index
    %get3A_326 = tpu.vector_load %arg5[%get3A_324, %get3A_325] {strides = array<i32>} : memref<80x128xi32, #tpu.memory_space<vmem>>, vector<1x16xi32>,
    %get3A_327 = vector.shape_cast %get3A_326 : vector<1x16xi32> to vector<16xi32>
    %and3A_328 = arith.constant 65535 : i32
    %and3A_329 = vector.broadcast %and3A_328 : i32 to vector<16xi32>
    %and3A_330 = arith.andi %get3A_327, %and3A_329 : vector<16xi32>
    %swap3A_331 = arith.constant 1 : i32
    %swap3A_332 = arith.index_cast %swap3A_331 : i32 to index
    %swap3A_333 = arith.constant 96 : index
    %swap3A_334 = tpu.vector_load %arg6[%swap3A_332, %swap3A_333] {strides = array<i32>} : memref<2x128xi32, #tpu.memory_space<vmem>>, vector<1x16xi32>,
    %swap3A_335 = vector.shape_cast %swap3A_334 : vector<1x16xi32> to vector<16xi32>
    %swap3A_336 = vector.shape_cast %and3A_330 : vector<16xi32> to vector<1x16xi32>
    tpu.vector_store %arg6[%swap3A_332, %swap3A_333], %swap3A_336 {strides = array<i32>} : memref<2x128xi32, #tpu.memory_space<vmem>>, vector<1x16xi32>,
    %shift_right_logical3A_337 = arith.constant 16 : i32
    %shift_right_logical3A_338 = vector.broadcast %shift_right_logical3A_337 : i32 to vector<16xi32>
    %shift_right_logical3A_339 = arith.shrui %get3A_327, %shift_right_logical3A_338 : vector<16xi32>
    %swap3A_340 = arith.constant 1 : i32
    %swap3A_341 = arith.index_cast %swap3A_340 : i32 to index
    %swap3A_342 = arith.constant 96 : index
    %swap3A_343 = tpu.vector_load %arg7[%swap3A_341, %swap3A_342] {strides = array<i32>} : memref<2x128xi32, #tpu.memory_space<vmem>>, vector<1x16xi32>,
    %swap3A_344 = vector.shape_cast %swap3A_343 : vector<1x16xi32> to vector<16xi32>
    %swap3A_345 = vector.shape_cast %shift_right_logical3A_339 : vector<16xi32> to vector<1x16xi32>
    tpu.vector_store %arg7[%swap3A_341, %swap3A_342], %swap3A_345 {strides = array<i32>} : memref<2x128xi32, #tpu.memory_space<vmem>>, vector<1x16xi32>,
    %get3A_346 = arith.constant 1 : i32
    %get3A_347 = arith.index_cast %get3A_346 : i32 to index
    %get3A_348 = arith.constant 112 : index
    %get3A_349 = tpu.vector_load %arg5[%get3A_347, %get3A_348] {strides = array<i32>} : memref<80x128xi32, #tpu.memory_space<vmem>>, vector<1x16xi32>,
    %get3A_350 = vector.shape_cast %get3A_349 : vector<1x16xi32> to vector<16xi32>
    %and3A_351 = arith.constant 65535 : i32
    %and3A_352 = vector.broadcast %and3A_351 : i32 to vector<16xi32>
    %and3A_353 = arith.andi %get3A_350, %and3A_352 : vector<16xi32>
    %swap3A_354 = arith.constant 1 : i32
    %swap3A_355 = arith.index_cast %swap3A_354 : i32 to index
    %swap3A_356 = arith.constant 112 : index
    %swap3A_357 = tpu.vector_load %arg6[%swap3A_355, %swap3A_356] {strides = array<i32>} : memref<2x128xi32, #tpu.memory_space<vmem>>, vector<1x16xi32>,
    %swap3A_358 = vector.shape_cast %swap3A_357 : vector<1x16xi32> to vector<16xi32>
    %swap3A_359 = vector.shape_cast %and3A_353 : vector<16xi32> to vector<1x16xi32>
    tpu.vector_store %arg6[%swap3A_355, %swap3A_356], %swap3A_359 {strides = array<i32>} : memref<2x128xi32, #tpu.memory_space<vmem>>, vector<1x16xi32>,
    %shift_right_logical3A_360 = arith.constant 16 : i32
    %shift_right_logical3A_361 = vector.broadcast %shift_right_logical3A_360 : i32 to vector<16xi32>
    %shift_right_logical3A_362 = arith.shrui %get3A_350, %shift_right_logical3A_361 : vector<16xi32>
    %swap3A_363 = arith.constant 1 : i32
    %swap3A_364 = arith.index_cast %swap3A_363 : i32 to index
    %swap3A_365 = arith.constant 112 : index
    %swap3A_366 = tpu.vector_load %arg7[%swap3A_364, %swap3A_365] {strides = array<i32>} : memref<2x128xi32, #tpu.memory_space<vmem>>, vector<1x16xi32>,
    %swap3A_367 = vector.shape_cast %swap3A_366 : vector<1x16xi32> to vector<16xi32>
    %swap3A_368 = vector.shape_cast %shift_right_logical3A_362 : vector<16xi32> to vector<1x16xi32>
    tpu.vector_store %arg7[%swap3A_364, %swap3A_365], %swap3A_368 {strides = array<i32>} : memref<2x128xi32, #tpu.memory_space<vmem>>, vector<1x16xi32>,
    %dma_start3A = arith.constant 0 : i32
    %dma_start3A_369 = arith.constant 0 : i32
    %dma_start3A_370 = tpu.memref_slice %arg6[%dma_start3A, %dma_start3A_369] : memref<2x128xi32, #tpu.memory_space<vmem>> -> memref<1x128xi32, #tpu.memory_space<vmem>>
    %dma_start3A_371 = tpu.memref_squeeze %dma_start3A_370 : memref<1x128xi32, #tpu.memory_space<vmem>> -> memref<128xi32, #tpu.memory_space<vmem>>
    %dma_start3A_372 = arith.constant 0 : i32
    %dma_start3A_373 = arith.constant 0 : i32
    %dma_start3A_374 = tpu.memref_slice %arg10[%dma_start3A_372, %dma_start3A_373] : memref<10240x128xf32, #tpu.memory_space<vmem_shared>> -> memref<10240x128xf32, #tpu.memory_space<vmem_shared>>
    tpu.enqueue_indirect_dma source(%dma_start3A_374 : memref<10240x128xf32, #tpu.memory_space<vmem_shared>>) target(%arg8 : memref<128x128xf32, #tpu.memory_space<vmem>>) offsets(%dma_start3A_371 : memref<128xi32, #tpu.memory_space<vmem>>) semaphore(%arg11 : memref<!tpu.dma_semaphore, #tpu.memory_space<semaphore_mem>>)
    %dma_start3A_375 = arith.constant 1 : i32
    %dma_start3A_376 = arith.constant 0 : i32
    %dma_start3A_377 = tpu.memref_slice %arg6[%dma_start3A_375, %dma_start3A_376] : memref<2x128xi32, #tpu.memory_space<vmem>> -> memref<1x128xi32, #tpu.memory_space<vmem>>
    %dma_start3A_378 = tpu.memref_squeeze %dma_start3A_377 : memref<1x128xi32, #tpu.memory_space<vmem>> -> memref<128xi32, #tpu.memory_space<vmem>>
    %dma_start3A_379 = arith.constant 0 : i32
    %dma_start3A_380 = arith.constant 0 : i32
    %dma_start3A_381 = tpu.memref_slice %arg10[%dma_start3A_379, %dma_start3A_380] : memref<10240x128xf32, #tpu.memory_space<vmem_shared>> -> memref<10240x128xf32, #tpu.memory_space<vmem_shared>>
    tpu.enqueue_indirect_dma source(%dma_start3A_381 : memref<10240x128xf32, #tpu.memory_space<vmem_shared>>) target(%arg9 : memref<128x128xf32, #tpu.memory_space<vmem>>) offsets(%dma_start3A_378 : memref<128xi32, #tpu.memory_space<vmem>>) semaphore(%arg12 : memref<!tpu.dma_semaphore, #tpu.memory_space<semaphore_mem>>)
    "tpu.region"() ({
      %run_scoped3A = tpu.sem_alloc : memref<!tpu.dma_semaphore, #tpu.memory_space<semaphore_mem>>
      %dma_start3A_387 = arith.constant 0 : i32
      %dma_start3A_388 = tpu.memref_slice %arg10[%mul3A_2, %dma_start3A_387] : memref<10240x128xf32, #tpu.memory_space<vmem_shared>> -> memref<640x128xf32, #tpu.memory_space<vmem_shared>>
      %dma_start3A_389 = arith.constant 0 : i32
      %dma_start3A_390 = tpu.memref_slice %arg2[%mul3A_2, %dma_start3A_389] : memref<10240x128xf32, #tpu.memory_space<hbm>> -> memref<640x128xf32, #tpu.memory_space<hbm>>
      tpu.enqueue_dma source(%dma_start3A_390 : memref<640x128xf32, #tpu.memory_space<hbm>>) target(%dma_start3A_388 : memref<640x128xf32, #tpu.memory_space<vmem_shared>>) target_semaphore(%run_scoped3A : memref<!tpu.dma_semaphore, #tpu.memory_space<semaphore_mem>>)
      %dma_wait3A = arith.constant 0 : i32
      %dma_wait3A_391 = tpu.memref_slice %arg10[%mul3A_2, %dma_wait3A] : memref<10240x128xf32, #tpu.memory_space<vmem_shared>> -> memref<640x128xf32, #tpu.memory_space<vmem_shared>>
      %dma_wait3A_392 = arith.constant 0 : i32
      %dma_wait3A_393 = tpu.memref_slice %arg2[%mul3A_2, %dma_wait3A_392] : memref<10240x128xf32, #tpu.memory_space<hbm>> -> memref<640x128xf32, #tpu.memory_space<hbm>>
      tpu.wait_dma2 semaphore(%run_scoped3A : memref<!tpu.dma_semaphore, #tpu.memory_space<semaphore_mem>>) src(%dma_wait3A_393 : memref<640x128xf32, #tpu.memory_space<hbm>>) dst(%dma_wait3A_391 : memref<640x128xf32, #tpu.memory_space<vmem_shared>>)
      tpu.yield
    }) : () -> ()
    %barrier3A = arith.constant 0 : index
    tpu.barrier barrier_id(%barrier3A)
    %scan3A = arith.constant 0 : i32
    %scan3A_382 = arith.constant 40 : i32
    %scan3A_383 = arith.addi %scan3A, %scan3A_382 : i32
    %scan3A_384 = arith.constant 1 : i32
    scf.for %scan3A_387 = %scan3A to %scan3A_383 step %scan3A_384  : i32 {
      %mul3A_388 = arith.constant 2 : i32
      %mul3A_389 = arith.muli %scan3A_387, %mul3A_388 : i32
      %add3A_390 = arith.constant 0 : i32
      %add3A_391 = arith.addi %add3A_390, %mul3A_389 : i32
      %dma_wait3A = arith.constant 0 : i32
      %dma_wait3A_392 = arith.constant 0 : i32
      %dma_wait3A_393 = tpu.memref_slice %arg6[%dma_wait3A, %dma_wait3A_392] : memref<2x128xi32, #tpu.memory_space<vmem>> -> memref<1x128xi32, #tpu.memory_space<vmem>>
      %dma_wait3A_394 = tpu.memref_squeeze %dma_wait3A_393 : memref<1x128xi32, #tpu.memory_space<vmem>> -> memref<128xi32, #tpu.memory_space<vmem>>
      %dma_wait3A_395 = arith.constant 0 : i32
      %dma_wait3A_396 = arith.constant 0 : i32
      %dma_wait3A_397 = tpu.memref_slice %arg10[%dma_wait3A_395, %dma_wait3A_396] : memref<10240x128xf32, #tpu.memory_space<vmem_shared>> -> memref<10240x128xf32, #tpu.memory_space<vmem_shared>>
      tpu.wait_indirect_dma semaphore(%arg11 : memref<!tpu.dma_semaphore, #tpu.memory_space<semaphore_mem>>) src(%dma_wait3A_397 : memref<10240x128xf32, #tpu.memory_space<vmem_shared>>) dst(%arg8 : memref<128x128xf32, #tpu.memory_space<vmem>>)
      %run_scoped3A = arith.constant 0 : i32
      "tpu.region"() ({
        %run_scoped3A_417 = tpu.sem_alloc : memref<!tpu.dma_semaphore, #tpu.memory_space<semaphore_mem>>
        %dma_start3A_418 = arith.constant 0 : i32
        %dma_start3A_419 = tpu.memref_slice %arg7[%run_scoped3A, %dma_start3A_418] : memref<2x128xi32, #tpu.memory_space<vmem>> -> memref<1x128xi32, #tpu.memory_space<vmem>>
        %dma_start3A_420 = tpu.memref_squeeze %dma_start3A_419 : memref<1x128xi32, #tpu.memory_space<vmem>> -> memref<128xi32, #tpu.memory_space<vmem>>
        %dma_start3A_421 = arith.constant 0 : i32
        %dma_start3A_422 = arith.constant 0 : i32
        %dma_start3A_423 = tpu.memref_slice %arg10[%dma_start3A_421, %dma_start3A_422] : memref<10240x128xf32, #tpu.memory_space<vmem_shared>> -> memref<10240x128xf32, #tpu.memory_space<vmem_shared>>
        tpu.enqueue_indirect_dma source(%arg8 : memref<128x128xf32, #tpu.memory_space<vmem>>) target(%dma_start3A_423 : memref<10240x128xf32, #tpu.memory_space<vmem_shared>>) offsets(%dma_start3A_420 : memref<128xi32, #tpu.memory_space<vmem>>) semaphore(%run_scoped3A_417 : memref<!tpu.dma_semaphore, #tpu.memory_space<semaphore_mem>>) {add = true}
        %dma_wait3A_424 = arith.constant 0 : i32
        %dma_wait3A_425 = tpu.memref_slice %arg7[%run_scoped3A, %dma_wait3A_424] : memref<2x128xi32, #tpu.memory_space<vmem>> -> memref<1x128xi32, #tpu.memory_space<vmem>>
        %dma_wait3A_426 = tpu.memref_squeeze %dma_wait3A_425 : memref<1x128xi32, #tpu.memory_space<vmem>> -> memref<128xi32, #tpu.memory_space<vmem>>
        %dma_wait3A_427 = arith.constant 0 : i32
        %dma_wait3A_428 = arith.constant 0 : i32
        %dma_wait3A_429 = tpu.memref_slice %arg10[%dma_wait3A_427, %dma_wait3A_428] : memref<10240x128xf32, #tpu.memory_space<vmem_shared>> -> memref<10240x128xf32, #tpu.memory_space<vmem_shared>>
        tpu.wait_indirect_dma semaphore(%run_scoped3A_417 : memref<!tpu.dma_semaphore, #tpu.memory_space<semaphore_mem>>) src(%arg8 : memref<128x128xf32, #tpu.memory_space<vmem>>) dst(%dma_wait3A_429 : memref<10240x128xf32, #tpu.memory_space<vmem_shared>>)
        tpu.yield
      }) : () -> ()
      %add3A_398 = arith.constant 2 : i32
      %add3A_399 = arith.addi %add3A_391, %add3A_398 : i32
      %lt3A = arith.constant 80 : i32
      %lt3A_400 = arith.cmpi slt, %add3A_399, %lt3A : i32
      %convert_element_type3A = arith.extui %lt3A_400 : i1 to i32
      %cond3A = arith.constant 0 : i32
      %cond3A_401 = arith.cmpi ne, %convert_element_type3A, %cond3A : i32
      scf.if %cond3A_401 {
        %add3A_417 = arith.constant 2 : i32
        %add3A_418 = arith.addi %add3A_391, %add3A_417 : i32
        %get3A_419 = arith.index_cast %add3A_418 : i32 to index
        %get3A_420 = arith.constant 0 : index
        %get3A_421 = tpu.vector_load %arg5[%get3A_419, %get3A_420] {strides = array<i32>} : memref<80x128xi32, #tpu.memory_space<vmem>>, vector<1x16xi32>,
        %get3A_422 = vector.shape_cast %get3A_421 : vector<1x16xi32> to vector<16xi32>
        %and3A_423 = arith.constant 65535 : i32
        %and3A_424 = vector.broadcast %and3A_423 : i32 to vector<16xi32>
        %and3A_425 = arith.andi %get3A_422, %and3A_424 : vector<16xi32>
        %swap3A_426 = arith.constant 0 : i32
        %swap3A_427 = arith.index_cast %swap3A_426 : i32 to index
        %swap3A_428 = arith.constant 0 : index
        %swap3A_429 = tpu.vector_load %arg6[%swap3A_427, %swap3A_428] {strides = array<i32>} : memref<2x128xi32, #tpu.memory_space<vmem>>, vector<1x16xi32>,
        %swap3A_430 = vector.shape_cast %swap3A_429 : vector<1x16xi32> to vector<16xi32>
        %swap3A_431 = vector.shape_cast %and3A_425 : vector<16xi32> to vector<1x16xi32>
        tpu.vector_store %arg6[%swap3A_427, %swap3A_428], %swap3A_431 {strides = array<i32>} : memref<2x128xi32, #tpu.memory_space<vmem>>, vector<1x16xi32>,
        %shift_right_logical3A_432 = arith.constant 16 : i32
        %shift_right_logical3A_433 = vector.broadcast %shift_right_logical3A_432 : i32 to vector<16xi32>
        %shift_right_logical3A_434 = arith.shrui %get3A_422, %shift_right_logical3A_433 : vector<16xi32>
        %swap3A_435 = arith.constant 0 : i32
        %swap3A_436 = arith.index_cast %swap3A_435 : i32 to index
        %swap3A_437 = arith.constant 0 : index
        %swap3A_438 = tpu.vector_load %arg7[%swap3A_436, %swap3A_437] {strides = array<i32>} : memref<2x128xi32, #tpu.memory_space<vmem>>, vector<1x16xi32>,
        %swap3A_439 = vector.shape_cast %swap3A_438 : vector<1x16xi32> to vector<16xi32>
        %swap3A_440 = vector.shape_cast %shift_right_logical3A_434 : vector<16xi32> to vector<1x16xi32>
        tpu.vector_store %arg7[%swap3A_436, %swap3A_437], %swap3A_440 {strides = array<i32>} : memref<2x128xi32, #tpu.memory_space<vmem>>, vector<1x16xi32>,
        %get3A_441 = arith.index_cast %add3A_418 : i32 to index
        %get3A_442 = arith.constant 16 : index
        %get3A_443 = tpu.vector_load %arg5[%get3A_441, %get3A_442] {strides = array<i32>} : memref<80x128xi32, #tpu.memory_space<vmem>>, vector<1x16xi32>,
        %get3A_444 = vector.shape_cast %get3A_443 : vector<1x16xi32> to vector<16xi32>
        %and3A_445 = arith.constant 65535 : i32
        %and3A_446 = vector.broadcast %and3A_445 : i32 to vector<16xi32>
        %and3A_447 = arith.andi %get3A_444, %and3A_446 : vector<16xi32>
        %swap3A_448 = arith.constant 0 : i32
        %swap3A_449 = arith.index_cast %swap3A_448 : i32 to index
        %swap3A_450 = arith.constant 16 : index
        %swap3A_451 = tpu.vector_load %arg6[%swap3A_449, %swap3A_450] {strides = array<i32>} : memref<2x128xi32, #tpu.memory_space<vmem>>, vector<1x16xi32>,
        %swap3A_452 = vector.shape_cast %swap3A_451 : vector<1x16xi32> to vector<16xi32>
        %swap3A_453 = vector.shape_cast %and3A_447 : vector<16xi32> to vector<1x16xi32>
        tpu.vector_store %arg6[%swap3A_449, %swap3A_450], %swap3A_453 {strides = array<i32>} : memref<2x128xi32, #tpu.memory_space<vmem>>, vector<1x16xi32>,
        %shift_right_logical3A_454 = arith.constant 16 : i32
        %shift_right_logical3A_455 = vector.broadcast %shift_right_logical3A_454 : i32 to vector<16xi32>
        %shift_right_logical3A_456 = arith.shrui %get3A_444, %shift_right_logical3A_455 : vector<16xi32>
        %swap3A_457 = arith.constant 0 : i32
        %swap3A_458 = arith.index_cast %swap3A_457 : i32 to index
        %swap3A_459 = arith.constant 16 : index
        %swap3A_460 = tpu.vector_load %arg7[%swap3A_458, %swap3A_459] {strides = array<i32>} : memref<2x128xi32, #tpu.memory_space<vmem>>, vector<1x16xi32>,
        %swap3A_461 = vector.shape_cast %swap3A_460 : vector<1x16xi32> to vector<16xi32>
        %swap3A_462 = vector.shape_cast %shift_right_logical3A_456 : vector<16xi32> to vector<1x16xi32>
        tpu.vector_store %arg7[%swap3A_458, %swap3A_459], %swap3A_462 {strides = array<i32>} : memref<2x128xi32, #tpu.memory_space<vmem>>, vector<1x16xi32>,
        %get3A_463 = arith.index_cast %add3A_418 : i32 to index
        %get3A_464 = arith.constant 32 : index
        %get3A_465 = tpu.vector_load %arg5[%get3A_463, %get3A_464] {strides = array<i32>} : memref<80x128xi32, #tpu.memory_space<vmem>>, vector<1x16xi32>,
        %get3A_466 = vector.shape_cast %get3A_465 : vector<1x16xi32> to vector<16xi32>
        %and3A_467 = arith.constant 65535 : i32
        %and3A_468 = vector.broadcast %and3A_467 : i32 to vector<16xi32>
        %and3A_469 = arith.andi %get3A_466, %and3A_468 : vector<16xi32>
        %swap3A_470 = arith.constant 0 : i32
        %swap3A_471 = arith.index_cast %swap3A_470 : i32 to index
        %swap3A_472 = arith.constant 32 : index
        %swap3A_473 = tpu.vector_load %arg6[%swap3A_471, %swap3A_472] {strides = array<i32>} : memref<2x128xi32, #tpu.memory_space<vmem>>, vector<1x16xi32>,
        %swap3A_474 = vector.shape_cast %swap3A_473 : vector<1x16xi32> to vector<16xi32>
        %swap3A_475 = vector.shape_cast %and3A_469 : vector<16xi32> to vector<1x16xi32>
        tpu.vector_store %arg6[%swap3A_471, %swap3A_472], %swap3A_475 {strides = array<i32>} : memref<2x128xi32, #tpu.memory_space<vmem>>, vector<1x16xi32>,
        %shift_right_logical3A_476 = arith.constant 16 : i32
        %shift_right_logical3A_477 = vector.broadcast %shift_right_logical3A_476 : i32 to vector<16xi32>
        %shift_right_logical3A_478 = arith.shrui %get3A_466, %shift_right_logical3A_477 : vector<16xi32>
        %swap3A_479 = arith.constant 0 : i32
        %swap3A_480 = arith.index_cast %swap3A_479 : i32 to index
        %swap3A_481 = arith.constant 32 : index
        %swap3A_482 = tpu.vector_load %arg7[%swap3A_480, %swap3A_481] {strides = array<i32>} : memref<2x128xi32, #tpu.memory_space<vmem>>, vector<1x16xi32>,
        %swap3A_483 = vector.shape_cast %swap3A_482 : vector<1x16xi32> to vector<16xi32>
        %swap3A_484 = vector.shape_cast %shift_right_logical3A_478 : vector<16xi32> to vector<1x16xi32>
        tpu.vector_store %arg7[%swap3A_480, %swap3A_481], %swap3A_484 {strides = array<i32>} : memref<2x128xi32, #tpu.memory_space<vmem>>, vector<1x16xi32>,
        %get3A_485 = arith.index_cast %add3A_418 : i32 to index
        %get3A_486 = arith.constant 48 : index
        %get3A_487 = tpu.vector_load %arg5[%get3A_485, %get3A_486] {strides = array<i32>} : memref<80x128xi32, #tpu.memory_space<vmem>>, vector<1x16xi32>,
        %get3A_488 = vector.shape_cast %get3A_487 : vector<1x16xi32> to vector<16xi32>
        %and3A_489 = arith.constant 65535 : i32
        %and3A_490 = vector.broadcast %and3A_489 : i32 to vector<16xi32>
        %and3A_491 = arith.andi %get3A_488, %and3A_490 : vector<16xi32>
        %swap3A_492 = arith.constant 0 : i32
        %swap3A_493 = arith.index_cast %swap3A_492 : i32 to index
        %swap3A_494 = arith.constant 48 : index
        %swap3A_495 = tpu.vector_load %arg6[%swap3A_493, %swap3A_494] {strides = array<i32>} : memref<2x128xi32, #tpu.memory_space<vmem>>, vector<1x16xi32>,
        %swap3A_496 = vector.shape_cast %swap3A_495 : vector<1x16xi32> to vector<16xi32>
        %swap3A_497 = vector.shape_cast %and3A_491 : vector<16xi32> to vector<1x16xi32>
        tpu.vector_store %arg6[%swap3A_493, %swap3A_494], %swap3A_497 {strides = array<i32>} : memref<2x128xi32, #tpu.memory_space<vmem>>, vector<1x16xi32>,
        %shift_right_logical3A_498 = arith.constant 16 : i32
        %shift_right_logical3A_499 = vector.broadcast %shift_right_logical3A_498 : i32 to vector<16xi32>
        %shift_right_logical3A_500 = arith.shrui %get3A_488, %shift_right_logical3A_499 : vector<16xi32>
        %swap3A_501 = arith.constant 0 : i32
        %swap3A_502 = arith.index_cast %swap3A_501 : i32 to index
        %swap3A_503 = arith.constant 48 : index
        %swap3A_504 = tpu.vector_load %arg7[%swap3A_502, %swap3A_503] {strides = array<i32>} : memref<2x128xi32, #tpu.memory_space<vmem>>, vector<1x16xi32>,
        %swap3A_505 = vector.shape_cast %swap3A_504 : vector<1x16xi32> to vector<16xi32>
        %swap3A_506 = vector.shape_cast %shift_right_logical3A_500 : vector<16xi32> to vector<1x16xi32>
        tpu.vector_store %arg7[%swap3A_502, %swap3A_503], %swap3A_506 {strides = array<i32>} : memref<2x128xi32, #tpu.memory_space<vmem>>, vector<1x16xi32>,
        %get3A_507 = arith.index_cast %add3A_418 : i32 to index
        %get3A_508 = arith.constant 64 : index
        %get3A_509 = tpu.vector_load %arg5[%get3A_507, %get3A_508] {strides = array<i32>} : memref<80x128xi32, #tpu.memory_space<vmem>>, vector<1x16xi32>,
        %get3A_510 = vector.shape_cast %get3A_509 : vector<1x16xi32> to vector<16xi32>
        %and3A_511 = arith.constant 65535 : i32
        %and3A_512 = vector.broadcast %and3A_511 : i32 to vector<16xi32>
        %and3A_513 = arith.andi %get3A_510, %and3A_512 : vector<16xi32>
        %swap3A_514 = arith.constant 0 : i32
        %swap3A_515 = arith.index_cast %swap3A_514 : i32 to index
        %swap3A_516 = arith.constant 64 : index
        %swap3A_517 = tpu.vector_load %arg6[%swap3A_515, %swap3A_516] {strides = array<i32>} : memref<2x128xi32, #tpu.memory_space<vmem>>, vector<1x16xi32>,
        %swap3A_518 = vector.shape_cast %swap3A_517 : vector<1x16xi32> to vector<16xi32>
        %swap3A_519 = vector.shape_cast %and3A_513 : vector<16xi32> to vector<1x16xi32>
        tpu.vector_store %arg6[%swap3A_515, %swap3A_516], %swap3A_519 {strides = array<i32>} : memref<2x128xi32, #tpu.memory_space<vmem>>, vector<1x16xi32>,
        %shift_right_logical3A_520 = arith.constant 16 : i32
        %shift_right_logical3A_521 = vector.broadcast %shift_right_logical3A_520 : i32 to vector<16xi32>
        %shift_right_logical3A_522 = arith.shrui %get3A_510, %shift_right_logical3A_521 : vector<16xi32>
        %swap3A_523 = arith.constant 0 : i32
        %swap3A_524 = arith.index_cast %swap3A_523 : i32 to index
        %swap3A_525 = arith.constant 64 : index
        %swap3A_526 = tpu.vector_load %arg7[%swap3A_524, %swap3A_525] {strides = array<i32>} : memref<2x128xi32, #tpu.memory_space<vmem>>, vector<1x16xi32>,
        %swap3A_527 = vector.shape_cast %swap3A_526 : vector<1x16xi32> to vector<16xi32>
        %swap3A_528 = vector.shape_cast %shift_right_logical3A_522 : vector<16xi32> to vector<1x16xi32>
        tpu.vector_store %arg7[%swap3A_524, %swap3A_525], %swap3A_528 {strides = array<i32>} : memref<2x128xi32, #tpu.memory_space<vmem>>, vector<1x16xi32>,
        %get3A_529 = arith.index_cast %add3A_418 : i32 to index
        %get3A_530 = arith.constant 80 : index
        %get3A_531 = tpu.vector_load %arg5[%get3A_529, %get3A_530] {strides = array<i32>} : memref<80x128xi32, #tpu.memory_space<vmem>>, vector<1x16xi32>,
        %get3A_532 = vector.shape_cast %get3A_531 : vector<1x16xi32> to vector<16xi32>
        %and3A_533 = arith.constant 65535 : i32
        %and3A_534 = vector.broadcast %and3A_533 : i32 to vector<16xi32>
        %and3A_535 = arith.andi %get3A_532, %and3A_534 : vector<16xi32>
        %swap3A_536 = arith.constant 0 : i32
        %swap3A_537 = arith.index_cast %swap3A_536 : i32 to index
        %swap3A_538 = arith.constant 80 : index
        %swap3A_539 = tpu.vector_load %arg6[%swap3A_537, %swap3A_538] {strides = array<i32>} : memref<2x128xi32, #tpu.memory_space<vmem>>, vector<1x16xi32>,
        %swap3A_540 = vector.shape_cast %swap3A_539 : vector<1x16xi32> to vector<16xi32>
        %swap3A_541 = vector.shape_cast %and3A_535 : vector<16xi32> to vector<1x16xi32>
        tpu.vector_store %arg6[%swap3A_537, %swap3A_538], %swap3A_541 {strides = array<i32>} : memref<2x128xi32, #tpu.memory_space<vmem>>, vector<1x16xi32>,
        %shift_right_logical3A_542 = arith.constant 16 : i32
        %shift_right_logical3A_543 = vector.broadcast %shift_right_logical3A_542 : i32 to vector<16xi32>
        %shift_right_logical3A_544 = arith.shrui %get3A_532, %shift_right_logical3A_543 : vector<16xi32>
        %swap3A_545 = arith.constant 0 : i32
        %swap3A_546 = arith.index_cast %swap3A_545 : i32 to index
        %swap3A_547 = arith.constant 80 : index
        %swap3A_548 = tpu.vector_load %arg7[%swap3A_546, %swap3A_547] {strides = array<i32>} : memref<2x128xi32, #tpu.memory_space<vmem>>, vector<1x16xi32>,
        %swap3A_549 = vector.shape_cast %swap3A_548 : vector<1x16xi32> to vector<16xi32>
        %swap3A_550 = vector.shape_cast %shift_right_logical3A_544 : vector<16xi32> to vector<1x16xi32>
        tpu.vector_store %arg7[%swap3A_546, %swap3A_547], %swap3A_550 {strides = array<i32>} : memref<2x128xi32, #tpu.memory_space<vmem>>, vector<1x16xi32>,
        %get3A_551 = arith.index_cast %add3A_418 : i32 to index
        %get3A_552 = arith.constant 96 : index
        %get3A_553 = tpu.vector_load %arg5[%get3A_551, %get3A_552] {strides = array<i32>} : memref<80x128xi32, #tpu.memory_space<vmem>>, vector<1x16xi32>,
        %get3A_554 = vector.shape_cast %get3A_553 : vector<1x16xi32> to vector<16xi32>
        %and3A_555 = arith.constant 65535 : i32
        %and3A_556 = vector.broadcast %and3A_555 : i32 to vector<16xi32>
        %and3A_557 = arith.andi %get3A_554, %and3A_556 : vector<16xi32>
        %swap3A_558 = arith.constant 0 : i32
        %swap3A_559 = arith.index_cast %swap3A_558 : i32 to index
        %swap3A_560 = arith.constant 96 : index
        %swap3A_561 = tpu.vector_load %arg6[%swap3A_559, %swap3A_560] {strides = array<i32>} : memref<2x128xi32, #tpu.memory_space<vmem>>, vector<1x16xi32>,
        %swap3A_562 = vector.shape_cast %swap3A_561 : vector<1x16xi32> to vector<16xi32>
        %swap3A_563 = vector.shape_cast %and3A_557 : vector<16xi32> to vector<1x16xi32>
        tpu.vector_store %arg6[%swap3A_559, %swap3A_560], %swap3A_563 {strides = array<i32>} : memref<2x128xi32, #tpu.memory_space<vmem>>, vector<1x16xi32>,
        %shift_right_logical3A_564 = arith.constant 16 : i32
        %shift_right_logical3A_565 = vector.broadcast %shift_right_logical3A_564 : i32 to vector<16xi32>
        %shift_right_logical3A_566 = arith.shrui %get3A_554, %shift_right_logical3A_565 : vector<16xi32>
        %swap3A_567 = arith.constant 0 : i32
        %swap3A_568 = arith.index_cast %swap3A_567 : i32 to index
        %swap3A_569 = arith.constant 96 : index
        %swap3A_570 = tpu.vector_load %arg7[%swap3A_568, %swap3A_569] {strides = array<i32>} : memref<2x128xi32, #tpu.memory_space<vmem>>, vector<1x16xi32>,
        %swap3A_571 = vector.shape_cast %swap3A_570 : vector<1x16xi32> to vector<16xi32>
        %swap3A_572 = vector.shape_cast %shift_right_logical3A_566 : vector<16xi32> to vector<1x16xi32>
        tpu.vector_store %arg7[%swap3A_568, %swap3A_569], %swap3A_572 {strides = array<i32>} : memref<2x128xi32, #tpu.memory_space<vmem>>, vector<1x16xi32>,
        %get3A_573 = arith.index_cast %add3A_418 : i32 to index
        %get3A_574 = arith.constant 112 : index
        %get3A_575 = tpu.vector_load %arg5[%get3A_573, %get3A_574] {strides = array<i32>} : memref<80x128xi32, #tpu.memory_space<vmem>>, vector<1x16xi32>,
        %get3A_576 = vector.shape_cast %get3A_575 : vector<1x16xi32> to vector<16xi32>
        %and3A_577 = arith.constant 65535 : i32
        %and3A_578 = vector.broadcast %and3A_577 : i32 to vector<16xi32>
        %and3A_579 = arith.andi %get3A_576, %and3A_578 : vector<16xi32>
        %swap3A_580 = arith.constant 0 : i32
        %swap3A_581 = arith.index_cast %swap3A_580 : i32 to index
        %swap3A_582 = arith.constant 112 : index
        %swap3A_583 = tpu.vector_load %arg6[%swap3A_581, %swap3A_582] {strides = array<i32>} : memref<2x128xi32, #tpu.memory_space<vmem>>, vector<1x16xi32>,
        %swap3A_584 = vector.shape_cast %swap3A_583 : vector<1x16xi32> to vector<16xi32>
        %swap3A_585 = vector.shape_cast %and3A_579 : vector<16xi32> to vector<1x16xi32>
        tpu.vector_store %arg6[%swap3A_581, %swap3A_582], %swap3A_585 {strides = array<i32>} : memref<2x128xi32, #tpu.memory_space<vmem>>, vector<1x16xi32>,
        %shift_right_logical3A_586 = arith.constant 16 : i32
        %shift_right_logical3A_587 = vector.broadcast %shift_right_logical3A_586 : i32 to vector<16xi32>
        %shift_right_logical3A_588 = arith.shrui %get3A_576, %shift_right_logical3A_587 : vector<16xi32>
        %swap3A_589 = arith.constant 0 : i32
        %swap3A_590 = arith.index_cast %swap3A_589 : i32 to index
        %swap3A_591 = arith.constant 112 : index
        %swap3A_592 = tpu.vector_load %arg7[%swap3A_590, %swap3A_591] {strides = array<i32>} : memref<2x128xi32, #tpu.memory_space<vmem>>, vector<1x16xi32>,
        %swap3A_593 = vector.shape_cast %swap3A_592 : vector<1x16xi32> to vector<16xi32>
        %swap3A_594 = vector.shape_cast %shift_right_logical3A_588 : vector<16xi32> to vector<1x16xi32>
        tpu.vector_store %arg7[%swap3A_590, %swap3A_591], %swap3A_594 {strides = array<i32>} : memref<2x128xi32, #tpu.memory_space<vmem>>, vector<1x16xi32>,
        %dma_start3A_595 = arith.constant 0 : i32
        %dma_start3A_596 = arith.constant 0 : i32
        %dma_start3A_597 = tpu.memref_slice %arg6[%dma_start3A_595, %dma_start3A_596] : memref<2x128xi32, #tpu.memory_space<vmem>> -> memref<1x128xi32, #tpu.memory_space<vmem>>
        %dma_start3A_598 = tpu.memref_squeeze %dma_start3A_597 : memref<1x128xi32, #tpu.memory_space<vmem>> -> memref<128xi32, #tpu.memory_space<vmem>>
        %dma_start3A_599 = arith.constant 0 : i32
        %dma_start3A_600 = arith.constant 0 : i32
        %dma_start3A_601 = tpu.memref_slice %arg10[%dma_start3A_599, %dma_start3A_600] : memref<10240x128xf32, #tpu.memory_space<vmem_shared>> -> memref<10240x128xf32, #tpu.memory_space<vmem_shared>>
        tpu.enqueue_indirect_dma source(%dma_start3A_601 : memref<10240x128xf32, #tpu.memory_space<vmem_shared>>) target(%arg8 : memref<128x128xf32, #tpu.memory_space<vmem>>) offsets(%dma_start3A_598 : memref<128xi32, #tpu.memory_space<vmem>>) semaphore(%arg11 : memref<!tpu.dma_semaphore, #tpu.memory_space<semaphore_mem>>)
      } else {
      }
      %dma_wait3A_402 = arith.constant 1 : i32
      %dma_wait3A_403 = arith.constant 0 : i32
      %dma_wait3A_404 = tpu.memref_slice %arg6[%dma_wait3A_402, %dma_wait3A_403] : memref<2x128xi32, #tpu.memory_space<vmem>> -> memref<1x128xi32, #tpu.memory_space<vmem>>
      %dma_wait3A_405 = tpu.memref_squeeze %dma_wait3A_404 : memref<1x128xi32, #tpu.memory_space<vmem>> -> memref<128xi32, #tpu.memory_space<vmem>>
      %dma_wait3A_406 = arith.constant 0 : i32
      %dma_wait3A_407 = arith.constant 0 : i32
      %dma_wait3A_408 = tpu.memref_slice %arg10[%dma_wait3A_406, %dma_wait3A_407] : memref<10240x128xf32, #tpu.memory_space<vmem_shared>> -> memref<10240x128xf32, #tpu.memory_space<vmem_shared>>
      tpu.wait_indirect_dma semaphore(%arg12 : memref<!tpu.dma_semaphore, #tpu.memory_space<semaphore_mem>>) src(%dma_wait3A_408 : memref<10240x128xf32, #tpu.memory_space<vmem_shared>>) dst(%arg9 : memref<128x128xf32, #tpu.memory_space<vmem>>)
      %run_scoped3A_409 = arith.constant 1 : i32
      "tpu.region"() ({
        %run_scoped3A_417 = tpu.sem_alloc : memref<!tpu.dma_semaphore, #tpu.memory_space<semaphore_mem>>
        %dma_start3A_418 = arith.constant 0 : i32
        %dma_start3A_419 = tpu.memref_slice %arg7[%run_scoped3A_409, %dma_start3A_418] : memref<2x128xi32, #tpu.memory_space<vmem>> -> memref<1x128xi32, #tpu.memory_space<vmem>>
        %dma_start3A_420 = tpu.memref_squeeze %dma_start3A_419 : memref<1x128xi32, #tpu.memory_space<vmem>> -> memref<128xi32, #tpu.memory_space<vmem>>
        %dma_start3A_421 = arith.constant 0 : i32
        %dma_start3A_422 = arith.constant 0 : i32
        %dma_start3A_423 = tpu.memref_slice %arg10[%dma_start3A_421, %dma_start3A_422] : memref<10240x128xf32, #tpu.memory_space<vmem_shared>> -> memref<10240x128xf32, #tpu.memory_space<vmem_shared>>
        tpu.enqueue_indirect_dma source(%arg9 : memref<128x128xf32, #tpu.memory_space<vmem>>) target(%dma_start3A_423 : memref<10240x128xf32, #tpu.memory_space<vmem_shared>>) offsets(%dma_start3A_420 : memref<128xi32, #tpu.memory_space<vmem>>) semaphore(%run_scoped3A_417 : memref<!tpu.dma_semaphore, #tpu.memory_space<semaphore_mem>>) {add = true}
        %dma_wait3A_424 = arith.constant 0 : i32
        %dma_wait3A_425 = tpu.memref_slice %arg7[%run_scoped3A_409, %dma_wait3A_424] : memref<2x128xi32, #tpu.memory_space<vmem>> -> memref<1x128xi32, #tpu.memory_space<vmem>>
        %dma_wait3A_426 = tpu.memref_squeeze %dma_wait3A_425 : memref<1x128xi32, #tpu.memory_space<vmem>> -> memref<128xi32, #tpu.memory_space<vmem>>
        %dma_wait3A_427 = arith.constant 0 : i32
        %dma_wait3A_428 = arith.constant 0 : i32
        %dma_wait3A_429 = tpu.memref_slice %arg10[%dma_wait3A_427, %dma_wait3A_428] : memref<10240x128xf32, #tpu.memory_space<vmem_shared>> -> memref<10240x128xf32, #tpu.memory_space<vmem_shared>>
        tpu.wait_indirect_dma semaphore(%run_scoped3A_417 : memref<!tpu.dma_semaphore, #tpu.memory_space<semaphore_mem>>) src(%arg9 : memref<128x128xf32, #tpu.memory_space<vmem>>) dst(%dma_wait3A_429 : memref<10240x128xf32, #tpu.memory_space<vmem_shared>>)
        tpu.yield
      }) : () -> ()
      %add3A_410 = arith.constant 3 : i32
      %add3A_411 = arith.addi %add3A_391, %add3A_410 : i32
      %lt3A_412 = arith.constant 80 : i32
      %lt3A_413 = arith.cmpi slt, %add3A_411, %lt3A_412 : i32
      %convert_element_type3A_414 = arith.extui %lt3A_413 : i1 to i32
      %cond3A_415 = arith.constant 0 : i32
      %cond3A_416 = arith.cmpi ne, %convert_element_type3A_414, %cond3A_415 : i32
      scf.if %cond3A_416 {
        %add3A_417 = arith.constant 3 : i32
        %add3A_418 = arith.addi %add3A_391, %add3A_417 : i32
        %get3A_419 = arith.index_cast %add3A_418 : i32 to index
        %get3A_420 = arith.constant 0 : index
        %get3A_421 = tpu.vector_load %arg5[%get3A_419, %get3A_420] {strides = array<i32>} : memref<80x128xi32, #tpu.memory_space<vmem>>, vector<1x16xi32>,
        %get3A_422 = vector.shape_cast %get3A_421 : vector<1x16xi32> to vector<16xi32>
        %and3A_423 = arith.constant 65535 : i32
        %and3A_424 = vector.broadcast %and3A_423 : i32 to vector<16xi32>
        %and3A_425 = arith.andi %get3A_422, %and3A_424 : vector<16xi32>
        %swap3A_426 = arith.constant 1 : i32
        %swap3A_427 = arith.index_cast %swap3A_426 : i32 to index
        %swap3A_428 = arith.constant 0 : index
        %swap3A_429 = tpu.vector_load %arg6[%swap3A_427, %swap3A_428] {strides = array<i32>} : memref<2x128xi32, #tpu.memory_space<vmem>>, vector<1x16xi32>,
        %swap3A_430 = vector.shape_cast %swap3A_429 : vector<1x16xi32> to vector<16xi32>
        %swap3A_431 = vector.shape_cast %and3A_425 : vector<16xi32> to vector<1x16xi32>
        tpu.vector_store %arg6[%swap3A_427, %swap3A_428], %swap3A_431 {strides = array<i32>} : memref<2x128xi32, #tpu.memory_space<vmem>>, vector<1x16xi32>,
        %shift_right_logical3A_432 = arith.constant 16 : i32
        %shift_right_logical3A_433 = vector.broadcast %shift_right_logical3A_432 : i32 to vector<16xi32>
        %shift_right_logical3A_434 = arith.shrui %get3A_422, %shift_right_logical3A_433 : vector<16xi32>
        %swap3A_435 = arith.constant 1 : i32
        %swap3A_436 = arith.index_cast %swap3A_435 : i32 to index
        %swap3A_437 = arith.constant 0 : index
        %swap3A_438 = tpu.vector_load %arg7[%swap3A_436, %swap3A_437] {strides = array<i32>} : memref<2x128xi32, #tpu.memory_space<vmem>>, vector<1x16xi32>,
        %swap3A_439 = vector.shape_cast %swap3A_438 : vector<1x16xi32> to vector<16xi32>
        %swap3A_440 = vector.shape_cast %shift_right_logical3A_434 : vector<16xi32> to vector<1x16xi32>
        tpu.vector_store %arg7[%swap3A_436, %swap3A_437], %swap3A_440 {strides = array<i32>} : memref<2x128xi32, #tpu.memory_space<vmem>>, vector<1x16xi32>,
        %get3A_441 = arith.index_cast %add3A_418 : i32 to index
        %get3A_442 = arith.constant 16 : index
        %get3A_443 = tpu.vector_load %arg5[%get3A_441, %get3A_442] {strides = array<i32>} : memref<80x128xi32, #tpu.memory_space<vmem>>, vector<1x16xi32>,
        %get3A_444 = vector.shape_cast %get3A_443 : vector<1x16xi32> to vector<16xi32>
        %and3A_445 = arith.constant 65535 : i32
        %and3A_446 = vector.broadcast %and3A_445 : i32 to vector<16xi32>
        %and3A_447 = arith.andi %get3A_444, %and3A_446 : vector<16xi32>
        %swap3A_448 = arith.constant 1 : i32
        %swap3A_449 = arith.index_cast %swap3A_448 : i32 to index
        %swap3A_450 = arith.constant 16 : index
        %swap3A_451 = tpu.vector_load %arg6[%swap3A_449, %swap3A_450] {strides = array<i32>} : memref<2x128xi32, #tpu.memory_space<vmem>>, vector<1x16xi32>,
        %swap3A_452 = vector.shape_cast %swap3A_451 : vector<1x16xi32> to vector<16xi32>
        %swap3A_453 = vector.shape_cast %and3A_447 : vector<16xi32> to vector<1x16xi32>
        tpu.vector_store %arg6[%swap3A_449, %swap3A_450], %swap3A_453 {strides = array<i32>} : memref<2x128xi32, #tpu.memory_space<vmem>>, vector<1x16xi32>,
        %shift_right_logical3A_454 = arith.constant 16 : i32
        %shift_right_logical3A_455 = vector.broadcast %shift_right_logical3A_454 : i32 to vector<16xi32>
        %shift_right_logical3A_456 = arith.shrui %get3A_444, %shift_right_logical3A_455 : vector<16xi32>
        %swap3A_457 = arith.constant 1 : i32
        %swap3A_458 = arith.index_cast %swap3A_457 : i32 to index
        %swap3A_459 = arith.constant 16 : index
        %swap3A_460 = tpu.vector_load %arg7[%swap3A_458, %swap3A_459] {strides = array<i32>} : memref<2x128xi32, #tpu.memory_space<vmem>>, vector<1x16xi32>,
        %swap3A_461 = vector.shape_cast %swap3A_460 : vector<1x16xi32> to vector<16xi32>
        %swap3A_462 = vector.shape_cast %shift_right_logical3A_456 : vector<16xi32> to vector<1x16xi32>
        tpu.vector_store %arg7[%swap3A_458, %swap3A_459], %swap3A_462 {strides = array<i32>} : memref<2x128xi32, #tpu.memory_space<vmem>>, vector<1x16xi32>,
        %get3A_463 = arith.index_cast %add3A_418 : i32 to index
        %get3A_464 = arith.constant 32 : index
        %get3A_465 = tpu.vector_load %arg5[%get3A_463, %get3A_464] {strides = array<i32>} : memref<80x128xi32, #tpu.memory_space<vmem>>, vector<1x16xi32>,
        %get3A_466 = vector.shape_cast %get3A_465 : vector<1x16xi32> to vector<16xi32>
        %and3A_467 = arith.constant 65535 : i32
        %and3A_468 = vector.broadcast %and3A_467 : i32 to vector<16xi32>
        %and3A_469 = arith.andi %get3A_466, %and3A_468 : vector<16xi32>
        %swap3A_470 = arith.constant 1 : i32
        %swap3A_471 = arith.index_cast %swap3A_470 : i32 to index
        %swap3A_472 = arith.constant 32 : index
        %swap3A_473 = tpu.vector_load %arg6[%swap3A_471, %swap3A_472] {strides = array<i32>} : memref<2x128xi32, #tpu.memory_space<vmem>>, vector<1x16xi32>,
        %swap3A_474 = vector.shape_cast %swap3A_473 : vector<1x16xi32> to vector<16xi32>
        %swap3A_475 = vector.shape_cast %and3A_469 : vector<16xi32> to vector<1x16xi32>
        tpu.vector_store %arg6[%swap3A_471, %swap3A_472], %swap3A_475 {strides = array<i32>} : memref<2x128xi32, #tpu.memory_space<vmem>>, vector<1x16xi32>,
        %shift_right_logical3A_476 = arith.constant 16 : i32
        %shift_right_logical3A_477 = vector.broadcast %shift_right_logical3A_476 : i32 to vector<16xi32>
        %shift_right_logical3A_478 = arith.shrui %get3A_466, %shift_right_logical3A_477 : vector<16xi32>
        %swap3A_479 = arith.constant 1 : i32
        %swap3A_480 = arith.index_cast %swap3A_479 : i32 to index
        %swap3A_481 = arith.constant 32 : index
        %swap3A_482 = tpu.vector_load %arg7[%swap3A_480, %swap3A_481] {strides = array<i32>} : memref<2x128xi32, #tpu.memory_space<vmem>>, vector<1x16xi32>,
        %swap3A_483 = vector.shape_cast %swap3A_482 : vector<1x16xi32> to vector<16xi32>
        %swap3A_484 = vector.shape_cast %shift_right_logical3A_478 : vector<16xi32> to vector<1x16xi32>
        tpu.vector_store %arg7[%swap3A_480, %swap3A_481], %swap3A_484 {strides = array<i32>} : memref<2x128xi32, #tpu.memory_space<vmem>>, vector<1x16xi32>,
        %get3A_485 = arith.index_cast %add3A_418 : i32 to index
        %get3A_486 = arith.constant 48 : index
        %get3A_487 = tpu.vector_load %arg5[%get3A_485, %get3A_486] {strides = array<i32>} : memref<80x128xi32, #tpu.memory_space<vmem>>, vector<1x16xi32>,
        %get3A_488 = vector.shape_cast %get3A_487 : vector<1x16xi32> to vector<16xi32>
        %and3A_489 = arith.constant 65535 : i32
        %and3A_490 = vector.broadcast %and3A_489 : i32 to vector<16xi32>
        %and3A_491 = arith.andi %get3A_488, %and3A_490 : vector<16xi32>
        %swap3A_492 = arith.constant 1 : i32
        %swap3A_493 = arith.index_cast %swap3A_492 : i32 to index
        %swap3A_494 = arith.constant 48 : index
        %swap3A_495 = tpu.vector_load %arg6[%swap3A_493, %swap3A_494] {strides = array<i32>} : memref<2x128xi32, #tpu.memory_space<vmem>>, vector<1x16xi32>,
        %swap3A_496 = vector.shape_cast %swap3A_495 : vector<1x16xi32> to vector<16xi32>
        %swap3A_497 = vector.shape_cast %and3A_491 : vector<16xi32> to vector<1x16xi32>
        tpu.vector_store %arg6[%swap3A_493, %swap3A_494], %swap3A_497 {strides = array<i32>} : memref<2x128xi32, #tpu.memory_space<vmem>>, vector<1x16xi32>,
        %shift_right_logical3A_498 = arith.constant 16 : i32
        %shift_right_logical3A_499 = vector.broadcast %shift_right_logical3A_498 : i32 to vector<16xi32>
        %shift_right_logical3A_500 = arith.shrui %get3A_488, %shift_right_logical3A_499 : vector<16xi32>
        %swap3A_501 = arith.constant 1 : i32
        %swap3A_502 = arith.index_cast %swap3A_501 : i32 to index
        %swap3A_503 = arith.constant 48 : index
        %swap3A_504 = tpu.vector_load %arg7[%swap3A_502, %swap3A_503] {strides = array<i32>} : memref<2x128xi32, #tpu.memory_space<vmem>>, vector<1x16xi32>,
        %swap3A_505 = vector.shape_cast %swap3A_504 : vector<1x16xi32> to vector<16xi32>
        %swap3A_506 = vector.shape_cast %shift_right_logical3A_500 : vector<16xi32> to vector<1x16xi32>
        tpu.vector_store %arg7[%swap3A_502, %swap3A_503], %swap3A_506 {strides = array<i32>} : memref<2x128xi32, #tpu.memory_space<vmem>>, vector<1x16xi32>,
        %get3A_507 = arith.index_cast %add3A_418 : i32 to index
        %get3A_508 = arith.constant 64 : index
        %get3A_509 = tpu.vector_load %arg5[%get3A_507, %get3A_508] {strides = array<i32>} : memref<80x128xi32, #tpu.memory_space<vmem>>, vector<1x16xi32>,
        %get3A_510 = vector.shape_cast %get3A_509 : vector<1x16xi32> to vector<16xi32>
        %and3A_511 = arith.constant 65535 : i32
        %and3A_512 = vector.broadcast %and3A_511 : i32 to vector<16xi32>
        %and3A_513 = arith.andi %get3A_510, %and3A_512 : vector<16xi32>
        %swap3A_514 = arith.constant 1 : i32
        %swap3A_515 = arith.index_cast %swap3A_514 : i32 to index
        %swap3A_516 = arith.constant 64 : index
        %swap3A_517 = tpu.vector_load %arg6[%swap3A_515, %swap3A_516] {strides = array<i32>} : memref<2x128xi32, #tpu.memory_space<vmem>>, vector<1x16xi32>,
        %swap3A_518 = vector.shape_cast %swap3A_517 : vector<1x16xi32> to vector<16xi32>
        %swap3A_519 = vector.shape_cast %and3A_513 : vector<16xi32> to vector<1x16xi32>
        tpu.vector_store %arg6[%swap3A_515, %swap3A_516], %swap3A_519 {strides = array<i32>} : memref<2x128xi32, #tpu.memory_space<vmem>>, vector<1x16xi32>,
        %shift_right_logical3A_520 = arith.constant 16 : i32
        %shift_right_logical3A_521 = vector.broadcast %shift_right_logical3A_520 : i32 to vector<16xi32>
        %shift_right_logical3A_522 = arith.shrui %get3A_510, %shift_right_logical3A_521 : vector<16xi32>
        %swap3A_523 = arith.constant 1 : i32
        %swap3A_524 = arith.index_cast %swap3A_523 : i32 to index
        %swap3A_525 = arith.constant 64 : index
        %swap3A_526 = tpu.vector_load %arg7[%swap3A_524, %swap3A_525] {strides = array<i32>} : memref<2x128xi32, #tpu.memory_space<vmem>>, vector<1x16xi32>,
        %swap3A_527 = vector.shape_cast %swap3A_526 : vector<1x16xi32> to vector<16xi32>
        %swap3A_528 = vector.shape_cast %shift_right_logical3A_522 : vector<16xi32> to vector<1x16xi32>
        tpu.vector_store %arg7[%swap3A_524, %swap3A_525], %swap3A_528 {strides = array<i32>} : memref<2x128xi32, #tpu.memory_space<vmem>>, vector<1x16xi32>,
        %get3A_529 = arith.index_cast %add3A_418 : i32 to index
        %get3A_530 = arith.constant 80 : index
        %get3A_531 = tpu.vector_load %arg5[%get3A_529, %get3A_530] {strides = array<i32>} : memref<80x128xi32, #tpu.memory_space<vmem>>, vector<1x16xi32>,
        %get3A_532 = vector.shape_cast %get3A_531 : vector<1x16xi32> to vector<16xi32>
        %and3A_533 = arith.constant 65535 : i32
        %and3A_534 = vector.broadcast %and3A_533 : i32 to vector<16xi32>
        %and3A_535 = arith.andi %get3A_532, %and3A_534 : vector<16xi32>
        %swap3A_536 = arith.constant 1 : i32
        %swap3A_537 = arith.index_cast %swap3A_536 : i32 to index
        %swap3A_538 = arith.constant 80 : index
        %swap3A_539 = tpu.vector_load %arg6[%swap3A_537, %swap3A_538] {strides = array<i32>} : memref<2x128xi32, #tpu.memory_space<vmem>>, vector<1x16xi32>,
        %swap3A_540 = vector.shape_cast %swap3A_539 : vector<1x16xi32> to vector<16xi32>
        %swap3A_541 = vector.shape_cast %and3A_535 : vector<16xi32> to vector<1x16xi32>
        tpu.vector_store %arg6[%swap3A_537, %swap3A_538], %swap3A_541 {strides = array<i32>} : memref<2x128xi32, #tpu.memory_space<vmem>>, vector<1x16xi32>,
        %shift_right_logical3A_542 = arith.constant 16 : i32
        %shift_right_logical3A_543 = vector.broadcast %shift_right_logical3A_542 : i32 to vector<16xi32>
        %shift_right_logical3A_544 = arith.shrui %get3A_532, %shift_right_logical3A_543 : vector<16xi32>
        %swap3A_545 = arith.constant 1 : i32
        %swap3A_546 = arith.index_cast %swap3A_545 : i32 to index
        %swap3A_547 = arith.constant 80 : index
        %swap3A_548 = tpu.vector_load %arg7[%swap3A_546, %swap3A_547] {strides = array<i32>} : memref<2x128xi32, #tpu.memory_space<vmem>>, vector<1x16xi32>,
        %swap3A_549 = vector.shape_cast %swap3A_548 : vector<1x16xi32> to vector<16xi32>
        %swap3A_550 = vector.shape_cast %shift_right_logical3A_544 : vector<16xi32> to vector<1x16xi32>
        tpu.vector_store %arg7[%swap3A_546, %swap3A_547], %swap3A_550 {strides = array<i32>} : memref<2x128xi32, #tpu.memory_space<vmem>>, vector<1x16xi32>,
        %get3A_551 = arith.index_cast %add3A_418 : i32 to index
        %get3A_552 = arith.constant 96 : index
        %get3A_553 = tpu.vector_load %arg5[%get3A_551, %get3A_552] {strides = array<i32>} : memref<80x128xi32, #tpu.memory_space<vmem>>, vector<1x16xi32>,
        %get3A_554 = vector.shape_cast %get3A_553 : vector<1x16xi32> to vector<16xi32>
        %and3A_555 = arith.constant 65535 : i32
        %and3A_556 = vector.broadcast %and3A_555 : i32 to vector<16xi32>
        %and3A_557 = arith.andi %get3A_554, %and3A_556 : vector<16xi32>
        %swap3A_558 = arith.constant 1 : i32
        %swap3A_559 = arith.index_cast %swap3A_558 : i32 to index
        %swap3A_560 = arith.constant 96 : index
        %swap3A_561 = tpu.vector_load %arg6[%swap3A_559, %swap3A_560] {strides = array<i32>} : memref<2x128xi32, #tpu.memory_space<vmem>>, vector<1x16xi32>,
        %swap3A_562 = vector.shape_cast %swap3A_561 : vector<1x16xi32> to vector<16xi32>
        %swap3A_563 = vector.shape_cast %and3A_557 : vector<16xi32> to vector<1x16xi32>
        tpu.vector_store %arg6[%swap3A_559, %swap3A_560], %swap3A_563 {strides = array<i32>} : memref<2x128xi32, #tpu.memory_space<vmem>>, vector<1x16xi32>,
        %shift_right_logical3A_564 = arith.constant 16 : i32
        %shift_right_logical3A_565 = vector.broadcast %shift_right_logical3A_564 : i32 to vector<16xi32>
        %shift_right_logical3A_566 = arith.shrui %get3A_554, %shift_right_logical3A_565 : vector<16xi32>
        %swap3A_567 = arith.constant 1 : i32
        %swap3A_568 = arith.index_cast %swap3A_567 : i32 to index
        %swap3A_569 = arith.constant 96 : index
        %swap3A_570 = tpu.vector_load %arg7[%swap3A_568, %swap3A_569] {strides = array<i32>} : memref<2x128xi32, #tpu.memory_space<vmem>>, vector<1x16xi32>,
        %swap3A_571 = vector.shape_cast %swap3A_570 : vector<1x16xi32> to vector<16xi32>
        %swap3A_572 = vector.shape_cast %shift_right_logical3A_566 : vector<16xi32> to vector<1x16xi32>
        tpu.vector_store %arg7[%swap3A_568, %swap3A_569], %swap3A_572 {strides = array<i32>} : memref<2x128xi32, #tpu.memory_space<vmem>>, vector<1x16xi32>,
        %get3A_573 = arith.index_cast %add3A_418 : i32 to index
        %get3A_574 = arith.constant 112 : index
        %get3A_575 = tpu.vector_load %arg5[%get3A_573, %get3A_574] {strides = array<i32>} : memref<80x128xi32, #tpu.memory_space<vmem>>, vector<1x16xi32>,
        %get3A_576 = vector.shape_cast %get3A_575 : vector<1x16xi32> to vector<16xi32>
        %and3A_577 = arith.constant 65535 : i32
        %and3A_578 = vector.broadcast %and3A_577 : i32 to vector<16xi32>
        %and3A_579 = arith.andi %get3A_576, %and3A_578 : vector<16xi32>
        %swap3A_580 = arith.constant 1 : i32
        %swap3A_581 = arith.index_cast %swap3A_580 : i32 to index
        %swap3A_582 = arith.constant 112 : index
        %swap3A_583 = tpu.vector_load %arg6[%swap3A_581, %swap3A_582] {strides = array<i32>} : memref<2x128xi32, #tpu.memory_space<vmem>>, vector<1x16xi32>,
        %swap3A_584 = vector.shape_cast %swap3A_583 : vector<1x16xi32> to vector<16xi32>
        %swap3A_585 = vector.shape_cast %and3A_579 : vector<16xi32> to vector<1x16xi32>
        tpu.vector_store %arg6[%swap3A_581, %swap3A_582], %swap3A_585 {strides = array<i32>} : memref<2x128xi32, #tpu.memory_space<vmem>>, vector<1x16xi32>,
        %shift_right_logical3A_586 = arith.constant 16 : i32
        %shift_right_logical3A_587 = vector.broadcast %shift_right_logical3A_586 : i32 to vector<16xi32>
        %shift_right_logical3A_588 = arith.shrui %get3A_576, %shift_right_logical3A_587 : vector<16xi32>
        %swap3A_589 = arith.constant 1 : i32
        %swap3A_590 = arith.index_cast %swap3A_589 : i32 to index
        %swap3A_591 = arith.constant 112 : index
        %swap3A_592 = tpu.vector_load %arg7[%swap3A_590, %swap3A_591] {strides = array<i32>} : memref<2x128xi32, #tpu.memory_space<vmem>>, vector<1x16xi32>,
        %swap3A_593 = vector.shape_cast %swap3A_592 : vector<1x16xi32> to vector<16xi32>
        %swap3A_594 = vector.shape_cast %shift_right_logical3A_588 : vector<16xi32> to vector<1x16xi32>
        tpu.vector_store %arg7[%swap3A_590, %swap3A_591], %swap3A_594 {strides = array<i32>} : memref<2x128xi32, #tpu.memory_space<vmem>>, vector<1x16xi32>,
        %dma_start3A_595 = arith.constant 1 : i32
        %dma_start3A_596 = arith.constant 0 : i32
        %dma_start3A_597 = tpu.memref_slice %arg6[%dma_start3A_595, %dma_start3A_596] : memref<2x128xi32, #tpu.memory_space<vmem>> -> memref<1x128xi32, #tpu.memory_space<vmem>>
        %dma_start3A_598 = tpu.memref_squeeze %dma_start3A_597 : memref<1x128xi32, #tpu.memory_space<vmem>> -> memref<128xi32, #tpu.memory_space<vmem>>
        %dma_start3A_599 = arith.constant 0 : i32
        %dma_start3A_600 = arith.constant 0 : i32
        %dma_start3A_601 = tpu.memref_slice %arg10[%dma_start3A_599, %dma_start3A_600] : memref<10240x128xf32, #tpu.memory_space<vmem_shared>> -> memref<10240x128xf32, #tpu.memory_space<vmem_shared>>
        tpu.enqueue_indirect_dma source(%dma_start3A_601 : memref<10240x128xf32, #tpu.memory_space<vmem_shared>>) target(%arg9 : memref<128x128xf32, #tpu.memory_space<vmem>>) offsets(%dma_start3A_598 : memref<128xi32, #tpu.memory_space<vmem>>) semaphore(%arg12 : memref<!tpu.dma_semaphore, #tpu.memory_space<semaphore_mem>>)
      } else {
      }
    }
    %scan3A_385 = arith.constant 40 : i32
    %barrier3A_386 = arith.constant 0 : index
    tpu.barrier barrier_id(%barrier3A_386)
    "tpu.region"() ({
      %run_scoped3A = tpu.sem_alloc : memref<!tpu.dma_semaphore, #tpu.memory_space<semaphore_mem>>
      %dma_start3A_387 = arith.constant 0 : i32
      %dma_start3A_388 = tpu.memref_slice %arg4[%arg0, %mul3A_2, %dma_start3A_387] : memref<2x10240x128xf32, #tpu.memory_space<hbm>> -> memref<1x640x128xf32, #tpu.memory_space<hbm>>
      %dma_start3A_389 = tpu.memref_squeeze %dma_start3A_388 : memref<1x640x128xf32, #tpu.memory_space<hbm>> -> memref<640x128xf32, #tpu.memory_space<hbm>>
      %dma_start3A_390 = arith.constant 0 : i32
      %dma_start3A_391 = tpu.memref_slice %arg10[%mul3A_2, %dma_start3A_390] : memref<10240x128xf32, #tpu.memory_space<vmem_shared>> -> memref<640x128xf32, #tpu.memory_space<vmem_shared>>
      tpu.enqueue_dma source(%dma_start3A_391 : memref<640x128xf32, #tpu.memory_space<vmem_shared>>) target(%dma_start3A_389 : memref<640x128xf32, #tpu.memory_space<hbm>>) target_semaphore(%run_scoped3A : memref<!tpu.dma_semaphore, #tpu.memory_space<semaphore_mem>>)
      %dma_wait3A = arith.constant 0 : i32
      %dma_wait3A_392 = tpu.memref_slice %arg4[%arg0, %mul3A_2, %dma_wait3A] : memref<2x10240x128xf32, #tpu.memory_space<hbm>> -> memref<1x640x128xf32, #tpu.memory_space<hbm>>
      %dma_wait3A_393 = tpu.memref_squeeze %dma_wait3A_392 : memref<1x640x128xf32, #tpu.memory_space<hbm>> -> memref<640x128xf32, #tpu.memory_space<hbm>>
      %dma_wait3A_394 = arith.constant 0 : i32
      %dma_wait3A_395 = tpu.memref_slice %arg10[%mul3A_2, %dma_wait3A_394] : memref<10240x128xf32, #tpu.memory_space<vmem_shared>> -> memref<640x128xf32, #tpu.memory_space<vmem_shared>>
      tpu.wait_dma2 semaphore(%run_scoped3A : memref<!tpu.dma_semaphore, #tpu.memory_space<semaphore_mem>>) src(%dma_wait3A_395 : memref<640x128xf32, #tpu.memory_space<vmem_shared>>) dst(%dma_wait3A_393 : memref<640x128xf32, #tpu.memory_space<hbm>>)
      tpu.yield
    }) : () -> ()
    return
  }
}

module attributes {stable_mosaic.version = 14 : i64} {
  func.func @_first_body(%arg0: i32, %arg1: memref<1024x128xf32, #tpu.memory_space<vmem>>, %arg2: memref<2x1024x128xf32, #tpu.memory_space<vmem>>, %arg3: memref<128x128xf32, #tpu.memory_space<vmem>>, %arg4: memref<1024x128xf32, #tpu.memory_space<vmem>>) attributes {dimension_semantics = [#tpu.dimension_semantics<arbitrary>], iteration_bounds = array<i64: 10>, scalar_prefetch = 0 : i64, scratch_operands = 0 : i64, tpu.core_type = #tpu.core_type<tc>, window_params = [{transform_indices = @transform_0, window_bounds = array<i64: 1024, 128>}, {transform_indices = @transform_1, window_bounds = array<i64: 2, 1024, 128>}, {pipeline_mode = #tpu.pipeline_mode<synchronous>, transform_indices = @transform_2, window_bounds = array<i64: 128, 128>}, {transform_indices = @transform_3, window_bounds = array<i64: 1024, 128>}]} {
    %get3A = arith.constant 0 : index
    %get3A_0 = arith.constant 0 : index
    %get3A_1 = arith.constant 0 : index
    %get3A_2 = vector.load %arg2[%get3A, %get3A_0, %get3A_1] : memref<2x1024x128xf32, #tpu.memory_space<vmem>>, vector<1x1024x1xf32>
    %get3A_3 = vector.shape_cast %get3A_2 : vector<1x1024x1xf32> to vector<1024x1xf32>
    %get3A_4 = arith.constant 1 : index
    %get3A_5 = arith.constant 0 : index
    %get3A_6 = arith.constant 0 : index
    %get3A_7 = vector.load %arg2[%get3A_4, %get3A_5, %get3A_6] : memref<2x1024x128xf32, #tpu.memory_space<vmem>>, vector<1x1024x1xf32>
    %get3A_8 = vector.shape_cast %get3A_7 : vector<1x1024x1xf32> to vector<1024x1xf32>
    %add3A = arith.addf %get3A_3, %get3A_8 : vector<1024x1xf32>
    %add3A_9 = arith.constant 1.000000e+00 : f32
    %add3A_10 = vector.broadcast %add3A_9 : f32 to vector<1024x1xf32>
    %add3A_11 = arith.addf %add3A, %add3A_10 : vector<1024x1xf32>
    %rsqrt3A = math.rsqrt %add3A_11 : vector<1024x1xf32>
    %get3A_12 = arith.constant 0 : index
    %get3A_13 = arith.constant 0 : index
    %get3A_14 = vector.load %arg1[%get3A_12, %get3A_13] : memref<1024x128xf32, #tpu.memory_space<vmem>>, vector<1024x128xf32>
    %mul3A = vector.broadcast %rsqrt3A : vector<1024x1xf32> to vector<1024x128xf32>
    %mul3A_15 = arith.mulf %get3A_14, %mul3A : vector<1024x128xf32>
    %get3A_16 = arith.constant 0 : index
    %get3A_17 = arith.constant 0 : index
    %get3A_18 = vector.load %arg3[%get3A_16, %get3A_17] : memref<128x128xf32, #tpu.memory_space<vmem>>, vector<128x128xf32>
    %dot_general3A = arith.constant dense<0.000000e+00> : vector<1024x128xf32>
    %dot_general3A_19 = tpu.matmul %mul3A_15, %get3A_18, %dot_general3A {dimension_numbers = #tpu.dot_dimension_numbers<[1], [0], [0], [1], [0, 0, 1, 1], [], []>, transpose_lhs_hint = false} : vector<1024x128xf32>, vector<128x128xf32>, vector<1024x128xf32> -> vector<1024x128xf32>
    %swap3A = arith.constant 0 : index
    %swap3A_20 = arith.constant 0 : index
    %swap3A_21 = vector.load %arg4[%swap3A, %swap3A_20] : memref<1024x128xf32, #tpu.memory_space<vmem>>, vector<1024x128xf32>
    tpu.vector_store %arg4[%swap3A, %swap3A_20], %dot_general3A_19 {strides = array<i32>} : memref<1024x128xf32, #tpu.memory_space<vmem>>, vector<1024x128xf32>,
    return
  }
  func.func @transform_0(%arg0: i32) -> (i32, i32) {
    %c0_i32 = arith.constant 0 : i32
    %c0_i32_0 = arith.constant 0 : i32
    return %arg0, %c0_i32 : i32, i32
  }
  func.func @transform_1(%arg0: i32) -> (i32, i32, i32) {
    %c0_i32 = arith.constant 0 : i32
    %c0_i32_0 = arith.constant 0 : i32
    %c0_i32_1 = arith.constant 0 : i32
    return %c0_i32, %arg0, %c0_i32_0 : i32, i32, i32
  }
  func.func @transform_2(%arg0: i32) -> (i32, i32) {
    %c0_i32 = arith.constant 0 : i32
    %c0_i32_0 = arith.constant 0 : i32
    %c0_i32_1 = arith.constant 0 : i32
    return %c0_i32, %c0_i32_0 : i32, i32
  }
  func.func @transform_3(%arg0: i32) -> (i32, i32) {
    %c0_i32 = arith.constant 0 : i32
    %c0_i32_0 = arith.constant 0 : i32
    return %arg0, %c0_i32 : i32, i32
  }
}

module attributes {stable_mosaic.version = 14 : i64} {
  func.func @_mid_body(%arg0: i32, %arg1: memref<2x1024x128xf32, #tpu.memory_space<vmem>>, %arg2: memref<1024x128xf32, #tpu.memory_space<vmem>>, %arg3: memref<2x1024x128xf32, #tpu.memory_space<vmem>>, %arg4: memref<1x128xf32, #tpu.memory_space<vmem>>, %arg5: memref<128x128xf32, #tpu.memory_space<vmem>>, %arg6: memref<1024x128xf32, #tpu.memory_space<vmem>>) attributes {dimension_semantics = [#tpu.dimension_semantics<arbitrary>], iteration_bounds = array<i64: 10>, scalar_prefetch = 0 : i64, scratch_operands = 0 : i64, tpu.core_type = #tpu.core_type<tc>, window_params = [{transform_indices = @transform_0, window_bounds = array<i64: 2, 1024, 128>}, {transform_indices = @transform_1, window_bounds = array<i64: 1024, 128>}, {transform_indices = @transform_2, window_bounds = array<i64: 2, 1024, 128>}, {pipeline_mode = #tpu.pipeline_mode<synchronous>, transform_indices = @transform_3, window_bounds = array<i64: 1, 128>}, {pipeline_mode = #tpu.pipeline_mode<synchronous>, transform_indices = @transform_4, window_bounds = array<i64: 128, 128>}, {transform_indices = @transform_5, window_bounds = array<i64: 1024, 128>}]} {
    %get3A = arith.constant 0 : index
    %get3A_0 = arith.constant 0 : index
    %get3A_1 = arith.constant 0 : index
    %get3A_2 = vector.load %arg3[%get3A, %get3A_0, %get3A_1] : memref<2x1024x128xf32, #tpu.memory_space<vmem>>, vector<1x1024x1xf32>
    %get3A_3 = vector.shape_cast %get3A_2 : vector<1x1024x1xf32> to vector<1024x1xf32>
    %get3A_4 = arith.constant 1 : index
    %get3A_5 = arith.constant 0 : index
    %get3A_6 = arith.constant 0 : index
    %get3A_7 = vector.load %arg3[%get3A_4, %get3A_5, %get3A_6] : memref<2x1024x128xf32, #tpu.memory_space<vmem>>, vector<1x1024x1xf32>
    %get3A_8 = vector.shape_cast %get3A_7 : vector<1x1024x1xf32> to vector<1024x1xf32>
    %add3A = arith.addf %get3A_3, %get3A_8 : vector<1024x1xf32>
    %add3A_9 = arith.constant 1.000000e+00 : f32
    %add3A_10 = vector.broadcast %add3A_9 : f32 to vector<1024x1xf32>
    %add3A_11 = arith.addf %add3A, %add3A_10 : vector<1024x1xf32>
    %rsqrt3A = math.rsqrt %add3A_11 : vector<1024x1xf32>
    %get3A_12 = arith.constant 0 : index
    %get3A_13 = arith.constant 0 : index
    %get3A_14 = arith.constant 0 : index
    %get3A_15 = vector.load %arg1[%get3A_12, %get3A_13, %get3A_14] : memref<2x1024x128xf32, #tpu.memory_space<vmem>>, vector<1x1024x128xf32>
    %get3A_16 = vector.shape_cast %get3A_15 : vector<1x1024x128xf32> to vector<1024x128xf32>
    %get3A_17 = arith.constant 1 : index
    %get3A_18 = arith.constant 0 : index
    %get3A_19 = arith.constant 0 : index
    %get3A_20 = vector.load %arg1[%get3A_17, %get3A_18, %get3A_19] : memref<2x1024x128xf32, #tpu.memory_space<vmem>>, vector<1x1024x128xf32>
    %get3A_21 = vector.shape_cast %get3A_20 : vector<1x1024x128xf32> to vector<1024x128xf32>
    %add3A_22 = arith.addf %get3A_16, %get3A_21 : vector<1024x128xf32>
    %get3A_23 = arith.constant 0 : index
    %get3A_24 = arith.constant 0 : index
    %get3A_25 = vector.load %arg2[%get3A_23, %get3A_24] : memref<1024x128xf32, #tpu.memory_space<vmem>>, vector<1024x128xf32>
    %sub3A = arith.subf %add3A_22, %get3A_25 : vector<1024x128xf32>
    %mul3A = vector.broadcast %rsqrt3A : vector<1024x1xf32> to vector<1024x128xf32>
    %mul3A_26 = arith.mulf %mul3A, %sub3A : vector<1024x128xf32>
    %get3A_27 = arith.constant 0 : index
    %get3A_28 = arith.constant 0 : index
    %get3A_29 = vector.load %arg4[%get3A_27, %get3A_28] : memref<1x128xf32, #tpu.memory_space<vmem>>, vector<1x128xf32>
    %add3A_30 = vector.broadcast %get3A_29 : vector<1x128xf32> to vector<1024x128xf32>
    %add3A_31 = arith.addf %mul3A_26, %add3A_30 : vector<1024x128xf32>
    %max3A = arith.constant 0.000000e+00 : f32
    %max3A_32 = vector.broadcast %max3A : f32 to vector<1024x128xf32>
    %max3A_33 = arith.maximumf %add3A_31, %max3A_32 : vector<1024x128xf32>
    %mul3A_34 = vector.broadcast %rsqrt3A : vector<1024x1xf32> to vector<1024x128xf32>
    %mul3A_35 = arith.mulf %max3A_33, %mul3A_34 : vector<1024x128xf32>
    %get3A_36 = arith.constant 0 : index
    %get3A_37 = arith.constant 0 : index
    %get3A_38 = vector.load %arg5[%get3A_36, %get3A_37] : memref<128x128xf32, #tpu.memory_space<vmem>>, vector<128x128xf32>
    %dot_general3A = arith.constant dense<0.000000e+00> : vector<1024x128xf32>
    %dot_general3A_39 = tpu.matmul %mul3A_35, %get3A_38, %dot_general3A {dimension_numbers = #tpu.dot_dimension_numbers<[1], [0], [0], [1], [0, 0, 1, 1], [], []>, transpose_lhs_hint = false} : vector<1024x128xf32>, vector<128x128xf32>, vector<1024x128xf32> -> vector<1024x128xf32>
    %swap3A = arith.constant 0 : index
    %swap3A_40 = arith.constant 0 : index
    %swap3A_41 = vector.load %arg6[%swap3A, %swap3A_40] : memref<1024x128xf32, #tpu.memory_space<vmem>>, vector<1024x128xf32>
    tpu.vector_store %arg6[%swap3A, %swap3A_40], %dot_general3A_39 {strides = array<i32>} : memref<1024x128xf32, #tpu.memory_space<vmem>>, vector<1024x128xf32>,
    return
  }
  func.func @transform_0(%arg0: i32) -> (i32, i32, i32) {
    %c0_i32 = arith.constant 0 : i32
    %c0_i32_0 = arith.constant 0 : i32
    %c0_i32_1 = arith.constant 0 : i32
    return %c0_i32, %arg0, %c0_i32_0 : i32, i32, i32
  }
  func.func @transform_1(%arg0: i32) -> (i32, i32) {
    %c0_i32 = arith.constant 0 : i32
    %c0_i32_0 = arith.constant 0 : i32
    return %arg0, %c0_i32 : i32, i32
  }
  func.func @transform_2(%arg0: i32) -> (i32, i32, i32) {
    %c0_i32 = arith.constant 0 : i32
    %c0_i32_0 = arith.constant 0 : i32
    %c0_i32_1 = arith.constant 0 : i32
    return %c0_i32, %arg0, %c0_i32_0 : i32, i32, i32
  }
  func.func @transform_3(%arg0: i32) -> (i32, i32) {
    %c0_i32 = arith.constant 0 : i32
    %c0_i32_0 = arith.constant 0 : i32
    %c0_i32_1 = arith.constant 0 : i32
    return %c0_i32, %c0_i32_0 : i32, i32
  }
  func.func @transform_4(%arg0: i32) -> (i32, i32) {
    %c0_i32 = arith.constant 0 : i32
    %c0_i32_0 = arith.constant 0 : i32
    %c0_i32_1 = arith.constant 0 : i32
    return %c0_i32, %c0_i32_0 : i32, i32
  }
  func.func @transform_5(%arg0: i32) -> (i32, i32) {
    %c0_i32 = arith.constant 0 : i32
    %c0_i32_0 = arith.constant 0 : i32
    return %arg0, %c0_i32 : i32, i32
  }
}

module attributes {stable_mosaic.version = 14 : i64} {
  func.func @_final_body(%arg0: i32, %arg1: memref<2x1024x128xf32, #tpu.memory_space<vmem>>, %arg2: memref<1024x128xf32, #tpu.memory_space<vmem>>, %arg3: memref<2x1024x128xf32, #tpu.memory_space<vmem>>, %arg4: memref<1x64xf32, #tpu.memory_space<vmem>>, %arg5: memref<1024x64xf32, #tpu.memory_space<vmem>>) attributes {dimension_semantics = [#tpu.dimension_semantics<arbitrary>], iteration_bounds = array<i64: 10>, scalar_prefetch = 0 : i64, scratch_operands = 0 : i64, tpu.core_type = #tpu.core_type<tc>, window_params = [{transform_indices = @transform_0, window_bounds = array<i64: 2, 1024, 128>}, {transform_indices = @transform_1, window_bounds = array<i64: 1024, 128>}, {transform_indices = @transform_2, window_bounds = array<i64: 2, 1024, 128>}, {pipeline_mode = #tpu.pipeline_mode<synchronous>, transform_indices = @transform_3, window_bounds = array<i64: 1, 64>}, {transform_indices = @transform_4, window_bounds = array<i64: 1024, 64>}]} {
    %get3A = arith.constant 0 : index
    %get3A_0 = arith.constant 0 : index
    %get3A_1 = arith.constant 0 : index
    %get3A_2 = vector.load %arg3[%get3A, %get3A_0, %get3A_1] : memref<2x1024x128xf32, #tpu.memory_space<vmem>>, vector<1x1024x1xf32>
    %get3A_3 = vector.shape_cast %get3A_2 : vector<1x1024x1xf32> to vector<1024x1xf32>
    %get3A_4 = arith.constant 1 : index
    %get3A_5 = arith.constant 0 : index
    %get3A_6 = arith.constant 0 : index
    %get3A_7 = vector.load %arg3[%get3A_4, %get3A_5, %get3A_6] : memref<2x1024x128xf32, #tpu.memory_space<vmem>>, vector<1x1024x1xf32>
    %get3A_8 = vector.shape_cast %get3A_7 : vector<1x1024x1xf32> to vector<1024x1xf32>
    %add3A = arith.addf %get3A_3, %get3A_8 : vector<1024x1xf32>
    %add3A_9 = arith.constant 1.000000e+00 : f32
    %add3A_10 = vector.broadcast %add3A_9 : f32 to vector<1024x1xf32>
    %add3A_11 = arith.addf %add3A, %add3A_10 : vector<1024x1xf32>
    %rsqrt3A = math.rsqrt %add3A_11 : vector<1024x1xf32>
    %get3A_12 = arith.constant 0 : index
    %get3A_13 = arith.constant 0 : index
    %get3A_14 = arith.constant 0 : index
    %get3A_15 = vector.load %arg1[%get3A_12, %get3A_13, %get3A_14] : memref<2x1024x128xf32, #tpu.memory_space<vmem>>, vector<1x1024x128xf32>
    %get3A_16 = vector.shape_cast %get3A_15 : vector<1x1024x128xf32> to vector<1024x128xf32>
    %get3A_17 = arith.constant 1 : index
    %get3A_18 = arith.constant 0 : index
    %get3A_19 = arith.constant 0 : index
    %get3A_20 = vector.load %arg1[%get3A_17, %get3A_18, %get3A_19] : memref<2x1024x128xf32, #tpu.memory_space<vmem>>, vector<1x1024x128xf32>
    %get3A_21 = vector.shape_cast %get3A_20 : vector<1x1024x128xf32> to vector<1024x128xf32>
    %add3A_22 = arith.addf %get3A_16, %get3A_21 : vector<1024x128xf32>
    %get3A_23 = arith.constant 0 : index
    %get3A_24 = arith.constant 0 : index
    %get3A_25 = vector.load %arg2[%get3A_23, %get3A_24] : memref<1024x128xf32, #tpu.memory_space<vmem>>, vector<1024x128xf32>
    %sub3A = arith.subf %add3A_22, %get3A_25 : vector<1024x128xf32>
    %slice3A = vector.extract_strided_slice %sub3A {offsets = [0, 0], sizes = [1024, 64], strides = [1, 1]} : vector<1024x128xf32> to vector<1024x64xf32>
    %mul3A = vector.broadcast %rsqrt3A : vector<1024x1xf32> to vector<1024x64xf32>
    %mul3A_26 = arith.mulf %mul3A, %slice3A : vector<1024x64xf32>
    %get3A_27 = arith.constant 0 : index
    %get3A_28 = arith.constant 0 : index
    %get3A_29 = vector.load %arg4[%get3A_27, %get3A_28] : memref<1x64xf32, #tpu.memory_space<vmem>>, vector<1x64xf32>
    %add3A_30 = vector.broadcast %get3A_29 : vector<1x64xf32> to vector<1024x64xf32>
    %add3A_31 = arith.addf %mul3A_26, %add3A_30 : vector<1024x64xf32>
    %logistic3A = arith.negf %add3A_31 : vector<1024x64xf32>
    %logistic3A_32 = math.exp %logistic3A : vector<1024x64xf32>
    %logistic3A_33 = arith.constant 1.000000e+00 : f32
    %logistic3A_34 = vector.broadcast %logistic3A_33 : f32 to vector<1024x64xf32>
    %logistic3A_35 = arith.addf %logistic3A_34, %logistic3A_32 : vector<1024x64xf32>
    %logistic3A_36 = arith.divf %logistic3A_34, %logistic3A_35 : vector<1024x64xf32>
    %swap3A = arith.constant 0 : index
    %swap3A_37 = arith.constant 0 : index
    %swap3A_38 = vector.load %arg5[%swap3A, %swap3A_37] : memref<1024x64xf32, #tpu.memory_space<vmem>>, vector<1024x64xf32>
    tpu.vector_store %arg5[%swap3A, %swap3A_37], %logistic3A_36 {strides = array<i32>} : memref<1024x64xf32, #tpu.memory_space<vmem>>, vector<1024x64xf32>,
    return
  }
  func.func @transform_0(%arg0: i32) -> (i32, i32, i32) {
    %c0_i32 = arith.constant 0 : i32
    %c0_i32_0 = arith.constant 0 : i32
    %c0_i32_1 = arith.constant 0 : i32
    return %c0_i32, %arg0, %c0_i32_0 : i32, i32, i32
  }
  func.func @transform_1(%arg0: i32) -> (i32, i32) {
    %c0_i32 = arith.constant 0 : i32
    %c0_i32_0 = arith.constant 0 : i32
    return %arg0, %c0_i32 : i32, i32
  }
  func.func @transform_2(%arg0: i32) -> (i32, i32, i32) {
    %c0_i32 = arith.constant 0 : i32
    %c0_i32_0 = arith.constant 0 : i32
    %c0_i32_1 = arith.constant 0 : i32
    return %c0_i32, %arg0, %c0_i32_0 : i32, i32, i32
  }
  func.func @transform_3(%arg0: i32) -> (i32, i32) {
    %c0_i32 = arith.constant 0 : i32
    %c0_i32_0 = arith.constant 0 : i32
    %c0_i32_1 = arith.constant 0 : i32
    return %c0_i32, %c0_i32_0 : i32, i32
  }
  func.func @transform_4(%arg0: i32) -> (i32, i32) {
    %c0_i32 = arith.constant 0 : i32
    %c0_i32_0 = arith.constant 0 : i32
    return %arg0, %c0_i32 : i32, i32
  }
}

</mosaic_0001>

<sc_bundles>
// kernel: kernel.10.cloned.1.call-start
scs
__scs_entry_jumppad:
0x0: {  	(pc) =	sbr.rel $0x88, $3  }
0x1: {  	(tag) =	ssettag $0x0;
	lr =	simm.s32 $0x1  }
0x2: {  	[smem:$0x3F99] =	sst lr;
	_ =	strace $0xD0000000  }
0x3: {  	_ = 	snop  }
0x4: {  	_ = 	snop  }
0x5: {  	_ = 	snop  }
0x6: {  	_ = 	snop  }
0x7: {  	_ = 	snop  }
__scs_overlays_trampoline_lowered:
0x8: {  	[smem:$0x3FA8] =	sst s0  }
0x9: {  	[smem:$0x3FA9] =	sst s1  }
0xa: {  	[smem:$0x3FAA] =	sst s2  }
0xb: {  	[smem:$0x3FAB] =	sst s3  }
0xc: {  	[smem:$0x3FAC] =	sst s4  }
0xd: {  	[smem:$0x3FAD] =	sst s5  }
0xe: {  	[smem:$0x3FAE] =	sst s6  }
0xf: {  	[smem:$0x3FAF] =	sst s7  }
0x10: {  	[smem:$0x3FB0] =	sst s8  }
0x11: {  	[smem:$0x3FB1] =	sst s9;
	s0 =	simm.s32 @!p0 $0x0  }
0x12: {  	s1 =	sld [smem:$0x3F97];
	s0 =	simm.s32 @p0 $0x1  }
0x13: {  	[smem:$0x3FB2] =	sst s0;
	s0 =	simm.s32 @!p1 $0x0  }
0x14: {  	s2 =	sld [smem:$0x3F96];
	s0 =	simm.s32 @p1 $0x1  }
0x15: {  	[smem:$0x3FB3] =	sst s0;
	s0 =	simm.s32 @!p2 $0x0  }
0x16: {  	s3 =	sld [smem:$0x3FDB];
	s0 =	simm.s32 @p2 $0x1  }
0x17: {  	s4 =	simm.s32 $0x1BF5;
	[smem:$0x3FB5] =	sst s0  }
0x18: {  	s0 =	sld [smem:$0x3F98];
	_ =	swait.ge [sflag:s4], $0x0  }
0x19: {  	s7 =	sld [smem:$0x3F99]  }
0x1a: {  	s8 =	sadd.s32 $0xFFFFE003, lr  }
0x1b: {  	s9 =	sadd.s32 $0xFFFFFEF7, lr;
	s5 =	simm.s32 $0xFFFFFFFF;
	p2 =	slt.u32 s8, $0xFFFFF086  }
0x1c: {  	p1 =	slt.u32 s9, $0xF7A;
	s5 =	simm.s32 @!p2 $0x0  }
0x1d: {  	s5 =	simm.s32 @p1 $0x1;
	p0 =	seq.s32 s7, s2  }
0x1e: {  	s7 =	smul.u32 @!p0 $0xF7A, s2;
	p2 =	seq.s32 @!p0 s5, $0x0  }
0x1f: {  	s9 =	smul.u32 $0xF7A, s1;
	s8 =	simm.s32 @!p0 $0x1BF5;
	p2 =	por !p2, p0  }
0x20: {  	[sflag:s8] =	ssyncset.s32 @!p0 $0xFFFFF086;
	s6 =	sadd.s32 @!p0 s3, s7;
	s7 =	simm.s32 @!p0 $0x108  }
0x21: {  	s3 =	sadd.s32 s3, s9;
	s6 =	sadd.s32 @!p0 $0x88, s6;
	s7 =	simm.s32 @p2 $0x1082  }
0x22: {  	[simem:s7], [sflag:s8] =	dma.local @!p0 [hbm:s6], $0xF7A  }
0x23: {  	s9 =	sor.u32 $0xD0000000, s2;
	s6 =	simm.s32 $0x108;
	_ =	swait.ge @!p0 [sflag:s8], $0x0  }
0x24: {  	s3 =	sadd.s32 $0x88, s3;
	s6 =	simm.s32 @!p1 $0x1082;
	[sflag:s4] =	ssyncset.s32 $0xFFFFF086  }
0x25: {  	[simem:s6], [sflag:s4] =	dma.local [hbm:s3], $0xF7A  }
0x26: {  	[smem:$0x3F99] =	sst s1;
	(tag) =	ssettag s2;
	_ =	strace s9  }
0x27: {  	s1 =	sld [smem:$0x3FA9]  }
0x28: {  	s2 =	sld [smem:$0x3FAA]  }
0x29: {  	s4 =	sld [smem:$0x3FAC]  }
0x2a: {  	p0 =	seq.s32 s5, $0x0;
	s5 =	sld [smem:$0x3FAD]  }
0x2b: {  	s6 =	sld [smem:$0x3FAE]  }
0x2c: {  	s7 =	sld [smem:$0x3FAF]  }
0x2d: {  	s3 =	simm.s32 $0x108;
	s8 =	sld [smem:$0x3FB0]  }
0x2e: {  	s3 =	simm.s32 @!p0 $0x1082;
	s9 =	sld [smem:$0x3FB1]  }
0x2f: {  	lr =	sadd.s32 s0, s3;
	s0 =	sld [smem:$0x3FA8]  }
0x30: {  	s3 =	sld [smem:$0x3FAB]  }
0x31: {  	[smem:$0x3FB4] =	sst s10  }
0x32: {  	s10 =	sld [smem:$0x3FB2];
	_ =	sdelay $0x3  }
0x33: {  	p0 =	seq.s32 s10, $0x1;
	s10 =	sld [smem:$0x3FB4];
	_ =	sdelay $0x3  }
0x34: {  	[smem:$0x3FB4] =	sst s10  }
0x35: {  	s10 =	sld [smem:$0x3FB3];
	_ =	sdelay $0x3  }
0x36: {  	p1 =	seq.s32 s10, $0x1;
	s10 =	sld [smem:$0x3FB4];
	_ =	sdelay $0x3  }
0x37: {  	[smem:$0x3FB4] =	sst s10  }
0x38: {  	s10 =	sld [smem:$0x3FB5]  }
0x39: {  	_ = 	snop;
	(pc) =	sbr.ind lr, $3  }
0x3a: {  	_ = 	snop  }
0x3b: {  	_ = 	snop  }
0x3c: {  	p2 =	seq.s32 s10, $0x1;
	s10 =	sld [smem:$0x3FB4]  }
0x3d: {  	_ =	shalt  }
0x3e: {  	_ =	shalt  }
0x3f: {  	_ =	shalt  }
0x40: {  	_ =	shalt  }
0x41: {  	_ =	shalt  }
0x42: {  	_ =	shalt  }
0x43: {  	_ =	shalt  }
0x44: {  	_ =	shalt  }
0x45: {  	_ =	shalt  }
0x46: {  	_ =	shalt  }
0x47: {  	_ =	shalt  }
0x48: {  	_ =	shalt  }
0x49: {  	_ =	shalt  }
0x4a: {  	_ =	shalt  }
0x4b: {  	_ =	shalt  }
0x4c: {  	_ =	shalt  }
0x4d: {  	_ =	shalt  }
0x4e: {  	_ =	shalt  }
0x4f: {  	_ =	shalt  }
0x50: {  	_ =	shalt  }
0x51: {  	_ =	shalt  }
0x52: {  	_ =	shalt  }
0x53: {  	_ =	shalt  }
0x54: {  	_ =	shalt  }
0x55: {  	_ =	shalt  }
0x56: {  	_ =	shalt  }
0x57: {  	_ =	shalt  }
0x58: {  	_ =	shalt  }
0x59: {  	_ =	shalt  }
0x5a: {  	_ =	shalt  }
0x5b: {  	_ =	shalt  }
0x5c: {  	_ =	shalt  }
0x5d: {  	_ =	shalt  }
0x5e: {  	_ =	shalt  }
0x5f: {  	_ =	shalt  }
0x60: {  	_ =	shalt  }
0x61: {  	_ =	shalt  }
0x62: {  	_ =	shalt  }
0x63: {  	_ =	shalt  }
0x64: {  	_ =	shalt  }
0x65: {  	_ =	shalt  }
0x66: {  	_ =	shalt  }
0x67: {  	_ =	shalt  }
0x68: {  	_ =	shalt  }
0x69: {  	_ =	shalt  }
0x6a: {  	_ =	shalt  }
0x6b: {  	_ =	shalt  }
0x6c: {  	_ =	shalt  }
0x6d: {  	_ =	shalt  }
0x6e: {  	_ =	shalt  }
0x6f: {  	_ =	shalt  }
0x70: {  	_ =	shalt  }
0x71: {  	_ =	shalt  }
0x72: {  	_ =	shalt  }
0x73: {  	_ =	shalt  }
0x74: {  	_ =	shalt  }
0x75: {  	_ =	shalt  }
0x76: {  	_ =	shalt  }
0x77: {  	_ =	shalt  }
0x78: {  	_ =	shalt  }
0x79: {  	_ =	shalt  }
0x7a: {  	_ =	shalt  }
0x7b: {  	_ =	shalt  }
0x7c: {  	_ =	shalt  }
0x7d: {  	_ =	shalt  }
0x7e: {  	_ =	shalt  }
0x7f: {  	_ =	shalt  }
0x80: {  	_ =	shalt  }
0x81: {  	_ =	shalt  }
0x82: {  	_ =	shalt  }
0x83: {  	_ =	shalt  }
0x84: {  	_ =	shalt  }
0x85: {  	_ =	shalt  }
0x86: {  	_ =	shalt  }
0x87: {  	_ =	shalt  }
.Lfunc_end0:
.L_simem_size_0:
called_computation_lowered:
.L_overlay_start_0:
0x88: {  	s2 =	sld [smem:$0x3FD9]  }
0x89: {  	s3 =	sld [smem:$0x3FFE];
	_ =	sdelay $0x1  }
0x8a: {  	s1 =	srdreg.scid  }
0x8b: {  	s0 =	sand.u32 $0x1, s1  }
0x8c: {  	s17 =	sshll.u32 s0, $0xA;
	s2 =	sadd.s32 s3, s2  }
0x8d: {  	s2 =	sadd.s32 s2, s17  }
0x8e: {  	[smem:$0x3FC0] =	sst s2  }
0x8f: {  	_ = 	snop  }
0x90: {  	s2 =	sld [smem:$0x3FD0];
	(tm) =	ssettm $0x1  }
0x91: {  	s18 =	sld [smem:$0x3FFB];
	_ =	sdelay $0x3  }
0x92: {  	_ =	strace s18  }
0x93: {  	s3 =	sld [smem:$0x3FFC];
	_ =	sdelay $0x3  }
0x94: {  	_ =	strace s3  }
0x95: {  	s3 =	sld [smem:$0x3FFD];
	_ =	sdelay $0x3  }
0x96: {  	_ =	strace s3  }
0x97: {  	_ =	strace $0x8FFFFFFF  }
0x98: {  	s19 =	sld [smem:$0x3FDB];
	_ =	sdelay $0x1  }
0x99: {  	s4 =	simm.s32 $_scs_section_size  }
0x9a: {  	s5 =	simm.s32 $_size__tile_overlayer_lowered;
	s6 =	simm.s32 $_tile_overlayer_lowered  }
0x9b: {  	s22 =	simm.s32 $0x1BFF;
	s21 =	sshll.u32 s6, $0x1;
	s3 =	sadd.s32 s4, s19  }
0x9c: {  	s7 =	simm.s32 $0x0;
	s20 =	sshll.u32 s5, $0x1;
	s5 =	sadd.s32 s21, s3  }
0x9d: {  	[timem:s7], [sflag:s22] =	dma.local [hbm:s5], s20  }
0x9e: {  	_ =	swait.ge [sflag:s22], s20  }
0x9f: {  	s4 =	ssub.s32 $0x0, s20;
	[sflag:s22] =	ssyncset.done $0x0  }
0xa0: {  	[sflag:s22] =	ssyncadd.s32 s4;
	_ =	sdelay $0x1  }
0xa1: {  	s23 =	simm.s32 $0x1B8B  }
0xa2: {  	_ =	swait.ge [sflag:s23], $0x1  }
0xa3: {  	[sflag:s23] =	ssyncset.done $0x0  }
0xa4: {  	s25 =	simm.s32 $0x1B8E;
	s24 =	sld [smem:$0x3FFE];
	[sflag:s23] =	ssyncadd.s32 $0xFFFFFFFF  }
0xa5: {  	s26 =	simm.s32 $execute0_lowered;
	[smem:$0x3FD2] =	sst s25  }
0xa6: {  	s5 =	sshll.u32 s26, $0x1;
	_ =	strace $0x80000046;
	[dreg:$0x1] =	wrdreg $0xFFFFFFFF  }
0xa7: {  	s28 =	simm.s32 $_size_execute0_lowered;
	s3 =	sadd.s32 s3, s5;
	[dreg:$0x0] =	wrdreg $0x0  }
0xa8: {  	s5 =	sshll.u32 s28, $0x1;
	[dreg:$0x2] =	wrdreg s3  }
0xa9: {  	[dreg:$0x3] =	wrdreg s5  }
0xaa: {  	[dreg:$0x4] =	wrdreg $0xC0  }
0xab: {  	_ =	task [dreg:s7], $0x5FFFF  }
0xac: {  	[dreg:$0x1] =	wrdreg $0xFFFFFFFF  }
0xad: {  	[dreg:$0x0] =	wrdreg $0x60  }
0xae: {  	[dreg:$0x2] =	wrdreg s24  }
0xaf: {  	[dreg:$0x3] =	wrdreg s2  }
0xb0: {  	[dreg:$0x4] =	wrdreg $0x68000  }
0xb1: {  	[dreg:$0x5] =	wrdreg $0x9  }
0xb2: {  	_ =	task.clear_ibuf [dreg:s7], $0x6FFFF;
	_ =	strace $0x90000046  }
0xb3: {  	s29 =	simm.s32 $0x9;
	_ =	strace $0x80000048  }
0xb4: {  	_ =	swait.ge [sflag:s29], $0x1  }
0xb5: {  	[sflag:s29] =	ssyncadd.s32 $0xFFFFFFFF  }
0xb6: {  	_ =	strace $0x90000048  }
0xb7: {  	_ =	sfence  }
0xb8: {  	s30 =	sld [smem:$0x0];
	_ =	sdelay $0x2  }
0xb9: {  	s31 =	sshll.u32 s1, $0xD;
	s1 =	sshrl.u32 s1, $0x2  }
0xba: {  	s3 =	sand.u32 $0x4000, s31;
	s1 =	sadd.s32 s1, s30  }
0xbb: {  	s0 =	sor.u32 s3, s0;
	s1 =	sshll.u32 s1, $0x11  }
0xbc: {  	s0 =	sor.u32 s1, s0  }
0xbd: {  	s0 =	sadd.s32 $0x8F2B, s0  }
0xbe: {  	[sflag:s0] =	ssyncadd.remote.s32 $0x1  }
0xbf: {  	_ =	sfence.sel $0xFFFF  }
0xc0: {  	[dreg:$0x0] =	wrdreg $0xFFFFFFFF;
	(pc) =	sbr.abs _section_cstart, $3  }
0xc1: {  	[dreg:$0x1] =	wrdreg $0xFFFFFFFF  }
0xc2: {  	_ =	task.clear_ibuf [dreg:s7], $0x2FFFF;
	_ =	strace $0x9FFFFFFF  }
0xc3: {  	(tm) =	ssettm $0x7FFFFFFF  }
tec
execute0_lowered:
.L_overlay_start_1:
0x0: {  	(tag) =	ssettag $0x1  }
0x1: {  	s5 =	rddreg [dreg:$0x0]  }
0x2: {  	s7 =	rddreg [dreg:$0x1];
	s0 =	stileid.u32  }
0x3: {  	s1 =	srdreg.scid;
	s2 =	rddreg [dreg:$0x2]  }
0x4: {  	s3 =	simm.s32 $0x0;
	s13 =	simm.s32 $0x80;
	s14 =	simm.s32 $0x0  }
0x5: {  	s4 =	smul.u32 $0x14000, s0;
	s6 =	sand.u32 $0x1, s1;
	s1 =	rddreg [dreg:$0x3]  }
0x6: {  	[smem:$0x7FF] =	sst s3;
	s11 =	smul.u32 $0x50000, s0;
	s31 =	sshll.u32 s0, $0x6  }
0x7: {  	s8 =	smul.u32 $0x140000, s6;
	_ =	strace $0x80000047;
	s10 =	ssub.s32 $0x2, s6  }
0x8: {  	s6 =	sshll.u32 s6, $0x4;
	s9 =	sshrl.u32 s4, $0x3;
	s28 =	sshrl.u32 s10, $0x1  }
0x9: {  	s6 =	sor.u32 s0, s6;
	s29 =	sshrl.u32 s11, $0x2;
	s11 =	simm.s32 $0x1  }
0xa: {  	s8 =	sadd.s32 s4, s8;
	s9 =	sadd.s32 s9, s5;
	s4 =	sadd.s32 $0x3000, s5  }
0xb: {  	s10 =	ssub.s32 s10, s28;
	s30 =	smul.u32 $0x500, s6;
	s8 =	sshrl.u32 s8, $0x3  }
0xc: {  	s12 =	sadd.s32 s29, s2;
	s6 =	sor.u32 $0x1C01, s31;
	s8 =	sadd.s32 s8, s5  }
0xd: {  	s5 =	sadd.s32 $0x3800, s9;
	s7 =	sadd.s32 s7, s30;
	s9 =	smax.u32 s10, $0x1  }
0xe: {  	s10 =	sshrl.u32 s12, $0x3;
	s12 =	simm.s32 $0x2800;
	s8 =	sadd.s32 $0x2B800, s8  }
.LBB2_1:
0xf: {  	[spmem:s10], [sflag:s6] =	dma.local [hbm:s5], $0x2800  }
0x10: {  	_ =	swait.ge [sflag:s11], $0x2800  }
0x11: {  	[sflag:s11] =	ssyncset.done $0x0  }
0x12: {  	[sflag:s11] =	ssyncadd.s32 $0xFFFFD800  }
0x13: {  	[tilespmem:s12], [sflag:$0x1] =	stream.linear.gather [hbm4b:s4+s3], $0x4000, $0x38;
	[tilespmem:$0x1A800] =	vst v63  }
0x14: {  	_ =	swait.ge [sflag:s11], $0x4000  }
0x15: {  	[sflag:s11] =	ssyncset.done $0x0  }
0x16: {  	[sflag:s11] =	ssyncadd.s32 $0xFFFFC000  }
0x17: {  	[tilespmem:s3], [sflag:$0x1] =	stream.linear.gather [hbm4b:s7+s3], $0x2800, $0x38;
	[tilespmem:$0x1A800] =	vst v63  }
0x18: {  	_ =	swait.ge [sflag:s11], $0x2800  }
0x19: {  	[sflag:s11] =	ssyncset.done $0x0  }
0x1a: {  	[sflag:s11] =	ssyncadd.s32 $0xFFFFD800  }
0x1b: {  	s15 =	simm.s32 $0x0;
	[bflag:$0x0] =	sbarrier.arrive $0xFFFF  }
0x1c: {  	[spmem:s2] =	stream.indirect.scatter.add.f32 [tilespmem:s12], [sflag:$0x1], $0x80, s15, s13, $0xb8;
	[tilespmem:$0x1A800] =	vst v63  }
0x1d: {  	_ =	swait.ge [sflag:s11], $0x4000  }
0x1e: {  	s15 =	simm.s32 $0x200;
	[sflag:s11] =	ssyncset.done $0x0  }
.LBB2_2:
0x1f: {  	s16 =	sshra.s32 s15, $0x2;
	[sflag:s11] =	ssyncadd.s32 $0xFFFFC000;
	p0 =	sne.s32 s15, $0x9E00  }
0x20: {  	[spmem:s2] =	stream.indirect.scatter.add.f32 [tilespmem:s12], [sflag:$0x1], $0x80, s16, s13, $0xb8;
	[tilespmem:$0x1A800] =	vst v63  }
.Ltmp0:
0x21: {  	_ = 	snop;
	(pc) =	sbr.rel @p0 .LBB2_2-.Ltmp0, $4  }
0x22: {  	_ = 	snop  }
0x23: {  	s15 =	sadd.s32 $0x200, s15  }
0x24: {  	_ =	swait.ge [sflag:s11], $0x4000  }
0x25: {  	[sflag:s11] =	ssyncset.done $0x0  }
0x26: {  	s14 =	sadd.s32 $0x1, s14  }
0x27: {  	[sflag:s11] =	ssyncadd.s32 $0xFFFFC000;
	p0 =	sne.s32 s14, s9  }
.Ltmp1:
0x28: {  	[bflag:$0x0] =	sbarrier.arrive $0xFFFF;
	(pc) =	sbr.rel @p0 .LBB2_1-.Ltmp1, $4  }
0x29: {  	[hbm:s8], [sflag:s6] =	dma.local [spmem:s10], $0x2800  }
0x2a: {  	_ =	swait.ge [sflag:s11], $0x2800  }
0x2b: {  	[sflag:s11] =	ssyncset.done $0x0  }
0x2c: {  	[sflag:s11] =	ssyncadd.s32 $0xFFFFD800  }
0x2d: {  	_ =	sfence.sel $0x180000  }
0x2e: {  	[bflag:$0x0] =	sbarrier.arrive $0xFFFF  }
0x2f: {  	p0 =	sne.s32 s0, $0x0;
	_ =	strace $0x90000047  }
0x30: {  	s0 =	sadd.s32 @!p0 $0x100000, s1;
	[bflag:$0x2] =	sbarrier.arrive $0xFFFF  }
0x31: {  	[sflag:s0] =	ssyncadd.tile.s32 @!p0 $0x1;
	_ =	shalt  }
.Lfunc_end2:
_tile_overlayer_lowered:
.L_overlay_start_2:
0x32: {  	(tag) =	ssettag $0x2  }
0x33: {  	s0 =	rddreg [dreg:$0x0];
	s2 =	stileid.u32  }
0x34: {  	s1 =	rddreg [dreg:$0x1];
	p0 =	sne.s32 s2, $0x0  }
0x35: {  	s3 =	rddreg [dreg:$0x2];
	[bflag:$0x3] =	sbarrier.arrive $0xFFFF;
	s2 =	simm.s32 @!p0 $0x1C01  }
0x36: {  	[timem:s3], [sflag:s2] =	dma.local @!p0 [hbm:s0], s1  }
0x37: {  	s0 =	simm.s32 @!p0 $0x1  }
0x38: {  	_ =	swait.ge @!p0 [sflag:s0], s1  }
0x39: {  	s1 =	ssub.s32 @!p0 $0x0, s1;
	[sflag:s0] =	ssyncset.done @!p0 $0x0  }
0x3a: {  	[sflag:s0] =	ssyncadd.s32 @!p0 s1  }
0x3b: {  	[bflag:$0x3] =	sbarrier.arrive $0xFFFF  }
0x3c: {  	_ =	shalt  }

// kernel: kernel.13.cloned.1.call-start
scs
__scs_entry_jumppad:
0x0: {  	(pc) =	sbr.rel $0x88, $3  }
0x1: {  	(tag) =	ssettag $0x0;
	lr =	simm.s32 $0x1  }
0x2: {  	[smem:$0x3F99] =	sst lr;
	_ =	strace $0xD0000000  }
0x3: {  	_ = 	snop  }
0x4: {  	_ = 	snop  }
0x5: {  	_ = 	snop  }
0x6: {  	_ = 	snop  }
0x7: {  	_ = 	snop  }
__scs_overlays_trampoline_lowered:
0x8: {  	[smem:$0x3FA8] =	sst s0  }
0x9: {  	[smem:$0x3FA9] =	sst s1  }
0xa: {  	[smem:$0x3FAA] =	sst s2  }
0xb: {  	[smem:$0x3FAB] =	sst s3  }
0xc: {  	[smem:$0x3FAC] =	sst s4  }
0xd: {  	[smem:$0x3FAD] =	sst s5  }
0xe: {  	[smem:$0x3FAE] =	sst s6  }
0xf: {  	[smem:$0x3FAF] =	sst s7  }
0x10: {  	[smem:$0x3FB0] =	sst s8  }
0x11: {  	[smem:$0x3FB1] =	sst s9;
	s0 =	simm.s32 @!p0 $0x0  }
0x12: {  	s1 =	sld [smem:$0x3F97];
	s0 =	simm.s32 @p0 $0x1  }
0x13: {  	[smem:$0x3FB2] =	sst s0;
	s0 =	simm.s32 @!p1 $0x0  }
0x14: {  	s2 =	sld [smem:$0x3F96];
	s0 =	simm.s32 @p1 $0x1  }
0x15: {  	[smem:$0x3FB3] =	sst s0;
	s0 =	simm.s32 @!p2 $0x0  }
0x16: {  	s3 =	sld [smem:$0x3FDB];
	s0 =	simm.s32 @p2 $0x1  }
0x17: {  	s4 =	simm.s32 $0x1BF5;
	[smem:$0x3FB5] =	sst s0  }
0x18: {  	s0 =	sld [smem:$0x3F98];
	_ =	swait.ge [sflag:s4], $0x0  }
0x19: {  	s7 =	sld [smem:$0x3F99]  }
0x1a: {  	s8 =	sadd.s32 $0xFFFFE003, lr  }
0x1b: {  	s9 =	sadd.s32 $0xFFFFFEF7, lr;
	s5 =	simm.s32 $0xFFFFFFFF;
	p2 =	slt.u32 s8, $0xFFFFF086  }
0x1c: {  	p1 =	slt.u32 s9, $0xF7A;
	s5 =	simm.s32 @!p2 $0x0  }
0x1d: {  	s5 =	simm.s32 @p1 $0x1;
	p0 =	seq.s32 s7, s2  }
0x1e: {  	s7 =	smul.u32 @!p0 $0xF7A, s2;
	p2 =	seq.s32 @!p0 s5, $0x0  }
0x1f: {  	s9 =	smul.u32 $0xF7A, s1;
	s8 =	simm.s32 @!p0 $0x1BF5;
	p2 =	por !p2, p0  }
0x20: {  	[sflag:s8] =	ssyncset.s32 @!p0 $0xFFFFF086;
	s6 =	sadd.s32 @!p0 s3, s7;
	s7 =	simm.s32 @!p0 $0x108  }
0x21: {  	s3 =	sadd.s32 s3, s9;
	s6 =	sadd.s32 @!p0 $0x88, s6;
	s7 =	simm.s32 @p2 $0x1082  }
0x22: {  	[simem:s7], [sflag:s8] =	dma.local @!p0 [hbm:s6], $0xF7A  }
0x23: {  	s9 =	sor.u32 $0xD0000000, s2;
	s6 =	simm.s32 $0x108;
	_ =	swait.ge @!p0 [sflag:s8], $0x0  }
0x24: {  	s3 =	sadd.s32 $0x88, s3;
	s6 =	simm.s32 @!p1 $0x1082;
	[sflag:s4] =	ssyncset.s32 $0xFFFFF086  }
0x25: {  	[simem:s6], [sflag:s4] =	dma.local [hbm:s3], $0xF7A  }
0x26: {  	[smem:$0x3F99] =	sst s1;
	(tag) =	ssettag s2;
	_ =	strace s9  }
0x27: {  	s1 =	sld [smem:$0x3FA9]  }
0x28: {  	s2 =	sld [smem:$0x3FAA]  }
0x29: {  	s4 =	sld [smem:$0x3FAC]  }
0x2a: {  	p0 =	seq.s32 s5, $0x0;
	s5 =	sld [smem:$0x3FAD]  }
0x2b: {  	s6 =	sld [smem:$0x3FAE]  }
0x2c: {  	s7 =	sld [smem:$0x3FAF]  }
0x2d: {  	s3 =	simm.s32 $0x108;
	s8 =	sld [smem:$0x3FB0]  }
0x2e: {  	s3 =	simm.s32 @!p0 $0x1082;
	s9 =	sld [smem:$0x3FB1]  }
0x2f: {  	lr =	sadd.s32 s0, s3;
	s0 =	sld [smem:$0x3FA8]  }
0x30: {  	s3 =	sld [smem:$0x3FAB]  }
0x31: {  	[smem:$0x3FB4] =	sst s10  }
0x32: {  	s10 =	sld [smem:$0x3FB2];
	_ =	sdelay $0x3  }
0x33: {  	p0 =	seq.s32 s10, $0x1;
	s10 =	sld [smem:$0x3FB4];
	_ =	sdelay $0x3  }
0x34: {  	[smem:$0x3FB4] =	sst s10  }
0x35: {  	s10 =	sld [smem:$0x3FB3];
	_ =	sdelay $0x3  }
0x36: {  	p1 =	seq.s32 s10, $0x1;
	s10 =	sld [smem:$0x3FB4];
	_ =	sdelay $0x3  }
0x37: {  	[smem:$0x3FB4] =	sst s10  }
0x38: {  	s10 =	sld [smem:$0x3FB5]  }
0x39: {  	_ = 	snop;
	(pc) =	sbr.ind lr, $3  }
0x3a: {  	_ = 	snop  }
0x3b: {  	_ = 	snop  }
0x3c: {  	p2 =	seq.s32 s10, $0x1;
	s10 =	sld [smem:$0x3FB4]  }
0x3d: {  	_ =	shalt  }
0x3e: {  	_ =	shalt  }
0x3f: {  	_ =	shalt  }
0x40: {  	_ =	shalt  }
0x41: {  	_ =	shalt  }
0x42: {  	_ =	shalt  }
0x43: {  	_ =	shalt  }
0x44: {  	_ =	shalt  }
0x45: {  	_ =	shalt  }
0x46: {  	_ =	shalt  }
0x47: {  	_ =	shalt  }
0x48: {  	_ =	shalt  }
0x49: {  	_ =	shalt  }
0x4a: {  	_ =	shalt  }
0x4b: {  	_ =	shalt  }
0x4c: {  	_ =	shalt  }
0x4d: {  	_ =	shalt  }
0x4e: {  	_ =	shalt  }
0x4f: {  	_ =	shalt  }
0x50: {  	_ =	shalt  }
0x51: {  	_ =	shalt  }
0x52: {  	_ =	shalt  }
0x53: {  	_ =	shalt  }
0x54: {  	_ =	shalt  }
0x55: {  	_ =	shalt  }
0x56: {  	_ =	shalt  }
0x57: {  	_ =	shalt  }
0x58: {  	_ =	shalt  }
0x59: {  	_ =	shalt  }
0x5a: {  	_ =	shalt  }
0x5b: {  	_ =	shalt  }
0x5c: {  	_ =	shalt  }
0x5d: {  	_ =	shalt  }
0x5e: {  	_ =	shalt  }
0x5f: {  	_ =	shalt  }
0x60: {  	_ =	shalt  }
0x61: {  	_ =	shalt  }
0x62: {  	_ =	shalt  }
0x63: {  	_ =	shalt  }
0x64: {  	_ =	shalt  }
0x65: {  	_ =	shalt  }
0x66: {  	_ =	shalt  }
0x67: {  	_ =	shalt  }
0x68: {  	_ =	shalt  }
0x69: {  	_ =	shalt  }
0x6a: {  	_ =	shalt  }
0x6b: {  	_ =	shalt  }
0x6c: {  	_ =	shalt  }
0x6d: {  	_ =	shalt  }
0x6e: {  	_ =	shalt  }
0x6f: {  	_ =	shalt  }
0x70: {  	_ =	shalt  }
0x71: {  	_ =	shalt  }
0x72: {  	_ =	shalt  }
0x73: {  	_ =	shalt  }
0x74: {  	_ =	shalt  }
0x75: {  	_ =	shalt  }
0x76: {  	_ =	shalt  }
0x77: {  	_ =	shalt  }
0x78: {  	_ =	shalt  }
0x79: {  	_ =	shalt  }
0x7a: {  	_ =	shalt  }
0x7b: {  	_ =	shalt  }
0x7c: {  	_ =	shalt  }
0x7d: {  	_ =	shalt  }
0x7e: {  	_ =	shalt  }
0x7f: {  	_ =	shalt  }
0x80: {  	_ =	shalt  }
0x81: {  	_ =	shalt  }
0x82: {  	_ =	shalt  }
0x83: {  	_ =	shalt  }
0x84: {  	_ =	shalt  }
0x85: {  	_ =	shalt  }
0x86: {  	_ =	shalt  }
0x87: {  	_ =	shalt  }
.Lfunc_end0:
.L_simem_size_0:
called_computation.1_lowered:
.L_overlay_start_0:
0x88: {  	s2 =	sld [smem:$0x3FD9]  }
0x89: {  	s3 =	sld [smem:$0x3FFE];
	_ =	sdelay $0x1  }
0x8a: {  	s1 =	srdreg.scid  }
0x8b: {  	s0 =	sand.u32 $0x1, s1  }
0x8c: {  	s16 =	sshll.u32 s0, $0xA;
	s2 =	sadd.s32 s3, s2  }
0x8d: {  	s2 =	sadd.s32 s2, s16  }
0x8e: {  	[smem:$0x3FC0] =	sst s2  }
0x8f: {  	_ = 	snop  }
0x90: {  	(tm) =	ssettm $0x1  }
0x91: {  	s17 =	sld [smem:$0x3FFB];
	_ =	sdelay $0x3  }
0x92: {  	_ =	strace s17  }
0x93: {  	s2 =	sld [smem:$0x3FFC];
	_ =	sdelay $0x3  }
0x94: {  	_ =	strace s2  }
0x95: {  	s2 =	sld [smem:$0x3FFD];
	_ =	sdelay $0x3  }
0x96: {  	_ =	strace s2  }
0x97: {  	_ =	strace $0x8FFFFFFF  }
0x98: {  	s18 =	sld [smem:$0x3FDB];
	_ =	sdelay $0x1  }
0x99: {  	s19 =	simm.s32 $_scs_section_size  }
0x9a: {  	s4 =	simm.s32 $_size__tile_overlayer_lowered;
	s5 =	simm.s32 $_tile_overlayer_lowered  }
0x9b: {  	s22 =	simm.s32 $0x1BFF;
	s21 =	sshll.u32 s5, $0x1;
	s2 =	sadd.s32 s19, s18  }
0x9c: {  	s6 =	simm.s32 $0x0;
	s20 =	sshll.u32 s4, $0x1;
	s4 =	sadd.s32 s21, s2  }
0x9d: {  	[timem:s6], [sflag:s22] =	dma.local [hbm:s4], s20  }
0x9e: {  	_ =	swait.ge [sflag:s22], s20  }
0x9f: {  	s3 =	ssub.s32 $0x0, s20;
	[sflag:s22] =	ssyncset.done $0x0  }
0xa0: {  	[sflag:s22] =	ssyncadd.s32 s3;
	_ =	sdelay $0x1  }
0xa1: {  	s23 =	simm.s32 $0x1B8B  }
0xa2: {  	_ =	swait.ge [sflag:s23], $0x1  }
0xa3: {  	[sflag:s23] =	ssyncset.done $0x0  }
0xa4: {  	s25 =	simm.s32 $0x1B8E;
	s24 =	sld [smem:$0x3FFE];
	[sflag:s23] =	ssyncadd.s32 $0xFFFFFFFF  }
0xa5: {  	s26 =	simm.s32 $execute0_lowered;
	[smem:$0x3FD2] =	sst s25  }
0xa6: {  	s4 =	sshll.u32 s26, $0x1;
	_ =	strace $0x80000049;
	[dreg:$0x1] =	wrdreg $0xFFFFFFFF  }
0xa7: {  	s28 =	simm.s32 $_size_execute0_lowered;
	s2 =	sadd.s32 s2, s4;
	[dreg:$0x0] =	wrdreg $0x0  }
0xa8: {  	s4 =	sshll.u32 s28, $0x1;
	[dreg:$0x2] =	wrdreg s2  }
0xa9: {  	[dreg:$0x3] =	wrdreg s4  }
0xaa: {  	[dreg:$0x4] =	wrdreg $0xC0  }
0xab: {  	_ =	task [dreg:s6], $0x5FFFF  }
0xac: {  	[dreg:$0x1] =	wrdreg $0xFFFFFFFF  }
0xad: {  	[dreg:$0x0] =	wrdreg $0x60  }
0xae: {  	[dreg:$0x2] =	wrdreg s24  }
0xaf: {  	[dreg:$0x3] =	wrdreg $0xAA000  }
0xb0: {  	[dreg:$0x4] =	wrdreg $0x9  }
0xb1: {  	_ =	task.clear_ibuf [dreg:s6], $0x5FFFF;
	_ =	strace $0x90000049  }
0xb2: {  	s29 =	simm.s32 $0x9;
	_ =	strace $0x8000004B  }
0xb3: {  	_ =	swait.ge [sflag:s29], $0x1  }
0xb4: {  	[sflag:s29] =	ssyncadd.s32 $0xFFFFFFFF  }
0xb5: {  	_ =	strace $0x9000004B  }
0xb6: {  	_ =	sfence  }
0xb7: {  	s30 =	sld [smem:$0x0];
	_ =	sdelay $0x2  }
0xb8: {  	s31 =	sshll.u32 s1, $0xD;
	s1 =	sshrl.u32 s1, $0x2  }
0xb9: {  	s3 =	sand.u32 $0x4000, s31;
	s1 =	sadd.s32 s1, s30  }
0xba: {  	s0 =	sor.u32 s3, s0;
	s1 =	sshll.u32 s1, $0x11  }
0xbb: {  	s0 =	sor.u32 s1, s0  }
0xbc: {  	s0 =	sadd.s32 $0x8F2B, s0  }
0xbd: {  	[sflag:s0] =	ssyncadd.remote.s32 $0x1  }
0xbe: {  	_ =	sfence.sel $0xFFFF  }
0xbf: {  	[dreg:$0x0] =	wrdreg $0xFFFFFFFF;
	(pc) =	sbr.abs _section_cstart, $3  }
0xc0: {  	[dreg:$0x1] =	wrdreg $0xFFFFFFFF  }
0xc1: {  	_ =	task.clear_ibuf [dreg:s6], $0x2FFFF;
	_ =	strace $0x9FFFFFFF  }
0xc2: {  	(tm) =	ssettm $0x7FFFFFFF  }
0xc3: {  	_ =	shalt  }
tec
execute0_lowered:
.L_overlay_start_1:
0x0: {  	(tag) =	ssettag $0x1  }
0x1: {  	s4 =	rddreg [dreg:$0x0]  }
0x2: {  	s2 =	rddreg [dreg:$0x1]  }
0x3: {  	s0 =	rddreg [dreg:$0x2]  }
0x4: {  	s1 =	stileid.u32;
	s5 =	srdreg.scid  }
0x5: {  	s3 =	simm.s32 $0x0;
	s11 =	simm.s32 $0x2A00;
	s12 =	simm.s32 $0x2880  }
0x6: {  	s13 =	simm.s32 $0x6A00;
	s16 =	simm.s32 $0x1;
	s17 =	simm.s32 $0x2900  }
0x7: {  	s18 =	simm.s32 $0x2;
	s19 =	simm.s32 $0x2980;
	s20 =	simm.s32 $0x0  }
0x8: {  	s6 =	smul.u32 $0x14000, s1;
	s5 =	sand.u32 $0x1, s5;
	[smem:$0x7FF] =	sst s3  }
0x9: {  	s29 =	smul.u32 $0x50000, s1;
	s14 =	sshll.u32 s1, $0x6;
	s7 =	sshll.u32 s5, $0x4  }
0xa: {  	s8 =	smul.u32 $0x140000, s5;
	_ =	strace $0x8000004A;
	s5 =	ssub.s32 $0x2, s5  }
0xb: {  	s14 =	sor.u32 $0x1C03, s14;
	s9 =	sshrl.u32 s6, $0x3;
	s7 =	sor.u32 s1, s7  }
0xc: {  	s30 =	sshrl.u32 s5, $0x1;
	s31 =	sshrl.u32 s29, $0x2;
	s9 =	sadd.s32 s9, s4  }
0xd: {  	s7 =	smul.u32 $0x500, s7;
	s6 =	sadd.s32 s6, s8;
	s10 =	ssub.s32 s5, s30  }
0xe: {  	s15 =	sadd.s32 s31, s2;
	s8 =	simm.s32 $0x3;
	s6 =	sshrl.u32 s6, $0x3  }
0xf: {  	s5 =	sadd.s32 $0x3000, s9;
	s9 =	simm.s32 $0x80;
	s7 =	sadd.s32 s7, s4  }
0x10: {  	s15 =	sshrl.u32 s15, $0x3;
	s6 =	sadd.s32 s6, s4;
	s4 =	sadd.s32 $0x7B800, s7  }
0x11: {  	s6 =	sadd.s32 $0x85800, s6;
	s7 =	smax.u32 s10, $0x1;
	s10 =	simm.s32 $0x2800  }
.LBB2_1:
0x12: {  	[tilespmem:s3], [sflag:$0x3] =	stream.linear.gather [hbm4b:s4+s3], $0x2800, $0x38;
	[tilespmem:$0x1EA00] =	vst v63  }
0x13: {  	_ =	swait.ge [sflag:s8], $0x2800  }
0x14: {  	[sflag:s8] =	ssyncset.done $0x0  }
0x15: {  	[sflag:s8] =	ssyncadd.s32 $0xFFFFD800  }
0x16: {  	v0 =	vld [tilespmem:$0x0];
	_ =	sdelay $0x1  }
0x17: {  	v1 =	vld [tilespmem:$0x10];
	_ =	sdelay $0x1  }
0x18: {  	v2 =	vld [tilespmem:$0x20]  }
0x19: {  	v3 =	vand.u32 $0xFFFF, v0  }
0x1a: {  	v0 =	vshrl.u32 v0, $0x10;
	[tilespmem:$0x2800] =	vst v3;
	v3 =	vld [tilespmem:$0x30]  }
0x1b: {  	[tilespmem:$0x2900] =	vst v0;
	v0 =	vand.u32 $0xFFFF, v1  }
0x1c: {  	[tilespmem:$0x2810] =	vst v0;
	v0 =	vshrl.u32 v1, $0x10;
	v1 =	vld [tilespmem:$0x40]  }
0x1d: {  	[tilespmem:$0x2910] =	vst v0;
	v0 =	vand.u32 $0xFFFF, v2  }
0x1e: {  	[tilespmem:$0x2820] =	vst v0;
	v0 =	vshrl.u32 v2, $0x10;
	v2 =	vld [tilespmem:$0x50]  }
0x1f: {  	[tilespmem:$0x2920] =	vst v0;
	v0 =	vand.u32 $0xFFFF, v3  }
0x20: {  	[tilespmem:$0x2830] =	vst v0;
	v0 =	vshrl.u32 v3, $0x10;
	v3 =	vld [tilespmem:$0x60]  }
0x21: {  	[tilespmem:$0x2930] =	vst v0;
	v0 =	vand.u32 $0xFFFF, v1  }
0x22: {  	[tilespmem:$0x2840] =	vst v0;
	v0 =	vshrl.u32 v1, $0x10;
	v1 =	vld [tilespmem:$0x70]  }
0x23: {  	[tilespmem:$0x2940] =	vst v0;
	v0 =	vand.u32 $0xFFFF, v2  }
0x24: {  	[tilespmem:$0x2850] =	vst v0;
	v0 =	vshrl.u32 v2, $0x10;
	v2 =	vld [tilespmem:$0x80]  }
0x25: {  	[tilespmem:$0x2950] =	vst v0;
	v0 =	vand.u32 $0xFFFF, v3  }
0x26: {  	[tilespmem:$0x2860] =	vst v0;
	v0 =	vshrl.u32 v3, $0x10;
	v3 =	vld [tilespmem:$0x90]  }
0x27: {  	[tilespmem:$0x2960] =	vst v0;
	v0 =	vand.u32 $0xFFFF, v1  }
0x28: {  	[tilespmem:$0x2870] =	vst v0;
	v0 =	vshrl.u32 v1, $0x10;
	v1 =	vld [tilespmem:$0xA0]  }
0x29: {  	[tilespmem:$0x2970] =	vst v0;
	v0 =	vand.u32 $0xFFFF, v2  }
0x2a: {  	[tilespmem:$0x2880] =	vst v0;
	v0 =	vshrl.u32 v2, $0x10;
	v2 =	vld [tilespmem:$0xB0]  }
0x2b: {  	[tilespmem:$0x2980] =	vst v0;
	v0 =	vand.u32 $0xFFFF, v3  }
0x2c: {  	[tilespmem:$0x2890] =	vst v0;
	v0 =	vshrl.u32 v3, $0x10;
	v3 =	vld [tilespmem:$0xC0]  }
0x2d: {  	[tilespmem:$0x2990] =	vst v0;
	v0 =	vand.u32 $0xFFFF, v1  }
0x2e: {  	[tilespmem:$0x28A0] =	vst v0;
	v0 =	vshrl.u32 v1, $0x10;
	v1 =	vld [tilespmem:$0xD0]  }
0x2f: {  	[tilespmem:$0x29A0] =	vst v0;
	v0 =	vand.u32 $0xFFFF, v2  }
0x30: {  	[tilespmem:$0x28B0] =	vst v0;
	v0 =	vshrl.u32 v2, $0x10;
	v2 =	vld [tilespmem:$0xE0]  }
0x31: {  	[tilespmem:$0x29B0] =	vst v0;
	v0 =	vand.u32 $0xFFFF, v3  }
0x32: {  	[tilespmem:$0x28C0] =	vst v0;
	v0 =	vshrl.u32 v3, $0x10;
	v3 =	vld [tilespmem:$0xF0]  }
0x33: {  	[tilespmem:$0x29C0] =	vst v0;
	v0 =	vand.u32 $0xFFFF, v1  }
0x34: {  	[tilespmem:$0x28D0] =	vst v0;
	v0 =	vshrl.u32 v1, $0x10  }
0x35: {  	[tilespmem:$0x29D0] =	vst v0;
	v0 =	vand.u32 $0xFFFF, v2  }
0x36: {  	[tilespmem:$0x28E0] =	vst v0;
	v0 =	vshrl.u32 v2, $0x10  }
0x37: {  	[tilespmem:$0x29E0] =	vst v0;
	v0 =	vand.u32 $0xFFFF, v3  }
0x38: {  	[tilespmem:$0x28F0] =	vst v0;
	v0 =	vshrl.u32 v3, $0x10  }
0x39: {  	[tilespmem:$0x29F0] =	vst v0  }
0x3a: {  	[tilespmem:s11], [sflag:$0x1] =	stream.indirect.gather [spmem:s2], $0x80, s10, s9, $0xb8;
	[tilespmem:$0x1EA00] =	vst v63  }
0x3b: {  	_ = 	snop  }
0x3c: {  	[tilespmem:s13], [sflag:$0x2] =	stream.indirect.gather [spmem:s2], $0x80, s12, s9, $0xb8;
	[tilespmem:$0x1EA00] =	vst v63  }
0x3d: {  	[spmem:s15], [sflag:s14] =	dma.local [hbm:s5], $0x2800  }
0x3e: {  	_ =	swait.ge [sflag:s8], $0x2800  }
0x3f: {  	[sflag:s8] =	ssyncset.done $0x0  }
0x40: {  	[sflag:s8] =	ssyncadd.s32 $0xFFFFD800  }
0x41: {  	[bflag:$0x0] =	sbarrier.arrive $0xFFFF  }
0x42: {  	_ =	swait.ge [sflag:s16], $0x4000  }
0x43: {  	[sflag:s16] =	ssyncset.done $0x0  }
0x44: {  	[sflag:s16] =	ssyncadd.s32 $0xFFFFC000  }
0x45: {  	[spmem:s2] =	stream.indirect.scatter.add.f32 [tilespmem:s11], [sflag:$0x3], $0x80, s17, s9, $0xb8;
	[tilespmem:$0x1EA00] =	vst v63  }
0x46: {  	_ =	swait.ge [sflag:s8], $0x4000  }
0x47: {  	[sflag:s8] =	ssyncset.done $0x0  }
0x48: {  	s21 =	simm.s32 $0x1F0;
	[sflag:s8] =	ssyncadd.s32 $0xFFFFC000  }
0x49: {  	v0 =	vld [tilespmem:s21+$0xFFFFFF10];
	_ =	sdelay $0x4  }
0x4a: {  	v1 =	vand.u32 $0xFFFF, v0  }
0x4b: {  	v0 =	vshrl.u32 v0, $0x10;
	[tilespmem:$0x2800] =	vst v1  }
0x4c: {  	[tilespmem:$0x2900] =	vst v0  }
0x4d: {  	v0 =	vld [tilespmem:s21+$0xFFFFFF20];
	_ =	sdelay $0x4  }
0x4e: {  	v1 =	vand.u32 $0xFFFF, v0  }
0x4f: {  	v0 =	vshrl.u32 v0, $0x10;
	[tilespmem:$0x2810] =	vst v1  }
0x50: {  	[tilespmem:$0x2910] =	vst v0  }
0x51: {  	v0 =	vld [tilespmem:s21+$0xFFFFFF30];
	_ =	sdelay $0x4  }
0x52: {  	v1 =	vand.u32 $0xFFFF, v0  }
0x53: {  	v0 =	vshrl.u32 v0, $0x10;
	[tilespmem:$0x2820] =	vst v1  }
0x54: {  	[tilespmem:$0x2920] =	vst v0  }
0x55: {  	v0 =	vld [tilespmem:s21+$0xFFFFFF40];
	_ =	sdelay $0x4  }
0x56: {  	v1 =	vand.u32 $0xFFFF, v0  }
0x57: {  	v0 =	vshrl.u32 v0, $0x10;
	[tilespmem:$0x2830] =	vst v1  }
0x58: {  	[tilespmem:$0x2930] =	vst v0  }
0x59: {  	v0 =	vld [tilespmem:s21+$0xFFFFFF50];
	_ =	sdelay $0x4  }
0x5a: {  	v1 =	vand.u32 $0xFFFF, v0  }
0x5b: {  	v0 =	vshrl.u32 v0, $0x10;
	[tilespmem:$0x2840] =	vst v1  }
0x5c: {  	[tilespmem:$0x2940] =	vst v0  }
0x5d: {  	v0 =	vld [tilespmem:s21+$0xFFFFFF60];
	_ =	sdelay $0x4  }
0x5e: {  	v1 =	vand.u32 $0xFFFF, v0  }
0x5f: {  	v0 =	vshrl.u32 v0, $0x10;
	[tilespmem:$0x2850] =	vst v1  }
0x60: {  	[tilespmem:$0x2950] =	vst v0  }
0x61: {  	v0 =	vld [tilespmem:s21+$0xFFFFFF70];
	_ =	sdelay $0x4  }
0x62: {  	v1 =	vand.u32 $0xFFFF, v0  }
0x63: {  	v0 =	vshrl.u32 v0, $0x10;
	[tilespmem:$0x2860] =	vst v1  }
0x64: {  	[tilespmem:$0x2960] =	vst v0  }
0x65: {  	v0 =	vld [tilespmem:s21+$0xFFFFFF80];
	_ =	sdelay $0x4  }
0x66: {  	v1 =	vand.u32 $0xFFFF, v0  }
0x67: {  	v0 =	vshrl.u32 v0, $0x10;
	[tilespmem:$0x2870] =	vst v1  }
0x68: {  	[tilespmem:$0x2970] =	vst v0  }
0x69: {  	[tilespmem:s11], [sflag:$0x1] =	stream.indirect.gather [spmem:s2], $0x80, s10, s9, $0xb8;
	[tilespmem:$0x1EA00] =	vst v63  }
0x6a: {  	_ =	swait.ge [sflag:s18], $0x4000  }
0x6b: {  	[sflag:s18] =	ssyncset.done $0x0  }
0x6c: {  	[sflag:s18] =	ssyncadd.s32 $0xFFFFC000  }
0x6d: {  	[spmem:s2] =	stream.indirect.scatter.add.f32 [tilespmem:s13], [sflag:$0x3], $0x80, s19, s9, $0xb8;
	[tilespmem:$0x1EA00] =	vst v63  }
0x6e: {  	_ =	swait.ge [sflag:s8], $0x4000  }
0x6f: {  	[sflag:s8] =	ssyncset.done $0x0  }
0x70: {  	[sflag:s8] =	ssyncadd.s32 $0xFFFFC000  }
0x71: {  	v0 =	vld [tilespmem:s21+$0xFFFFFF90];
	_ =	sdelay $0x4  }
0x72: {  	v1 =	vand.u32 $0xFFFF, v0  }
0x73: {  	v0 =	vshrl.u32 v0, $0x10;
	[tilespmem:$0x2880] =	vst v1  }
0x74: {  	[tilespmem:$0x2980] =	vst v0  }
0x75: {  	v0 =	vld [tilespmem:s21+$0xFFFFFFA0];
	_ =	sdelay $0x4  }
0x76: {  	v1 =	vand.u32 $0xFFFF, v0  }
0x77: {  	v0 =	vshrl.u32 v0, $0x10;
	[tilespmem:$0x2890] =	vst v1  }
0x78: {  	[tilespmem:$0x2990] =	vst v0  }
0x79: {  	v0 =	vld [tilespmem:s21+$0xFFFFFFB0];
	_ =	sdelay $0x4  }
0x7a: {  	v1 =	vand.u32 $0xFFFF, v0  }
0x7b: {  	v0 =	vshrl.u32 v0, $0x10;
	[tilespmem:$0x28A0] =	vst v1  }
0x7c: {  	[tilespmem:$0x29A0] =	vst v0  }
0x7d: {  	v0 =	vld [tilespmem:s21+$0xFFFFFFC0];
	_ =	sdelay $0x4  }
0x7e: {  	v1 =	vand.u32 $0xFFFF, v0  }
0x7f: {  	v0 =	vshrl.u32 v0, $0x10;
	[tilespmem:$0x28B0] =	vst v1  }
0x80: {  	[tilespmem:$0x29B0] =	vst v0  }
0x81: {  	v0 =	vld [tilespmem:s21+$0xFFFFFFD0];
	_ =	sdelay $0x4  }
0x82: {  	v1 =	vand.u32 $0xFFFF, v0  }
0x83: {  	v0 =	vshrl.u32 v0, $0x10;
	[tilespmem:$0x28C0] =	vst v1  }
0x84: {  	[tilespmem:$0x29C0] =	vst v0  }
0x85: {  	v0 =	vld [tilespmem:s21+$0xFFFFFFE0];
	_ =	sdelay $0x4  }
0x86: {  	v1 =	vand.u32 $0xFFFF, v0  }
0x87: {  	v0 =	vshrl.u32 v0, $0x10;
	[tilespmem:$0x28D0] =	vst v1  }
0x88: {  	[tilespmem:$0x29D0] =	vst v0  }
0x89: {  	v0 =	vld [tilespmem:s21+$0xFFFFFFF0];
	_ =	sdelay $0x4  }
0x8a: {  	v1 =	vand.u32 $0xFFFF, v0  }
0x8b: {  	s22 =	simm.s32 $0xBC0;
	v0 =	vshrl.u32 v0, $0x10;
	[tilespmem:$0x28E0] =	vst v1  }
.LBB2_2:
0x8c: {  	p0 =	sne.s32 s22, $0x9FC0;
	[tilespmem:$0x29E0] =	vst v0;
	s23 =	smov.u32 s22;
	s22 =	sadd.s32 $0x400, s22  }
0x8d: {  	v0 =	vld [tilespmem:s21+$0x0];
	_ =	sdelay $0x4  }
0x8e: {  	v1 =	vand.u32 $0xFFFF, v0;
	v0 =	vshrl.u32 v0, $0x10  }
0x8f: {  	[tilespmem:$0x28F0] =	vst v1  }
0x90: {  	[tilespmem:$0x29F0] =	vst v0  }
0x91: {  	[tilespmem:s13], [sflag:$0x2] =	stream.indirect.gather [spmem:s2], $0x80, s12, s9, $0xb8;
	[tilespmem:$0x1EA00] =	vst v63  }
0x92: {  	_ =	swait.ge [sflag:s16], $0x4000  }
0x93: {  	[sflag:s16] =	ssyncset.done $0x0  }
0x94: {  	[sflag:s16] =	ssyncadd.s32 $0xFFFFC000  }
0x95: {  	[spmem:s2] =	stream.indirect.scatter.add.f32 [tilespmem:s11], [sflag:$0x3], $0x80, s17, s9, $0xb8;
	[tilespmem:$0x1EA00] =	vst v63  }
0x96: {  	_ =	swait.ge [sflag:s8], $0x4000  }
0x97: {  	[sflag:s8] =	ssyncset.done $0x0  }
0x98: {  	s21 =	sshra.s32 s23, $0x2;
	[sflag:s8] =	ssyncadd.s32 $0xFFFFC000  }
0x99: {  	v0 =	vld [tilespmem:s21+$0xFFFFFF10];
	_ =	sdelay $0x4  }
0x9a: {  	v1 =	vand.u32 $0xFFFF, v0;
	v0 =	vshrl.u32 v0, $0x10  }
0x9b: {  	[tilespmem:$0x2800] =	vst v1  }
0x9c: {  	[tilespmem:$0x2900] =	vst v0  }
0x9d: {  	v0 =	vld [tilespmem:s21+$0xFFFFFF20];
	_ =	sdelay $0x4  }
0x9e: {  	v1 =	vand.u32 $0xFFFF, v0;
	v0 =	vshrl.u32 v0, $0x10  }
0x9f: {  	[tilespmem:$0x2810] =	vst v1  }
0xa0: {  	[tilespmem:$0x2910] =	vst v0  }
0xa1: {  	v0 =	vld [tilespmem:s21+$0xFFFFFF30];
	_ =	sdelay $0x4  }
0xa2: {  	v1 =	vand.u32 $0xFFFF, v0;
	v0 =	vshrl.u32 v0, $0x10  }
0xa3: {  	[tilespmem:$0x2820] =	vst v1  }
0xa4: {  	[tilespmem:$0x2920] =	vst v0  }
0xa5: {  	v0 =	vld [tilespmem:s21+$0xFFFFFF40];
	_ =	sdelay $0x4  }
0xa6: {  	v1 =	vand.u32 $0xFFFF, v0;
	v0 =	vshrl.u32 v0, $0x10  }
0xa7: {  	[tilespmem:$0x2830] =	vst v1  }
0xa8: {  	[tilespmem:$0x2930] =	vst v0  }
0xa9: {  	v0 =	vld [tilespmem:s21+$0xFFFFFF50];
	_ =	sdelay $0x4  }
0xaa: {  	v1 =	vand.u32 $0xFFFF, v0;
	v0 =	vshrl.u32 v0, $0x10  }
0xab: {  	[tilespmem:$0x2840] =	vst v1  }
0xac: {  	[tilespmem:$0x2940] =	vst v0  }
0xad: {  	v0 =	vld [tilespmem:s21+$0xFFFFFF60];
	_ =	sdelay $0x4  }
0xae: {  	v1 =	vand.u32 $0xFFFF, v0;
	v0 =	vshrl.u32 v0, $0x10  }
0xaf: {  	[tilespmem:$0x2850] =	vst v1  }
0xb0: {  	[tilespmem:$0x2950] =	vst v0  }
0xb1: {  	v0 =	vld [tilespmem:s21+$0xFFFFFF70];
	_ =	sdelay $0x4  }
0xb2: {  	v1 =	vand.u32 $0xFFFF, v0;
	v0 =	vshrl.u32 v0, $0x10  }
0xb3: {  	[tilespmem:$0x2860] =	vst v1  }
0xb4: {  	[tilespmem:$0x2960] =	vst v0  }
0xb5: {  	v0 =	vld [tilespmem:s21+$0xFFFFFF80];
	_ =	sdelay $0x4  }
0xb6: {  	v1 =	vand.u32 $0xFFFF, v0;
	v0 =	vshrl.u32 v0, $0x10  }
0xb7: {  	[tilespmem:$0x2870] =	vst v1  }
0xb8: {  	[tilespmem:$0x2970] =	vst v0  }
0xb9: {  	[tilespmem:s11], [sflag:$0x1] =	stream.indirect.gather [spmem:s2], $0x80, s10, s9, $0xb8;
	[tilespmem:$0x1EA00] =	vst v63  }
0xba: {  	_ =	swait.ge [sflag:s18], $0x4000  }
0xbb: {  	[sflag:s18] =	ssyncset.done $0x0  }
0xbc: {  	[sflag:s18] =	ssyncadd.s32 $0xFFFFC000  }
0xbd: {  	[spmem:s2] =	stream.indirect.scatter.add.f32 [tilespmem:s13], [sflag:$0x3], $0x80, s19, s9, $0xb8;
	[tilespmem:$0x1EA00] =	vst v63  }
0xbe: {  	_ =	swait.ge [sflag:s8], $0x4000  }
0xbf: {  	[sflag:s8] =	ssyncset.done $0x0  }
0xc0: {  	[sflag:s8] =	ssyncadd.s32 $0xFFFFC000  }
0xc1: {  	v0 =	vld [tilespmem:s21+$0xFFFFFF90];
	_ =	sdelay $0x4  }
0xc2: {  	v1 =	vand.u32 $0xFFFF, v0;
	v0 =	vshrl.u32 v0, $0x10  }
0xc3: {  	[tilespmem:$0x2880] =	vst v1  }
0xc4: {  	[tilespmem:$0x2980] =	vst v0  }
0xc5: {  	v0 =	vld [tilespmem:s21+$0xFFFFFFA0];
	_ =	sdelay $0x4  }
0xc6: {  	v1 =	vand.u32 $0xFFFF, v0;
	v0 =	vshrl.u32 v0, $0x10  }
0xc7: {  	[tilespmem:$0x2890] =	vst v1  }
0xc8: {  	[tilespmem:$0x2990] =	vst v0  }
0xc9: {  	v0 =	vld [tilespmem:s21+$0xFFFFFFB0];
	_ =	sdelay $0x4  }
0xca: {  	v1 =	vand.u32 $0xFFFF, v0;
	v0 =	vshrl.u32 v0, $0x10  }
0xcb: {  	[tilespmem:$0x28A0] =	vst v1  }
0xcc: {  	[tilespmem:$0x29A0] =	vst v0  }
0xcd: {  	v0 =	vld [tilespmem:s21+$0xFFFFFFC0];
	_ =	sdelay $0x4  }
0xce: {  	v1 =	vand.u32 $0xFFFF, v0;
	v0 =	vshrl.u32 v0, $0x10  }
0xcf: {  	[tilespmem:$0x28B0] =	vst v1  }
0xd0: {  	[tilespmem:$0x29B0] =	vst v0  }
0xd1: {  	v0 =	vld [tilespmem:s21+$0xFFFFFFD0];
	_ =	sdelay $0x4  }
0xd2: {  	v1 =	vand.u32 $0xFFFF, v0;
	v0 =	vshrl.u32 v0, $0x10  }
0xd3: {  	[tilespmem:$0x28C0] =	vst v1  }
0xd4: {  	[tilespmem:$0x29C0] =	vst v0  }
0xd5: {  	v0 =	vld [tilespmem:s21+$0xFFFFFFE0];
	_ =	sdelay $0x4  }
0xd6: {  	v1 =	vand.u32 $0xFFFF, v0;
	v0 =	vshrl.u32 v0, $0x10  }
0xd7: {  	[tilespmem:$0x28D0] =	vst v1  }
0xd8: {  	[tilespmem:$0x29D0] =	vst v0  }
0xd9: {  	v0 =	vld [tilespmem:s21+$0xFFFFFFF0];
	_ =	sdelay $0x1  }
.Ltmp0:
0xda: {  	(pc) =	sbr.rel @p0 .LBB2_2-.Ltmp0, $3  }
0xdb: {  	_ =	sdelay $0x1  }
0xdc: {  	v1 =	vand.u32 $0xFFFF, v0;
	v0 =	vshrl.u32 v0, $0x10  }
0xdd: {  	[tilespmem:$0x28E0] =	vst v1  }
0xde: {  	[tilespmem:$0x29E0] =	vst v0  }
0xdf: {  	v0 =	vld [tilespmem:s21+$0x0];
	_ =	sdelay $0x4  }
0xe0: {  	v1 =	vand.u32 $0xFFFF, v0  }
0xe1: {  	v0 =	vshrl.u32 v0, $0x10;
	[tilespmem:$0x28F0] =	vst v1  }
0xe2: {  	[tilespmem:$0x29F0] =	vst v0  }
0xe3: {  	[tilespmem:s13], [sflag:$0x2] =	stream.indirect.gather [spmem:s2], $0x80, s12, s9, $0xb8;
	[tilespmem:$0x1EA00] =	vst v63  }
0xe4: {  	_ =	swait.ge [sflag:s16], $0x4000  }
0xe5: {  	[sflag:s16] =	ssyncset.done $0x0  }
0xe6: {  	[sflag:s16] =	ssyncadd.s32 $0xFFFFC000  }
0xe7: {  	[spmem:s2] =	stream.indirect.scatter.add.f32 [tilespmem:s11], [sflag:$0x3], $0x80, s17, s9, $0xb8;
	[tilespmem:$0x1EA00] =	vst v63  }
0xe8: {  	_ =	swait.ge [sflag:s8], $0x4000  }
0xe9: {  	[sflag:s8] =	ssyncset.done $0x0  }
0xea: {  	[sflag:s8] =	ssyncadd.s32 $0xFFFFC000  }
0xeb: {  	_ =	swait.ge [sflag:s18], $0x4000  }
0xec: {  	[sflag:s18] =	ssyncset.done $0x0  }
0xed: {  	[sflag:s18] =	ssyncadd.s32 $0xFFFFC000  }
0xee: {  	[spmem:s2] =	stream.indirect.scatter.add.f32 [tilespmem:s13], [sflag:$0x3], $0x80, s19, s9, $0xb8;
	[tilespmem:$0x1EA00] =	vst v63  }
0xef: {  	_ =	swait.ge [sflag:s8], $0x4000  }
0xf0: {  	s20 =	sadd.s32 $0x1, s20;
	[sflag:s8] =	ssyncset.done $0x0  }
0xf1: {  	p0 =	sne.s32 s20, s7;
	[sflag:s8] =	ssyncadd.s32 $0xFFFFC000  }
.Ltmp1:
0xf2: {  	[bflag:$0x0] =	sbarrier.arrive $0xFFFF;
	(pc) =	sbr.rel @p0 .LBB2_1-.Ltmp1, $4  }
0xf3: {  	[hbm:s6], [sflag:s14] =	dma.local [spmem:s15], $0x2800  }
0xf4: {  	_ =	swait.ge [sflag:s8], $0x2800  }
0xf5: {  	[sflag:s8] =	ssyncset.done $0x0  }
0xf6: {  	[sflag:s8] =	ssyncadd.s32 $0xFFFFD800  }
0xf7: {  	_ =	sfence.sel $0x180000  }
0xf8: {  	[bflag:$0x0] =	sbarrier.arrive $0xFFFF  }
0xf9: {  	p0 =	sne.s32 s1, $0x0;
	_ =	strace $0x9000004A  }
0xfa: {  	s0 =	sadd.s32 @!p0 $0x100000, s0;
	[bflag:$0x2] =	sbarrier.arrive $0xFFFF  }
0xfb: {  	[sflag:s0] =	ssyncadd.tile.s32 @!p0 $0x1;
	_ =	shalt  }
.Lfunc_end2:
_tile_overlayer_lowered:
.L_overlay_start_2:
0xfc: {  	(tag) =	ssettag $0x2  }
0xfd: {  	s0 =	rddreg [dreg:$0x0];
	s2 =	stileid.u32  }
0xfe: {  	s1 =	rddreg [dreg:$0x1];
	p0 =	sne.s32 s2, $0x0  }
0xff: {  	s3 =	rddreg [dreg:$0x2];
	[bflag:$0x3] =	sbarrier.arrive $0xFFFF;
	s2 =	simm.s32 @!p0 $0x1C03  }
0x100: {  	[timem:s3], [sflag:s2] =	dma.local @!p0 [hbm:s0], s1  }
0x101: {  	s0 =	simm.s32 @!p0 $0x3  }
0x102: {  	_ =	swait.ge @!p0 [sflag:s0], s1  }
0x103: {  	s1 =	ssub.s32 @!p0 $0x0, s1;
	[sflag:s0] =	ssyncset.done @!p0 $0x0  }
0x104: {  	[sflag:s0] =	ssyncadd.s32 @!p0 s1  }
0x105: {  	[bflag:$0x3] =	sbarrier.arrive $0xFFFF  }
0x106: {  	_ =	shalt  }

// kernel: kernel.16.cloned.1.call-start
scs
__scs_entry_jumppad:
0x0: {  	(pc) =	sbr.rel $0x88, $3  }
0x1: {  	(tag) =	ssettag $0x0;
	lr =	simm.s32 $0x1  }
0x2: {  	[smem:$0x3F99] =	sst lr;
	_ =	strace $0xD0000000  }
0x3: {  	_ = 	snop  }
0x4: {  	_ = 	snop  }
0x5: {  	_ = 	snop  }
0x6: {  	_ = 	snop  }
0x7: {  	_ = 	snop  }
__scs_overlays_trampoline_lowered:
0x8: {  	[smem:$0x3FA8] =	sst s0  }
0x9: {  	[smem:$0x3FA9] =	sst s1  }
0xa: {  	[smem:$0x3FAA] =	sst s2  }
0xb: {  	[smem:$0x3FAB] =	sst s3  }
0xc: {  	[smem:$0x3FAC] =	sst s4  }
0xd: {  	[smem:$0x3FAD] =	sst s5  }
0xe: {  	[smem:$0x3FAE] =	sst s6  }
0xf: {  	[smem:$0x3FAF] =	sst s7  }
0x10: {  	[smem:$0x3FB0] =	sst s8  }
0x11: {  	[smem:$0x3FB1] =	sst s9;
	s0 =	simm.s32 @!p0 $0x0  }
0x12: {  	s1 =	sld [smem:$0x3F97];
	s0 =	simm.s32 @p0 $0x1  }
0x13: {  	[smem:$0x3FB2] =	sst s0;
	s0 =	simm.s32 @!p1 $0x0  }
0x14: {  	s2 =	sld [smem:$0x3F96];
	s0 =	simm.s32 @p1 $0x1  }
0x15: {  	[smem:$0x3FB3] =	sst s0;
	s0 =	simm.s32 @!p2 $0x0  }
0x16: {  	s3 =	sld [smem:$0x3FDB];
	s0 =	simm.s32 @p2 $0x1  }
0x17: {  	s4 =	simm.s32 $0x1BF5;
	[smem:$0x3FB5] =	sst s0  }
0x18: {  	s0 =	sld [smem:$0x3F98];
	_ =	swait.ge [sflag:s4], $0x0  }
0x19: {  	s7 =	sld [smem:$0x3F99]  }
0x1a: {  	s8 =	sadd.s32 $0xFFFFE003, lr  }
0x1b: {  	s9 =	sadd.s32 $0xFFFFFEF7, lr;
	s5 =	simm.s32 $0xFFFFFFFF;
	p2 =	slt.u32 s8, $0xFFFFF086  }
0x1c: {  	p1 =	slt.u32 s9, $0xF7A;
	s5 =	simm.s32 @!p2 $0x0  }
0x1d: {  	s5 =	simm.s32 @p1 $0x1;
	p0 =	seq.s32 s7, s2  }
0x1e: {  	s7 =	smul.u32 @!p0 $0xF7A, s2;
	p2 =	seq.s32 @!p0 s5, $0x0  }
0x1f: {  	s9 =	smul.u32 $0xF7A, s1;
	s8 =	simm.s32 @!p0 $0x1BF5;
	p2 =	por !p2, p0  }
0x20: {  	[sflag:s8] =	ssyncset.s32 @!p0 $0xFFFFF086;
	s6 =	sadd.s32 @!p0 s3, s7;
	s7 =	simm.s32 @!p0 $0x108  }
0x21: {  	s3 =	sadd.s32 s3, s9;
	s6 =	sadd.s32 @!p0 $0x88, s6;
	s7 =	simm.s32 @p2 $0x1082  }
0x22: {  	[simem:s7], [sflag:s8] =	dma.local @!p0 [hbm:s6], $0xF7A  }
0x23: {  	s9 =	sor.u32 $0xD0000000, s2;
	s6 =	simm.s32 $0x108;
	_ =	swait.ge @!p0 [sflag:s8], $0x0  }
0x24: {  	s3 =	sadd.s32 $0x88, s3;
	s6 =	simm.s32 @!p1 $0x1082;
	[sflag:s4] =	ssyncset.s32 $0xFFFFF086  }
0x25: {  	[simem:s6], [sflag:s4] =	dma.local [hbm:s3], $0xF7A  }
0x26: {  	[smem:$0x3F99] =	sst s1;
	(tag) =	ssettag s2;
	_ =	strace s9  }
0x27: {  	s1 =	sld [smem:$0x3FA9]  }
0x28: {  	s2 =	sld [smem:$0x3FAA]  }
0x29: {  	s4 =	sld [smem:$0x3FAC]  }
0x2a: {  	p0 =	seq.s32 s5, $0x0;
	s5 =	sld [smem:$0x3FAD]  }
0x2b: {  	s6 =	sld [smem:$0x3FAE]  }
0x2c: {  	s7 =	sld [smem:$0x3FAF]  }
0x2d: {  	s3 =	simm.s32 $0x108;
	s8 =	sld [smem:$0x3FB0]  }
0x2e: {  	s3 =	simm.s32 @!p0 $0x1082;
	s9 =	sld [smem:$0x3FB1]  }
0x2f: {  	lr =	sadd.s32 s0, s3;
	s0 =	sld [smem:$0x3FA8]  }
0x30: {  	s3 =	sld [smem:$0x3FAB]  }
0x31: {  	[smem:$0x3FB4] =	sst s10  }
0x32: {  	s10 =	sld [smem:$0x3FB2];
	_ =	sdelay $0x3  }
0x33: {  	p0 =	seq.s32 s10, $0x1;
	s10 =	sld [smem:$0x3FB4];
	_ =	sdelay $0x3  }
0x34: {  	[smem:$0x3FB4] =	sst s10  }
0x35: {  	s10 =	sld [smem:$0x3FB3];
	_ =	sdelay $0x3  }
0x36: {  	p1 =	seq.s32 s10, $0x1;
	s10 =	sld [smem:$0x3FB4];
	_ =	sdelay $0x3  }
0x37: {  	[smem:$0x3FB4] =	sst s10  }
0x38: {  	s10 =	sld [smem:$0x3FB5]  }
0x39: {  	_ = 	snop;
	(pc) =	sbr.ind lr, $3  }
0x3a: {  	_ = 	snop  }
0x3b: {  	_ = 	snop  }
0x3c: {  	p2 =	seq.s32 s10, $0x1;
	s10 =	sld [smem:$0x3FB4]  }
0x3d: {  	_ =	shalt  }
0x3e: {  	_ =	shalt  }
0x3f: {  	_ =	shalt  }
0x40: {  	_ =	shalt  }
0x41: {  	_ =	shalt  }
0x42: {  	_ =	shalt  }
0x43: {  	_ =	shalt  }
0x44: {  	_ =	shalt  }
0x45: {  	_ =	shalt  }
0x46: {  	_ =	shalt  }
0x47: {  	_ =	shalt  }
0x48: {  	_ =	shalt  }
0x49: {  	_ =	shalt  }
0x4a: {  	_ =	shalt  }
0x4b: {  	_ =	shalt  }
0x4c: {  	_ =	shalt  }
0x4d: {  	_ =	shalt  }
0x4e: {  	_ =	shalt  }
0x4f: {  	_ =	shalt  }
0x50: {  	_ =	shalt  }
0x51: {  	_ =	shalt  }
0x52: {  	_ =	shalt  }
0x53: {  	_ =	shalt  }
0x54: {  	_ =	shalt  }
0x55: {  	_ =	shalt  }
0x56: {  	_ =	shalt  }
0x57: {  	_ =	shalt  }
0x58: {  	_ =	shalt  }
0x59: {  	_ =	shalt  }
0x5a: {  	_ =	shalt  }
0x5b: {  	_ =	shalt  }
0x5c: {  	_ =	shalt  }
0x5d: {  	_ =	shalt  }
0x5e: {  	_ =	shalt  }
0x5f: {  	_ =	shalt  }
0x60: {  	_ =	shalt  }
0x61: {  	_ =	shalt  }
0x62: {  	_ =	shalt  }
0x63: {  	_ =	shalt  }
0x64: {  	_ =	shalt  }
0x65: {  	_ =	shalt  }
0x66: {  	_ =	shalt  }
0x67: {  	_ =	shalt  }
0x68: {  	_ =	shalt  }
0x69: {  	_ =	shalt  }
0x6a: {  	_ =	shalt  }
0x6b: {  	_ =	shalt  }
0x6c: {  	_ =	shalt  }
0x6d: {  	_ =	shalt  }
0x6e: {  	_ =	shalt  }
0x6f: {  	_ =	shalt  }
0x70: {  	_ =	shalt  }
0x71: {  	_ =	shalt  }
0x72: {  	_ =	shalt  }
0x73: {  	_ =	shalt  }
0x74: {  	_ =	shalt  }
0x75: {  	_ =	shalt  }
0x76: {  	_ =	shalt  }
0x77: {  	_ =	shalt  }
0x78: {  	_ =	shalt  }
0x79: {  	_ =	shalt  }
0x7a: {  	_ =	shalt  }
0x7b: {  	_ =	shalt  }
0x7c: {  	_ =	shalt  }
0x7d: {  	_ =	shalt  }
0x7e: {  	_ =	shalt  }
0x7f: {  	_ =	shalt  }
0x80: {  	_ =	shalt  }
0x81: {  	_ =	shalt  }
0x82: {  	_ =	shalt  }
0x83: {  	_ =	shalt  }
0x84: {  	_ =	shalt  }
0x85: {  	_ =	shalt  }
0x86: {  	_ =	shalt  }
0x87: {  	_ =	shalt  }
.Lfunc_end0:
.L_simem_size_0:
called_computation.2_lowered:
.L_overlay_start_0:
0x88: {  	s2 =	sld [smem:$0x3FD9]  }
0x89: {  	s3 =	sld [smem:$0x3FFE];
	_ =	sdelay $0x1  }
0x8a: {  	s1 =	srdreg.scid  }
0x8b: {  	s0 =	sand.u32 $0x1, s1  }
0x8c: {  	s16 =	sshll.u32 s0, $0xA;
	s2 =	sadd.s32 s3, s2  }
0x8d: {  	s2 =	sadd.s32 s2, s16  }
0x8e: {  	[smem:$0x3FC0] =	sst s2  }
0x8f: {  	_ = 	snop  }
0x90: {  	(tm) =	ssettm $0x1  }
0x91: {  	s17 =	sld [smem:$0x3FFB];
	_ =	sdelay $0x3  }
0x92: {  	_ =	strace s17  }
0x93: {  	s2 =	sld [smem:$0x3FFC];
	_ =	sdelay $0x3  }
0x94: {  	_ =	strace s2  }
0x95: {  	s2 =	sld [smem:$0x3FFD];
	_ =	sdelay $0x3  }
0x96: {  	_ =	strace s2  }
0x97: {  	_ =	strace $0x8FFFFFFF  }
0x98: {  	s18 =	sld [smem:$0x3FDB];
	_ =	sdelay $0x1  }
0x99: {  	s19 =	simm.s32 $_scs_section_size  }
0x9a: {  	s4 =	simm.s32 $_size__tile_overlayer_lowered;
	s5 =	simm.s32 $_tile_overlayer_lowered  }
0x9b: {  	s22 =	simm.s32 $0x1BFF;
	s21 =	sshll.u32 s5, $0x1;
	s2 =	sadd.s32 s19, s18  }
0x9c: {  	s6 =	simm.s32 $0x0;
	s20 =	sshll.u32 s4, $0x1;
	s4 =	sadd.s32 s21, s2  }
0x9d: {  	[timem:s6], [sflag:s22] =	dma.local [hbm:s4], s20  }
0x9e: {  	_ =	swait.ge [sflag:s22], s20  }
0x9f: {  	s3 =	ssub.s32 $0x0, s20;
	[sflag:s22] =	ssyncset.done $0x0  }
0xa0: {  	[sflag:s22] =	ssyncadd.s32 s3;
	_ =	sdelay $0x1  }
0xa1: {  	s23 =	simm.s32 $0x1B8B  }
0xa2: {  	_ =	swait.ge [sflag:s23], $0x1  }
0xa3: {  	[sflag:s23] =	ssyncset.done $0x0  }
0xa4: {  	s25 =	simm.s32 $0x1B8E;
	s24 =	sld [smem:$0x3FFE];
	[sflag:s23] =	ssyncadd.s32 $0xFFFFFFFF  }
0xa5: {  	s26 =	simm.s32 $execute0_lowered;
	[smem:$0x3FD2] =	sst s25  }
0xa6: {  	s4 =	sshll.u32 s26, $0x1;
	_ =	strace $0x8000004C;
	[dreg:$0x1] =	wrdreg $0xFFFFFFFF  }
0xa7: {  	s28 =	simm.s32 $_size_execute0_lowered;
	s2 =	sadd.s32 s2, s4;
	[dreg:$0x0] =	wrdreg $0x0  }
0xa8: {  	s4 =	sshll.u32 s28, $0x1;
	[dreg:$0x2] =	wrdreg s2  }
0xa9: {  	[dreg:$0x3] =	wrdreg s4  }
0xaa: {  	[dreg:$0x4] =	wrdreg $0xC0  }
0xab: {  	_ =	task [dreg:s6], $0x5FFFF  }
0xac: {  	[dreg:$0x1] =	wrdreg $0xFFFFFFFF  }
0xad: {  	[dreg:$0x0] =	wrdreg $0x60  }
0xae: {  	[dreg:$0x2] =	wrdreg s24  }
0xaf: {  	[dreg:$0x3] =	wrdreg $0xAA000  }
0xb0: {  	[dreg:$0x4] =	wrdreg $0x9  }
0xb1: {  	_ =	task.clear_ibuf [dreg:s6], $0x5FFFF;
	_ =	strace $0x9000004C  }
0xb2: {  	s29 =	simm.s32 $0x9;
	_ =	strace $0x8000004E  }
0xb3: {  	_ =	swait.ge [sflag:s29], $0x1  }
0xb4: {  	[sflag:s29] =	ssyncadd.s32 $0xFFFFFFFF  }
0xb5: {  	_ =	strace $0x9000004E  }
0xb6: {  	_ =	sfence  }
0xb7: {  	s30 =	sld [smem:$0x0];
	_ =	sdelay $0x2  }
0xb8: {  	s31 =	sshll.u32 s1, $0xD;
	s1 =	sshrl.u32 s1, $0x2  }
0xb9: {  	s3 =	sand.u32 $0x4000, s31;
	s1 =	sadd.s32 s1, s30  }
0xba: {  	s0 =	sor.u32 s3, s0;
	s1 =	sshll.u32 s1, $0x11  }
0xbb: {  	s0 =	sor.u32 s1, s0  }
0xbc: {  	s0 =	sadd.s32 $0x8F2B, s0  }
0xbd: {  	[sflag:s0] =	ssyncadd.remote.s32 $0x1  }
0xbe: {  	_ =	sfence.sel $0xFFFF  }
0xbf: {  	[dreg:$0x0] =	wrdreg $0xFFFFFFFF;
	(pc) =	sbr.abs _section_cstart, $3  }
0xc0: {  	[dreg:$0x1] =	wrdreg $0xFFFFFFFF  }
0xc1: {  	_ =	task.clear_ibuf [dreg:s6], $0x2FFFF;
	_ =	strace $0x9FFFFFFF  }
0xc2: {  	(tm) =	ssettm $0x7FFFFFFF  }
0xc3: {  	_ =	shalt  }
tec
execute0_lowered:
.L_overlay_start_1:
0x0: {  	(tag) =	ssettag $0x1  }
0x1: {  	s4 =	rddreg [dreg:$0x0]  }
0x2: {  	s2 =	rddreg [dreg:$0x1]  }
0x3: {  	s0 =	rddreg [dreg:$0x2]  }
0x4: {  	s1 =	stileid.u32;
	s5 =	srdreg.scid  }
0x5: {  	s3 =	simm.s32 $0x0;
	s11 =	simm.s32 $0x2A00;
	s12 =	simm.s32 $0x2880  }
0x6: {  	s13 =	simm.s32 $0x6A00;
	s16 =	simm.s32 $0x1;
	s17 =	simm.s32 $0x2900  }
0x7: {  	s18 =	simm.s32 $0x2;
	s19 =	simm.s32 $0x2980;
	s20 =	simm.s32 $0x0  }
0x8: {  	s6 =	smul.u32 $0x14000, s1;
	s5 =	sand.u32 $0x1, s5;
	[smem:$0x7FF] =	sst s3  }
0x9: {  	s29 =	smul.u32 $0x50000, s1;
	s14 =	sshll.u32 s1, $0x6;
	s7 =	sshll.u32 s5, $0x4  }
0xa: {  	s8 =	smul.u32 $0x140000, s5;
	_ =	strace $0x8000004D;
	s5 =	ssub.s32 $0x2, s5  }
0xb: {  	s14 =	sor.u32 $0x1C03, s14;
	s9 =	sshrl.u32 s6, $0x3;
	s7 =	sor.u32 s1, s7  }
0xc: {  	s30 =	sshrl.u32 s5, $0x1;
	s31 =	sshrl.u32 s29, $0x2;
	s9 =	sadd.s32 s9, s4  }
0xd: {  	s7 =	smul.u32 $0x500, s7;
	s6 =	sadd.s32 s6, s8;
	s10 =	ssub.s32 s5, s30  }
0xe: {  	s15 =	sadd.s32 s31, s2;
	s8 =	simm.s32 $0x3;
	s6 =	sshrl.u32 s6, $0x3  }
0xf: {  	s5 =	sadd.s32 $0x3000, s9;
	s9 =	simm.s32 $0x80;
	s7 =	sadd.s32 s7, s4  }
0x10: {  	s15 =	sshrl.u32 s15, $0x3;
	s6 =	sadd.s32 s6, s4;
	s4 =	sadd.s32 $0x7B800, s7  }
0x11: {  	s6 =	sadd.s32 $0x85800, s6;
	s7 =	smax.u32 s10, $0x1;
	s10 =	simm.s32 $0x2800  }
.LBB2_1:
0x12: {  	[tilespmem:s3], [sflag:$0x3] =	stream.linear.gather [hbm4b:s4+s3], $0x2800, $0x38;
	[tilespmem:$0x1EA00] =	vst v63  }
0x13: {  	_ =	swait.ge [sflag:s8], $0x2800  }
0x14: {  	[sflag:s8] =	ssyncset.done $0x0  }
0x15: {  	[sflag:s8] =	ssyncadd.s32 $0xFFFFD800  }
0x16: {  	v0 =	vld [tilespmem:$0x0];
	_ =	sdelay $0x1  }
0x17: {  	v1 =	vld [tilespmem:$0x10];
	_ =	sdelay $0x1  }
0x18: {  	v2 =	vld [tilespmem:$0x20]  }
0x19: {  	v3 =	vand.u32 $0xFFFF, v0  }
0x1a: {  	v0 =	vshrl.u32 v0, $0x10;
	[tilespmem:$0x2800] =	vst v3;
	v3 =	vld [tilespmem:$0x30]  }
0x1b: {  	[tilespmem:$0x2900] =	vst v0;
	v0 =	vand.u32 $0xFFFF, v1  }
0x1c: {  	[tilespmem:$0x2810] =	vst v0;
	v0 =	vshrl.u32 v1, $0x10;
	v1 =	vld [tilespmem:$0x40]  }
0x1d: {  	[tilespmem:$0x2910] =	vst v0;
	v0 =	vand.u32 $0xFFFF, v2  }
0x1e: {  	[tilespmem:$0x2820] =	vst v0;
	v0 =	vshrl.u32 v2, $0x10;
	v2 =	vld [tilespmem:$0x50]  }
0x1f: {  	[tilespmem:$0x2920] =	vst v0;
	v0 =	vand.u32 $0xFFFF, v3  }
0x20: {  	[tilespmem:$0x2830] =	vst v0;
	v0 =	vshrl.u32 v3, $0x10;
	v3 =	vld [tilespmem:$0x60]  }
0x21: {  	[tilespmem:$0x2930] =	vst v0;
	v0 =	vand.u32 $0xFFFF, v1  }
0x22: {  	[tilespmem:$0x2840] =	vst v0;
	v0 =	vshrl.u32 v1, $0x10;
	v1 =	vld [tilespmem:$0x70]  }
0x23: {  	[tilespmem:$0x2940] =	vst v0;
	v0 =	vand.u32 $0xFFFF, v2  }
0x24: {  	[tilespmem:$0x2850] =	vst v0;
	v0 =	vshrl.u32 v2, $0x10;
	v2 =	vld [tilespmem:$0x80]  }
0x25: {  	[tilespmem:$0x2950] =	vst v0;
	v0 =	vand.u32 $0xFFFF, v3  }
0x26: {  	[tilespmem:$0x2860] =	vst v0;
	v0 =	vshrl.u32 v3, $0x10;
	v3 =	vld [tilespmem:$0x90]  }
0x27: {  	[tilespmem:$0x2960] =	vst v0;
	v0 =	vand.u32 $0xFFFF, v1  }
0x28: {  	[tilespmem:$0x2870] =	vst v0;
	v0 =	vshrl.u32 v1, $0x10;
	v1 =	vld [tilespmem:$0xA0]  }
0x29: {  	[tilespmem:$0x2970] =	vst v0;
	v0 =	vand.u32 $0xFFFF, v2  }
0x2a: {  	[tilespmem:$0x2880] =	vst v0;
	v0 =	vshrl.u32 v2, $0x10;
	v2 =	vld [tilespmem:$0xB0]  }
0x2b: {  	[tilespmem:$0x2980] =	vst v0;
	v0 =	vand.u32 $0xFFFF, v3  }
0x2c: {  	[tilespmem:$0x2890] =	vst v0;
	v0 =	vshrl.u32 v3, $0x10;
	v3 =	vld [tilespmem:$0xC0]  }
0x2d: {  	[tilespmem:$0x2990] =	vst v0;
	v0 =	vand.u32 $0xFFFF, v1  }
0x2e: {  	[tilespmem:$0x28A0] =	vst v0;
	v0 =	vshrl.u32 v1, $0x10;
	v1 =	vld [tilespmem:$0xD0]  }
0x2f: {  	[tilespmem:$0x29A0] =	vst v0;
	v0 =	vand.u32 $0xFFFF, v2  }
0x30: {  	[tilespmem:$0x28B0] =	vst v0;
	v0 =	vshrl.u32 v2, $0x10;
	v2 =	vld [tilespmem:$0xE0]  }
0x31: {  	[tilespmem:$0x29B0] =	vst v0;
	v0 =	vand.u32 $0xFFFF, v3  }
0x32: {  	[tilespmem:$0x28C0] =	vst v0;
	v0 =	vshrl.u32 v3, $0x10;
	v3 =	vld [tilespmem:$0xF0]  }
0x33: {  	[tilespmem:$0x29C0] =	vst v0;
	v0 =	vand.u32 $0xFFFF, v1  }
0x34: {  	[tilespmem:$0x28D0] =	vst v0;
	v0 =	vshrl.u32 v1, $0x10  }
0x35: {  	[tilespmem:$0x29D0] =	vst v0;
	v0 =	vand.u32 $0xFFFF, v2  }
0x36: {  	[tilespmem:$0x28E0] =	vst v0;
	v0 =	vshrl.u32 v2, $0x10  }
0x37: {  	[tilespmem:$0x29E0] =	vst v0;
	v0 =	vand.u32 $0xFFFF, v3  }
0x38: {  	[tilespmem:$0x28F0] =	vst v0;
	v0 =	vshrl.u32 v3, $0x10  }
0x39: {  	[tilespmem:$0x29F0] =	vst v0  }
0x3a: {  	[tilespmem:s11], [sflag:$0x1] =	stream.indirect.gather [spmem:s2], $0x80, s10, s9, $0xb8;
	[tilespmem:$0x1EA00] =	vst v63  }
0x3b: {  	_ = 	snop  }
0x3c: {  	[tilespmem:s13], [sflag:$0x2] =	stream.indirect.gather [spmem:s2], $0x80, s12, s9, $0xb8;
	[tilespmem:$0x1EA00] =	vst v63  }
0x3d: {  	[spmem:s15], [sflag:s14] =	dma.local [hbm:s5], $0x2800  }
0x3e: {  	_ =	swait.ge [sflag:s8], $0x2800  }
0x3f: {  	[sflag:s8] =	ssyncset.done $0x0  }
0x40: {  	[sflag:s8] =	ssyncadd.s32 $0xFFFFD800  }
0x41: {  	[bflag:$0x0] =	sbarrier.arrive $0xFFFF  }
0x42: {  	_ =	swait.ge [sflag:s16], $0x4000  }
0x43: {  	[sflag:s16] =	ssyncset.done $0x0  }
0x44: {  	[sflag:s16] =	ssyncadd.s32 $0xFFFFC000  }
0x45: {  	[spmem:s2] =	stream.indirect.scatter.add.f32 [tilespmem:s11], [sflag:$0x3], $0x80, s17, s9, $0xb8;
	[tilespmem:$0x1EA00] =	vst v63  }
0x46: {  	_ =	swait.ge [sflag:s8], $0x4000  }
0x47: {  	[sflag:s8] =	ssyncset.done $0x0  }
0x48: {  	s21 =	simm.s32 $0x1F0;
	[sflag:s8] =	ssyncadd.s32 $0xFFFFC000  }
0x49: {  	v0 =	vld [tilespmem:s21+$0xFFFFFF10];
	_ =	sdelay $0x4  }
0x4a: {  	v1 =	vand.u32 $0xFFFF, v0  }
0x4b: {  	v0 =	vshrl.u32 v0, $0x10;
	[tilespmem:$0x2800] =	vst v1  }
0x4c: {  	[tilespmem:$0x2900] =	vst v0  }
0x4d: {  	v0 =	vld [tilespmem:s21+$0xFFFFFF20];
	_ =	sdelay $0x4  }
0x4e: {  	v1 =	vand.u32 $0xFFFF, v0  }
0x4f: {  	v0 =	vshrl.u32 v0, $0x10;
	[tilespmem:$0x2810] =	vst v1  }
0x50: {  	[tilespmem:$0x2910] =	vst v0  }
0x51: {  	v0 =	vld [tilespmem:s21+$0xFFFFFF30];
	_ =	sdelay $0x4  }
0x52: {  	v1 =	vand.u32 $0xFFFF, v0  }
0x53: {  	v0 =	vshrl.u32 v0, $0x10;
	[tilespmem:$0x2820] =	vst v1  }
0x54: {  	[tilespmem:$0x2920] =	vst v0  }
0x55: {  	v0 =	vld [tilespmem:s21+$0xFFFFFF40];
	_ =	sdelay $0x4  }
0x56: {  	v1 =	vand.u32 $0xFFFF, v0  }
0x57: {  	v0 =	vshrl.u32 v0, $0x10;
	[tilespmem:$0x2830] =	vst v1  }
0x58: {  	[tilespmem:$0x2930] =	vst v0  }
0x59: {  	v0 =	vld [tilespmem:s21+$0xFFFFFF50];
	_ =	sdelay $0x4  }
0x5a: {  	v1 =	vand.u32 $0xFFFF, v0  }
0x5b: {  	v0 =	vshrl.u32 v0, $0x10;
	[tilespmem:$0x2840] =	vst v1  }
0x5c: {  	[tilespmem:$0x2940] =	vst v0  }
0x5d: {  	v0 =	vld [tilespmem:s21+$0xFFFFFF60];
	_ =	sdelay $0x4  }
0x5e: {  	v1 =	vand.u32 $0xFFFF, v0  }
0x5f: {  	v0 =	vshrl.u32 v0, $0x10;
	[tilespmem:$0x2850] =	vst v1  }
0x60: {  	[tilespmem:$0x2950] =	vst v0  }
0x61: {  	v0 =	vld [tilespmem:s21+$0xFFFFFF70];
	_ =	sdelay $0x4  }
0x62: {  	v1 =	vand.u32 $0xFFFF, v0  }
0x63: {  	v0 =	vshrl.u32 v0, $0x10;
	[tilespmem:$0x2860] =	vst v1  }
0x64: {  	[tilespmem:$0x2960] =	vst v0  }
0x65: {  	v0 =	vld [tilespmem:s21+$0xFFFFFF80];
	_ =	sdelay $0x4  }
0x66: {  	v1 =	vand.u32 $0xFFFF, v0  }
0x67: {  	v0 =	vshrl.u32 v0, $0x10;
	[tilespmem:$0x2870] =	vst v1  }
0x68: {  	[tilespmem:$0x2970] =	vst v0  }
0x69: {  	[tilespmem:s11], [sflag:$0x1] =	stream.indirect.gather [spmem:s2], $0x80, s10, s9, $0xb8;
	[tilespmem:$0x1EA00] =	vst v63  }
0x6a: {  	_ =	swait.ge [sflag:s18], $0x4000  }
0x6b: {  	[sflag:s18] =	ssyncset.done $0x0  }
0x6c: {  	[sflag:s18] =	ssyncadd.s32 $0xFFFFC000  }
0x6d: {  	[spmem:s2] =	stream.indirect.scatter.add.f32 [tilespmem:s13], [sflag:$0x3], $0x80, s19, s9, $0xb8;
	[tilespmem:$0x1EA00] =	vst v63  }
0x6e: {  	_ =	swait.ge [sflag:s8], $0x4000  }
0x6f: {  	[sflag:s8] =	ssyncset.done $0x0  }
0x70: {  	[sflag:s8] =	ssyncadd.s32 $0xFFFFC000  }
0x71: {  	v0 =	vld [tilespmem:s21+$0xFFFFFF90];
	_ =	sdelay $0x4  }
0x72: {  	v1 =	vand.u32 $0xFFFF, v0  }
0x73: {  	v0 =	vshrl.u32 v0, $0x10;
	[tilespmem:$0x2880] =	vst v1  }
0x74: {  	[tilespmem:$0x2980] =	vst v0  }
0x75: {  	v0 =	vld [tilespmem:s21+$0xFFFFFFA0];
	_ =	sdelay $0x4  }
0x76: {  	v1 =	vand.u32 $0xFFFF, v0  }
0x77: {  	v0 =	vshrl.u32 v0, $0x10;
	[tilespmem:$0x2890] =	vst v1  }
0x78: {  	[tilespmem:$0x2990] =	vst v0  }
0x79: {  	v0 =	vld [tilespmem:s21+$0xFFFFFFB0];
	_ =	sdelay $0x4  }
0x7a: {  	v1 =	vand.u32 $0xFFFF, v0  }
0x7b: {  	v0 =	vshrl.u32 v0, $0x10;
	[tilespmem:$0x28A0] =	vst v1  }
0x7c: {  	[tilespmem:$0x29A0] =	vst v0  }
0x7d: {  	v0 =	vld [tilespmem:s21+$0xFFFFFFC0];
	_ =	sdelay $0x4  }
0x7e: {  	v1 =	vand.u32 $0xFFFF, v0  }
0x7f: {  	v0 =	vshrl.u32 v0, $0x10;
	[tilespmem:$0x28B0] =	vst v1  }
0x80: {  	[tilespmem:$0x29B0] =	vst v0  }
0x81: {  	v0 =	vld [tilespmem:s21+$0xFFFFFFD0];
	_ =	sdelay $0x4  }
0x82: {  	v1 =	vand.u32 $0xFFFF, v0  }
0x83: {  	v0 =	vshrl.u32 v0, $0x10;
	[tilespmem:$0x28C0] =	vst v1  }
0x84: {  	[tilespmem:$0x29C0] =	vst v0  }
0x85: {  	v0 =	vld [tilespmem:s21+$0xFFFFFFE0];
	_ =	sdelay $0x4  }
0x86: {  	v1 =	vand.u32 $0xFFFF, v0  }
0x87: {  	v0 =	vshrl.u32 v0, $0x10;
	[tilespmem:$0x28D0] =	vst v1  }
0x88: {  	[tilespmem:$0x29D0] =	vst v0  }
0x89: {  	v0 =	vld [tilespmem:s21+$0xFFFFFFF0];
	_ =	sdelay $0x4  }
0x8a: {  	v1 =	vand.u32 $0xFFFF, v0  }
0x8b: {  	s22 =	simm.s32 $0xBC0;
	v0 =	vshrl.u32 v0, $0x10;
	[tilespmem:$0x28E0] =	vst v1  }
.LBB2_2:
0x8c: {  	p0 =	sne.s32 s22, $0x9FC0;
	[tilespmem:$0x29E0] =	vst v0;
	s23 =	smov.u32 s22;
	s22 =	sadd.s32 $0x400, s22  }
0x8d: {  	v0 =	vld [tilespmem:s21+$0x0];
	_ =	sdelay $0x4  }
0x8e: {  	v1 =	vand.u32 $0xFFFF, v0;
	v0 =	vshrl.u32 v0, $0x10  }
0x8f: {  	[tilespmem:$0x28F0] =	vst v1  }
0x90: {  	[tilespmem:$0x29F0] =	vst v0  }
0x91: {  	[tilespmem:s13], [sflag:$0x2] =	stream.indirect.gather [spmem:s2], $0x80, s12, s9, $0xb8;
	[tilespmem:$0x1EA00] =	vst v63  }
0x92: {  	_ =	swait.ge [sflag:s16], $0x4000  }
0x93: {  	[sflag:s16] =	ssyncset.done $0x0  }
0x94: {  	[sflag:s16] =	ssyncadd.s32 $0xFFFFC000  }
0x95: {  	[spmem:s2] =	stream.indirect.scatter.add.f32 [tilespmem:s11], [sflag:$0x3], $0x80, s17, s9, $0xb8;
	[tilespmem:$0x1EA00] =	vst v63  }
0x96: {  	_ =	swait.ge [sflag:s8], $0x4000  }
0x97: {  	[sflag:s8] =	ssyncset.done $0x0  }
0x98: {  	s21 =	sshra.s32 s23, $0x2;
	[sflag:s8] =	ssyncadd.s32 $0xFFFFC000  }
0x99: {  	v0 =	vld [tilespmem:s21+$0xFFFFFF10];
	_ =	sdelay $0x4  }
0x9a: {  	v1 =	vand.u32 $0xFFFF, v0;
	v0 =	vshrl.u32 v0, $0x10  }
0x9b: {  	[tilespmem:$0x2800] =	vst v1  }
0x9c: {  	[tilespmem:$0x2900] =	vst v0  }
0x9d: {  	v0 =	vld [tilespmem:s21+$0xFFFFFF20];
	_ =	sdelay $0x4  }
0x9e: {  	v1 =	vand.u32 $0xFFFF, v0;
	v0 =	vshrl.u32 v0, $0x10  }
0x9f: {  	[tilespmem:$0x2810] =	vst v1  }
0xa0: {  	[tilespmem:$0x2910] =	vst v0  }
0xa1: {  	v0 =	vld [tilespmem:s21+$0xFFFFFF30];
	_ =	sdelay $0x4  }
0xa2: {  	v1 =	vand.u32 $0xFFFF, v0;
	v0 =	vshrl.u32 v0, $0x10  }
0xa3: {  	[tilespmem:$0x2820] =	vst v1  }
0xa4: {  	[tilespmem:$0x2920] =	vst v0  }
0xa5: {  	v0 =	vld [tilespmem:s21+$0xFFFFFF40];
	_ =	sdelay $0x4  }
0xa6: {  	v1 =	vand.u32 $0xFFFF, v0;
	v0 =	vshrl.u32 v0, $0x10  }
0xa7: {  	[tilespmem:$0x2830] =	vst v1  }
0xa8: {  	[tilespmem:$0x2930] =	vst v0  }
0xa9: {  	v0 =	vld [tilespmem:s21+$0xFFFFFF50];
	_ =	sdelay $0x4  }
0xaa: {  	v1 =	vand.u32 $0xFFFF, v0;
	v0 =	vshrl.u32 v0, $0x10  }
0xab: {  	[tilespmem:$0x2840] =	vst v1  }
0xac: {  	[tilespmem:$0x2940] =	vst v0  }
0xad: {  	v0 =	vld [tilespmem:s21+$0xFFFFFF60];
	_ =	sdelay $0x4  }
0xae: {  	v1 =	vand.u32 $0xFFFF, v0;
	v0 =	vshrl.u32 v0, $0x10  }
0xaf: {  	[tilespmem:$0x2850] =	vst v1  }
0xb0: {  	[tilespmem:$0x2950] =	vst v0  }
0xb1: {  	v0 =	vld [tilespmem:s21+$0xFFFFFF70];
	_ =	sdelay $0x4  }
0xb2: {  	v1 =	vand.u32 $0xFFFF, v0;
	v0 =	vshrl.u32 v0, $0x10  }
0xb3: {  	[tilespmem:$0x2860] =	vst v1  }
0xb4: {  	[tilespmem:$0x2960] =	vst v0  }
0xb5: {  	v0 =	vld [tilespmem:s21+$0xFFFFFF80];
	_ =	sdelay $0x4  }
0xb6: {  	v1 =	vand.u32 $0xFFFF, v0;
	v0 =	vshrl.u32 v0, $0x10  }
0xb7: {  	[tilespmem:$0x2870] =	vst v1  }
0xb8: {  	[tilespmem:$0x2970] =	vst v0  }
0xb9: {  	[tilespmem:s11], [sflag:$0x1] =	stream.indirect.gather [spmem:s2], $0x80, s10, s9, $0xb8;
	[tilespmem:$0x1EA00] =	vst v63  }
0xba: {  	_ =	swait.ge [sflag:s18], $0x4000  }
0xbb: {  	[sflag:s18] =	ssyncset.done $0x0  }
0xbc: {  	[sflag:s18] =	ssyncadd.s32 $0xFFFFC000  }
0xbd: {  	[spmem:s2] =	stream.indirect.scatter.add.f32 [tilespmem:s13], [sflag:$0x3], $0x80, s19, s9, $0xb8;
	[tilespmem:$0x1EA00] =	vst v63  }
0xbe: {  	_ =	swait.ge [sflag:s8], $0x4000  }
0xbf: {  	[sflag:s8] =	ssyncset.done $0x0  }
0xc0: {  	[sflag:s8] =	ssyncadd.s32 $0xFFFFC000  }
0xc1: {  	v0 =	vld [tilespmem:s21+$0xFFFFFF90];
	_ =	sdelay $0x4  }
0xc2: {  	v1 =	vand.u32 $0xFFFF, v0;
	v0 =	vshrl.u32 v0, $0x10  }
0xc3: {  	[tilespmem:$0x2880] =	vst v1  }
0xc4: {  	[tilespmem:$0x2980] =	vst v0  }
0xc5: {  	v0 =	vld [tilespmem:s21+$0xFFFFFFA0];
	_ =	sdelay $0x4  }
0xc6: {  	v1 =	vand.u32 $0xFFFF, v0;
	v0 =	vshrl.u32 v0, $0x10  }
0xc7: {  	[tilespmem:$0x2890] =	vst v1  }
0xc8: {  	[tilespmem:$0x2990] =	vst v0  }
0xc9: {  	v0 =	vld [tilespmem:s21+$0xFFFFFFB0];
	_ =	sdelay $0x4  }
0xca: {  	v1 =	vand.u32 $0xFFFF, v0;
	v0 =	vshrl.u32 v0, $0x10  }
0xcb: {  	[tilespmem:$0x28A0] =	vst v1  }
0xcc: {  	[tilespmem:$0x29A0] =	vst v0  }
0xcd: {  	v0 =	vld [tilespmem:s21+$0xFFFFFFC0];
	_ =	sdelay $0x4  }
0xce: {  	v1 =	vand.u32 $0xFFFF, v0;
	v0 =	vshrl.u32 v0, $0x10  }
0xcf: {  	[tilespmem:$0x28B0] =	vst v1  }
0xd0: {  	[tilespmem:$0x29B0] =	vst v0  }
0xd1: {  	v0 =	vld [tilespmem:s21+$0xFFFFFFD0];
	_ =	sdelay $0x4  }
0xd2: {  	v1 =	vand.u32 $0xFFFF, v0;
	v0 =	vshrl.u32 v0, $0x10  }
0xd3: {  	[tilespmem:$0x28C0] =	vst v1  }
0xd4: {  	[tilespmem:$0x29C0] =	vst v0  }
0xd5: {  	v0 =	vld [tilespmem:s21+$0xFFFFFFE0];
	_ =	sdelay $0x4  }
0xd6: {  	v1 =	vand.u32 $0xFFFF, v0;
	v0 =	vshrl.u32 v0, $0x10  }
0xd7: {  	[tilespmem:$0x28D0] =	vst v1  }
0xd8: {  	[tilespmem:$0x29D0] =	vst v0  }
0xd9: {  	v0 =	vld [tilespmem:s21+$0xFFFFFFF0];
	_ =	sdelay $0x1  }
.Ltmp0:
0xda: {  	(pc) =	sbr.rel @p0 .LBB2_2-.Ltmp0, $3  }
0xdb: {  	_ =	sdelay $0x1  }
0xdc: {  	v1 =	vand.u32 $0xFFFF, v0;
	v0 =	vshrl.u32 v0, $0x10  }
0xdd: {  	[tilespmem:$0x28E0] =	vst v1  }
0xde: {  	[tilespmem:$0x29E0] =	vst v0  }
0xdf: {  	v0 =	vld [tilespmem:s21+$0x0];
	_ =	sdelay $0x4  }
0xe0: {  	v1 =	vand.u32 $0xFFFF, v0  }
0xe1: {  	v0 =	vshrl.u32 v0, $0x10;
	[tilespmem:$0x28F0] =	vst v1  }
0xe2: {  	[tilespmem:$0x29F0] =	vst v0  }
0xe3: {  	[tilespmem:s13], [sflag:$0x2] =	stream.indirect.gather [spmem:s2], $0x80, s12, s9, $0xb8;
	[tilespmem:$0x1EA00] =	vst v63  }
0xe4: {  	_ =	swait.ge [sflag:s16], $0x4000  }
0xe5: {  	[sflag:s16] =	ssyncset.done $0x0  }
0xe6: {  	[sflag:s16] =	ssyncadd.s32 $0xFFFFC000  }
0xe7: {  	[spmem:s2] =	stream.indirect.scatter.add.f32 [tilespmem:s11], [sflag:$0x3], $0x80, s17, s9, $0xb8;
	[tilespmem:$0x1EA00] =	vst v63  }
0xe8: {  	_ =	swait.ge [sflag:s8], $0x4000  }
0xe9: {  	[sflag:s8] =	ssyncset.done $0x0  }
0xea: {  	[sflag:s8] =	ssyncadd.s32 $0xFFFFC000  }
0xeb: {  	_ =	swait.ge [sflag:s18], $0x4000  }
0xec: {  	[sflag:s18] =	ssyncset.done $0x0  }
0xed: {  	[sflag:s18] =	ssyncadd.s32 $0xFFFFC000  }
0xee: {  	[spmem:s2] =	stream.indirect.scatter.add.f32 [tilespmem:s13], [sflag:$0x3], $0x80, s19, s9, $0xb8;
	[tilespmem:$0x1EA00] =	vst v63  }
0xef: {  	_ =	swait.ge [sflag:s8], $0x4000  }
0xf0: {  	s20 =	sadd.s32 $0x1, s20;
	[sflag:s8] =	ssyncset.done $0x0  }
0xf1: {  	p0 =	sne.s32 s20, s7;
	[sflag:s8] =	ssyncadd.s32 $0xFFFFC000  }
.Ltmp1:
0xf2: {  	[bflag:$0x0] =	sbarrier.arrive $0xFFFF;
	(pc) =	sbr.rel @p0 .LBB2_1-.Ltmp1, $4  }
0xf3: {  	[hbm:s6], [sflag:s14] =	dma.local [spmem:s15], $0x2800  }
0xf4: {  	_ =	swait.ge [sflag:s8], $0x2800  }
0xf5: {  	[sflag:s8] =	ssyncset.done $0x0  }
0xf6: {  	[sflag:s8] =	ssyncadd.s32 $0xFFFFD800  }
0xf7: {  	_ =	sfence.sel $0x180000  }
0xf8: {  	[bflag:$0x0] =	sbarrier.arrive $0xFFFF  }
0xf9: {  	p0 =	sne.s32 s1, $0x0;
	_ =	strace $0x9000004D  }
0xfa: {  	s0 =	sadd.s32 @!p0 $0x100000, s0;
	[bflag:$0x2] =	sbarrier.arrive $0xFFFF  }
0xfb: {  	[sflag:s0] =	ssyncadd.tile.s32 @!p0 $0x1;
	_ =	shalt  }
.Lfunc_end2:
_tile_overlayer_lowered:
.L_overlay_start_2:
0xfc: {  	(tag) =	ssettag $0x2  }
0xfd: {  	s0 =	rddreg [dreg:$0x0];
	s2 =	stileid.u32  }
0xfe: {  	s1 =	rddreg [dreg:$0x1];
	p0 =	sne.s32 s2, $0x0  }
0xff: {  	s3 =	rddreg [dreg:$0x2];
	[bflag:$0x3] =	sbarrier.arrive $0xFFFF;
	s2 =	simm.s32 @!p0 $0x1C03  }
0x100: {  	[timem:s3], [sflag:s2] =	dma.local @!p0 [hbm:s0], s1  }
0x101: {  	s0 =	simm.s32 @!p0 $0x3  }
0x102: {  	_ =	swait.ge @!p0 [sflag:s0], s1  }
0x103: {  	s1 =	ssub.s32 @!p0 $0x0, s1;
	[sflag:s0] =	ssyncset.done @!p0 $0x0  }
0x104: {  	[sflag:s0] =	ssyncadd.s32 @!p0 s1  }
0x105: {  	[bflag:$0x3] =	sbarrier.arrive $0xFFFF  }
0x106: {  	_ =	shalt  }

// kernel: kernel.19.cloned.1.call-start
scs
__scs_entry_jumppad:
0x0: {  	(pc) =	sbr.rel $0x88, $3  }
0x1: {  	(tag) =	ssettag $0x0;
	lr =	simm.s32 $0x1  }
0x2: {  	[smem:$0x3F99] =	sst lr;
	_ =	strace $0xD0000000  }
0x3: {  	_ = 	snop  }
0x4: {  	_ = 	snop  }
0x5: {  	_ = 	snop  }
0x6: {  	_ = 	snop  }
0x7: {  	_ = 	snop  }
__scs_overlays_trampoline_lowered:
0x8: {  	[smem:$0x3FA8] =	sst s0  }
0x9: {  	[smem:$0x3FA9] =	sst s1  }
0xa: {  	[smem:$0x3FAA] =	sst s2  }
0xb: {  	[smem:$0x3FAB] =	sst s3  }
0xc: {  	[smem:$0x3FAC] =	sst s4  }
0xd: {  	[smem:$0x3FAD] =	sst s5  }
0xe: {  	[smem:$0x3FAE] =	sst s6  }
0xf: {  	[smem:$0x3FAF] =	sst s7  }
0x10: {  	[smem:$0x3FB0] =	sst s8  }
0x11: {  	[smem:$0x3FB1] =	sst s9;
	s0 =	simm.s32 @!p0 $0x0  }
0x12: {  	s1 =	sld [smem:$0x3F97];
	s0 =	simm.s32 @p0 $0x1  }
0x13: {  	[smem:$0x3FB2] =	sst s0;
	s0 =	simm.s32 @!p1 $0x0  }
0x14: {  	s2 =	sld [smem:$0x3F96];
	s0 =	simm.s32 @p1 $0x1  }
0x15: {  	[smem:$0x3FB3] =	sst s0;
	s0 =	simm.s32 @!p2 $0x0  }
0x16: {  	s3 =	sld [smem:$0x3FDB];
	s0 =	simm.s32 @p2 $0x1  }
0x17: {  	s4 =	simm.s32 $0x1BF5;
	[smem:$0x3FB5] =	sst s0  }
0x18: {  	s0 =	sld [smem:$0x3F98];
	_ =	swait.ge [sflag:s4], $0x0  }
0x19: {  	s7 =	sld [smem:$0x3F99]  }
0x1a: {  	s8 =	sadd.s32 $0xFFFFE003, lr  }
0x1b: {  	s9 =	sadd.s32 $0xFFFFFEF7, lr;
	s5 =	simm.s32 $0xFFFFFFFF;
	p2 =	slt.u32 s8, $0xFFFFF086  }
0x1c: {  	p1 =	slt.u32 s9, $0xF7A;
	s5 =	simm.s32 @!p2 $0x0  }
0x1d: {  	s5 =	simm.s32 @p1 $0x1;
	p0 =	seq.s32 s7, s2  }
0x1e: {  	s7 =	smul.u32 @!p0 $0xF7A, s2;
	p2 =	seq.s32 @!p0 s5, $0x0  }
0x1f: {  	s9 =	smul.u32 $0xF7A, s1;
	s8 =	simm.s32 @!p0 $0x1BF5;
	p2 =	por !p2, p0  }
0x20: {  	[sflag:s8] =	ssyncset.s32 @!p0 $0xFFFFF086;
	s6 =	sadd.s32 @!p0 s3, s7;
	s7 =	simm.s32 @!p0 $0x108  }
0x21: {  	s3 =	sadd.s32 s3, s9;
	s6 =	sadd.s32 @!p0 $0x88, s6;
	s7 =	simm.s32 @p2 $0x1082  }
0x22: {  	[simem:s7], [sflag:s8] =	dma.local @!p0 [hbm:s6], $0xF7A  }
0x23: {  	s9 =	sor.u32 $0xD0000000, s2;
	s6 =	simm.s32 $0x108;
	_ =	swait.ge @!p0 [sflag:s8], $0x0  }
0x24: {  	s3 =	sadd.s32 $0x88, s3;
	s6 =	simm.s32 @!p1 $0x1082;
	[sflag:s4] =	ssyncset.s32 $0xFFFFF086  }
0x25: {  	[simem:s6], [sflag:s4] =	dma.local [hbm:s3], $0xF7A  }
0x26: {  	[smem:$0x3F99] =	sst s1;
	(tag) =	ssettag s2;
	_ =	strace s9  }
0x27: {  	s1 =	sld [smem:$0x3FA9]  }
0x28: {  	s2 =	sld [smem:$0x3FAA]  }
0x29: {  	s4 =	sld [smem:$0x3FAC]  }
0x2a: {  	p0 =	seq.s32 s5, $0x0;
	s5 =	sld [smem:$0x3FAD]  }
0x2b: {  	s6 =	sld [smem:$0x3FAE]  }
0x2c: {  	s7 =	sld [smem:$0x3FAF]  }
0x2d: {  	s3 =	simm.s32 $0x108;
	s8 =	sld [smem:$0x3FB0]  }
0x2e: {  	s3 =	simm.s32 @!p0 $0x1082;
	s9 =	sld [smem:$0x3FB1]  }
0x2f: {  	lr =	sadd.s32 s0, s3;
	s0 =	sld [smem:$0x3FA8]  }
0x30: {  	s3 =	sld [smem:$0x3FAB]  }
0x31: {  	[smem:$0x3FB4] =	sst s10  }
0x32: {  	s10 =	sld [smem:$0x3FB2];
	_ =	sdelay $0x3  }
0x33: {  	p0 =	seq.s32 s10, $0x1;
	s10 =	sld [smem:$0x3FB4];
	_ =	sdelay $0x3  }
0x34: {  	[smem:$0x3FB4] =	sst s10  }
0x35: {  	s10 =	sld [smem:$0x3FB3];
	_ =	sdelay $0x3  }
0x36: {  	p1 =	seq.s32 s10, $0x1;
	s10 =	sld [smem:$0x3FB4];
	_ =	sdelay $0x3  }
0x37: {  	[smem:$0x3FB4] =	sst s10  }
0x38: {  	s10 =	sld [smem:$0x3FB5]  }
0x39: {  	_ = 	snop;
	(pc) =	sbr.ind lr, $3  }
0x3a: {  	_ = 	snop  }
0x3b: {  	_ = 	snop  }
0x3c: {  	p2 =	seq.s32 s10, $0x1;
	s10 =	sld [smem:$0x3FB4]  }
0x3d: {  	_ =	shalt  }
0x3e: {  	_ =	shalt  }
0x3f: {  	_ =	shalt  }
0x40: {  	_ =	shalt  }
0x41: {  	_ =	shalt  }
0x42: {  	_ =	shalt  }
0x43: {  	_ =	shalt  }
0x44: {  	_ =	shalt  }
0x45: {  	_ =	shalt  }
0x46: {  	_ =	shalt  }
0x47: {  	_ =	shalt  }
0x48: {  	_ =	shalt  }
0x49: {  	_ =	shalt  }
0x4a: {  	_ =	shalt  }
0x4b: {  	_ =	shalt  }
0x4c: {  	_ =	shalt  }
0x4d: {  	_ =	shalt  }
0x4e: {  	_ =	shalt  }
0x4f: {  	_ =	shalt  }
0x50: {  	_ =	shalt  }
0x51: {  	_ =	shalt  }
0x52: {  	_ =	shalt  }
0x53: {  	_ =	shalt  }
0x54: {  	_ =	shalt  }
0x55: {  	_ =	shalt  }
0x56: {  	_ =	shalt  }
0x57: {  	_ =	shalt  }
0x58: {  	_ =	shalt  }
0x59: {  	_ =	shalt  }
0x5a: {  	_ =	shalt  }
0x5b: {  	_ =	shalt  }
0x5c: {  	_ =	shalt  }
0x5d: {  	_ =	shalt  }
0x5e: {  	_ =	shalt  }
0x5f: {  	_ =	shalt  }
0x60: {  	_ =	shalt  }
0x61: {  	_ =	shalt  }
0x62: {  	_ =	shalt  }
0x63: {  	_ =	shalt  }
0x64: {  	_ =	shalt  }
0x65: {  	_ =	shalt  }
0x66: {  	_ =	shalt  }
0x67: {  	_ =	shalt  }
0x68: {  	_ =	shalt  }
0x69: {  	_ =	shalt  }
0x6a: {  	_ =	shalt  }
0x6b: {  	_ =	shalt  }
0x6c: {  	_ =	shalt  }
0x6d: {  	_ =	shalt  }
0x6e: {  	_ =	shalt  }
0x6f: {  	_ =	shalt  }
0x70: {  	_ =	shalt  }
0x71: {  	_ =	shalt  }
0x72: {  	_ =	shalt  }
0x73: {  	_ =	shalt  }
0x74: {  	_ =	shalt  }
0x75: {  	_ =	shalt  }
0x76: {  	_ =	shalt  }
0x77: {  	_ =	shalt  }
0x78: {  	_ =	shalt  }
0x79: {  	_ =	shalt  }
0x7a: {  	_ =	shalt  }
0x7b: {  	_ =	shalt  }
0x7c: {  	_ =	shalt  }
0x7d: {  	_ =	shalt  }
0x7e: {  	_ =	shalt  }
0x7f: {  	_ =	shalt  }
0x80: {  	_ =	shalt  }
0x81: {  	_ =	shalt  }
0x82: {  	_ =	shalt  }
0x83: {  	_ =	shalt  }
0x84: {  	_ =	shalt  }
0x85: {  	_ =	shalt  }
0x86: {  	_ =	shalt  }
0x87: {  	_ =	shalt  }
.Lfunc_end0:
.L_simem_size_0:
called_computation.3_lowered:
.L_overlay_start_0:
0x88: {  	s2 =	sld [smem:$0x3FD9]  }
0x89: {  	s3 =	sld [smem:$0x3FFE];
	_ =	sdelay $0x1  }
0x8a: {  	s1 =	srdreg.scid  }
0x8b: {  	s0 =	sand.u32 $0x1, s1  }
0x8c: {  	s16 =	sshll.u32 s0, $0xA;
	s2 =	sadd.s32 s3, s2  }
0x8d: {  	s2 =	sadd.s32 s2, s16  }
0x8e: {  	[smem:$0x3FC0] =	sst s2  }
0x8f: {  	_ = 	snop  }
0x90: {  	(tm) =	ssettm $0x1  }
0x91: {  	s17 =	sld [smem:$0x3FFB];
	_ =	sdelay $0x3  }
0x92: {  	_ =	strace s17  }
0x93: {  	s2 =	sld [smem:$0x3FFC];
	_ =	sdelay $0x3  }
0x94: {  	_ =	strace s2  }
0x95: {  	s2 =	sld [smem:$0x3FFD];
	_ =	sdelay $0x3  }
0x96: {  	_ =	strace s2  }
0x97: {  	_ =	strace $0x8FFFFFFF  }
0x98: {  	s18 =	sld [smem:$0x3FDB];
	_ =	sdelay $0x1  }
0x99: {  	s19 =	simm.s32 $_scs_section_size  }
0x9a: {  	s4 =	simm.s32 $_size__tile_overlayer_lowered;
	s5 =	simm.s32 $_tile_overlayer_lowered  }
0x9b: {  	s22 =	simm.s32 $0x1BFF;
	s21 =	sshll.u32 s5, $0x1;
	s2 =	sadd.s32 s19, s18  }
0x9c: {  	s6 =	simm.s32 $0x0;
	s20 =	sshll.u32 s4, $0x1;
	s4 =	sadd.s32 s21, s2  }
0x9d: {  	[timem:s6], [sflag:s22] =	dma.local [hbm:s4], s20  }
0x9e: {  	_ =	swait.ge [sflag:s22], s20  }
0x9f: {  	s3 =	ssub.s32 $0x0, s20;
	[sflag:s22] =	ssyncset.done $0x0  }
0xa0: {  	[sflag:s22] =	ssyncadd.s32 s3;
	_ =	sdelay $0x1  }
0xa1: {  	s23 =	simm.s32 $0x1B8B  }
0xa2: {  	_ =	swait.ge [sflag:s23], $0x1  }
0xa3: {  	[sflag:s23] =	ssyncset.done $0x0  }
0xa4: {  	s25 =	simm.s32 $0x1B8E;
	s24 =	sld [smem:$0x3FFE];
	[sflag:s23] =	ssyncadd.s32 $0xFFFFFFFF  }
0xa5: {  	s26 =	simm.s32 $execute0_lowered;
	[smem:$0x3FD2] =	sst s25  }
0xa6: {  	s4 =	sshll.u32 s26, $0x1;
	_ =	strace $0x8000004F;
	[dreg:$0x1] =	wrdreg $0xFFFFFFFF  }
0xa7: {  	s28 =	simm.s32 $_size_execute0_lowered;
	s2 =	sadd.s32 s2, s4;
	[dreg:$0x0] =	wrdreg $0x0  }
0xa8: {  	s4 =	sshll.u32 s28, $0x1;
	[dreg:$0x2] =	wrdreg s2  }
0xa9: {  	[dreg:$0x3] =	wrdreg s4  }
0xaa: {  	[dreg:$0x4] =	wrdreg $0xC0  }
0xab: {  	_ =	task [dreg:s6], $0x5FFFF  }
0xac: {  	[dreg:$0x1] =	wrdreg $0xFFFFFFFF  }
0xad: {  	[dreg:$0x0] =	wrdreg $0x60  }
0xae: {  	[dreg:$0x2] =	wrdreg s24  }
0xaf: {  	[dreg:$0x3] =	wrdreg $0xAA000  }
0xb0: {  	[dreg:$0x4] =	wrdreg $0x9  }
0xb1: {  	_ =	task.clear_ibuf [dreg:s6], $0x5FFFF;
	_ =	strace $0x9000004F  }
0xb2: {  	s29 =	simm.s32 $0x9;
	_ =	strace $0x80000051  }
0xb3: {  	_ =	swait.ge [sflag:s29], $0x1  }
0xb4: {  	[sflag:s29] =	ssyncadd.s32 $0xFFFFFFFF  }
0xb5: {  	_ =	strace $0x90000051  }
0xb6: {  	_ =	sfence  }
0xb7: {  	s30 =	sld [smem:$0x0];
	_ =	sdelay $0x2  }
0xb8: {  	s31 =	sshll.u32 s1, $0xD;
	s1 =	sshrl.u32 s1, $0x2  }
0xb9: {  	s3 =	sand.u32 $0x4000, s31;
	s1 =	sadd.s32 s1, s30  }
0xba: {  	s0 =	sor.u32 s3, s0;
	s1 =	sshll.u32 s1, $0x11  }
0xbb: {  	s0 =	sor.u32 s1, s0  }
0xbc: {  	s0 =	sadd.s32 $0x8F2B, s0  }
0xbd: {  	[sflag:s0] =	ssyncadd.remote.s32 $0x1  }
0xbe: {  	_ =	sfence.sel $0xFFFF  }
0xbf: {  	[dreg:$0x0] =	wrdreg $0xFFFFFFFF;
	(pc) =	sbr.abs _section_cstart, $3  }
0xc0: {  	[dreg:$0x1] =	wrdreg $0xFFFFFFFF  }
0xc1: {  	_ =	task.clear_ibuf [dreg:s6], $0x2FFFF;
	_ =	strace $0x9FFFFFFF  }
0xc2: {  	(tm) =	ssettm $0x7FFFFFFF  }
0xc3: {  	_ =	shalt  }
tec
execute0_lowered:
.L_overlay_start_1:
0x0: {  	(tag) =	ssettag $0x1  }
0x1: {  	s4 =	rddreg [dreg:$0x0]  }
0x2: {  	s2 =	rddreg [dreg:$0x1]  }
0x3: {  	s0 =	rddreg [dreg:$0x2]  }
0x4: {  	s1 =	stileid.u32;
	s5 =	srdreg.scid  }
0x5: {  	s3 =	simm.s32 $0x0;
	s11 =	simm.s32 $0x2A00;
	s12 =	simm.s32 $0x2880  }
0x6: {  	s13 =	simm.s32 $0x6A00;
	s16 =	simm.s32 $0x1;
	s17 =	simm.s32 $0x2900  }
0x7: {  	s18 =	simm.s32 $0x2;
	s19 =	simm.s32 $0x2980;
	s20 =	simm.s32 $0x0  }
0x8: {  	s6 =	smul.u32 $0x14000, s1;
	s5 =	sand.u32 $0x1, s5;
	[smem:$0x7FF] =	sst s3  }
0x9: {  	s29 =	smul.u32 $0x50000, s1;
	s14 =	sshll.u32 s1, $0x6;
	s7 =	sshll.u32 s5, $0x4  }
0xa: {  	s8 =	smul.u32 $0x140000, s5;
	_ =	strace $0x80000050;
	s5 =	ssub.s32 $0x2, s5  }
0xb: {  	s14 =	sor.u32 $0x1C03, s14;
	s9 =	sshrl.u32 s6, $0x3;
	s7 =	sor.u32 s1, s7  }
0xc: {  	s30 =	sshrl.u32 s5, $0x1;
	s31 =	sshrl.u32 s29, $0x2;
	s9 =	sadd.s32 s9, s4  }
0xd: {  	s7 =	smul.u32 $0x500, s7;
	s6 =	sadd.s32 s6, s8;
	s10 =	ssub.s32 s5, s30  }
0xe: {  	s15 =	sadd.s32 s31, s2;
	s8 =	simm.s32 $0x3;
	s6 =	sshrl.u32 s6, $0x3  }
0xf: {  	s5 =	sadd.s32 $0x3000, s9;
	s9 =	simm.s32 $0x80;
	s7 =	sadd.s32 s7, s4  }
0x10: {  	s15 =	sshrl.u32 s15, $0x3;
	s6 =	sadd.s32 s6, s4;
	s4 =	sadd.s32 $0x7B800, s7  }
0x11: {  	s6 =	sadd.s32 $0x85800, s6;
	s7 =	smax.u32 s10, $0x1;
	s10 =	simm.s32 $0x2800  }
.LBB2_1:
0x12: {  	[tilespmem:s3], [sflag:$0x3] =	stream.linear.gather [hbm4b:s4+s3], $0x2800, $0x38;
	[tilespmem:$0x1EA00] =	vst v63  }
0x13: {  	_ =	swait.ge [sflag:s8], $0x2800  }
0x14: {  	[sflag:s8] =	ssyncset.done $0x0  }
0x15: {  	[sflag:s8] =	ssyncadd.s32 $0xFFFFD800  }
0x16: {  	v0 =	vld [tilespmem:$0x0];
	_ =	sdelay $0x1  }
0x17: {  	v1 =	vld [tilespmem:$0x10];
	_ =	sdelay $0x1  }
0x18: {  	v2 =	vld [tilespmem:$0x20]  }
0x19: {  	v3 =	vand.u32 $0xFFFF, v0  }
0x1a: {  	v0 =	vshrl.u32 v0, $0x10;
	[tilespmem:$0x2800] =	vst v3;
	v3 =	vld [tilespmem:$0x30]  }
0x1b: {  	[tilespmem:$0x2900] =	vst v0;
	v0 =	vand.u32 $0xFFFF, v1  }
0x1c: {  	[tilespmem:$0x2810] =	vst v0;
	v0 =	vshrl.u32 v1, $0x10;
	v1 =	vld [tilespmem:$0x40]  }
0x1d: {  	[tilespmem:$0x2910] =	vst v0;
	v0 =	vand.u32 $0xFFFF, v2  }
0x1e: {  	[tilespmem:$0x2820] =	vst v0;
	v0 =	vshrl.u32 v2, $0x10;
	v2 =	vld [tilespmem:$0x50]  }
0x1f: {  	[tilespmem:$0x2920] =	vst v0;
	v0 =	vand.u32 $0xFFFF, v3  }
0x20: {  	[tilespmem:$0x2830] =	vst v0;
	v0 =	vshrl.u32 v3, $0x10;
	v3 =	vld [tilespmem:$0x60]  }
0x21: {  	[tilespmem:$0x2930] =	vst v0;
	v0 =	vand.u32 $0xFFFF, v1  }
0x22: {  	[tilespmem:$0x2840] =	vst v0;
	v0 =	vshrl.u32 v1, $0x10;
	v1 =	vld [tilespmem:$0x70]  }
0x23: {  	[tilespmem:$0x2940] =	vst v0;
	v0 =	vand.u32 $0xFFFF, v2  }
0x24: {  	[tilespmem:$0x2850] =	vst v0;
	v0 =	vshrl.u32 v2, $0x10;
	v2 =	vld [tilespmem:$0x80]  }
0x25: {  	[tilespmem:$0x2950] =	vst v0;
	v0 =	vand.u32 $0xFFFF, v3  }
0x26: {  	[tilespmem:$0x2860] =	vst v0;
	v0 =	vshrl.u32 v3, $0x10;
	v3 =	vld [tilespmem:$0x90]  }
0x27: {  	[tilespmem:$0x2960] =	vst v0;
	v0 =	vand.u32 $0xFFFF, v1  }
0x28: {  	[tilespmem:$0x2870] =	vst v0;
	v0 =	vshrl.u32 v1, $0x10;
	v1 =	vld [tilespmem:$0xA0]  }
0x29: {  	[tilespmem:$0x2970] =	vst v0;
	v0 =	vand.u32 $0xFFFF, v2  }
0x2a: {  	[tilespmem:$0x2880] =	vst v0;
	v0 =	vshrl.u32 v2, $0x10;
	v2 =	vld [tilespmem:$0xB0]  }
0x2b: {  	[tilespmem:$0x2980] =	vst v0;
	v0 =	vand.u32 $0xFFFF, v3  }
0x2c: {  	[tilespmem:$0x2890] =	vst v0;
	v0 =	vshrl.u32 v3, $0x10;
	v3 =	vld [tilespmem:$0xC0]  }
0x2d: {  	[tilespmem:$0x2990] =	vst v0;
	v0 =	vand.u32 $0xFFFF, v1  }
0x2e: {  	[tilespmem:$0x28A0] =	vst v0;
	v0 =	vshrl.u32 v1, $0x10;
	v1 =	vld [tilespmem:$0xD0]  }
0x2f: {  	[tilespmem:$0x29A0] =	vst v0;
	v0 =	vand.u32 $0xFFFF, v2  }
0x30: {  	[tilespmem:$0x28B0] =	vst v0;
	v0 =	vshrl.u32 v2, $0x10;
	v2 =	vld [tilespmem:$0xE0]  }
0x31: {  	[tilespmem:$0x29B0] =	vst v0;
	v0 =	vand.u32 $0xFFFF, v3  }
0x32: {  	[tilespmem:$0x28C0] =	vst v0;
	v0 =	vshrl.u32 v3, $0x10;
	v3 =	vld [tilespmem:$0xF0]  }
0x33: {  	[tilespmem:$0x29C0] =	vst v0;
	v0 =	vand.u32 $0xFFFF, v1  }
0x34: {  	[tilespmem:$0x28D0] =	vst v0;
	v0 =	vshrl.u32 v1, $0x10  }
0x35: {  	[tilespmem:$0x29D0] =	vst v0;
	v0 =	vand.u32 $0xFFFF, v2  }
0x36: {  	[tilespmem:$0x28E0] =	vst v0;
	v0 =	vshrl.u32 v2, $0x10  }
0x37: {  	[tilespmem:$0x29E0] =	vst v0;
	v0 =	vand.u32 $0xFFFF, v3  }
0x38: {  	[tilespmem:$0x28F0] =	vst v0;
	v0 =	vshrl.u32 v3, $0x10  }
0x39: {  	[tilespmem:$0x29F0] =	vst v0  }
0x3a: {  	[tilespmem:s11], [sflag:$0x1] =	stream.indirect.gather [spmem:s2], $0x80, s10, s9, $0xb8;
	[tilespmem:$0x1EA00] =	vst v63  }
0x3b: {  	_ = 	snop  }
0x3c: {  	[tilespmem:s13], [sflag:$0x2] =	stream.indirect.gather [spmem:s2], $0x80, s12, s9, $0xb8;
	[tilespmem:$0x1EA00] =	vst v63  }
0x3d: {  	[spmem:s15], [sflag:s14] =	dma.local [hbm:s5], $0x2800  }
0x3e: {  	_ =	swait.ge [sflag:s8], $0x2800  }
0x3f: {  	[sflag:s8] =	ssyncset.done $0x0  }
0x40: {  	[sflag:s8] =	ssyncadd.s32 $0xFFFFD800  }
0x41: {  	[bflag:$0x0] =	sbarrier.arrive $0xFFFF  }
0x42: {  	_ =	swait.ge [sflag:s16], $0x4000  }
0x43: {  	[sflag:s16] =	ssyncset.done $0x0  }
0x44: {  	[sflag:s16] =	ssyncadd.s32 $0xFFFFC000  }
0x45: {  	[spmem:s2] =	stream.indirect.scatter.add.f32 [tilespmem:s11], [sflag:$0x3], $0x80, s17, s9, $0xb8;
	[tilespmem:$0x1EA00] =	vst v63  }
0x46: {  	_ =	swait.ge [sflag:s8], $0x4000  }
0x47: {  	[sflag:s8] =	ssyncset.done $0x0  }
0x48: {  	s21 =	simm.s32 $0x1F0;
	[sflag:s8] =	ssyncadd.s32 $0xFFFFC000  }
0x49: {  	v0 =	vld [tilespmem:s21+$0xFFFFFF10];
	_ =	sdelay $0x4  }
0x4a: {  	v1 =	vand.u32 $0xFFFF, v0  }
0x4b: {  	v0 =	vshrl.u32 v0, $0x10;
	[tilespmem:$0x2800] =	vst v1  }
0x4c: {  	[tilespmem:$0x2900] =	vst v0  }
0x4d: {  	v0 =	vld [tilespmem:s21+$0xFFFFFF20];
	_ =	sdelay $0x4  }
0x4e: {  	v1 =	vand.u32 $0xFFFF, v0  }
0x4f: {  	v0 =	vshrl.u32 v0, $0x10;
	[tilespmem:$0x2810] =	vst v1  }
0x50: {  	[tilespmem:$0x2910] =	vst v0  }
0x51: {  	v0 =	vld [tilespmem:s21+$0xFFFFFF30];
	_ =	sdelay $0x4  }
0x52: {  	v1 =	vand.u32 $0xFFFF, v0  }
0x53: {  	v0 =	vshrl.u32 v0, $0x10;
	[tilespmem:$0x2820] =	vst v1  }
0x54: {  	[tilespmem:$0x2920] =	vst v0  }
0x55: {  	v0 =	vld [tilespmem:s21+$0xFFFFFF40];
	_ =	sdelay $0x4  }
0x56: {  	v1 =	vand.u32 $0xFFFF, v0  }
0x57: {  	v0 =	vshrl.u32 v0, $0x10;
	[tilespmem:$0x2830] =	vst v1  }
0x58: {  	[tilespmem:$0x2930] =	vst v0  }
0x59: {  	v0 =	vld [tilespmem:s21+$0xFFFFFF50];
	_ =	sdelay $0x4  }
0x5a: {  	v1 =	vand.u32 $0xFFFF, v0  }
0x5b: {  	v0 =	vshrl.u32 v0, $0x10;
	[tilespmem:$0x2840] =	vst v1  }
0x5c: {  	[tilespmem:$0x2940] =	vst v0  }
0x5d: {  	v0 =	vld [tilespmem:s21+$0xFFFFFF60];
	_ =	sdelay $0x4  }
0x5e: {  	v1 =	vand.u32 $0xFFFF, v0  }
0x5f: {  	v0 =	vshrl.u32 v0, $0x10;
	[tilespmem:$0x2850] =	vst v1  }
0x60: {  	[tilespmem:$0x2950] =	vst v0  }
0x61: {  	v0 =	vld [tilespmem:s21+$0xFFFFFF70];
	_ =	sdelay $0x4  }
0x62: {  	v1 =	vand.u32 $0xFFFF, v0  }
0x63: {  	v0 =	vshrl.u32 v0, $0x10;
	[tilespmem:$0x2860] =	vst v1  }
0x64: {  	[tilespmem:$0x2960] =	vst v0  }
0x65: {  	v0 =	vld [tilespmem:s21+$0xFFFFFF80];
	_ =	sdelay $0x4  }
0x66: {  	v1 =	vand.u32 $0xFFFF, v0  }
0x67: {  	v0 =	vshrl.u32 v0, $0x10;
	[tilespmem:$0x2870] =	vst v1  }
0x68: {  	[tilespmem:$0x2970] =	vst v0  }
0x69: {  	[tilespmem:s11], [sflag:$0x1] =	stream.indirect.gather [spmem:s2], $0x80, s10, s9, $0xb8;
	[tilespmem:$0x1EA00] =	vst v63  }
0x6a: {  	_ =	swait.ge [sflag:s18], $0x4000  }
0x6b: {  	[sflag:s18] =	ssyncset.done $0x0  }
0x6c: {  	[sflag:s18] =	ssyncadd.s32 $0xFFFFC000  }
0x6d: {  	[spmem:s2] =	stream.indirect.scatter.add.f32 [tilespmem:s13], [sflag:$0x3], $0x80, s19, s9, $0xb8;
	[tilespmem:$0x1EA00] =	vst v63  }
0x6e: {  	_ =	swait.ge [sflag:s8], $0x4000  }
0x6f: {  	[sflag:s8] =	ssyncset.done $0x0  }
0x70: {  	[sflag:s8] =	ssyncadd.s32 $0xFFFFC000  }
0x71: {  	v0 =	vld [tilespmem:s21+$0xFFFFFF90];
	_ =	sdelay $0x4  }
0x72: {  	v1 =	vand.u32 $0xFFFF, v0  }
0x73: {  	v0 =	vshrl.u32 v0, $0x10;
	[tilespmem:$0x2880] =	vst v1  }
0x74: {  	[tilespmem:$0x2980] =	vst v0  }
0x75: {  	v0 =	vld [tilespmem:s21+$0xFFFFFFA0];
	_ =	sdelay $0x4  }
0x76: {  	v1 =	vand.u32 $0xFFFF, v0  }
0x77: {  	v0 =	vshrl.u32 v0, $0x10;
	[tilespmem:$0x2890] =	vst v1  }
0x78: {  	[tilespmem:$0x2990] =	vst v0  }
0x79: {  	v0 =	vld [tilespmem:s21+$0xFFFFFFB0];
	_ =	sdelay $0x4  }
0x7a: {  	v1 =	vand.u32 $0xFFFF, v0  }
0x7b: {  	v0 =	vshrl.u32 v0, $0x10;
	[tilespmem:$0x28A0] =	vst v1  }
0x7c: {  	[tilespmem:$0x29A0] =	vst v0  }
0x7d: {  	v0 =	vld [tilespmem:s21+$0xFFFFFFC0];
	_ =	sdelay $0x4  }
0x7e: {  	v1 =	vand.u32 $0xFFFF, v0  }
0x7f: {  	v0 =	vshrl.u32 v0, $0x10;
	[tilespmem:$0x28B0] =	vst v1  }
0x80: {  	[tilespmem:$0x29B0] =	vst v0  }
0x81: {  	v0 =	vld [tilespmem:s21+$0xFFFFFFD0];
	_ =	sdelay $0x4  }
0x82: {  	v1 =	vand.u32 $0xFFFF, v0  }
0x83: {  	v0 =	vshrl.u32 v0, $0x10;
	[tilespmem:$0x28C0] =	vst v1  }
0x84: {  	[tilespmem:$0x29C0] =	vst v0  }
0x85: {  	v0 =	vld [tilespmem:s21+$0xFFFFFFE0];
	_ =	sdelay $0x4  }
0x86: {  	v1 =	vand.u32 $0xFFFF, v0  }
0x87: {  	v0 =	vshrl.u32 v0, $0x10;
	[tilespmem:$0x28D0] =	vst v1  }
0x88: {  	[tilespmem:$0x29D0] =	vst v0  }
0x89: {  	v0 =	vld [tilespmem:s21+$0xFFFFFFF0];
	_ =	sdelay $0x4  }
0x8a: {  	v1 =	vand.u32 $0xFFFF, v0  }
0x8b: {  	s22 =	simm.s32 $0xBC0;
	v0 =	vshrl.u32 v0, $0x10;
	[tilespmem:$0x28E0] =	vst v1  }
.LBB2_2:
0x8c: {  	p0 =	sne.s32 s22, $0x9FC0;
	[tilespmem:$0x29E0] =	vst v0;
	s23 =	smov.u32 s22;
	s22 =	sadd.s32 $0x400, s22  }
0x8d: {  	v0 =	vld [tilespmem:s21+$0x0];
	_ =	sdelay $0x4  }
0x8e: {  	v1 =	vand.u32 $0xFFFF, v0;
	v0 =	vshrl.u32 v0, $0x10  }
0x8f: {  	[tilespmem:$0x28F0] =	vst v1  }
0x90: {  	[tilespmem:$0x29F0] =	vst v0  }
0x91: {  	[tilespmem:s13], [sflag:$0x2] =	stream.indirect.gather [spmem:s2], $0x80, s12, s9, $0xb8;
	[tilespmem:$0x1EA00] =	vst v63  }
0x92: {  	_ =	swait.ge [sflag:s16], $0x4000  }
0x93: {  	[sflag:s16] =	ssyncset.done $0x0  }
0x94: {  	[sflag:s16] =	ssyncadd.s32 $0xFFFFC000  }
0x95: {  	[spmem:s2] =	stream.indirect.scatter.add.f32 [tilespmem:s11], [sflag:$0x3], $0x80, s17, s9, $0xb8;
	[tilespmem:$0x1EA00] =	vst v63  }
0x96: {  	_ =	swait.ge [sflag:s8], $0x4000  }
0x97: {  	[sflag:s8] =	ssyncset.done $0x0  }
0x98: {  	s21 =	sshra.s32 s23, $0x2;
	[sflag:s8] =	ssyncadd.s32 $0xFFFFC000  }
0x99: {  	v0 =	vld [tilespmem:s21+$0xFFFFFF10];
	_ =	sdelay $0x4  }
0x9a: {  	v1 =	vand.u32 $0xFFFF, v0;
	v0 =	vshrl.u32 v0, $0x10  }
0x9b: {  	[tilespmem:$0x2800] =	vst v1  }
0x9c: {  	[tilespmem:$0x2900] =	vst v0  }
0x9d: {  	v0 =	vld [tilespmem:s21+$0xFFFFFF20];
	_ =	sdelay $0x4  }
0x9e: {  	v1 =	vand.u32 $0xFFFF, v0;
	v0 =	vshrl.u32 v0, $0x10  }
0x9f: {  	[tilespmem:$0x2810] =	vst v1  }
0xa0: {  	[tilespmem:$0x2910] =	vst v0  }
0xa1: {  	v0 =	vld [tilespmem:s21+$0xFFFFFF30];
	_ =	sdelay $0x4  }
0xa2: {  	v1 =	vand.u32 $0xFFFF, v0;
	v0 =	vshrl.u32 v0, $0x10  }
0xa3: {  	[tilespmem:$0x2820] =	vst v1  }
0xa4: {  	[tilespmem:$0x2920] =	vst v0  }
0xa5: {  	v0 =	vld [tilespmem:s21+$0xFFFFFF40];
	_ =	sdelay $0x4  }
0xa6: {  	v1 =	vand.u32 $0xFFFF, v0;
	v0 =	vshrl.u32 v0, $0x10  }
0xa7: {  	[tilespmem:$0x2830] =	vst v1  }
0xa8: {  	[tilespmem:$0x2930] =	vst v0  }
0xa9: {  	v0 =	vld [tilespmem:s21+$0xFFFFFF50];
	_ =	sdelay $0x4  }
0xaa: {  	v1 =	vand.u32 $0xFFFF, v0;
	v0 =	vshrl.u32 v0, $0x10  }
0xab: {  	[tilespmem:$0x2840] =	vst v1  }
0xac: {  	[tilespmem:$0x2940] =	vst v0  }
0xad: {  	v0 =	vld [tilespmem:s21+$0xFFFFFF60];
	_ =	sdelay $0x4  }
0xae: {  	v1 =	vand.u32 $0xFFFF, v0;
	v0 =	vshrl.u32 v0, $0x10  }
0xaf: {  	[tilespmem:$0x2850] =	vst v1  }
0xb0: {  	[tilespmem:$0x2950] =	vst v0  }
0xb1: {  	v0 =	vld [tilespmem:s21+$0xFFFFFF70];
	_ =	sdelay $0x4  }
0xb2: {  	v1 =	vand.u32 $0xFFFF, v0;
	v0 =	vshrl.u32 v0, $0x10  }
0xb3: {  	[tilespmem:$0x2860] =	vst v1  }
0xb4: {  	[tilespmem:$0x2960] =	vst v0  }
0xb5: {  	v0 =	vld [tilespmem:s21+$0xFFFFFF80];
	_ =	sdelay $0x4  }
0xb6: {  	v1 =	vand.u32 $0xFFFF, v0;
	v0 =	vshrl.u32 v0, $0x10  }
0xb7: {  	[tilespmem:$0x2870] =	vst v1  }
0xb8: {  	[tilespmem:$0x2970] =	vst v0  }
0xb9: {  	[tilespmem:s11], [sflag:$0x1] =	stream.indirect.gather [spmem:s2], $0x80, s10, s9, $0xb8;
	[tilespmem:$0x1EA00] =	vst v63  }
0xba: {  	_ =	swait.ge [sflag:s18], $0x4000  }
0xbb: {  	[sflag:s18] =	ssyncset.done $0x0  }
0xbc: {  	[sflag:s18] =	ssyncadd.s32 $0xFFFFC000  }
0xbd: {  	[spmem:s2] =	stream.indirect.scatter.add.f32 [tilespmem:s13], [sflag:$0x3], $0x80, s19, s9, $0xb8;
	[tilespmem:$0x1EA00] =	vst v63  }
0xbe: {  	_ =	swait.ge [sflag:s8], $0x4000  }
0xbf: {  	[sflag:s8] =	ssyncset.done $0x0  }
0xc0: {  	[sflag:s8] =	ssyncadd.s32 $0xFFFFC000  }
0xc1: {  	v0 =	vld [tilespmem:s21+$0xFFFFFF90];
	_ =	sdelay $0x4  }
0xc2: {  	v1 =	vand.u32 $0xFFFF, v0;
	v0 =	vshrl.u32 v0, $0x10  }
0xc3: {  	[tilespmem:$0x2880] =	vst v1  }
0xc4: {  	[tilespmem:$0x2980] =	vst v0  }
0xc5: {  	v0 =	vld [tilespmem:s21+$0xFFFFFFA0];
	_ =	sdelay $0x4  }
0xc6: {  	v1 =	vand.u32 $0xFFFF, v0;
	v0 =	vshrl.u32 v0, $0x10  }
0xc7: {  	[tilespmem:$0x2890] =	vst v1  }
0xc8: {  	[tilespmem:$0x2990] =	vst v0  }
0xc9: {  	v0 =	vld [tilespmem:s21+$0xFFFFFFB0];
	_ =	sdelay $0x4  }
0xca: {  	v1 =	vand.u32 $0xFFFF, v0;
	v0 =	vshrl.u32 v0, $0x10  }
0xcb: {  	[tilespmem:$0x28A0] =	vst v1  }
0xcc: {  	[tilespmem:$0x29A0] =	vst v0  }
0xcd: {  	v0 =	vld [tilespmem:s21+$0xFFFFFFC0];
	_ =	sdelay $0x4  }
0xce: {  	v1 =	vand.u32 $0xFFFF, v0;
	v0 =	vshrl.u32 v0, $0x10  }
0xcf: {  	[tilespmem:$0x28B0] =	vst v1  }
0xd0: {  	[tilespmem:$0x29B0] =	vst v0  }
0xd1: {  	v0 =	vld [tilespmem:s21+$0xFFFFFFD0];
	_ =	sdelay $0x4  }
0xd2: {  	v1 =	vand.u32 $0xFFFF, v0;
	v0 =	vshrl.u32 v0, $0x10  }
0xd3: {  	[tilespmem:$0x28C0] =	vst v1  }
0xd4: {  	[tilespmem:$0x29C0] =	vst v0  }
0xd5: {  	v0 =	vld [tilespmem:s21+$0xFFFFFFE0];
	_ =	sdelay $0x4  }
0xd6: {  	v1 =	vand.u32 $0xFFFF, v0;
	v0 =	vshrl.u32 v0, $0x10  }
0xd7: {  	[tilespmem:$0x28D0] =	vst v1  }
0xd8: {  	[tilespmem:$0x29D0] =	vst v0  }
0xd9: {  	v0 =	vld [tilespmem:s21+$0xFFFFFFF0];
	_ =	sdelay $0x1  }
.Ltmp0:
0xda: {  	(pc) =	sbr.rel @p0 .LBB2_2-.Ltmp0, $3  }
0xdb: {  	_ =	sdelay $0x1  }
0xdc: {  	v1 =	vand.u32 $0xFFFF, v0;
	v0 =	vshrl.u32 v0, $0x10  }
0xdd: {  	[tilespmem:$0x28E0] =	vst v1  }
0xde: {  	[tilespmem:$0x29E0] =	vst v0  }
0xdf: {  	v0 =	vld [tilespmem:s21+$0x0];
	_ =	sdelay $0x4  }
0xe0: {  	v1 =	vand.u32 $0xFFFF, v0  }
0xe1: {  	v0 =	vshrl.u32 v0, $0x10;
	[tilespmem:$0x28F0] =	vst v1  }
0xe2: {  	[tilespmem:$0x29F0] =	vst v0  }
0xe3: {  	[tilespmem:s13], [sflag:$0x2] =	stream.indirect.gather [spmem:s2], $0x80, s12, s9, $0xb8;
	[tilespmem:$0x1EA00] =	vst v63  }
0xe4: {  	_ =	swait.ge [sflag:s16], $0x4000  }
0xe5: {  	[sflag:s16] =	ssyncset.done $0x0  }
0xe6: {  	[sflag:s16] =	ssyncadd.s32 $0xFFFFC000  }
0xe7: {  	[spmem:s2] =	stream.indirect.scatter.add.f32 [tilespmem:s11], [sflag:$0x3], $0x80, s17, s9, $0xb8;
	[tilespmem:$0x1EA00] =	vst v63  }
0xe8: {  	_ =	swait.ge [sflag:s8], $0x4000  }
0xe9: {  	[sflag:s8] =	ssyncset.done $0x0  }
0xea: {  	[sflag:s8] =	ssyncadd.s32 $0xFFFFC000  }
0xeb: {  	_ =	swait.ge [sflag:s18], $0x4000  }
0xec: {  	[sflag:s18] =	ssyncset.done $0x0  }
0xed: {  	[sflag:s18] =	ssyncadd.s32 $0xFFFFC000  }
0xee: {  	[spmem:s2] =	stream.indirect.scatter.add.f32 [tilespmem:s13], [sflag:$0x3], $0x80, s19, s9, $0xb8;
	[tilespmem:$0x1EA00] =	vst v63  }
0xef: {  	_ =	swait.ge [sflag:s8], $0x4000  }
0xf0: {  	s20 =	sadd.s32 $0x1, s20;
	[sflag:s8] =	ssyncset.done $0x0  }
0xf1: {  	p0 =	sne.s32 s20, s7;
	[sflag:s8] =	ssyncadd.s32 $0xFFFFC000  }
.Ltmp1:
0xf2: {  	[bflag:$0x0] =	sbarrier.arrive $0xFFFF;
	(pc) =	sbr.rel @p0 .LBB2_1-.Ltmp1, $4  }
0xf3: {  	[hbm:s6], [sflag:s14] =	dma.local [spmem:s15], $0x2800  }
0xf4: {  	_ =	swait.ge [sflag:s8], $0x2800  }
0xf5: {  	[sflag:s8] =	ssyncset.done $0x0  }
0xf6: {  	[sflag:s8] =	ssyncadd.s32 $0xFFFFD800  }
0xf7: {  	_ =	sfence.sel $0x180000  }
0xf8: {  	[bflag:$0x0] =	sbarrier.arrive $0xFFFF  }
0xf9: {  	p0 =	sne.s32 s1, $0x0;
	_ =	strace $0x90000050  }
0xfa: {  	s0 =	sadd.s32 @!p0 $0x100000, s0;
	[bflag:$0x2] =	sbarrier.arrive $0xFFFF  }
0xfb: {  	[sflag:s0] =	ssyncadd.tile.s32 @!p0 $0x1;
	_ =	shalt  }
.Lfunc_end2:
_tile_overlayer_lowered:
.L_overlay_start_2:
0xfc: {  	(tag) =	ssettag $0x2  }
0xfd: {  	s0 =	rddreg [dreg:$0x0];
	s2 =	stileid.u32  }
0xfe: {  	s1 =	rddreg [dreg:$0x1];
	p0 =	sne.s32 s2, $0x0  }
0xff: {  	s3 =	rddreg [dreg:$0x2];
	[bflag:$0x3] =	sbarrier.arrive $0xFFFF;
	s2 =	simm.s32 @!p0 $0x1C03  }
0x100: {  	[timem:s3], [sflag:s2] =	dma.local @!p0 [hbm:s0], s1  }
0x101: {  	s0 =	simm.s32 @!p0 $0x3  }
0x102: {  	_ =	swait.ge @!p0 [sflag:s0], s1  }
0x103: {  	s1 =	ssub.s32 @!p0 $0x0, s1;
	[sflag:s0] =	ssyncset.done @!p0 $0x0  }
0x104: {  	[sflag:s0] =	ssyncadd.s32 @!p0 s1  }
0x105: {  	[bflag:$0x3] =	sbarrier.arrive $0xFFFF  }
0x106: {  	_ =	shalt  }

</sc_bundles>
